<compile_context>
chip_gen: v7x
topology: tpu7x:2x2x1
jax: 0.10.2.dev20260603
libtpu: 0.0.44.dev20260713+nightly
codegen_flags: <defaults>
</compile_context>

<pallas_src>
import functools

import jax
import jax.numpy as jnp
from jax.experimental import pallas as pl
from jax.experimental.pallas import tpu as pltpu
from jax.experimental.pallas import tpu_sc as plsc

N = 16384
IN_C = 64
OUT_C = 128
K = 16
M = 4096
MK = M * K


_KQ = 32
_KC = 128
_NCHUNK = N // _KC


def _bf(a):
    return a.astype(jnp.bfloat16).astype(jnp.float32)


_KU = 8


def _knn_kernel(posT_ref, pn_ref, spos_ref, qn_ref, out_ref, scr_ref):
    shape = (_KQ, _KC)
    lane = jax.lax.broadcasted_iota(jnp.int32, shape, 1)
    inf = jnp.float32(jnp.inf)

    qxb = jnp.broadcast_to(_bf(spos_ref[:, 0:1]), shape)
    qyb = jnp.broadcast_to(_bf(spos_ref[:, 1:2]), shape)
    qzb = jnp.broadcast_to(_bf(spos_ref[:, 2:3]), shape)
    qn = jnp.broadcast_to(qn_ref[...], shape)

    def fill_body(c, _):
        base = c * _KC
        xpc = _bf(posT_ref[0:1, pl.ds(base, _KC)])
        ypc = _bf(posT_ref[1:2, pl.ds(base, _KC)])
        zpc = _bf(posT_ref[2:3, pl.ds(base, _KC)])
        pnc = pn_ref[0:1, pl.ds(base, _KC)]
        v = (qn + pnc) - 2.0 * (qxb * xpc + qyb * ypc + qzb * zpc)
        scr_ref[:, pl.ds(base, _KC)] = v
        return 0

    jax.lax.fori_loop(0, _NCHUNK, fill_body, 0)

    pv = jnp.full(shape, -jnp.inf, dtype=jnp.float32)
    pi = jnp.full(shape, -1, dtype=jnp.int32)

    for r in range(K):
        def chunk_body(c, carry):
            av0, ai0, av1, ai1 = carry
            accs = [(av0, ai0), (av1, ai1)]
            for u in range(_KU):
                base = (c * _KU + u) * _KC
                v = scr_ref[:, pl.ds(base, _KC)]
                idx = lane + base
                elig = (v > pv) | ((v == pv) & (idx > pi))
                vm = jnp.where(elig, v, inf)
                accv, acci = accs[u % 2]
                take = vm < accv
                acci = jnp.where(take, idx, acci)
                accv = jnp.minimum(accv, vm)
                accs[u % 2] = (accv, acci)
            return (*accs[0], *accs[1])

        accv0 = jnp.full(shape, jnp.inf, dtype=jnp.float32)
        acci0 = jnp.zeros(shape, dtype=jnp.int32)
        av0, ai0, av1, ai1 = jax.lax.fori_loop(
            0, _NCHUNK // _KU, chunk_body, (accv0, acci0, accv0, acci0))
        take = (av1 < av0) | ((av1 == av0) & (ai1 < ai0))
        v = jnp.where(take, av1, av0)
        i = jnp.where(take, ai1, ai0)

        half = _KC // 2
        while half >= 1:
            lv, li = v[:, :half], i[:, :half]
            rv, ri = v[:, half:2 * half], i[:, half:2 * half]
            take = (rv < lv) | ((rv == lv) & (ri < li))
            v = jnp.where(take, rv, lv)
            i = jnp.where(take, ri, li)
            half //= 2
        out_ref[:, r:r + 1] = i
        pv = jnp.broadcast_to(v, shape)
        pi = jnp.broadcast_to(i, shape)


def _knn(pos, sub_pos):
    posT = pos.T
    pn = jnp.sum(pos ** 2, axis=1)[None, :]
    qn = jnp.sum(sub_pos ** 2, axis=1)[:, None]
    return pl.pallas_call(
        _knn_kernel,
        grid=(M // _KQ,),
        in_specs=[
            pl.BlockSpec((3, N), lambda i: (0, 0)),
            pl.BlockSpec((1, N), lambda i: (0, 0)),
            pl.BlockSpec((_KQ, 3), lambda i: (i, 0)),
            pl.BlockSpec((_KQ, 1), lambda i: (i, 0)),
        ],
        out_specs=pl.BlockSpec((_KQ, K), lambda i: (i, 0)),
        out_shape=jax.ShapeDtypeStruct((M, K), jnp.int32),
        scratch_shapes=[pltpu.VMEM((_KQ, N), jnp.float32)],
    )(posT, pn, sub_pos, qn)


def _z_kernel(xp_ref, wt_ref, z_ref):
    z_ref[...] = jax.lax.dot(xp_ref[...], wt_ref[...],
                             precision=jax.lax.Precision.HIGHEST)


def _compute_z(xp, wt):
    TR = 2048
    return pl.pallas_call(
        _z_kernel,
        grid=(N // TR,),
        in_specs=[
            pl.BlockSpec((TR, xp.shape[1]), lambda i: (i, 0)),
            pl.BlockSpec((xp.shape[1], OUT_C), lambda i: (0, 0)),
        ],
        out_specs=pl.BlockSpec((TR, OUT_C), lambda i: (i, 0)),
        out_shape=jax.ShapeDtypeStruct((N, OUT_C), jnp.float32),
    )(xp, wt)


_GW = 128


def _sc_gather(z, col):
    indices = col.reshape(1, MK)
    mesh = plsc.VectorSubcoreMesh(core_axis_name="core",
                                  subcore_axis_name="subcore")

    @functools.partial(
        pl.kernel,
        out_type=jax.ShapeDtypeStruct((MK, OUT_C), z.dtype),
        mesh=mesh)
    def kern(z_hbm, i_hbm, o_hbm):
        def body(i_vmem, o_vmem):
            pltpu.sync_copy(z_hbm.at[i_vmem.at[0]], o_vmem)

        pltpu.emit_pipeline(
            body,
            grid=(MK // _GW,),
            in_specs=[pl.BlockSpec((1, _GW), index_map=lambda i: (0, i))],
            out_specs=[pl.BlockSpec((_GW, OUT_C), index_map=lambda i: (i, 0))],
            core_axis_name="subcore",
            dimension_semantics=(pltpu.PARALLEL,),
        )(i_hbm, o_hbm)

    return kern(z, indices)


def _stats_kernel(zg_ref, mx_ref, s1_ref, s1sum_ref, s2sum_ref):
    step = pl.program_id(0)
    zt = zg_ref[...]
    z3 = zt.reshape(zt.shape[0] // K, K, OUT_C)
    s1 = z3.sum(axis=1)
    s2 = (z3 * z3).sum(axis=1)
    mx = z3.max(axis=1)
    mx_ref[...] = mx
    s1_ref[...] = s1
    ps1 = s1.sum(axis=0, keepdims=True)
    ps2 = s2.sum(axis=0, keepdims=True)

    @pl.when(step == 0)
    def _():
        s1sum_ref[...] = jnp.zeros_like(s1sum_ref)
        s2sum_ref[...] = jnp.zeros_like(s2sum_ref)

    s1sum_ref[...] += ps1
    s2sum_ref[...] += ps2


def _segment_stats(zg):
    TR = 4096
    SEG = TR // K
    return pl.pallas_call(
        _stats_kernel,
        grid=(MK // TR,),
        in_specs=[pl.BlockSpec((TR, OUT_C), lambda i: (i, 0))],
        out_specs=[
            pl.BlockSpec((SEG, OUT_C), lambda i: (i, 0)),
            pl.BlockSpec((SEG, OUT_C), lambda i: (i, 0)),
            pl.BlockSpec((1, OUT_C), lambda i: (0, 0)),
            pl.BlockSpec((1, OUT_C), lambda i: (0, 0)),
        ],
        out_shape=[
            jax.ShapeDtypeStruct((M, OUT_C), jnp.float32),
            jax.ShapeDtypeStruct((M, OUT_C), jnp.float32),
            jax.ShapeDtypeStruct((1, OUT_C), jnp.float32),
            jax.ShapeDtypeStruct((1, OUT_C), jnp.float32),
        ],
    )(zg)


def _finish_kernel(posm_ref, wpt_ref, mx_ref, s1_ref, s1sum_ref,
                   s2sum_ref, gamma_ref, beta_ref, out_ref):
    q = jax.lax.dot(posm_ref[...], wpt_ref[...],
                    precision=jax.lax.Precision.HIGHEST)
    s1 = s1_ref[...]
    qs = q.sum(axis=0, keepdims=True)
    mean = (s1sum_ref[...] - K * qs) / MK
    cross = (q * s1).sum(axis=0, keepdims=True)
    h2 = s2sum_ref[...] - 2.0 * cross + K * (q * q).sum(axis=0, keepdims=True)
    var = h2 / MK - mean * mean
    inv = jax.lax.rsqrt(var + 1e-5) * gamma_ref[...]
    out_ref[...] = jnp.maximum((mx_ref[...] - q - mean) * inv + beta_ref[...],
                               0.0)


def _finish(posm, wpt, mx, s1, s1sum, s2sum, gamma, beta):
    return pl.pallas_call(
        _finish_kernel,
        out_shape=jax.ShapeDtypeStruct((M, OUT_C), jnp.float32),
    )(posm, wpt, mx, s1, s1sum, s2sum, gamma.reshape(1, OUT_C),
      beta.reshape(1, OUT_C))


_FR = 128
_FC = N // _FR


def _fps_kernel(px_ref, py_ref, pz_ref, out_ref):
    px = px_ref[...]
    py = py_ref[...]
    pz = pz_ref[...]
    rows = jax.lax.broadcasted_iota(jnp.int32, (_FR, _FC), 0)
    cols = jax.lax.broadcasted_iota(jnp.int32, (_FR, _FC), 1)
    idx = rows * _FC + cols
    lane1 = jax.lax.broadcasted_iota(jnp.int32, (1, _FC), 1)
    out_ref[0] = 0
    lx0 = px[0, 0]
    ly0 = py[0, 0]
    lz0 = pz[0, 0]
    dists0 = jnp.full((_FR, _FC), jnp.inf, dtype=jnp.float32)

    def body(i, carry):
        lx, ly, lz, dists = carry
        dx = px - lx
        dy = py - ly
        dz = pz - lz
        d = (dx * dx + dz * dz) + dy * dy
        dists = jnp.minimum(dists, d)
        mx = jnp.max(dists)
        cand = jnp.where(dists == mx, idx, jnp.int32(N))
        nxt = jnp.min(cand)
        out_ref[i] = nxt
        rr = nxt // _FC
        cc = nxt - rr * _FC
        lm = jnp.where(lane1 == cc, jnp.float32(1.0), jnp.float32(0.0))
        nlx = jnp.sum(px_ref[pl.ds(rr, 1), :] * lm)
        nly = jnp.sum(py_ref[pl.ds(rr, 1), :] * lm)
        nlz = jnp.sum(pz_ref[pl.ds(rr, 1), :] * lm)
        return (nlx, nly, nlz, dists)

    jax.lax.fori_loop(1, M, body, (lx0, ly0, lz0, dists0))


def _fps(pos):
    px = pos[:, 0].reshape(_FR, _FC)
    py = pos[:, 1].reshape(_FR, _FC)
    pz = pos[:, 2].reshape(_FR, _FC)
    return pl.pallas_call(
        _fps_kernel,
        in_specs=[
            pl.BlockSpec(memory_space=pltpu.VMEM),
            pl.BlockSpec(memory_space=pltpu.VMEM),
            pl.BlockSpec(memory_space=pltpu.VMEM),
        ],
        out_specs=pl.BlockSpec(memory_space=pltpu.SMEM),
        out_shape=jax.ShapeDtypeStruct((M,), jnp.int32),
    )(px, py, pz)


def kernel(x, pos, batch, W, gamma, beta):
    id_clusters = _fps(pos)
    sub_pos = pos[id_clusters]
    sub_batch = batch[id_clusters]

    nn = _knn(pos, sub_pos)
    col = nn.reshape(-1)

    xp = jnp.concatenate([pos, x], axis=1)
    z = _compute_z(xp, W.T)
    zg = _sc_gather(z, col)

    mx, s1, s1sum, s2sum = _segment_stats(zg)
    x_out = _finish(pos[:M], W[:, :3].T, mx, s1, s1sum, s2sum, gamma, beta)
    return (x_out, sub_pos, sub_batch)

# --- scband reference (transcript-rebuilt; emitter-appended) ---
"""Pipeline reference for scband-transition-down-3375844295199 (READ-ONLY COPY).

The authoritative reference and input builder live on the scoring server;
editing this copy changes nothing except your own understanding.
"""

import jax, jax.numpy as jnp
import numpy as np

N = 16384
IN_C = 64
OUT_C = 128
RATIO = 0.25
K = 16
M = int(N * RATIO)


def setup_inputs(seed: int = 0) -> dict:
    key = jax.random.key(seed)
    k1, k2, k3 = jax.random.split(key, 3)
    x = jax.random.normal(k1, (N, IN_C), dtype=jnp.float32)
    pos = jax.random.normal(k2, (N, 3), dtype=jnp.float32)
    batch = jnp.zeros((N,), dtype=jnp.int32)  # single point cloud
    W = jax.random.normal(k3, (OUT_C, 3 + IN_C), dtype=jnp.float32) * (1.0 / np.sqrt(3 + IN_C))
    gamma = jnp.ones((OUT_C,), dtype=jnp.float32)
    beta = jnp.zeros((OUT_C,), dtype=jnp.float32)
    return {"x": x, "pos": pos, "batch": batch, "W": W, "gamma": gamma, "beta": beta}


def fps_indices(pos, n_samples):
    Np = pos.shape[0]
    idxs = jnp.zeros((n_samples,), dtype=jnp.int32)
    dists = jnp.full((Np,), jnp.inf, dtype=jnp.float32)

    def body(i, carry):
        idxs, dists = carry
        last = pos[idxs[i - 1]]
        d = jnp.sum((pos - last[None, :]) ** 2, axis=1)
        dists = jnp.minimum(dists, d)
        nxt = jnp.argmax(dists).astype(jnp.int32)
        idxs = idxs.at[i].set(nxt)
        return (idxs, dists)

    idxs, _ = jax.lax.fori_loop(1, n_samples, body, (idxs, dists))
    return idxs


def knn_indices(pos_x, pos_y, k):
    # squared distances via expansion to avoid a [M, N, 3] intermediate
    d2 = (jnp.sum(pos_y ** 2, axis=1)[:, None]
          + jnp.sum(pos_x ** 2, axis=1)[None, :]
          - 2.0 * (pos_y @ pos_x.T))
    _, nn = jax.lax.top_k(-d2, k)  # [M, k] indices into pos_x
    row = jnp.repeat(jnp.arange(pos_y.shape[0], dtype=jnp.int32), k)
    col = nn.reshape(-1).astype(jnp.int32)
    return row, col


def reference(x, pos, batch, W, gamma, beta):
    # fps
    id_clusters = fps_indices(pos, M)
    sub_batch = batch[id_clusters]
    # knn: queries = sampled clusters, keys = full cloud
    row, col = knn_indices(pos, pos[id_clusters], K)
    # faithful to the original forward: pos[id_k_neighbor[1]] - pos[id_k_neighbor[0]]
    relative_pos = pos[col] - pos[row]
    grouped_x = jnp.concatenate([relative_pos, x[col]], axis=1)
    # MLP: Linear(no bias) -> BatchNorm1d (train-mode batch stats) -> ReLU
    h = grouped_x @ W.T
    mean = jnp.mean(h, axis=0)
    var = jnp.var(h, axis=0)
    h = (h - mean) / jnp.sqrt(var + 1e-5) * gamma + beta
    h = jax.nn.relu(h)
    # scatter_max over cluster ids
    x_out = jax.ops.segment_max(h, row, num_segments=M)
    sub_pos = pos[id_clusters]
    return (x_out, sub_pos, sub_batch)

if __name__ == "__main__":
    import jax
    _d = setup_inputs()
    print(jax.jit(kernel)(*tuple(_d.values())))

</pallas_src>

<mosaic_0001>
#map = affine_map<(d0, d1) -> (0, 0)>
module attributes {stable_mosaic.version = 14 : i64} {
  func.func @kern(%arg0: i32, %arg1: i32, %arg2: memref<16384x128xf32, #tpu.memory_space<hbm>>, %arg3: memref<1x65536xi32, #tpu.memory_space<hbm>>, %arg4: memref<65536x128xf32, #tpu.memory_space<hbm>>) attributes {dimension_semantics = [#tpu.dimension_semantics<core_parallel>, #tpu.dimension_semantics<subcore_parallel>], iteration_bounds = array<i64: 2, 16>, scalar_prefetch = 0 : i64, scratch_operands = 0 : i64, tpu.core_type = #tpu.core_type<sc_vector_subcore>, window_params = [{transform_indices = #map}, {transform_indices = #map}, {transform_indices = #map}]} {
    %mul3A = arith.constant 32 : i32
    %mul3A_0 = arith.muli %arg1, %mul3A : i32
    "tpu.region"() ({
      %run_scoped3A = memref.alloca() : memref<2x1x128xi32, #tpu.memory_space<vmem>>
      %run_scoped3A_1 = tpu.sem_alloc : memref<2x!tpu.dma_semaphore, #tpu.memory_space<semaphore_mem>>
      %run_scoped3A_2 = memref.alloca() : memref<2x128x128xf32, #tpu.memory_space<vmem>>
      %run_scoped3A_3 = tpu.sem_alloc : memref<2x!tpu.dma_semaphore, #tpu.memory_space<semaphore_mem>>
      %add3A = arith.constant 0 : i32
      %add3A_4 = arith.addi %add3A, %mul3A_0 : i32
      %select_n3A = arith.constant true
      %select_n3A_5 = arith.constant 0 : i32
      %select_n3A_6 = arith.constant -1 : i32
      %select_n3A_7 = arith.select %select_n3A, %select_n3A_6, %select_n3A_5 : i32
      %eq3A = arith.constant -1 : i32
      %eq3A_8 = arith.cmpi eq, %select_n3A_7, %eq3A : i32
      %select_n3A_9 = arith.constant 31 : i32
      %select_n3A_10 = arith.select %eq3A_8, %select_n3A_9, %select_n3A_7 : i32
      %add3A_11 = arith.addi %select_n3A_10, %mul3A_0 : i32
      %select_n3A_12 = arith.constant true
      %select_n3A_13 = arith.constant 0 : i32
      %select_n3A_14 = arith.constant 1 : i32
      %select_n3A_15 = arith.select %select_n3A_12, %select_n3A_14, %select_n3A_13 : i32
      %eq3A_16 = arith.constant 32 : i32
      %eq3A_17 = arith.cmpi eq, %select_n3A_15, %eq3A_16 : i32
      %select_n3A_18 = arith.constant 0 : i32
      %select_n3A_19 = arith.select %eq3A_17, %select_n3A_18, %select_n3A_15 : i32
      %add3A_20 = arith.addi %select_n3A_19, %mul3A_0 : i32
      %add3A_21 = arith.constant 1 : i32
      %add3A_22 = arith.addi %select_n3A_19, %add3A_21 : i32
      %select_n3A_23 = arith.constant true
      %select_n3A_24 = arith.select %select_n3A_23, %add3A_22, %select_n3A_19 : i32
      %eq3A_25 = arith.constant 32 : i32
      %eq3A_26 = arith.cmpi eq, %select_n3A_24, %eq3A_25 : i32
      %select_n3A_27 = arith.constant 0 : i32
      %select_n3A_28 = arith.select %eq3A_26, %select_n3A_27, %select_n3A_24 : i32
      %add3A_29 = arith.addi %select_n3A_28, %mul3A_0 : i32
      "tpu.trace_start"() <{level = 10 : i32, message = "ep_initialize_0"}> : () -> ()
      %rem3A = arith.constant 0 : i32
      %rem3A_30 = arith.constant 2 : i32
      %rem3A_31 = arith.remui %rem3A, %rem3A_30 : i32
      %mul3A_32 = arith.constant 128 : i32
      %mul3A_33 = arith.muli %mul3A_32, %add3A_4 : i32
      %dma_start3A = arith.constant 0 : i32
      %dma_start3A_34 = arith.constant 0 : i32
      %dma_start3A_35 = tpu.memref_slice %run_scoped3A[%rem3A_31, %dma_start3A, %dma_start3A_34] : memref<2x1x128xi32, #tpu.memory_space<vmem>> -> memref<1x1x128xi32, #tpu.memory_space<vmem>>
      %dma_start3A_36 = tpu.memref_squeeze %dma_start3A_35 : memref<1x1x128xi32, #tpu.memory_space<vmem>> -> memref<1x128xi32, #tpu.memory_space<vmem>>
      %dma_start3A_37 = arith.constant 0 : i32
      %dma_start3A_38 = tpu.memref_slice %arg3[%dma_start3A_37, %mul3A_33] : memref<1x65536xi32, #tpu.memory_space<hbm>> -> memref<1x128xi32, #tpu.memory_space<hbm>>
      %dma_start3A_39 = tpu.memref_slice %run_scoped3A_1[%rem3A_31] : memref<2x!tpu.dma_semaphore, #tpu.memory_space<semaphore_mem>> -> memref<1x!tpu.dma_semaphore, #tpu.memory_space<semaphore_mem>>
      %dma_start3A_40 = tpu.memref_squeeze %dma_start3A_39 : memref<1x!tpu.dma_semaphore, #tpu.memory_space<semaphore_mem>> -> memref<!tpu.dma_semaphore, #tpu.memory_space<semaphore_mem>>
      %dma_start3A_41 = arith.constant 0 : i32
      %dma_start3A_42 = arith.constant 0 : i32
      %dma_start3A_43 = tpu.memref_slice %run_scoped3A[%rem3A_31, %dma_start3A_41, %dma_start3A_42] : memref<2x1x128xi32, #tpu.memory_space<vmem>> -> memref<1x1x128xi32, #tpu.memory_space<vmem>>
      %dma_start3A_44 = tpu.memref_squeeze %dma_start3A_43 : memref<1x1x128xi32, #tpu.memory_space<vmem>> -> memref<1x128xi32, #tpu.memory_space<vmem>>
      %dma_start3A_45 = arith.constant 0 : i32
      %dma_start3A_46 = tpu.memref_slice %arg3[%dma_start3A_45, %mul3A_33] : memref<1x65536xi32, #tpu.memory_space<hbm>> -> memref<1x128xi32, #tpu.memory_space<hbm>>
      tpu.enqueue_dma source(%dma_start3A_46 : memref<1x128xi32, #tpu.memory_space<hbm>>) target(%dma_start3A_44 : memref<1x128xi32, #tpu.memory_space<vmem>>) target_semaphore(%dma_start3A_40 : memref<!tpu.dma_semaphore, #tpu.memory_space<semaphore_mem>>)
      %add3A_47 = arith.constant 0 : i32
      %add3A_48 = arith.constant 1 : i32
      %add3A_49 = arith.addi %add3A_47, %add3A_48 : i32
      %select_n3A_50 = arith.constant true
      %select_n3A_51 = arith.constant 0 : i32
      %select_n3A_52 = arith.select %select_n3A_50, %add3A_49, %select_n3A_51 : i32
      "tpu.trace_stop"() : () -> ()
      %scan3A = arith.constant 0 : i32
      %scan3A_53 = arith.constant 0 : i32
      %scan3A_54 = arith.constant 0 : i32
      %scan3A_55 = arith.constant 0 : i32
      %scan3A_56 = arith.constant 0 : i32
      %scan3A_57 = arith.constant 32 : i32
      %scan3A_58 = arith.addi %scan3A_56, %scan3A_57 : i32
      %scan3A_59 = arith.constant 1 : i32
      %scan3A_60:5 = scf.for %scan3A_114 = %scan3A_56 to %scan3A_58 step %scan3A_59 iter_args(%scan3A_115 = %select_n3A_52, %scan3A_116 = %scan3A, %scan3A_117 = %scan3A_53, %scan3A_118 = %scan3A_54, %scan3A_119 = %scan3A_55) -> (i32, i32, i32, i32, i32)  : i32 {
        %eq3A_120 = arith.constant 0 : i32
        %eq3A_121 = arith.cmpi eq, %scan3A_114, %eq3A_120 : i32
        %eq3A_122 = arith.constant 31 : i32
        %eq3A_123 = arith.cmpi eq, %scan3A_114, %eq3A_122 : i32
        %add3A_124 = arith.addi %scan3A_119, %mul3A_0 : i32
        %sub3A_125 = arith.constant 1 : i32
        %sub3A_126 = arith.subi %scan3A_119, %sub3A_125 : i32
        %select_n3A_127 = arith.constant true
        %select_n3A_128 = arith.select %select_n3A_127, %sub3A_126, %scan3A_119 : i32
        %eq3A_129 = arith.constant -1 : i32
        %eq3A_130 = arith.cmpi eq, %select_n3A_128, %eq3A_129 : i32
        %select_n3A_131 = arith.constant 31 : i32
        %select_n3A_132 = arith.select %eq3A_130, %select_n3A_131, %select_n3A_128 : i32
        %add3A_133 = arith.addi %select_n3A_132, %mul3A_0 : i32
        %add3A_134 = arith.constant 1 : i32
        %add3A_135 = arith.addi %scan3A_119, %add3A_134 : i32
        %select_n3A_136 = arith.constant true
        %select_n3A_137 = arith.select %select_n3A_136, %add3A_135, %scan3A_119 : i32
        %eq3A_138 = arith.constant 32 : i32
        %eq3A_139 = arith.cmpi eq, %select_n3A_137, %eq3A_138 : i32
        %select_n3A_140 = arith.constant 0 : i32
        %select_n3A_141 = arith.select %eq3A_139, %select_n3A_140, %select_n3A_137 : i32
        %add3A_142 = arith.addi %select_n3A_141, %mul3A_0 : i32
        %add3A_143 = arith.constant 1 : i32
        %add3A_144 = arith.addi %select_n3A_141, %add3A_143 : i32
        %select_n3A_145 = arith.constant true
        %select_n3A_146 = arith.select %select_n3A_145, %add3A_144, %select_n3A_141 : i32
        %eq3A_147 = arith.constant 32 : i32
        %eq3A_148 = arith.cmpi eq, %select_n3A_146, %eq3A_147 : i32
        %select_n3A_149 = arith.constant 0 : i32
        %select_n3A_150 = arith.select %eq3A_148, %select_n3A_149, %select_n3A_146 : i32
        %add3A_151 = arith.addi %select_n3A_150, %mul3A_0 : i32
        %ne3A = arith.cmpi ne, %add3A_124, %add3A_142 : i32
        %or3A = arith.constant false
        %or3A_152 = arith.ori %or3A, %ne3A : i1
        %ge3A = arith.constant 31 : i32
        %ge3A_153 = arith.cmpi sge, %scan3A_114, %ge3A : i32
        %not3A = arith.constant true
        %not3A_154 = arith.xori %ge3A_153, %not3A : i1
        %and3A = arith.andi %or3A_152, %not3A_154 : i1
        %convert_element_type3A = arith.extui %and3A : i1 to i32
        %cond3A = arith.constant 0 : i32
        %cond3A_155 = arith.cmpi ne, %convert_element_type3A, %cond3A : i32
        scf.if %cond3A_155 {
          "tpu.trace_start"() <{level = 10 : i32, message = "ep_copy_in"}> : () -> ()
          %rem3A_257 = arith.constant 2 : i32
          %rem3A_258 = arith.remui %scan3A_115, %rem3A_257 : i32
          %mul3A_259 = arith.constant 128 : i32
          %mul3A_260 = arith.muli %mul3A_259, %add3A_142 : i32
          %dma_start3A_261 = arith.constant 0 : i32
          %dma_start3A_262 = arith.constant 0 : i32
          %dma_start3A_263 = tpu.memref_slice %run_scoped3A[%rem3A_258, %dma_start3A_261, %dma_start3A_262] : memref<2x1x128xi32, #tpu.memory_space<vmem>> -> memref<1x1x128xi32, #tpu.memory_space<vmem>>
          %dma_start3A_264 = tpu.memref_squeeze %dma_start3A_263 : memref<1x1x128xi32, #tpu.memory_space<vmem>> -> memref<1x128xi32, #tpu.memory_space<vmem>>
          %dma_start3A_265 = arith.constant 0 : i32
          %dma_start3A_266 = tpu.memref_slice %arg3[%dma_start3A_265, %mul3A_260] : memref<1x65536xi32, #tpu.memory_space<hbm>> -> memref<1x128xi32, #tpu.memory_space<hbm>>
          %dma_start3A_267 = tpu.memref_slice %run_scoped3A_1[%rem3A_258] : memref<2x!tpu.dma_semaphore, #tpu.memory_space<semaphore_mem>> -> memref<1x!tpu.dma_semaphore, #tpu.memory_space<semaphore_mem>>
          %dma_start3A_268 = tpu.memref_squeeze %dma_start3A_267 : memref<1x!tpu.dma_semaphore, #tpu.memory_space<semaphore_mem>> -> memref<!tpu.dma_semaphore, #tpu.memory_space<semaphore_mem>>
          %dma_start3A_269 = arith.constant 0 : i32
          %dma_start3A_270 = arith.constant 0 : i32
          %dma_start3A_271 = tpu.memref_slice %run_scoped3A[%rem3A_258, %dma_start3A_269, %dma_start3A_270] : memref<2x1x128xi32, #tpu.memory_space<vmem>> -> memref<1x1x128xi32, #tpu.memory_space<vmem>>
          %dma_start3A_272 = tpu.memref_squeeze %dma_start3A_271 : memref<1x1x128xi32, #tpu.memory_space<vmem>> -> memref<1x128xi32, #tpu.memory_space<vmem>>
          %dma_start3A_273 = arith.constant 0 : i32
          %dma_start3A_274 = tpu.memref_slice %arg3[%dma_start3A_273, %mul3A_260] : memref<1x65536xi32, #tpu.memory_space<hbm>> -> memref<1x128xi32, #tpu.memory_space<hbm>>
          tpu.enqueue_dma source(%dma_start3A_274 : memref<1x128xi32, #tpu.memory_space<hbm>>) target(%dma_start3A_272 : memref<1x128xi32, #tpu.memory_space<vmem>>) target_semaphore(%dma_start3A_268 : memref<!tpu.dma_semaphore, #tpu.memory_space<semaphore_mem>>)
          "tpu.trace_stop"() : () -> ()
        } else {
        }
        %and3A_156 = arith.constant true
        %and3A_157 = arith.andi %and3A, %and3A_156 : i1
        %add3A_158 = arith.constant 1 : i32
        %add3A_159 = arith.addi %scan3A_115, %add3A_158 : i32
        %select_n3A_160 = arith.select %and3A_157, %add3A_159, %scan3A_115 : i32
        %ne3A_161 = arith.cmpi ne, %add3A_124, %add3A_142 : i32
        %or3A_162 = arith.constant false
        %or3A_163 = arith.ori %or3A_162, %ne3A_161 : i1
        %or3A_164 = arith.constant false
        %or3A_165 = arith.ori %or3A_163, %or3A_164 : i1
        %ge3A_166 = arith.constant 31 : i32
        %ge3A_167 = arith.cmpi sge, %scan3A_114, %ge3A_166 : i32
        %not3A_168 = arith.constant true
        %not3A_169 = arith.xori %ge3A_167, %not3A_168 : i1
        %and3A_170 = arith.andi %or3A_165, %not3A_169 : i1
        %ne3A_171 = arith.cmpi ne, %add3A_124, %add3A_133 : i32
        %or3A_172 = arith.constant false
        %or3A_173 = arith.ori %or3A_172, %ne3A_171 : i1
        %or3A_174 = arith.ori %or3A_173, %eq3A_121 : i1
        %convert_element_type3A_175 = arith.extui %or3A_174 : i1 to i32
        %cond3A_176 = arith.constant 0 : i32
        %cond3A_177 = arith.cmpi ne, %convert_element_type3A_175, %cond3A_176 : i32
        scf.if %cond3A_177 {
          "tpu.trace_start"() <{level = 10 : i32, message = "ep_wait_in"}> : () -> ()
          %mul3A_257 = arith.constant 128 : i32
          %mul3A_258 = arith.muli %mul3A_257, %add3A_124 : i32
          %rem3A_259 = arith.constant 2 : i32
          %rem3A_260 = arith.remui %scan3A_116, %rem3A_259 : i32
          %dma_wait3A_261 = arith.constant 0 : i32
          %dma_wait3A_262 = arith.constant 0 : i32
          %dma_wait3A_263 = tpu.memref_slice %run_scoped3A[%rem3A_260, %dma_wait3A_261, %dma_wait3A_262] : memref<2x1x128xi32, #tpu.memory_space<vmem>> -> memref<1x1x128xi32, #tpu.memory_space<vmem>>
          %dma_wait3A_264 = tpu.memref_squeeze %dma_wait3A_263 : memref<1x1x128xi32, #tpu.memory_space<vmem>> -> memref<1x128xi32, #tpu.memory_space<vmem>>
          %dma_wait3A_265 = arith.constant 0 : i32
          %dma_wait3A_266 = tpu.memref_slice %arg3[%dma_wait3A_265, %mul3A_258] : memref<1x65536xi32, #tpu.memory_space<hbm>> -> memref<1x128xi32, #tpu.memory_space<hbm>>
          %dma_wait3A_267 = tpu.memref_slice %run_scoped3A_1[%rem3A_260] : memref<2x!tpu.dma_semaphore, #tpu.memory_space<semaphore_mem>> -> memref<1x!tpu.dma_semaphore, #tpu.memory_space<semaphore_mem>>
          %dma_wait3A_268 = tpu.memref_squeeze %dma_wait3A_267 : memref<1x!tpu.dma_semaphore, #tpu.memory_space<semaphore_mem>> -> memref<!tpu.dma_semaphore, #tpu.memory_space<semaphore_mem>>
          %dma_wait3A_269 = arith.constant 0 : i32
          %dma_wait3A_270 = arith.constant 0 : i32
          %dma_wait3A_271 = tpu.memref_slice %run_scoped3A[%rem3A_260, %dma_wait3A_269, %dma_wait3A_270] : memref<2x1x128xi32, #tpu.memory_space<vmem>> -> memref<1x1x128xi32, #tpu.memory_space<vmem>>
          %dma_wait3A_272 = tpu.memref_squeeze %dma_wait3A_271 : memref<1x1x128xi32, #tpu.memory_space<vmem>> -> memref<1x128xi32, #tpu.memory_space<vmem>>
          %dma_wait3A_273 = arith.constant 0 : i32
          %dma_wait3A_274 = tpu.memref_slice %arg3[%dma_wait3A_273, %mul3A_258] : memref<1x65536xi32, #tpu.memory_space<hbm>> -> memref<1x128xi32, #tpu.memory_space<hbm>>
          tpu.wait_dma2 semaphore(%dma_wait3A_268 : memref<!tpu.dma_semaphore, #tpu.memory_space<semaphore_mem>>) src(%dma_wait3A_274 : memref<1x128xi32, #tpu.memory_space<hbm>>) dst(%dma_wait3A_272 : memref<1x128xi32, #tpu.memory_space<vmem>>)
          "tpu.trace_stop"() : () -> ()
        } else {
        }
        %ne3A_178 = arith.cmpi ne, %add3A_124, %add3A_133 : i32
        %or3A_179 = arith.constant false
        %or3A_180 = arith.ori %or3A_179, %ne3A_178 : i1
        %or3A_181 = arith.constant false
        %or3A_182 = arith.ori %or3A_180, %or3A_181 : i1
        %or3A_183 = arith.ori %or3A_182, %eq3A_121 : i1
        %convert_element_type3A_184 = arith.extui %or3A_183 : i1 to i32
        %cond3A_185 = arith.constant 0 : i32
        %cond3A_186 = arith.cmpi ne, %convert_element_type3A_184, %cond3A_185 : i32
        scf.if %cond3A_186 {
        } else {
        }
        %rem3A_187 = arith.constant 2 : i32
        %rem3A_188 = arith.remui %scan3A_116, %rem3A_187 : i32
        %rem3A_189 = arith.constant 2 : i32
        %rem3A_190 = arith.remui %scan3A_117, %rem3A_189 : i32
        %run_scoped3A_191 = arith.constant 0 : i32
        "tpu.trace_start"() <{level = 10 : i32, message = "ep_run_kernel"}> : () -> ()
        "tpu.region"() ({
          %run_scoped3A_257 = tpu.sem_alloc : memref<!tpu.dma_semaphore, #tpu.memory_space<semaphore_mem>>
          %dma_start3A_258 = arith.constant 0 : i32
          %dma_start3A_259 = arith.constant 0 : i32
          %dma_start3A_260 = tpu.memref_slice %run_scoped3A_2[%rem3A_190, %dma_start3A_258, %dma_start3A_259] : memref<2x128x128xf32, #tpu.memory_space<vmem>> -> memref<1x128x128xf32, #tpu.memory_space<vmem>>
          %dma_start3A_261 = tpu.memref_squeeze %dma_start3A_260 : memref<1x128x128xf32, #tpu.memory_space<vmem>> -> memref<128x128xf32, #tpu.memory_space<vmem>>
          %dma_start3A_262 = arith.constant 0 : i32
          %dma_start3A_263 = arith.constant 0 : i32
          %dma_start3A_264 = tpu.memref_slice %run_scoped3A[%rem3A_188, %dma_start3A_262, %dma_start3A_263] : memref<2x1x128xi32, #tpu.memory_space<vmem>> -> memref<1x1x128xi32, #tpu.memory_space<vmem>>
          %dma_start3A_265 = tpu.memref_squeeze %dma_start3A_264 : memref<1x1x128xi32, #tpu.memory_space<vmem>> -> memref<1x128xi32, #tpu.memory_space<vmem>>
          %dma_start3A_266 = arith.constant 0 : i32
          %dma_start3A_267 = tpu.memref_slice %dma_start3A_265[%run_scoped3A_191, %dma_start3A_266] : memref<1x128xi32, #tpu.memory_space<vmem>> -> memref<1x128xi32, #tpu.memory_space<vmem>>
          %dma_start3A_268 = tpu.memref_squeeze %dma_start3A_267 : memref<1x128xi32, #tpu.memory_space<vmem>> -> memref<128xi32, #tpu.memory_space<vmem>>
          %dma_start3A_269 = arith.constant 0 : i32
          %dma_start3A_270 = arith.constant 0 : i32
          %dma_start3A_271 = tpu.memref_slice %arg2[%dma_start3A_269, %dma_start3A_270] : memref<16384x128xf32, #tpu.memory_space<hbm>> -> memref<16384x128xf32, #tpu.memory_space<hbm>>
          tpu.enqueue_indirect_dma source(%dma_start3A_271 : memref<16384x128xf32, #tpu.memory_space<hbm>>) target(%dma_start3A_261 : memref<128x128xf32, #tpu.memory_space<vmem>>) offsets(%dma_start3A_268 : memref<128xi32, #tpu.memory_space<vmem>>) semaphore(%run_scoped3A_257 : memref<!tpu.dma_semaphore, #tpu.memory_space<semaphore_mem>>)
          %dma_wait3A_272 = arith.constant 0 : i32
          %dma_wait3A_273 = arith.constant 0 : i32
          %dma_wait3A_274 = tpu.memref_slice %run_scoped3A_2[%rem3A_190, %dma_wait3A_272, %dma_wait3A_273] : memref<2x128x128xf32, #tpu.memory_space<vmem>> -> memref<1x128x128xf32, #tpu.memory_space<vmem>>
          %dma_wait3A_275 = tpu.memref_squeeze %dma_wait3A_274 : memref<1x128x128xf32, #tpu.memory_space<vmem>> -> memref<128x128xf32, #tpu.memory_space<vmem>>
          %dma_wait3A_276 = arith.constant 0 : i32
          %dma_wait3A_277 = arith.constant 0 : i32
          %dma_wait3A_278 = tpu.memref_slice %run_scoped3A[%rem3A_188, %dma_wait3A_276, %dma_wait3A_277] : memref<2x1x128xi32, #tpu.memory_space<vmem>> -> memref<1x1x128xi32, #tpu.memory_space<vmem>>
          %dma_wait3A_279 = tpu.memref_squeeze %dma_wait3A_278 : memref<1x1x128xi32, #tpu.memory_space<vmem>> -> memref<1x128xi32, #tpu.memory_space<vmem>>
          %dma_wait3A_280 = arith.constant 0 : i32
          %dma_wait3A_281 = tpu.memref_slice %dma_wait3A_279[%run_scoped3A_191, %dma_wait3A_280] : memref<1x128xi32, #tpu.memory_space<vmem>> -> memref<1x128xi32, #tpu.memory_space<vmem>>
          %dma_wait3A_282 = tpu.memref_squeeze %dma_wait3A_281 : memref<1x128xi32, #tpu.memory_space<vmem>> -> memref<128xi32, #tpu.memory_space<vmem>>
          %dma_wait3A_283 = arith.constant 0 : i32
          %dma_wait3A_284 = arith.constant 0 : i32
          %dma_wait3A_285 = tpu.memref_slice %arg2[%dma_wait3A_283, %dma_wait3A_284] : memref<16384x128xf32, #tpu.memory_space<hbm>> -> memref<16384x128xf32, #tpu.memory_space<hbm>>
          tpu.wait_indirect_dma semaphore(%run_scoped3A_257 : memref<!tpu.dma_semaphore, #tpu.memory_space<semaphore_mem>>) src(%dma_wait3A_285 : memref<16384x128xf32, #tpu.memory_space<hbm>>) dst(%dma_wait3A_275 : memref<128x128xf32, #tpu.memory_space<vmem>>)
          tpu.yield
        }) : () -> ()
        "tpu.trace_stop"() : () -> ()
        %ne3A_192 = arith.cmpi ne, %add3A_124, %add3A_142 : i32
        %or3A_193 = arith.constant false
        %or3A_194 = arith.ori %or3A_193, %ne3A_192 : i1
        %or3A_195 = arith.ori %or3A_194, %eq3A_123 : i1
        %convert_element_type3A_196 = arith.extui %or3A_195 : i1 to i32
        %cond3A_197 = arith.constant 0 : i32
        %cond3A_198 = arith.cmpi ne, %convert_element_type3A_196, %cond3A_197 : i32
        scf.if %cond3A_198 {
        } else {
        }
        %and3A_199 = arith.constant false
        %and3A_200 = arith.andi %or3A_195, %and3A_199 : i1
        %ne3A_201 = arith.cmpi ne, %add3A_124, %add3A_142 : i32
        %or3A_202 = arith.constant false
        %or3A_203 = arith.ori %or3A_202, %ne3A_201 : i1
        %or3A_204 = arith.constant false
        %or3A_205 = arith.ori %or3A_203, %or3A_204 : i1
        %or3A_206 = arith.ori %or3A_205, %eq3A_123 : i1
        %convert_element_type3A_207 = arith.extui %or3A_206 : i1 to i32
        %cond3A_208 = arith.constant 0 : i32
        %cond3A_209 = arith.cmpi ne, %convert_element_type3A_207, %cond3A_208 : i32
        scf.if %cond3A_209 {
          "tpu.trace_start"() <{level = 10 : i32, message = "ep_copy_out"}> : () -> ()
          %rem3A_257 = arith.constant 2 : i32
          %rem3A_258 = arith.remui %scan3A_117, %rem3A_257 : i32
          %mul3A_259 = arith.constant 128 : i32
          %mul3A_260 = arith.muli %mul3A_259, %add3A_124 : i32
          %dma_start3A_261 = arith.constant 0 : i32
          %dma_start3A_262 = arith.constant 0 : i32
          %dma_start3A_263 = tpu.memref_slice %run_scoped3A_2[%rem3A_258, %dma_start3A_261, %dma_start3A_262] : memref<2x128x128xf32, #tpu.memory_space<vmem>> -> memref<1x128x128xf32, #tpu.memory_space<vmem>>
          %dma_start3A_264 = tpu.memref_squeeze %dma_start3A_263 : memref<1x128x128xf32, #tpu.memory_space<vmem>> -> memref<128x128xf32, #tpu.memory_space<vmem>>
          %dma_start3A_265 = arith.constant 0 : i32
          %dma_start3A_266 = tpu.memref_slice %arg4[%mul3A_260, %dma_start3A_265] : memref<65536x128xf32, #tpu.memory_space<hbm>> -> memref<128x128xf32, #tpu.memory_space<hbm>>
          %dma_start3A_267 = tpu.memref_slice %run_scoped3A_3[%rem3A_258] : memref<2x!tpu.dma_semaphore, #tpu.memory_space<semaphore_mem>> -> memref<1x!tpu.dma_semaphore, #tpu.memory_space<semaphore_mem>>
          %dma_start3A_268 = tpu.memref_squeeze %dma_start3A_267 : memref<1x!tpu.dma_semaphore, #tpu.memory_space<semaphore_mem>> -> memref<!tpu.dma_semaphore, #tpu.memory_space<semaphore_mem>>
          %dma_start3A_269 = arith.constant 0 : i32
          %dma_start3A_270 = tpu.memref_slice %arg4[%mul3A_260, %dma_start3A_269] : memref<65536x128xf32, #tpu.memory_space<hbm>> -> memref<128x128xf32, #tpu.memory_space<hbm>>
          %dma_start3A_271 = arith.constant 0 : i32
          %dma_start3A_272 = arith.constant 0 : i32
          %dma_start3A_273 = tpu.memref_slice %run_scoped3A_2[%rem3A_258, %dma_start3A_271, %dma_start3A_272] : memref<2x128x128xf32, #tpu.memory_space<vmem>> -> memref<1x128x128xf32, #tpu.memory_space<vmem>>
          %dma_start3A_274 = tpu.memref_squeeze %dma_start3A_273 : memref<1x128x128xf32, #tpu.memory_space<vmem>> -> memref<128x128xf32, #tpu.memory_space<vmem>>
          tpu.enqueue_dma source(%dma_start3A_274 : memref<128x128xf32, #tpu.memory_space<vmem>>) target(%dma_start3A_270 : memref<128x128xf32, #tpu.memory_space<hbm>>) target_semaphore(%dma_start3A_268 : memref<!tpu.dma_semaphore, #tpu.memory_space<semaphore_mem>>)
          "tpu.trace_stop"() : () -> ()
        } else {
        }
        %and3A_210 = arith.constant true
        %and3A_211 = arith.andi %or3A_206, %and3A_210 : i1
        %add3A_212 = arith.constant 1 : i32
        %add3A_213 = arith.addi %scan3A_117, %add3A_212 : i32
        %select_n3A_214 = arith.select %and3A_211, %add3A_213, %scan3A_117 : i32
        %ne3A_215 = arith.cmpi ne, %add3A_124, %add3A_133 : i32
        %or3A_216 = arith.constant false
        %or3A_217 = arith.ori %or3A_216, %ne3A_215 : i1
        %not3A_218 = arith.constant true
        %not3A_219 = arith.xori %eq3A_121, %not3A_218 : i1
        %and3A_220 = arith.andi %or3A_217, %not3A_219 : i1
        %convert_element_type3A_221 = arith.extui %and3A_220 : i1 to i32
        %cond3A_222 = arith.constant 0 : i32
        %cond3A_223 = arith.cmpi ne, %convert_element_type3A_221, %cond3A_222 : i32
        scf.if %cond3A_223 {
        } else {
        }
        %and3A_224 = arith.constant false
        %and3A_225 = arith.andi %and3A_220, %and3A_224 : i1
        %ne3A_226 = arith.cmpi ne, %add3A_124, %add3A_133 : i32
        %or3A_227 = arith.constant false
        %or3A_228 = arith.ori %or3A_227, %ne3A_226 : i1
        %or3A_229 = arith.constant false
        %or3A_230 = arith.ori %or3A_228, %or3A_229 : i1
        %not3A_231 = arith.constant true
        %not3A_232 = arith.xori %eq3A_121, %not3A_231 : i1
        %and3A_233 = arith.andi %or3A_230, %not3A_232 : i1
        %convert_element_type3A_234 = arith.extui %and3A_233 : i1 to i32
        %cond3A_235 = arith.constant 0 : i32
        %cond3A_236 = arith.cmpi ne, %convert_element_type3A_234, %cond3A_235 : i32
        scf.if %cond3A_236 {
          "tpu.trace_start"() <{level = 10 : i32, message = "ep_wait_out"}> : () -> ()
          %rem3A_257 = arith.constant 2 : i32
          %rem3A_258 = arith.remui %scan3A_118, %rem3A_257 : i32
          %mul3A_259 = arith.constant 128 : i32
          %mul3A_260 = arith.muli %mul3A_259, %add3A_133 : i32
          %dma_wait3A_261 = arith.constant 0 : i32
          %dma_wait3A_262 = arith.constant 0 : i32
          %dma_wait3A_263 = tpu.memref_slice %run_scoped3A_2[%rem3A_258, %dma_wait3A_261, %dma_wait3A_262] : memref<2x128x128xf32, #tpu.memory_space<vmem>> -> memref<1x128x128xf32, #tpu.memory_space<vmem>>
          %dma_wait3A_264 = tpu.memref_squeeze %dma_wait3A_263 : memref<1x128x128xf32, #tpu.memory_space<vmem>> -> memref<128x128xf32, #tpu.memory_space<vmem>>
          %dma_wait3A_265 = arith.constant 0 : i32
          %dma_wait3A_266 = tpu.memref_slice %arg4[%mul3A_260, %dma_wait3A_265] : memref<65536x128xf32, #tpu.memory_space<hbm>> -> memref<128x128xf32, #tpu.memory_space<hbm>>
          %dma_wait3A_267 = tpu.memref_slice %run_scoped3A_3[%rem3A_258] : memref<2x!tpu.dma_semaphore, #tpu.memory_space<semaphore_mem>> -> memref<1x!tpu.dma_semaphore, #tpu.memory_space<semaphore_mem>>
          %dma_wait3A_268 = tpu.memref_squeeze %dma_wait3A_267 : memref<1x!tpu.dma_semaphore, #tpu.memory_space<semaphore_mem>> -> memref<!tpu.dma_semaphore, #tpu.memory_space<semaphore_mem>>
          %dma_wait3A_269 = arith.constant 0 : i32
          %dma_wait3A_270 = tpu.memref_slice %arg4[%mul3A_260, %dma_wait3A_269] : memref<65536x128xf32, #tpu.memory_space<hbm>> -> memref<128x128xf32, #tpu.memory_space<hbm>>
          %dma_wait3A_271 = arith.constant 0 : i32
          %dma_wait3A_272 = arith.constant 0 : i32
          %dma_wait3A_273 = tpu.memref_slice %run_scoped3A_2[%rem3A_258, %dma_wait3A_271, %dma_wait3A_272] : memref<2x128x128xf32, #tpu.memory_space<vmem>> -> memref<1x128x128xf32, #tpu.memory_space<vmem>>
          %dma_wait3A_274 = tpu.memref_squeeze %dma_wait3A_273 : memref<1x128x128xf32, #tpu.memory_space<vmem>> -> memref<128x128xf32, #tpu.memory_space<vmem>>
          tpu.wait_dma2 semaphore(%dma_wait3A_268 : memref<!tpu.dma_semaphore, #tpu.memory_space<semaphore_mem>>) src(%dma_wait3A_274 : memref<128x128xf32, #tpu.memory_space<vmem>>) dst(%dma_wait3A_270 : memref<128x128xf32, #tpu.memory_space<hbm>>)
          "tpu.trace_stop"() : () -> ()
        } else {
        }
        %and3A_237 = arith.constant true
        %and3A_238 = arith.andi %and3A_233, %and3A_237 : i1
        %add3A_239 = arith.constant 1 : i32
        %add3A_240 = arith.addi %scan3A_118, %add3A_239 : i32
        %select_n3A_241 = arith.select %and3A_238, %add3A_240, %scan3A_118 : i32
        %ne3A_242 = arith.cmpi ne, %add3A_124, %add3A_142 : i32
        %or3A_243 = arith.constant false
        %or3A_244 = arith.ori %or3A_243, %ne3A_242 : i1
        %or3A_245 = arith.ori %or3A_244, %eq3A_123 : i1
        %add3A_246 = arith.constant 1 : i32
        %add3A_247 = arith.addi %scan3A_116, %add3A_246 : i32
        %select_n3A_248 = arith.select %or3A_245, %add3A_247, %scan3A_116 : i32
        %add3A_249 = arith.constant 1 : i32
        %add3A_250 = arith.addi %scan3A_119, %add3A_249 : i32
        %select_n3A_251 = arith.constant true
        %select_n3A_252 = arith.select %select_n3A_251, %add3A_250, %scan3A_119 : i32
        %eq3A_253 = arith.constant 32 : i32
        %eq3A_254 = arith.cmpi eq, %select_n3A_252, %eq3A_253 : i32
        %select_n3A_255 = arith.constant 0 : i32
        %select_n3A_256 = arith.select %eq3A_254, %select_n3A_255, %select_n3A_252 : i32
        scf.yield %select_n3A_160, %select_n3A_248, %select_n3A_214, %select_n3A_241, %select_n3A_256 : i32, i32, i32, i32, i32
      }
      %scan3A_61 = arith.constant 32 : i32
      %sub3A = arith.constant 1 : i32
      %sub3A_62 = arith.subi %scan3A_60#4, %sub3A : i32
      %select_n3A_63 = arith.constant true
      %select_n3A_64 = arith.select %select_n3A_63, %sub3A_62, %scan3A_60#4 : i32
      %eq3A_65 = arith.constant -1 : i32
      %eq3A_66 = arith.cmpi eq, %select_n3A_64, %eq3A_65 : i32
      %select_n3A_67 = arith.constant 31 : i32
      %select_n3A_68 = arith.select %eq3A_66, %select_n3A_67, %select_n3A_64 : i32
      %add3A_69 = arith.addi %select_n3A_68, %mul3A_0 : i32
      %sub3A_70 = arith.constant 1 : i32
      %sub3A_71 = arith.subi %select_n3A_68, %sub3A_70 : i32
      %select_n3A_72 = arith.constant true
      %select_n3A_73 = arith.select %select_n3A_72, %sub3A_71, %select_n3A_68 : i32
      %eq3A_74 = arith.constant -1 : i32
      %eq3A_75 = arith.cmpi eq, %select_n3A_73, %eq3A_74 : i32
      %select_n3A_76 = arith.constant 31 : i32
      %select_n3A_77 = arith.select %eq3A_75, %select_n3A_76, %select_n3A_73 : i32
      %add3A_78 = arith.addi %select_n3A_77, %mul3A_0 : i32
      %add3A_79 = arith.constant 1 : i32
      %add3A_80 = arith.addi %select_n3A_68, %add3A_79 : i32
      %select_n3A_81 = arith.constant true
      %select_n3A_82 = arith.select %select_n3A_81, %add3A_80, %select_n3A_68 : i32
      %eq3A_83 = arith.constant 32 : i32
      %eq3A_84 = arith.cmpi eq, %select_n3A_82, %eq3A_83 : i32
      %select_n3A_85 = arith.constant 0 : i32
      %select_n3A_86 = arith.select %eq3A_84, %select_n3A_85, %select_n3A_82 : i32
      %add3A_87 = arith.addi %select_n3A_86, %mul3A_0 : i32
      %add3A_88 = arith.constant 1 : i32
      %add3A_89 = arith.addi %select_n3A_86, %add3A_88 : i32
      %select_n3A_90 = arith.constant true
      %select_n3A_91 = arith.select %select_n3A_90, %add3A_89, %select_n3A_86 : i32
      %eq3A_92 = arith.constant 32 : i32
      %eq3A_93 = arith.cmpi eq, %select_n3A_91, %eq3A_92 : i32
      %select_n3A_94 = arith.constant 0 : i32
      %select_n3A_95 = arith.select %eq3A_93, %select_n3A_94, %select_n3A_91 : i32
      %add3A_96 = arith.addi %select_n3A_95, %mul3A_0 : i32
      "tpu.trace_start"() <{level = 10 : i32, message = "ep_finalize"}> : () -> ()
      %rem3A_97 = arith.constant 2 : i32
      %rem3A_98 = arith.remui %scan3A_60#3, %rem3A_97 : i32
      %mul3A_99 = arith.constant 128 : i32
      %mul3A_100 = arith.muli %mul3A_99, %add3A_69 : i32
      %dma_wait3A = arith.constant 0 : i32
      %dma_wait3A_101 = arith.constant 0 : i32
      %dma_wait3A_102 = tpu.memref_slice %run_scoped3A_2[%rem3A_98, %dma_wait3A, %dma_wait3A_101] : memref<2x128x128xf32, #tpu.memory_space<vmem>> -> memref<1x128x128xf32, #tpu.memory_space<vmem>>
      %dma_wait3A_103 = tpu.memref_squeeze %dma_wait3A_102 : memref<1x128x128xf32, #tpu.memory_space<vmem>> -> memref<128x128xf32, #tpu.memory_space<vmem>>
      %dma_wait3A_104 = arith.constant 0 : i32
      %dma_wait3A_105 = tpu.memref_slice %arg4[%mul3A_100, %dma_wait3A_104] : memref<65536x128xf32, #tpu.memory_space<hbm>> -> memref<128x128xf32, #tpu.memory_space<hbm>>
      %dma_wait3A_106 = tpu.memref_slice %run_scoped3A_3[%rem3A_98] : memref<2x!tpu.dma_semaphore, #tpu.memory_space<semaphore_mem>> -> memref<1x!tpu.dma_semaphore, #tpu.memory_space<semaphore_mem>>
      %dma_wait3A_107 = tpu.memref_squeeze %dma_wait3A_106 : memref<1x!tpu.dma_semaphore, #tpu.memory_space<semaphore_mem>> -> memref<!tpu.dma_semaphore, #tpu.memory_space<semaphore_mem>>
      %dma_wait3A_108 = arith.constant 0 : i32
      %dma_wait3A_109 = tpu.memref_slice %arg4[%mul3A_100, %dma_wait3A_108] : memref<65536x128xf32, #tpu.memory_space<hbm>> -> memref<128x128xf32, #tpu.memory_space<hbm>>
      %dma_wait3A_110 = arith.constant 0 : i32
      %dma_wait3A_111 = arith.constant 0 : i32
      %dma_wait3A_112 = tpu.memref_slice %run_scoped3A_2[%rem3A_98, %dma_wait3A_110, %dma_wait3A_111] : memref<2x128x128xf32, #tpu.memory_space<vmem>> -> memref<1x128x128xf32, #tpu.memory_space<vmem>>
      %dma_wait3A_113 = tpu.memref_squeeze %dma_wait3A_112 : memref<1x128x128xf32, #tpu.memory_space<vmem>> -> memref<128x128xf32, #tpu.memory_space<vmem>>
      tpu.wait_dma2 semaphore(%dma_wait3A_107 : memref<!tpu.dma_semaphore, #tpu.memory_space<semaphore_mem>>) src(%dma_wait3A_113 : memref<128x128xf32, #tpu.memory_space<vmem>>) dst(%dma_wait3A_109 : memref<128x128xf32, #tpu.memory_space<hbm>>)
      "tpu.trace_stop"() : () -> ()
      tpu.yield
    }) : () -> ()
    return
  }
}

module attributes {stable_mosaic.version = 14 : i64} {
  func.func @_fps_kernel(%arg0: memref<128x128xf32, #tpu.memory_space<vmem>>, %arg1: memref<128x128xf32, #tpu.memory_space<vmem>>, %arg2: memref<128x128xf32, #tpu.memory_space<vmem>>, %arg3: memref<4096xi32, #tpu.memory_space<smem>>) attributes {dimension_semantics = [], scalar_prefetch = 0 : i64, scratch_operands = 0 : i64, tpu.core_type = #tpu.core_type<tc>} {
    %get3A = arith.constant 0 : index
    %get3A_0 = arith.constant 0 : index
    %get3A_1 = vector.load %arg0[%get3A, %get3A_0] : memref<128x128xf32, #tpu.memory_space<vmem>>, vector<128x128xf32>
    %get3A_2 = arith.constant 0 : index
    %get3A_3 = arith.constant 0 : index
    %get3A_4 = vector.load %arg1[%get3A_2, %get3A_3] : memref<128x128xf32, #tpu.memory_space<vmem>>, vector<128x128xf32>
    %get3A_5 = arith.constant 0 : index
    %get3A_6 = arith.constant 0 : index
    %get3A_7 = vector.load %arg2[%get3A_5, %get3A_6] : memref<128x128xf32, #tpu.memory_space<vmem>>, vector<128x128xf32>
    %iota3A = tpu.iota {dimensions = array<i32: 0>} : vector<128x128xi32>
    %iota3A_8 = tpu.iota {dimensions = array<i32: 1>} : vector<128x128xi32>
    %mul3A = arith.constant 128 : i32
    %mul3A_9 = vector.broadcast %mul3A : i32 to vector<128x128xi32>
    %mul3A_10 = arith.muli %iota3A, %mul3A_9 : vector<128x128xi32>
    %add3A = arith.addi %mul3A_10, %iota3A_8 : vector<128x128xi32>
    %iota3A_11 = tpu.iota {dimensions = array<i32: 1>} : vector<1x128xi32>
    %swap3A = arith.constant 0 : i32
    %swap3A_12 = arith.constant 0 : index
    %swap3A_13 = memref.load %arg3[%swap3A_12] : memref<4096xi32, #tpu.memory_space<smem>>
    memref.store %swap3A, %arg3[%swap3A_12] : memref<4096xi32, #tpu.memory_space<smem>>
    %slice3A = vector.extract_strided_slice %get3A_1 {offsets = [0, 0], sizes = [1, 1], strides = [1, 1]} : vector<128x128xf32> to vector<1x1xf32>
    %squeeze3A = vector.extract %slice3A[0, 0] : f32 from vector<1x1xf32>
    %slice3A_14 = vector.extract_strided_slice %get3A_4 {offsets = [0, 0], sizes = [1, 1], strides = [1, 1]} : vector<128x128xf32> to vector<1x1xf32>
    %squeeze3A_15 = vector.extract %slice3A_14[0, 0] : f32 from vector<1x1xf32>
    %slice3A_16 = vector.extract_strided_slice %get3A_7 {offsets = [0, 0], sizes = [1, 1], strides = [1, 1]} : vector<128x128xf32> to vector<1x1xf32>
    %squeeze3A_17 = vector.extract %slice3A_16[0, 0] : f32 from vector<1x1xf32>
    %broadcast_in_dim3A = arith.constant 0x7F800000 : f32
    %broadcast_in_dim3A_18 = vector.broadcast %broadcast_in_dim3A : f32 to vector<128x128xf32>
    %scan3A = arith.constant 1 : i32
    %scan3A_19 = arith.constant 4095 : i32
    %scan3A_20 = arith.addi %scan3A, %scan3A_19 : i32
    %scan3A_21 = arith.constant 1 : i32
    %scan3A_22:4 = scf.for %scan3A_24 = %scan3A to %scan3A_20 step %scan3A_21 iter_args(%scan3A_25 = %squeeze3A, %scan3A_26 = %squeeze3A_15, %scan3A_27 = %squeeze3A_17, %scan3A_28 = %broadcast_in_dim3A_18) -> (f32, f32, f32, vector<128x128xf32>)  : i32 {
      %sub3A = vector.broadcast %scan3A_25 : f32 to vector<128x128xf32>
      %sub3A_29 = arith.subf %get3A_1, %sub3A : vector<128x128xf32>
      %sub3A_30 = vector.broadcast %scan3A_26 : f32 to vector<128x128xf32>
      %sub3A_31 = arith.subf %get3A_4, %sub3A_30 : vector<128x128xf32>
      %sub3A_32 = vector.broadcast %scan3A_27 : f32 to vector<128x128xf32>
      %sub3A_33 = arith.subf %get3A_7, %sub3A_32 : vector<128x128xf32>
      %mul3A_34 = arith.mulf %sub3A_29, %sub3A_29 : vector<128x128xf32>
      %mul3A_35 = arith.mulf %sub3A_33, %sub3A_33 : vector<128x128xf32>
      %add3A_36 = arith.addf %mul3A_34, %mul3A_35 : vector<128x128xf32>
      %mul3A_37 = arith.mulf %sub3A_31, %sub3A_31 : vector<128x128xf32>
      %add3A_38 = arith.addf %add3A_36, %mul3A_37 : vector<128x128xf32>
      %min3A = arith.minimumf %scan3A_28, %add3A_38 : vector<128x128xf32>
      %reduce_max3A = vector.shape_cast %min3A : vector<128x128xf32> to vector<1x128x128xf32>
      %reduce_max3A_39 = arith.constant dense<0xFF800000> : vector<1xf32>
      %reduce_max3A_40 = vector.multi_reduction <maximumf>, %reduce_max3A, %reduce_max3A_39 [1, 2] : vector<1x128x128xf32> to vector<1xf32>
      %reduce_max3A_41 = vector.shape_cast %reduce_max3A_40 : vector<1xf32> to vector<1x1x1xf32>
      %reduce_max3A_42 = vector.extract %reduce_max3A_41[0, 0, 0] : f32 from vector<1x1x1xf32>
      %eq3A = vector.broadcast %reduce_max3A_42 : f32 to vector<128x128xf32>
      %eq3A_43 = arith.cmpf oeq, %min3A, %eq3A : vector<128x128xf32>
      %jit3A = arith.constant 16384 : i32
      %broadcast_in_dim3A_44 = vector.broadcast %jit3A : i32 to vector<128x128xi32>
      %select_n3A = arith.select %eq3A_43, %add3A, %broadcast_in_dim3A_44 : vector<128x128xi1>, vector<128x128xi32>
      %reduce_min3A = vector.shape_cast %select_n3A : vector<128x128xi32> to vector<1x128x128xi32>
      %reduce_min3A_45 = arith.constant dense<2147483647> : vector<1xi32>
      %reduce_min3A_46 = vector.multi_reduction <minsi>, %reduce_min3A, %reduce_min3A_45 [1, 2] : vector<1x128x128xi32> to vector<1xi32>
      %reduce_min3A_47 = vector.shape_cast %reduce_min3A_46 : vector<1xi32> to vector<1x1x1xi32>
      %reduce_min3A_48 = vector.extract %reduce_min3A_47[0, 0, 0] : i32 from vector<1x1x1xi32>
      %swap3A_49 = arith.index_cast %scan3A_24 : i32 to index
      %swap3A_50 = memref.load %arg3[%swap3A_49] : memref<4096xi32, #tpu.memory_space<smem>>
      memref.store %reduce_min3A_48, %arg3[%swap3A_49] : memref<4096xi32, #tpu.memory_space<smem>>
      %jit3A_51 = arith.constant 128 : i32
      %div3A = arith.divsi %reduce_min3A_48, %jit3A_51 : i32
      %sign3A = arith.constant 0 : i32
      %sign3A_52 = arith.cmpi sgt, %reduce_min3A_48, %sign3A : i32
      %sign3A_53 = arith.extui %sign3A_52 : i1 to i32
      %sign3A_54 = arith.constant 0 : i32
      %sign3A_55 = arith.cmpi slt, %reduce_min3A_48, %sign3A_54 : i32
      %sign3A_56 = arith.extui %sign3A_55 : i1 to i32
      %sign3A_57 = arith.subi %sign3A_53, %sign3A_56 : i32
      %sign3A_58 = arith.constant 0 : i32
      %sign3A_59 = arith.cmpi sgt, %jit3A_51, %sign3A_58 : i32
      %sign3A_60 = arith.extui %sign3A_59 : i1 to i32
      %sign3A_61 = arith.constant 0 : i32
      %sign3A_62 = arith.cmpi slt, %jit3A_51, %sign3A_61 : i32
      %sign3A_63 = arith.extui %sign3A_62 : i1 to i32
      %sign3A_64 = arith.subi %sign3A_60, %sign3A_63 : i32
      %ne3A = arith.cmpi ne, %sign3A_57, %sign3A_64 : i32
      %rem3A = arith.remsi %reduce_min3A_48, %jit3A_51 : i32
      %ne3A_65 = arith.constant 0 : i32
      %ne3A_66 = arith.cmpi ne, %rem3A, %ne3A_65 : i32
      %and3A = arith.andi %ne3A, %ne3A_66 : i1
      %sub3A_67 = arith.constant 1 : i32
      %sub3A_68 = arith.subi %div3A, %sub3A_67 : i32
      %select_n3A_69 = arith.select %and3A, %sub3A_68, %div3A : i32
      %mul3A_70 = arith.constant 128 : i32
      %mul3A_71 = arith.muli %select_n3A_69, %mul3A_70 : i32
      %sub3A_72 = arith.subi %reduce_min3A_48, %mul3A_71 : i32
      %eq3A_73 = vector.broadcast %sub3A_72 : i32 to vector<1x128xi32>
      %eq3A_74 = arith.cmpi eq, %iota3A_11, %eq3A_73 : vector<1x128xi32>
      %jit3A_75 = arith.constant 1.000000e+00 : f32
      %jit3A_76 = arith.constant 0.000000e+00 : f32
      %broadcast_in_dim3A_77 = vector.broadcast %jit3A_75 : f32 to vector<1x128xf32>
      %broadcast_in_dim3A_78 = vector.broadcast %jit3A_76 : f32 to vector<1x128xf32>
      %select_n3A_79 = arith.select %eq3A_74, %broadcast_in_dim3A_77, %broadcast_in_dim3A_78 : vector<1x128xi1>, vector<1x128xf32>
      %get3A_80 = arith.index_cast %select_n3A_69 : i32 to index
      %get3A_81 = arith.constant 0 : index
      %get3A_82 = vector.load %arg0[%get3A_80, %get3A_81] : memref<128x128xf32, #tpu.memory_space<vmem>>, vector<1x128xf32>
      %mul3A_83 = arith.mulf %get3A_82, %select_n3A_79 : vector<1x128xf32>
      %reduce_sum3A = vector.shape_cast %mul3A_83 : vector<1x128xf32> to vector<1x1x128xf32>
      %reduce_sum3A_84 = arith.constant dense<0.000000e+00> : vector<1xf32>
      %reduce_sum3A_85 = vector.multi_reduction <add>, %reduce_sum3A, %reduce_sum3A_84 [1, 2] : vector<1x1x128xf32> to vector<1xf32>
      %reduce_sum3A_86 = vector.shape_cast %reduce_sum3A_85 : vector<1xf32> to vector<1x1x1xf32>
      %reduce_sum3A_87 = vector.extract %reduce_sum3A_86[0, 0, 0] : f32 from vector<1x1x1xf32>
      %get3A_88 = arith.index_cast %select_n3A_69 : i32 to index
      %get3A_89 = arith.constant 0 : index
      %get3A_90 = vector.load %arg1[%get3A_88, %get3A_89] : memref<128x128xf32, #tpu.memory_space<vmem>>, vector<1x128xf32>
      %mul3A_91 = arith.mulf %get3A_90, %select_n3A_79 : vector<1x128xf32>
      %reduce_sum3A_92 = vector.shape_cast %mul3A_91 : vector<1x128xf32> to vector<1x1x128xf32>
      %reduce_sum3A_93 = arith.constant dense<0.000000e+00> : vector<1xf32>
      %reduce_sum3A_94 = vector.multi_reduction <add>, %reduce_sum3A_92, %reduce_sum3A_93 [1, 2] : vector<1x1x128xf32> to vector<1xf32>
      %reduce_sum3A_95 = vector.shape_cast %reduce_sum3A_94 : vector<1xf32> to vector<1x1x1xf32>
      %reduce_sum3A_96 = vector.extract %reduce_sum3A_95[0, 0, 0] : f32 from vector<1x1x1xf32>
      %get3A_97 = arith.index_cast %select_n3A_69 : i32 to index
      %get3A_98 = arith.constant 0 : index
      %get3A_99 = vector.load %arg2[%get3A_97, %get3A_98] : memref<128x128xf32, #tpu.memory_space<vmem>>, vector<1x128xf32>
      %mul3A_100 = arith.mulf %get3A_99, %select_n3A_79 : vector<1x128xf32>
      %reduce_sum3A_101 = vector.shape_cast %mul3A_100 : vector<1x128xf32> to vector<1x1x128xf32>
      %reduce_sum3A_102 = arith.constant dense<0.000000e+00> : vector<1xf32>
      %reduce_sum3A_103 = vector.multi_reduction <add>, %reduce_sum3A_101, %reduce_sum3A_102 [1, 2] : vector<1x1x128xf32> to vector<1xf32>
      %reduce_sum3A_104 = vector.shape_cast %reduce_sum3A_103 : vector<1xf32> to vector<1x1x1xf32>
      %reduce_sum3A_105 = vector.extract %reduce_sum3A_104[0, 0, 0] : f32 from vector<1x1x1xf32>
      scf.yield %reduce_sum3A_87, %reduce_sum3A_96, %reduce_sum3A_105, %min3A : f32, f32, f32, vector<128x128xf32>
    }
    %scan3A_23 = arith.constant 4095 : i32
    return
  }
}

module attributes {stable_mosaic.version = 14 : i64} {
  func.func @_z_kernel(%arg0: i32, %arg1: memref<2048x67xf32, #tpu.memory_space<vmem>>, %arg2: memref<67x128xf32, #tpu.memory_space<vmem>>, %arg3: memref<2048x128xf32, #tpu.memory_space<vmem>>) attributes {dimension_semantics = [#tpu.dimension_semantics<arbitrary>], iteration_bounds = array<i64: 8>, scalar_prefetch = 0 : i64, scratch_operands = 0 : i64, tpu.core_type = #tpu.core_type<tc>, window_params = [{transform_indices = @transform_0, window_bounds = array<i64: 2048, 67>}, {pipeline_mode = #tpu.pipeline_mode<synchronous>, transform_indices = @transform_1, window_bounds = array<i64: 67, 128>}, {transform_indices = @transform_2, window_bounds = array<i64: 2048, 128>}]} {
    %get3A = arith.constant 0 : index
    %get3A_0 = arith.constant 0 : index
    %get3A_1 = vector.load %arg1[%get3A, %get3A_0] : memref<2048x67xf32, #tpu.memory_space<vmem>>, vector<2048x67xf32>
    %get3A_2 = arith.constant 0 : index
    %get3A_3 = arith.constant 0 : index
    %get3A_4 = vector.load %arg2[%get3A_2, %get3A_3] : memref<67x128xf32, #tpu.memory_space<vmem>>, vector<67x128xf32>
    %dot_general3A = arith.constant dense<0.000000e+00> : vector<2048x128xf32>
    %dot_general3A_5 = tpu.matmul %get3A_1, %get3A_4, %dot_general3A {dimension_numbers = #tpu.dot_dimension_numbers<[1], [0], [0], [1], [0, 0, 1, 1], [], []>, precision = #tpu.contract_precision<fp32>, transpose_lhs_hint = false} : vector<2048x67xf32>, vector<67x128xf32>, vector<2048x128xf32> -> vector<2048x128xf32>
    %swap3A = arith.constant 0 : index
    %swap3A_6 = arith.constant 0 : index
    %swap3A_7 = vector.load %arg3[%swap3A, %swap3A_6] : memref<2048x128xf32, #tpu.memory_space<vmem>>, vector<2048x128xf32>
    tpu.vector_store %arg3[%swap3A, %swap3A_6], %dot_general3A_5 {strides = array<i32>} : memref<2048x128xf32, #tpu.memory_space<vmem>>, vector<2048x128xf32>,
    return
  }
  func.func @transform_0(%arg0: i32) -> (i32, i32) {
    %c0_i32 = arith.constant 0 : i32
    %c0_i32_0 = arith.constant 0 : i32
    return %arg0, %c0_i32 : i32, i32
  }
  func.func @transform_1(%arg0: i32) -> (i32, i32) {
    %c0_i32 = arith.constant 0 : i32
    %c0_i32_0 = arith.constant 0 : i32
    %c0_i32_1 = arith.constant 0 : i32
    return %c0_i32, %c0_i32_0 : i32, i32
  }
  func.func @transform_2(%arg0: i32) -> (i32, i32) {
    %c0_i32 = arith.constant 0 : i32
    %c0_i32_0 = arith.constant 0 : i32
    return %arg0, %c0_i32 : i32, i32
  }
}

module attributes {stable_mosaic.version = 14 : i64} {
  func.func @_knn_kernel(%arg0: i32, %arg1: memref<3x16384xf32, #tpu.memory_space<vmem>>, %arg2: memref<1x16384xf32, #tpu.memory_space<vmem>>, %arg3: memref<32x3xf32, #tpu.memory_space<vmem>>, %arg4: memref<32x1xf32, #tpu.memory_space<vmem>>, %arg5: memref<32x16xi32, #tpu.memory_space<vmem>>, %arg6: memref<32x16384xf32, #tpu.memory_space<vmem>>) attributes {dimension_semantics = [#tpu.dimension_semantics<arbitrary>], iteration_bounds = array<i64: 128>, scalar_prefetch = 0 : i64, scratch_operands = 1 : i64, tpu.core_type = #tpu.core_type<tc>, window_params = [{pipeline_mode = #tpu.pipeline_mode<synchronous>, transform_indices = @transform_0, window_bounds = array<i64: 3, 16384>}, {pipeline_mode = #tpu.pipeline_mode<synchronous>, transform_indices = @transform_1, window_bounds = array<i64: 1, 16384>}, {transform_indices = @transform_2, window_bounds = array<i64: 32, 3>}, {transform_indices = @transform_3, window_bounds = array<i64: 32, 1>}, {transform_indices = @transform_4, window_bounds = array<i64: 32, 16>}]} {
    %iota3A = tpu.iota {dimensions = array<i32: 1>} : vector<32x128xi32>
    %get3A = arith.constant 0 : index
    %get3A_0 = arith.constant 0 : index
    %get3A_1 = vector.load %arg3[%get3A, %get3A_0] : memref<32x3xf32, #tpu.memory_space<vmem>>, vector<32x1xf32>
    %convert_element_type3A = arith.truncf %get3A_1 : vector<32x1xf32> to vector<32x1xbf16>
    %convert_element_type3A_2 = arith.extf %convert_element_type3A : vector<32x1xbf16> to vector<32x1xf32>
    %broadcast_in_dim3A = vector.shape_cast %convert_element_type3A_2 : vector<32x1xf32> to vector<32x1xf32>
    %broadcast_in_dim3A_3 = vector.broadcast %broadcast_in_dim3A : vector<32x1xf32> to vector<32x128xf32>
    %get3A_4 = arith.constant 0 : index
    %get3A_5 = arith.constant 1 : index
    %get3A_6 = vector.load %arg3[%get3A_4, %get3A_5] : memref<32x3xf32, #tpu.memory_space<vmem>>, vector<32x1xf32>
    %convert_element_type3A_7 = arith.truncf %get3A_6 : vector<32x1xf32> to vector<32x1xbf16>
    %convert_element_type3A_8 = arith.extf %convert_element_type3A_7 : vector<32x1xbf16> to vector<32x1xf32>
    %broadcast_in_dim3A_9 = vector.shape_cast %convert_element_type3A_8 : vector<32x1xf32> to vector<32x1xf32>
    %broadcast_in_dim3A_10 = vector.broadcast %broadcast_in_dim3A_9 : vector<32x1xf32> to vector<32x128xf32>
    %get3A_11 = arith.constant 0 : index
    %get3A_12 = arith.constant 2 : index
    %get3A_13 = vector.load %arg3[%get3A_11, %get3A_12] : memref<32x3xf32, #tpu.memory_space<vmem>>, vector<32x1xf32>
    %convert_element_type3A_14 = arith.truncf %get3A_13 : vector<32x1xf32> to vector<32x1xbf16>
    %convert_element_type3A_15 = arith.extf %convert_element_type3A_14 : vector<32x1xbf16> to vector<32x1xf32>
    %broadcast_in_dim3A_16 = vector.shape_cast %convert_element_type3A_15 : vector<32x1xf32> to vector<32x1xf32>
    %broadcast_in_dim3A_17 = vector.broadcast %broadcast_in_dim3A_16 : vector<32x1xf32> to vector<32x128xf32>
    %get3A_18 = arith.constant 0 : index
    %get3A_19 = arith.constant 0 : index
    %get3A_20 = vector.load %arg4[%get3A_18, %get3A_19] : memref<32x1xf32, #tpu.memory_space<vmem>>, vector<32x1xf32>
    %broadcast_in_dim3A_21 = vector.shape_cast %get3A_20 : vector<32x1xf32> to vector<32x1xf32>
    %broadcast_in_dim3A_22 = vector.broadcast %broadcast_in_dim3A_21 : vector<32x1xf32> to vector<32x128xf32>
    %scan3A = arith.constant 0 : i32
    %scan3A_23 = arith.constant 128 : i32
    %scan3A_24 = arith.addi %scan3A, %scan3A_23 : i32
    %scan3A_25 = arith.constant 1 : i32
    scf.for %scan3A_1651 = %scan3A to %scan3A_24 step %scan3A_25  : i32 {
      %mul3A = arith.constant 128 : i32
      %mul3A_1652 = arith.muli %scan3A_1651, %mul3A : i32
      %get3A_1653 = arith.constant 0 : index
      %get3A_1654 = arith.index_cast %mul3A_1652 : i32 to index
      %get3A_1655 = vector.load %arg1[%get3A_1653, %get3A_1654] : memref<3x16384xf32, #tpu.memory_space<vmem>>, vector<1x128xf32>
      %convert_element_type3A_1656 = arith.truncf %get3A_1655 : vector<1x128xf32> to vector<1x128xbf16>
      %convert_element_type3A_1657 = arith.extf %convert_element_type3A_1656 : vector<1x128xbf16> to vector<1x128xf32>
      %get3A_1658 = arith.constant 1 : index
      %get3A_1659 = arith.index_cast %mul3A_1652 : i32 to index
      %get3A_1660 = vector.load %arg1[%get3A_1658, %get3A_1659] : memref<3x16384xf32, #tpu.memory_space<vmem>>, vector<1x128xf32>
      %convert_element_type3A_1661 = arith.truncf %get3A_1660 : vector<1x128xf32> to vector<1x128xbf16>
      %convert_element_type3A_1662 = arith.extf %convert_element_type3A_1661 : vector<1x128xbf16> to vector<1x128xf32>
      %get3A_1663 = arith.constant 2 : index
      %get3A_1664 = arith.index_cast %mul3A_1652 : i32 to index
      %get3A_1665 = vector.load %arg1[%get3A_1663, %get3A_1664] : memref<3x16384xf32, #tpu.memory_space<vmem>>, vector<1x128xf32>
      %convert_element_type3A_1666 = arith.truncf %get3A_1665 : vector<1x128xf32> to vector<1x128xbf16>
      %convert_element_type3A_1667 = arith.extf %convert_element_type3A_1666 : vector<1x128xbf16> to vector<1x128xf32>
      %get3A_1668 = arith.constant 0 : index
      %get3A_1669 = arith.index_cast %mul3A_1652 : i32 to index
      %get3A_1670 = vector.load %arg2[%get3A_1668, %get3A_1669] : memref<1x16384xf32, #tpu.memory_space<vmem>>, vector<1x128xf32>
      %add3A = vector.broadcast %get3A_1670 : vector<1x128xf32> to vector<32x128xf32>
      %add3A_1671 = arith.addf %broadcast_in_dim3A_22, %add3A : vector<32x128xf32>
      %mul3A_1672 = vector.broadcast %convert_element_type3A_1657 : vector<1x128xf32> to vector<32x128xf32>
      %mul3A_1673 = arith.mulf %broadcast_in_dim3A_3, %mul3A_1672 : vector<32x128xf32>
      %mul3A_1674 = vector.broadcast %convert_element_type3A_1662 : vector<1x128xf32> to vector<32x128xf32>
      %mul3A_1675 = arith.mulf %broadcast_in_dim3A_10, %mul3A_1674 : vector<32x128xf32>
      %add3A_1676 = arith.addf %mul3A_1673, %mul3A_1675 : vector<32x128xf32>
      %mul3A_1677 = vector.broadcast %convert_element_type3A_1667 : vector<1x128xf32> to vector<32x128xf32>
      %mul3A_1678 = arith.mulf %broadcast_in_dim3A_17, %mul3A_1677 : vector<32x128xf32>
      %add3A_1679 = arith.addf %add3A_1676, %mul3A_1678 : vector<32x128xf32>
      %mul3A_1680 = arith.constant 2.000000e+00 : f32
      %mul3A_1681 = vector.broadcast %mul3A_1680 : f32 to vector<32x128xf32>
      %mul3A_1682 = arith.mulf %mul3A_1681, %add3A_1679 : vector<32x128xf32>
      %sub3A = arith.subf %add3A_1671, %mul3A_1682 : vector<32x128xf32>
      %swap3A_1683 = arith.constant 0 : index
      %swap3A_1684 = arith.index_cast %mul3A_1652 : i32 to index
      %swap3A_1685 = vector.load %arg6[%swap3A_1683, %swap3A_1684] : memref<32x16384xf32, #tpu.memory_space<vmem>>, vector<32x128xf32>
      tpu.vector_store %arg6[%swap3A_1683, %swap3A_1684], %sub3A {strides = array<i32>} : memref<32x16384xf32, #tpu.memory_space<vmem>>, vector<32x128xf32>,
    }
    %scan3A_26 = arith.constant 128 : i32
    %broadcast_in_dim3A_27 = arith.constant 0xFF800000 : f32
    %broadcast_in_dim3A_28 = vector.broadcast %broadcast_in_dim3A_27 : f32 to vector<32x128xf32>
    %broadcast_in_dim3A_29 = arith.constant -1 : i32
    %broadcast_in_dim3A_30 = vector.broadcast %broadcast_in_dim3A_29 : i32 to vector<32x128xi32>
    %broadcast_in_dim3A_31 = arith.constant 0x7F800000 : f32
    %broadcast_in_dim3A_32 = vector.broadcast %broadcast_in_dim3A_31 : f32 to vector<32x128xf32>
    %broadcast_in_dim3A_33 = arith.constant 0 : i32
    %broadcast_in_dim3A_34 = vector.broadcast %broadcast_in_dim3A_33 : i32 to vector<32x128xi32>
    %scan3A_35 = arith.constant 0x7F800000 : f32
    %scan3A_36 = arith.constant 0 : i32
    %scan3A_37 = arith.constant 16 : i32
    %scan3A_38 = arith.addi %scan3A_36, %scan3A_37 : i32
    %scan3A_39 = arith.constant 1 : i32
    %scan3A_40:4 = scf.for %scan3A_1651 = %scan3A_36 to %scan3A_38 step %scan3A_39 iter_args(%scan3A_1652 = %broadcast_in_dim3A_32, %scan3A_1653 = %broadcast_in_dim3A_34, %scan3A_1654 = %broadcast_in_dim3A_32, %scan3A_1655 = %broadcast_in_dim3A_34) -> (vector<32x128xf32>, vector<32x128xi32>, vector<32x128xf32>, vector<32x128xi32>)  : i32 {
      %mul3A = arith.constant 8 : i32
      %mul3A_1656 = arith.muli %scan3A_1651, %mul3A : i32
      %add3A = arith.constant 0 : i32
      %add3A_1657 = arith.addi %mul3A_1656, %add3A : i32
      %mul3A_1658 = arith.constant 128 : i32
      %mul3A_1659 = arith.muli %add3A_1657, %mul3A_1658 : i32
      %get3A_1660 = arith.constant 0 : index
      %get3A_1661 = arith.index_cast %mul3A_1659 : i32 to index
      %get3A_1662 = vector.load %arg6[%get3A_1660, %get3A_1661] : memref<32x16384xf32, #tpu.memory_space<vmem>>, vector<32x128xf32>
      %add3A_1663 = vector.broadcast %mul3A_1659 : i32 to vector<32x128xi32>
      %add3A_1664 = arith.addi %iota3A, %add3A_1663 : vector<32x128xi32>
      %gt3A = arith.cmpf ogt, %get3A_1662, %broadcast_in_dim3A_28 : vector<32x128xf32>
      %eq3A_1665 = arith.cmpf oeq, %get3A_1662, %broadcast_in_dim3A_28 : vector<32x128xf32>
      %gt3A_1666 = arith.cmpi sgt, %add3A_1664, %broadcast_in_dim3A_30 : vector<32x128xi32>
      %and3A_1667 = arith.andi %eq3A_1665, %gt3A_1666 : vector<32x128xi1>
      %or3A_1668 = arith.ori %gt3A, %and3A_1667 : vector<32x128xi1>
      %broadcast_in_dim3A_1669 = vector.broadcast %scan3A_35 : f32 to vector<32x128xf32>
      %select_n3A_1670 = arith.select %or3A_1668, %get3A_1662, %broadcast_in_dim3A_1669 : vector<32x128xi1>, vector<32x128xf32>
      %lt3A_1671 = arith.cmpf olt, %select_n3A_1670, %scan3A_1652 : vector<32x128xf32>
      %select_n3A_1672 = arith.select %lt3A_1671, %add3A_1664, %scan3A_1653 : vector<32x128xi1>, vector<32x128xi32>
      %min3A = arith.minimumf %scan3A_1652, %select_n3A_1670 : vector<32x128xf32>
      %mul3A_1673 = arith.constant 8 : i32
      %mul3A_1674 = arith.muli %scan3A_1651, %mul3A_1673 : i32
      %add3A_1675 = arith.constant 1 : i32
      %add3A_1676 = arith.addi %mul3A_1674, %add3A_1675 : i32
      %mul3A_1677 = arith.constant 128 : i32
      %mul3A_1678 = arith.muli %add3A_1676, %mul3A_1677 : i32
      %get3A_1679 = arith.constant 0 : index
      %get3A_1680 = arith.index_cast %mul3A_1678 : i32 to index
      %get3A_1681 = vector.load %arg6[%get3A_1679, %get3A_1680] : memref<32x16384xf32, #tpu.memory_space<vmem>>, vector<32x128xf32>
      %add3A_1682 = vector.broadcast %mul3A_1678 : i32 to vector<32x128xi32>
      %add3A_1683 = arith.addi %iota3A, %add3A_1682 : vector<32x128xi32>
      %gt3A_1684 = arith.cmpf ogt, %get3A_1681, %broadcast_in_dim3A_28 : vector<32x128xf32>
      %eq3A_1685 = arith.cmpf oeq, %get3A_1681, %broadcast_in_dim3A_28 : vector<32x128xf32>
      %gt3A_1686 = arith.cmpi sgt, %add3A_1683, %broadcast_in_dim3A_30 : vector<32x128xi32>
      %and3A_1687 = arith.andi %eq3A_1685, %gt3A_1686 : vector<32x128xi1>
      %or3A_1688 = arith.ori %gt3A_1684, %and3A_1687 : vector<32x128xi1>
      %broadcast_in_dim3A_1689 = vector.broadcast %scan3A_35 : f32 to vector<32x128xf32>
      %select_n3A_1690 = arith.select %or3A_1688, %get3A_1681, %broadcast_in_dim3A_1689 : vector<32x128xi1>, vector<32x128xf32>
      %lt3A_1691 = arith.cmpf olt, %select_n3A_1690, %scan3A_1654 : vector<32x128xf32>
      %select_n3A_1692 = arith.select %lt3A_1691, %add3A_1683, %scan3A_1655 : vector<32x128xi1>, vector<32x128xi32>
      %min3A_1693 = arith.minimumf %scan3A_1654, %select_n3A_1690 : vector<32x128xf32>
      %mul3A_1694 = arith.constant 8 : i32
      %mul3A_1695 = arith.muli %scan3A_1651, %mul3A_1694 : i32
      %add3A_1696 = arith.constant 2 : i32
      %add3A_1697 = arith.addi %mul3A_1695, %add3A_1696 : i32
      %mul3A_1698 = arith.constant 128 : i32
      %mul3A_1699 = arith.muli %add3A_1697, %mul3A_1698 : i32
      %get3A_1700 = arith.constant 0 : index
      %get3A_1701 = arith.index_cast %mul3A_1699 : i32 to index
      %get3A_1702 = vector.load %arg6[%get3A_1700, %get3A_1701] : memref<32x16384xf32, #tpu.memory_space<vmem>>, vector<32x128xf32>
      %add3A_1703 = vector.broadcast %mul3A_1699 : i32 to vector<32x128xi32>
      %add3A_1704 = arith.addi %iota3A, %add3A_1703 : vector<32x128xi32>
      %gt3A_1705 = arith.cmpf ogt, %get3A_1702, %broadcast_in_dim3A_28 : vector<32x128xf32>
      %eq3A_1706 = arith.cmpf oeq, %get3A_1702, %broadcast_in_dim3A_28 : vector<32x128xf32>
      %gt3A_1707 = arith.cmpi sgt, %add3A_1704, %broadcast_in_dim3A_30 : vector<32x128xi32>
      %and3A_1708 = arith.andi %eq3A_1706, %gt3A_1707 : vector<32x128xi1>
      %or3A_1709 = arith.ori %gt3A_1705, %and3A_1708 : vector<32x128xi1>
      %broadcast_in_dim3A_1710 = vector.broadcast %scan3A_35 : f32 to vector<32x128xf32>
      %select_n3A_1711 = arith.select %or3A_1709, %get3A_1702, %broadcast_in_dim3A_1710 : vector<32x128xi1>, vector<32x128xf32>
      %lt3A_1712 = arith.cmpf olt, %select_n3A_1711, %min3A : vector<32x128xf32>
      %select_n3A_1713 = arith.select %lt3A_1712, %add3A_1704, %select_n3A_1672 : vector<32x128xi1>, vector<32x128xi32>
      %min3A_1714 = arith.minimumf %min3A, %select_n3A_1711 : vector<32x128xf32>
      %mul3A_1715 = arith.constant 8 : i32
      %mul3A_1716 = arith.muli %scan3A_1651, %mul3A_1715 : i32
      %add3A_1717 = arith.constant 3 : i32
      %add3A_1718 = arith.addi %mul3A_1716, %add3A_1717 : i32
      %mul3A_1719 = arith.constant 128 : i32
      %mul3A_1720 = arith.muli %add3A_1718, %mul3A_1719 : i32
      %get3A_1721 = arith.constant 0 : index
      %get3A_1722 = arith.index_cast %mul3A_1720 : i32 to index
      %get3A_1723 = vector.load %arg6[%get3A_1721, %get3A_1722] : memref<32x16384xf32, #tpu.memory_space<vmem>>, vector<32x128xf32>
      %add3A_1724 = vector.broadcast %mul3A_1720 : i32 to vector<32x128xi32>
      %add3A_1725 = arith.addi %iota3A, %add3A_1724 : vector<32x128xi32>
      %gt3A_1726 = arith.cmpf ogt, %get3A_1723, %broadcast_in_dim3A_28 : vector<32x128xf32>
      %eq3A_1727 = arith.cmpf oeq, %get3A_1723, %broadcast_in_dim3A_28 : vector<32x128xf32>
      %gt3A_1728 = arith.cmpi sgt, %add3A_1725, %broadcast_in_dim3A_30 : vector<32x128xi32>
      %and3A_1729 = arith.andi %eq3A_1727, %gt3A_1728 : vector<32x128xi1>
      %or3A_1730 = arith.ori %gt3A_1726, %and3A_1729 : vector<32x128xi1>
      %broadcast_in_dim3A_1731 = vector.broadcast %scan3A_35 : f32 to vector<32x128xf32>
      %select_n3A_1732 = arith.select %or3A_1730, %get3A_1723, %broadcast_in_dim3A_1731 : vector<32x128xi1>, vector<32x128xf32>
      %lt3A_1733 = arith.cmpf olt, %select_n3A_1732, %min3A_1693 : vector<32x128xf32>
      %select_n3A_1734 = arith.select %lt3A_1733, %add3A_1725, %select_n3A_1692 : vector<32x128xi1>, vector<32x128xi32>
      %min3A_1735 = arith.minimumf %min3A_1693, %select_n3A_1732 : vector<32x128xf32>
      %mul3A_1736 = arith.constant 8 : i32
      %mul3A_1737 = arith.muli %scan3A_1651, %mul3A_1736 : i32
      %add3A_1738 = arith.constant 4 : i32
      %add3A_1739 = arith.addi %mul3A_1737, %add3A_1738 : i32
      %mul3A_1740 = arith.constant 128 : i32
      %mul3A_1741 = arith.muli %add3A_1739, %mul3A_1740 : i32
      %get3A_1742 = arith.constant 0 : index
      %get3A_1743 = arith.index_cast %mul3A_1741 : i32 to index
      %get3A_1744 = vector.load %arg6[%get3A_1742, %get3A_1743] : memref<32x16384xf32, #tpu.memory_space<vmem>>, vector<32x128xf32>
      %add3A_1745 = vector.broadcast %mul3A_1741 : i32 to vector<32x128xi32>
      %add3A_1746 = arith.addi %iota3A, %add3A_1745 : vector<32x128xi32>
      %gt3A_1747 = arith.cmpf ogt, %get3A_1744, %broadcast_in_dim3A_28 : vector<32x128xf32>
      %eq3A_1748 = arith.cmpf oeq, %get3A_1744, %broadcast_in_dim3A_28 : vector<32x128xf32>
      %gt3A_1749 = arith.cmpi sgt, %add3A_1746, %broadcast_in_dim3A_30 : vector<32x128xi32>
      %and3A_1750 = arith.andi %eq3A_1748, %gt3A_1749 : vector<32x128xi1>
      %or3A_1751 = arith.ori %gt3A_1747, %and3A_1750 : vector<32x128xi1>
      %broadcast_in_dim3A_1752 = vector.broadcast %scan3A_35 : f32 to vector<32x128xf32>
      %select_n3A_1753 = arith.select %or3A_1751, %get3A_1744, %broadcast_in_dim3A_1752 : vector<32x128xi1>, vector<32x128xf32>
      %lt3A_1754 = arith.cmpf olt, %select_n3A_1753, %min3A_1714 : vector<32x128xf32>
      %select_n3A_1755 = arith.select %lt3A_1754, %add3A_1746, %select_n3A_1713 : vector<32x128xi1>, vector<32x128xi32>
      %min3A_1756 = arith.minimumf %min3A_1714, %select_n3A_1753 : vector<32x128xf32>
      %mul3A_1757 = arith.constant 8 : i32
      %mul3A_1758 = arith.muli %scan3A_1651, %mul3A_1757 : i32
      %add3A_1759 = arith.constant 5 : i32
      %add3A_1760 = arith.addi %mul3A_1758, %add3A_1759 : i32
      %mul3A_1761 = arith.constant 128 : i32
      %mul3A_1762 = arith.muli %add3A_1760, %mul3A_1761 : i32
      %get3A_1763 = arith.constant 0 : index
      %get3A_1764 = arith.index_cast %mul3A_1762 : i32 to index
      %get3A_1765 = vector.load %arg6[%get3A_1763, %get3A_1764] : memref<32x16384xf32, #tpu.memory_space<vmem>>, vector<32x128xf32>
      %add3A_1766 = vector.broadcast %mul3A_1762 : i32 to vector<32x128xi32>
      %add3A_1767 = arith.addi %iota3A, %add3A_1766 : vector<32x128xi32>
      %gt3A_1768 = arith.cmpf ogt, %get3A_1765, %broadcast_in_dim3A_28 : vector<32x128xf32>
      %eq3A_1769 = arith.cmpf oeq, %get3A_1765, %broadcast_in_dim3A_28 : vector<32x128xf32>
      %gt3A_1770 = arith.cmpi sgt, %add3A_1767, %broadcast_in_dim3A_30 : vector<32x128xi32>
      %and3A_1771 = arith.andi %eq3A_1769, %gt3A_1770 : vector<32x128xi1>
      %or3A_1772 = arith.ori %gt3A_1768, %and3A_1771 : vector<32x128xi1>
      %broadcast_in_dim3A_1773 = vector.broadcast %scan3A_35 : f32 to vector<32x128xf32>
      %select_n3A_1774 = arith.select %or3A_1772, %get3A_1765, %broadcast_in_dim3A_1773 : vector<32x128xi1>, vector<32x128xf32>
      %lt3A_1775 = arith.cmpf olt, %select_n3A_1774, %min3A_1735 : vector<32x128xf32>
      %select_n3A_1776 = arith.select %lt3A_1775, %add3A_1767, %select_n3A_1734 : vector<32x128xi1>, vector<32x128xi32>
      %min3A_1777 = arith.minimumf %min3A_1735, %select_n3A_1774 : vector<32x128xf32>
      %mul3A_1778 = arith.constant 8 : i32
      %mul3A_1779 = arith.muli %scan3A_1651, %mul3A_1778 : i32
      %add3A_1780 = arith.constant 6 : i32
      %add3A_1781 = arith.addi %mul3A_1779, %add3A_1780 : i32
      %mul3A_1782 = arith.constant 128 : i32
      %mul3A_1783 = arith.muli %add3A_1781, %mul3A_1782 : i32
      %get3A_1784 = arith.constant 0 : index
      %get3A_1785 = arith.index_cast %mul3A_1783 : i32 to index
      %get3A_1786 = vector.load %arg6[%get3A_1784, %get3A_1785] : memref<32x16384xf32, #tpu.memory_space<vmem>>, vector<32x128xf32>
      %add3A_1787 = vector.broadcast %mul3A_1783 : i32 to vector<32x128xi32>
      %add3A_1788 = arith.addi %iota3A, %add3A_1787 : vector<32x128xi32>
      %gt3A_1789 = arith.cmpf ogt, %get3A_1786, %broadcast_in_dim3A_28 : vector<32x128xf32>
      %eq3A_1790 = arith.cmpf oeq, %get3A_1786, %broadcast_in_dim3A_28 : vector<32x128xf32>
      %gt3A_1791 = arith.cmpi sgt, %add3A_1788, %broadcast_in_dim3A_30 : vector<32x128xi32>
      %and3A_1792 = arith.andi %eq3A_1790, %gt3A_1791 : vector<32x128xi1>
      %or3A_1793 = arith.ori %gt3A_1789, %and3A_1792 : vector<32x128xi1>
      %broadcast_in_dim3A_1794 = vector.broadcast %scan3A_35 : f32 to vector<32x128xf32>
      %select_n3A_1795 = arith.select %or3A_1793, %get3A_1786, %broadcast_in_dim3A_1794 : vector<32x128xi1>, vector<32x128xf32>
      %lt3A_1796 = arith.cmpf olt, %select_n3A_1795, %min3A_1756 : vector<32x128xf32>
      %select_n3A_1797 = arith.select %lt3A_1796, %add3A_1788, %select_n3A_1755 : vector<32x128xi1>, vector<32x128xi32>
      %min3A_1798 = arith.minimumf %min3A_1756, %select_n3A_1795 : vector<32x128xf32>
      %mul3A_1799 = arith.constant 8 : i32
      %mul3A_1800 = arith.muli %scan3A_1651, %mul3A_1799 : i32
      %add3A_1801 = arith.constant 7 : i32
      %add3A_1802 = arith.addi %mul3A_1800, %add3A_1801 : i32
      %mul3A_1803 = arith.constant 128 : i32
      %mul3A_1804 = arith.muli %add3A_1802, %mul3A_1803 : i32
      %get3A_1805 = arith.constant 0 : index
      %get3A_1806 = arith.index_cast %mul3A_1804 : i32 to index
      %get3A_1807 = vector.load %arg6[%get3A_1805, %get3A_1806] : memref<32x16384xf32, #tpu.memory_space<vmem>>, vector<32x128xf32>
      %add3A_1808 = vector.broadcast %mul3A_1804 : i32 to vector<32x128xi32>
      %add3A_1809 = arith.addi %iota3A, %add3A_1808 : vector<32x128xi32>
      %gt3A_1810 = arith.cmpf ogt, %get3A_1807, %broadcast_in_dim3A_28 : vector<32x128xf32>
      %eq3A_1811 = arith.cmpf oeq, %get3A_1807, %broadcast_in_dim3A_28 : vector<32x128xf32>
      %gt3A_1812 = arith.cmpi sgt, %add3A_1809, %broadcast_in_dim3A_30 : vector<32x128xi32>
      %and3A_1813 = arith.andi %eq3A_1811, %gt3A_1812 : vector<32x128xi1>
      %or3A_1814 = arith.ori %gt3A_1810, %and3A_1813 : vector<32x128xi1>
      %broadcast_in_dim3A_1815 = vector.broadcast %scan3A_35 : f32 to vector<32x128xf32>
      %select_n3A_1816 = arith.select %or3A_1814, %get3A_1807, %broadcast_in_dim3A_1815 : vector<32x128xi1>, vector<32x128xf32>
      %lt3A_1817 = arith.cmpf olt, %select_n3A_1816, %min3A_1777 : vector<32x128xf32>
      %select_n3A_1818 = arith.select %lt3A_1817, %add3A_1809, %select_n3A_1776 : vector<32x128xi1>, vector<32x128xi32>
      %min3A_1819 = arith.minimumf %min3A_1777, %select_n3A_1816 : vector<32x128xf32>
      scf.yield %min3A_1798, %select_n3A_1797, %min3A_1819, %select_n3A_1818 : vector<32x128xf32>, vector<32x128xi32>, vector<32x128xf32>, vector<32x128xi32>
    }
    %scan3A_41 = arith.constant 16 : i32
    %lt3A = arith.cmpf olt, %scan3A_40#2, %scan3A_40#0 : vector<32x128xf32>
    %eq3A = arith.cmpf oeq, %scan3A_40#2, %scan3A_40#0 : vector<32x128xf32>
    %lt3A_42 = arith.cmpi slt, %scan3A_40#3, %scan3A_40#1 : vector<32x128xi32>
    %and3A = arith.andi %eq3A, %lt3A_42 : vector<32x128xi1>
    %or3A = arith.ori %lt3A, %and3A : vector<32x128xi1>
    %select_n3A = arith.select %or3A, %scan3A_40#2, %scan3A_40#0 : vector<32x128xi1>, vector<32x128xf32>
    %select_n3A_43 = arith.select %or3A, %scan3A_40#3, %scan3A_40#1 : vector<32x128xi1>, vector<32x128xi32>
    %slice3A = vector.extract_strided_slice %select_n3A {offsets = [0, 0], sizes = [32, 64], strides = [1, 1]} : vector<32x128xf32> to vector<32x64xf32>
    %slice3A_44 = vector.extract_strided_slice %select_n3A_43 {offsets = [0, 0], sizes = [32, 64], strides = [1, 1]} : vector<32x128xi32> to vector<32x64xi32>
    %slice3A_45 = vector.extract_strided_slice %select_n3A {offsets = [0, 64], sizes = [32, 64], strides = [1, 1]} : vector<32x128xf32> to vector<32x64xf32>
    %slice3A_46 = vector.extract_strided_slice %select_n3A_43 {offsets = [0, 64], sizes = [32, 64], strides = [1, 1]} : vector<32x128xi32> to vector<32x64xi32>
    %lt3A_47 = arith.cmpf olt, %slice3A_45, %slice3A : vector<32x64xf32>
    %eq3A_48 = arith.cmpf oeq, %slice3A_45, %slice3A : vector<32x64xf32>
    %lt3A_49 = arith.cmpi slt, %slice3A_46, %slice3A_44 : vector<32x64xi32>
    %and3A_50 = arith.andi %eq3A_48, %lt3A_49 : vector<32x64xi1>
    %or3A_51 = arith.ori %lt3A_47, %and3A_50 : vector<32x64xi1>
    %select_n3A_52 = arith.select %or3A_51, %slice3A_45, %slice3A : vector<32x64xi1>, vector<32x64xf32>
    %select_n3A_53 = arith.select %or3A_51, %slice3A_46, %slice3A_44 : vector<32x64xi1>, vector<32x64xi32>
    %slice3A_54 = vector.extract_strided_slice %select_n3A_52 {offsets = [0, 0], sizes = [32, 32], strides = [1, 1]} : vector<32x64xf32> to vector<32x32xf32>
    %slice3A_55 = vector.extract_strided_slice %select_n3A_53 {offsets = [0, 0], sizes = [32, 32], strides = [1, 1]} : vector<32x64xi32> to vector<32x32xi32>
    %slice3A_56 = vector.extract_strided_slice %select_n3A_52 {offsets = [0, 32], sizes = [32, 32], strides = [1, 1]} : vector<32x64xf32> to vector<32x32xf32>
    %slice3A_57 = vector.extract_strided_slice %select_n3A_53 {offsets = [0, 32], sizes = [32, 32], strides = [1, 1]} : vector<32x64xi32> to vector<32x32xi32>
    %lt3A_58 = arith.cmpf olt, %slice3A_56, %slice3A_54 : vector<32x32xf32>
    %eq3A_59 = arith.cmpf oeq, %slice3A_56, %slice3A_54 : vector<32x32xf32>
    %lt3A_60 = arith.cmpi slt, %slice3A_57, %slice3A_55 : vector<32x32xi32>
    %and3A_61 = arith.andi %eq3A_59, %lt3A_60 : vector<32x32xi1>
    %or3A_62 = arith.ori %lt3A_58, %and3A_61 : vector<32x32xi1>
    %select_n3A_63 = arith.select %or3A_62, %slice3A_56, %slice3A_54 : vector<32x32xi1>, vector<32x32xf32>
    %select_n3A_64 = arith.select %or3A_62, %slice3A_57, %slice3A_55 : vector<32x32xi1>, vector<32x32xi32>
    %slice3A_65 = vector.extract_strided_slice %select_n3A_63 {offsets = [0, 0], sizes = [32, 16], strides = [1, 1]} : vector<32x32xf32> to vector<32x16xf32>
    %slice3A_66 = vector.extract_strided_slice %select_n3A_64 {offsets = [0, 0], sizes = [32, 16], strides = [1, 1]} : vector<32x32xi32> to vector<32x16xi32>
    %slice3A_67 = vector.extract_strided_slice %select_n3A_63 {offsets = [0, 16], sizes = [32, 16], strides = [1, 1]} : vector<32x32xf32> to vector<32x16xf32>
    %slice3A_68 = vector.extract_strided_slice %select_n3A_64 {offsets = [0, 16], sizes = [32, 16], strides = [1, 1]} : vector<32x32xi32> to vector<32x16xi32>
    %lt3A_69 = arith.cmpf olt, %slice3A_67, %slice3A_65 : vector<32x16xf32>
    %eq3A_70 = arith.cmpf oeq, %slice3A_67, %slice3A_65 : vector<32x16xf32>
    %lt3A_71 = arith.cmpi slt, %slice3A_68, %slice3A_66 : vector<32x16xi32>
    %and3A_72 = arith.andi %eq3A_70, %lt3A_71 : vector<32x16xi1>
    %or3A_73 = arith.ori %lt3A_69, %and3A_72 : vector<32x16xi1>
    %select_n3A_74 = arith.select %or3A_73, %slice3A_67, %slice3A_65 : vector<32x16xi1>, vector<32x16xf32>
    %select_n3A_75 = arith.select %or3A_73, %slice3A_68, %slice3A_66 : vector<32x16xi1>, vector<32x16xi32>
    %slice3A_76 = vector.extract_strided_slice %select_n3A_74 {offsets = [0, 0], sizes = [32, 8], strides = [1, 1]} : vector<32x16xf32> to vector<32x8xf32>
    %slice3A_77 = vector.extract_strided_slice %select_n3A_75 {offsets = [0, 0], sizes = [32, 8], strides = [1, 1]} : vector<32x16xi32> to vector<32x8xi32>
    %slice3A_78 = vector.extract_strided_slice %select_n3A_74 {offsets = [0, 8], sizes = [32, 8], strides = [1, 1]} : vector<32x16xf32> to vector<32x8xf32>
    %slice3A_79 = vector.extract_strided_slice %select_n3A_75 {offsets = [0, 8], sizes = [32, 8], strides = [1, 1]} : vector<32x16xi32> to vector<32x8xi32>
    %lt3A_80 = arith.cmpf olt, %slice3A_78, %slice3A_76 : vector<32x8xf32>
    %eq3A_81 = arith.cmpf oeq, %slice3A_78, %slice3A_76 : vector<32x8xf32>
    %lt3A_82 = arith.cmpi slt, %slice3A_79, %slice3A_77 : vector<32x8xi32>
    %and3A_83 = arith.andi %eq3A_81, %lt3A_82 : vector<32x8xi1>
    %or3A_84 = arith.ori %lt3A_80, %and3A_83 : vector<32x8xi1>
    %select_n3A_85 = arith.select %or3A_84, %slice3A_78, %slice3A_76 : vector<32x8xi1>, vector<32x8xf32>
    %select_n3A_86 = arith.select %or3A_84, %slice3A_79, %slice3A_77 : vector<32x8xi1>, vector<32x8xi32>
    %slice3A_87 = vector.extract_strided_slice %select_n3A_85 {offsets = [0, 0], sizes = [32, 4], strides = [1, 1]} : vector<32x8xf32> to vector<32x4xf32>
    %slice3A_88 = vector.extract_strided_slice %select_n3A_86 {offsets = [0, 0], sizes = [32, 4], strides = [1, 1]} : vector<32x8xi32> to vector<32x4xi32>
    %slice3A_89 = vector.extract_strided_slice %select_n3A_85 {offsets = [0, 4], sizes = [32, 4], strides = [1, 1]} : vector<32x8xf32> to vector<32x4xf32>
    %slice3A_90 = vector.extract_strided_slice %select_n3A_86 {offsets = [0, 4], sizes = [32, 4], strides = [1, 1]} : vector<32x8xi32> to vector<32x4xi32>
    %lt3A_91 = arith.cmpf olt, %slice3A_89, %slice3A_87 : vector<32x4xf32>
    %eq3A_92 = arith.cmpf oeq, %slice3A_89, %slice3A_87 : vector<32x4xf32>
    %lt3A_93 = arith.cmpi slt, %slice3A_90, %slice3A_88 : vector<32x4xi32>
    %and3A_94 = arith.andi %eq3A_92, %lt3A_93 : vector<32x4xi1>
    %or3A_95 = arith.ori %lt3A_91, %and3A_94 : vector<32x4xi1>
    %select_n3A_96 = arith.select %or3A_95, %slice3A_89, %slice3A_87 : vector<32x4xi1>, vector<32x4xf32>
    %select_n3A_97 = arith.select %or3A_95, %slice3A_90, %slice3A_88 : vector<32x4xi1>, vector<32x4xi32>
    %slice3A_98 = vector.extract_strided_slice %select_n3A_96 {offsets = [0, 0], sizes = [32, 2], strides = [1, 1]} : vector<32x4xf32> to vector<32x2xf32>
    %slice3A_99 = vector.extract_strided_slice %select_n3A_97 {offsets = [0, 0], sizes = [32, 2], strides = [1, 1]} : vector<32x4xi32> to vector<32x2xi32>
    %slice3A_100 = vector.extract_strided_slice %select_n3A_96 {offsets = [0, 2], sizes = [32, 2], strides = [1, 1]} : vector<32x4xf32> to vector<32x2xf32>
    %slice3A_101 = vector.extract_strided_slice %select_n3A_97 {offsets = [0, 2], sizes = [32, 2], strides = [1, 1]} : vector<32x4xi32> to vector<32x2xi32>
    %lt3A_102 = arith.cmpf olt, %slice3A_100, %slice3A_98 : vector<32x2xf32>
    %eq3A_103 = arith.cmpf oeq, %slice3A_100, %slice3A_98 : vector<32x2xf32>
    %lt3A_104 = arith.cmpi slt, %slice3A_101, %slice3A_99 : vector<32x2xi32>
    %and3A_105 = arith.andi %eq3A_103, %lt3A_104 : vector<32x2xi1>
    %or3A_106 = arith.ori %lt3A_102, %and3A_105 : vector<32x2xi1>
    %select_n3A_107 = arith.select %or3A_106, %slice3A_100, %slice3A_98 : vector<32x2xi1>, vector<32x2xf32>
    %select_n3A_108 = arith.select %or3A_106, %slice3A_101, %slice3A_99 : vector<32x2xi1>, vector<32x2xi32>
    %slice3A_109 = vector.extract_strided_slice %select_n3A_107 {offsets = [0, 0], sizes = [32, 1], strides = [1, 1]} : vector<32x2xf32> to vector<32x1xf32>
    %slice3A_110 = vector.extract_strided_slice %select_n3A_108 {offsets = [0, 0], sizes = [32, 1], strides = [1, 1]} : vector<32x2xi32> to vector<32x1xi32>
    %slice3A_111 = vector.extract_strided_slice %select_n3A_107 {offsets = [0, 1], sizes = [32, 1], strides = [1, 1]} : vector<32x2xf32> to vector<32x1xf32>
    %slice3A_112 = vector.extract_strided_slice %select_n3A_108 {offsets = [0, 1], sizes = [32, 1], strides = [1, 1]} : vector<32x2xi32> to vector<32x1xi32>
    %lt3A_113 = arith.cmpf olt, %slice3A_111, %slice3A_109 : vector<32x1xf32>
    %eq3A_114 = arith.cmpf oeq, %slice3A_111, %slice3A_109 : vector<32x1xf32>
    %lt3A_115 = arith.cmpi slt, %slice3A_112, %slice3A_110 : vector<32x1xi32>
    %and3A_116 = arith.andi %eq3A_114, %lt3A_115 : vector<32x1xi1>
    %or3A_117 = arith.ori %lt3A_113, %and3A_116 : vector<32x1xi1>
    %select_n3A_118 = arith.select %or3A_117, %slice3A_111, %slice3A_109 : vector<32x1xi1>, vector<32x1xf32>
    %select_n3A_119 = arith.select %or3A_117, %slice3A_112, %slice3A_110 : vector<32x1xi1>, vector<32x1xi32>
    %swap3A = arith.constant 0 : index
    %swap3A_120 = arith.constant 0 : index
    %swap3A_121 = vector.load %arg5[%swap3A, %swap3A_120] : memref<32x16xi32, #tpu.memory_space<vmem>>, vector<32x1xi32>
    tpu.vector_store %arg5[%swap3A, %swap3A_120], %select_n3A_119 {strides = array<i32>} : memref<32x16xi32, #tpu.memory_space<vmem>>, vector<32x1xi32>,
    %broadcast_in_dim3A_122 = vector.shape_cast %select_n3A_118 : vector<32x1xf32> to vector<32x1xf32>
    %broadcast_in_dim3A_123 = vector.broadcast %broadcast_in_dim3A_122 : vector<32x1xf32> to vector<32x128xf32>
    %broadcast_in_dim3A_124 = vector.shape_cast %select_n3A_119 : vector<32x1xi32> to vector<32x1xi32>
    %broadcast_in_dim3A_125 = vector.broadcast %broadcast_in_dim3A_124 : vector<32x1xi32> to vector<32x128xi32>
    %broadcast_in_dim3A_126 = arith.constant 0x7F800000 : f32
    %broadcast_in_dim3A_127 = vector.broadcast %broadcast_in_dim3A_126 : f32 to vector<32x128xf32>
    %broadcast_in_dim3A_128 = arith.constant 0 : i32
    %broadcast_in_dim3A_129 = vector.broadcast %broadcast_in_dim3A_128 : i32 to vector<32x128xi32>
    %scan3A_130 = arith.constant 0x7F800000 : f32
    %scan3A_131 = arith.constant 0 : i32
    %scan3A_132 = arith.constant 16 : i32
    %scan3A_133 = arith.addi %scan3A_131, %scan3A_132 : i32
    %scan3A_134 = arith.constant 1 : i32
    %scan3A_135:4 = scf.for %scan3A_1651 = %scan3A_131 to %scan3A_133 step %scan3A_134 iter_args(%scan3A_1652 = %broadcast_in_dim3A_127, %scan3A_1653 = %broadcast_in_dim3A_129, %scan3A_1654 = %broadcast_in_dim3A_127, %scan3A_1655 = %broadcast_in_dim3A_129) -> (vector<32x128xf32>, vector<32x128xi32>, vector<32x128xf32>, vector<32x128xi32>)  : i32 {
      %mul3A = arith.constant 8 : i32
      %mul3A_1656 = arith.muli %scan3A_1651, %mul3A : i32
      %add3A = arith.constant 0 : i32
      %add3A_1657 = arith.addi %mul3A_1656, %add3A : i32
      %mul3A_1658 = arith.constant 128 : i32
      %mul3A_1659 = arith.muli %add3A_1657, %mul3A_1658 : i32
      %get3A_1660 = arith.constant 0 : index
      %get3A_1661 = arith.index_cast %mul3A_1659 : i32 to index
      %get3A_1662 = vector.load %arg6[%get3A_1660, %get3A_1661] : memref<32x16384xf32, #tpu.memory_space<vmem>>, vector<32x128xf32>
      %add3A_1663 = vector.broadcast %mul3A_1659 : i32 to vector<32x128xi32>
      %add3A_1664 = arith.addi %iota3A, %add3A_1663 : vector<32x128xi32>
      %gt3A = arith.cmpf ogt, %get3A_1662, %broadcast_in_dim3A_123 : vector<32x128xf32>
      %eq3A_1665 = arith.cmpf oeq, %get3A_1662, %broadcast_in_dim3A_123 : vector<32x128xf32>
      %gt3A_1666 = arith.cmpi sgt, %add3A_1664, %broadcast_in_dim3A_125 : vector<32x128xi32>
      %and3A_1667 = arith.andi %eq3A_1665, %gt3A_1666 : vector<32x128xi1>
      %or3A_1668 = arith.ori %gt3A, %and3A_1667 : vector<32x128xi1>
      %broadcast_in_dim3A_1669 = vector.broadcast %scan3A_130 : f32 to vector<32x128xf32>
      %select_n3A_1670 = arith.select %or3A_1668, %get3A_1662, %broadcast_in_dim3A_1669 : vector<32x128xi1>, vector<32x128xf32>
      %lt3A_1671 = arith.cmpf olt, %select_n3A_1670, %scan3A_1652 : vector<32x128xf32>
      %select_n3A_1672 = arith.select %lt3A_1671, %add3A_1664, %scan3A_1653 : vector<32x128xi1>, vector<32x128xi32>
      %min3A = arith.minimumf %scan3A_1652, %select_n3A_1670 : vector<32x128xf32>
      %mul3A_1673 = arith.constant 8 : i32
      %mul3A_1674 = arith.muli %scan3A_1651, %mul3A_1673 : i32
      %add3A_1675 = arith.constant 1 : i32
      %add3A_1676 = arith.addi %mul3A_1674, %add3A_1675 : i32
      %mul3A_1677 = arith.constant 128 : i32
      %mul3A_1678 = arith.muli %add3A_1676, %mul3A_1677 : i32
      %get3A_1679 = arith.constant 0 : index
      %get3A_1680 = arith.index_cast %mul3A_1678 : i32 to index
      %get3A_1681 = vector.load %arg6[%get3A_1679, %get3A_1680] : memref<32x16384xf32, #tpu.memory_space<vmem>>, vector<32x128xf32>
      %add3A_1682 = vector.broadcast %mul3A_1678 : i32 to vector<32x128xi32>
      %add3A_1683 = arith.addi %iota3A, %add3A_1682 : vector<32x128xi32>
      %gt3A_1684 = arith.cmpf ogt, %get3A_1681, %broadcast_in_dim3A_123 : vector<32x128xf32>
      %eq3A_1685 = arith.cmpf oeq, %get3A_1681, %broadcast_in_dim3A_123 : vector<32x128xf32>
      %gt3A_1686 = arith.cmpi sgt, %add3A_1683, %broadcast_in_dim3A_125 : vector<32x128xi32>
      %and3A_1687 = arith.andi %eq3A_1685, %gt3A_1686 : vector<32x128xi1>
      %or3A_1688 = arith.ori %gt3A_1684, %and3A_1687 : vector<32x128xi1>
      %broadcast_in_dim3A_1689 = vector.broadcast %scan3A_130 : f32 to vector<32x128xf32>
      %select_n3A_1690 = arith.select %or3A_1688, %get3A_1681, %broadcast_in_dim3A_1689 : vector<32x128xi1>, vector<32x128xf32>
      %lt3A_1691 = arith.cmpf olt, %select_n3A_1690, %scan3A_1654 : vector<32x128xf32>
      %select_n3A_1692 = arith.select %lt3A_1691, %add3A_1683, %scan3A_1655 : vector<32x128xi1>, vector<32x128xi32>
      %min3A_1693 = arith.minimumf %scan3A_1654, %select_n3A_1690 : vector<32x128xf32>
      %mul3A_1694 = arith.constant 8 : i32
      %mul3A_1695 = arith.muli %scan3A_1651, %mul3A_1694 : i32
      %add3A_1696 = arith.constant 2 : i32
      %add3A_1697 = arith.addi %mul3A_1695, %add3A_1696 : i32
      %mul3A_1698 = arith.constant 128 : i32
      %mul3A_1699 = arith.muli %add3A_1697, %mul3A_1698 : i32
      %get3A_1700 = arith.constant 0 : index
      %get3A_1701 = arith.index_cast %mul3A_1699 : i32 to index
      %get3A_1702 = vector.load %arg6[%get3A_1700, %get3A_1701] : memref<32x16384xf32, #tpu.memory_space<vmem>>, vector<32x128xf32>
      %add3A_1703 = vector.broadcast %mul3A_1699 : i32 to vector<32x128xi32>
      %add3A_1704 = arith.addi %iota3A, %add3A_1703 : vector<32x128xi32>
      %gt3A_1705 = arith.cmpf ogt, %get3A_1702, %broadcast_in_dim3A_123 : vector<32x128xf32>
      %eq3A_1706 = arith.cmpf oeq, %get3A_1702, %broadcast_in_dim3A_123 : vector<32x128xf32>
      %gt3A_1707 = arith.cmpi sgt, %add3A_1704, %broadcast_in_dim3A_125 : vector<32x128xi32>
      %and3A_1708 = arith.andi %eq3A_1706, %gt3A_1707 : vector<32x128xi1>
      %or3A_1709 = arith.ori %gt3A_1705, %and3A_1708 : vector<32x128xi1>
      %broadcast_in_dim3A_1710 = vector.broadcast %scan3A_130 : f32 to vector<32x128xf32>
      %select_n3A_1711 = arith.select %or3A_1709, %get3A_1702, %broadcast_in_dim3A_1710 : vector<32x128xi1>, vector<32x128xf32>
      %lt3A_1712 = arith.cmpf olt, %select_n3A_1711, %min3A : vector<32x128xf32>
      %select_n3A_1713 = arith.select %lt3A_1712, %add3A_1704, %select_n3A_1672 : vector<32x128xi1>, vector<32x128xi32>
      %min3A_1714 = arith.minimumf %min3A, %select_n3A_1711 : vector<32x128xf32>
      %mul3A_1715 = arith.constant 8 : i32
      %mul3A_1716 = arith.muli %scan3A_1651, %mul3A_1715 : i32
      %add3A_1717 = arith.constant 3 : i32
      %add3A_1718 = arith.addi %mul3A_1716, %add3A_1717 : i32
      %mul3A_1719 = arith.constant 128 : i32
      %mul3A_1720 = arith.muli %add3A_1718, %mul3A_1719 : i32
      %get3A_1721 = arith.constant 0 : index
      %get3A_1722 = arith.index_cast %mul3A_1720 : i32 to index
      %get3A_1723 = vector.load %arg6[%get3A_1721, %get3A_1722] : memref<32x16384xf32, #tpu.memory_space<vmem>>, vector<32x128xf32>
      %add3A_1724 = vector.broadcast %mul3A_1720 : i32 to vector<32x128xi32>
      %add3A_1725 = arith.addi %iota3A, %add3A_1724 : vector<32x128xi32>
      %gt3A_1726 = arith.cmpf ogt, %get3A_1723, %broadcast_in_dim3A_123 : vector<32x128xf32>
      %eq3A_1727 = arith.cmpf oeq, %get3A_1723, %broadcast_in_dim3A_123 : vector<32x128xf32>
      %gt3A_1728 = arith.cmpi sgt, %add3A_1725, %broadcast_in_dim3A_125 : vector<32x128xi32>
      %and3A_1729 = arith.andi %eq3A_1727, %gt3A_1728 : vector<32x128xi1>
      %or3A_1730 = arith.ori %gt3A_1726, %and3A_1729 : vector<32x128xi1>
      %broadcast_in_dim3A_1731 = vector.broadcast %scan3A_130 : f32 to vector<32x128xf32>
      %select_n3A_1732 = arith.select %or3A_1730, %get3A_1723, %broadcast_in_dim3A_1731 : vector<32x128xi1>, vector<32x128xf32>
      %lt3A_1733 = arith.cmpf olt, %select_n3A_1732, %min3A_1693 : vector<32x128xf32>
      %select_n3A_1734 = arith.select %lt3A_1733, %add3A_1725, %select_n3A_1692 : vector<32x128xi1>, vector<32x128xi32>
      %min3A_1735 = arith.minimumf %min3A_1693, %select_n3A_1732 : vector<32x128xf32>
      %mul3A_1736 = arith.constant 8 : i32
      %mul3A_1737 = arith.muli %scan3A_1651, %mul3A_1736 : i32
      %add3A_1738 = arith.constant 4 : i32
      %add3A_1739 = arith.addi %mul3A_1737, %add3A_1738 : i32
      %mul3A_1740 = arith.constant 128 : i32
      %mul3A_1741 = arith.muli %add3A_1739, %mul3A_1740 : i32
      %get3A_1742 = arith.constant 0 : index
      %get3A_1743 = arith.index_cast %mul3A_1741 : i32 to index
      %get3A_1744 = vector.load %arg6[%get3A_1742, %get3A_1743] : memref<32x16384xf32, #tpu.memory_space<vmem>>, vector<32x128xf32>
      %add3A_1745 = vector.broadcast %mul3A_1741 : i32 to vector<32x128xi32>
      %add3A_1746 = arith.addi %iota3A, %add3A_1745 : vector<32x128xi32>
      %gt3A_1747 = arith.cmpf ogt, %get3A_1744, %broadcast_in_dim3A_123 : vector<32x128xf32>
      %eq3A_1748 = arith.cmpf oeq, %get3A_1744, %broadcast_in_dim3A_123 : vector<32x128xf32>
      %gt3A_1749 = arith.cmpi sgt, %add3A_1746, %broadcast_in_dim3A_125 : vector<32x128xi32>
      %and3A_1750 = arith.andi %eq3A_1748, %gt3A_1749 : vector<32x128xi1>
      %or3A_1751 = arith.ori %gt3A_1747, %and3A_1750 : vector<32x128xi1>
      %broadcast_in_dim3A_1752 = vector.broadcast %scan3A_130 : f32 to vector<32x128xf32>
      %select_n3A_1753 = arith.select %or3A_1751, %get3A_1744, %broadcast_in_dim3A_1752 : vector<32x128xi1>, vector<32x128xf32>
      %lt3A_1754 = arith.cmpf olt, %select_n3A_1753, %min3A_1714 : vector<32x128xf32>
      %select_n3A_1755 = arith.select %lt3A_1754, %add3A_1746, %select_n3A_1713 : vector<32x128xi1>, vector<32x128xi32>
      %min3A_1756 = arith.minimumf %min3A_1714, %select_n3A_1753 : vector<32x128xf32>
      %mul3A_1757 = arith.constant 8 : i32
      %mul3A_1758 = arith.muli %scan3A_1651, %mul3A_1757 : i32
      %add3A_1759 = arith.constant 5 : i32
      %add3A_1760 = arith.addi %mul3A_1758, %add3A_1759 : i32
      %mul3A_1761 = arith.constant 128 : i32
      %mul3A_1762 = arith.muli %add3A_1760, %mul3A_1761 : i32
      %get3A_1763 = arith.constant 0 : index
      %get3A_1764 = arith.index_cast %mul3A_1762 : i32 to index
      %get3A_1765 = vector.load %arg6[%get3A_1763, %get3A_1764] : memref<32x16384xf32, #tpu.memory_space<vmem>>, vector<32x128xf32>
      %add3A_1766 = vector.broadcast %mul3A_1762 : i32 to vector<32x128xi32>
      %add3A_1767 = arith.addi %iota3A, %add3A_1766 : vector<32x128xi32>
      %gt3A_1768 = arith.cmpf ogt, %get3A_1765, %broadcast_in_dim3A_123 : vector<32x128xf32>
      %eq3A_1769 = arith.cmpf oeq, %get3A_1765, %broadcast_in_dim3A_123 : vector<32x128xf32>
      %gt3A_1770 = arith.cmpi sgt, %add3A_1767, %broadcast_in_dim3A_125 : vector<32x128xi32>
      %and3A_1771 = arith.andi %eq3A_1769, %gt3A_1770 : vector<32x128xi1>
      %or3A_1772 = arith.ori %gt3A_1768, %and3A_1771 : vector<32x128xi1>
      %broadcast_in_dim3A_1773 = vector.broadcast %scan3A_130 : f32 to vector<32x128xf32>
      %select_n3A_1774 = arith.select %or3A_1772, %get3A_1765, %broadcast_in_dim3A_1773 : vector<32x128xi1>, vector<32x128xf32>
      %lt3A_1775 = arith.cmpf olt, %select_n3A_1774, %min3A_1735 : vector<32x128xf32>
      %select_n3A_1776 = arith.select %lt3A_1775, %add3A_1767, %select_n3A_1734 : vector<32x128xi1>, vector<32x128xi32>
      %min3A_1777 = arith.minimumf %min3A_1735, %select_n3A_1774 : vector<32x128xf32>
      %mul3A_1778 = arith.constant 8 : i32
      %mul3A_1779 = arith.muli %scan3A_1651, %mul3A_1778 : i32
      %add3A_1780 = arith.constant 6 : i32
      %add3A_1781 = arith.addi %mul3A_1779, %add3A_1780 : i32
      %mul3A_1782 = arith.constant 128 : i32
      %mul3A_1783 = arith.muli %add3A_1781, %mul3A_1782 : i32
      %get3A_1784 = arith.constant 0 : index
      %get3A_1785 = arith.index_cast %mul3A_1783 : i32 to index
      %get3A_1786 = vector.load %arg6[%get3A_1784, %get3A_1785] : memref<32x16384xf32, #tpu.memory_space<vmem>>, vector<32x128xf32>
      %add3A_1787 = vector.broadcast %mul3A_1783 : i32 to vector<32x128xi32>
      %add3A_1788 = arith.addi %iota3A, %add3A_1787 : vector<32x128xi32>
      %gt3A_1789 = arith.cmpf ogt, %get3A_1786, %broadcast_in_dim3A_123 : vector<32x128xf32>
      %eq3A_1790 = arith.cmpf oeq, %get3A_1786, %broadcast_in_dim3A_123 : vector<32x128xf32>
      %gt3A_1791 = arith.cmpi sgt, %add3A_1788, %broadcast_in_dim3A_125 : vector<32x128xi32>
      %and3A_1792 = arith.andi %eq3A_1790, %gt3A_1791 : vector<32x128xi1>
      %or3A_1793 = arith.ori %gt3A_1789, %and3A_1792 : vector<32x128xi1>
      %broadcast_in_dim3A_1794 = vector.broadcast %scan3A_130 : f32 to vector<32x128xf32>
      %select_n3A_1795 = arith.select %or3A_1793, %get3A_1786, %broadcast_in_dim3A_1794 : vector<32x128xi1>, vector<32x128xf32>
      %lt3A_1796 = arith.cmpf olt, %select_n3A_1795, %min3A_1756 : vector<32x128xf32>
      %select_n3A_1797 = arith.select %lt3A_1796, %add3A_1788, %select_n3A_1755 : vector<32x128xi1>, vector<32x128xi32>
      %min3A_1798 = arith.minimumf %min3A_1756, %select_n3A_1795 : vector<32x128xf32>
      %mul3A_1799 = arith.constant 8 : i32
      %mul3A_1800 = arith.muli %scan3A_1651, %mul3A_1799 : i32
      %add3A_1801 = arith.constant 7 : i32
      %add3A_1802 = arith.addi %mul3A_1800, %add3A_1801 : i32
      %mul3A_1803 = arith.constant 128 : i32
      %mul3A_1804 = arith.muli %add3A_1802, %mul3A_1803 : i32
      %get3A_1805 = arith.constant 0 : index
      %get3A_1806 = arith.index_cast %mul3A_1804 : i32 to index
      %get3A_1807 = vector.load %arg6[%get3A_1805, %get3A_1806] : memref<32x16384xf32, #tpu.memory_space<vmem>>, vector<32x128xf32>
      %add3A_1808 = vector.broadcast %mul3A_1804 : i32 to vector<32x128xi32>
      %add3A_1809 = arith.addi %iota3A, %add3A_1808 : vector<32x128xi32>
      %gt3A_1810 = arith.cmpf ogt, %get3A_1807, %broadcast_in_dim3A_123 : vector<32x128xf32>
      %eq3A_1811 = arith.cmpf oeq, %get3A_1807, %broadcast_in_dim3A_123 : vector<32x128xf32>
      %gt3A_1812 = arith.cmpi sgt, %add3A_1809, %broadcast_in_dim3A_125 : vector<32x128xi32>
      %and3A_1813 = arith.andi %eq3A_1811, %gt3A_1812 : vector<32x128xi1>
      %or3A_1814 = arith.ori %gt3A_1810, %and3A_1813 : vector<32x128xi1>
      %broadcast_in_dim3A_1815 = vector.broadcast %scan3A_130 : f32 to vector<32x128xf32>
      %select_n3A_1816 = arith.select %or3A_1814, %get3A_1807, %broadcast_in_dim3A_1815 : vector<32x128xi1>, vector<32x128xf32>
      %lt3A_1817 = arith.cmpf olt, %select_n3A_1816, %min3A_1777 : vector<32x128xf32>
      %select_n3A_1818 = arith.select %lt3A_1817, %add3A_1809, %select_n3A_1776 : vector<32x128xi1>, vector<32x128xi32>
      %min3A_1819 = arith.minimumf %min3A_1777, %select_n3A_1816 : vector<32x128xf32>
      scf.yield %min3A_1798, %select_n3A_1797, %min3A_1819, %select_n3A_1818 : vector<32x128xf32>, vector<32x128xi32>, vector<32x128xf32>, vector<32x128xi32>
    }
    %scan3A_136 = arith.constant 16 : i32
    %lt3A_137 = arith.cmpf olt, %scan3A_135#2, %scan3A_135#0 : vector<32x128xf32>
    %eq3A_138 = arith.cmpf oeq, %scan3A_135#2, %scan3A_135#0 : vector<32x128xf32>
    %lt3A_139 = arith.cmpi slt, %scan3A_135#3, %scan3A_135#1 : vector<32x128xi32>
    %and3A_140 = arith.andi %eq3A_138, %lt3A_139 : vector<32x128xi1>
    %or3A_141 = arith.ori %lt3A_137, %and3A_140 : vector<32x128xi1>
    %select_n3A_142 = arith.select %or3A_141, %scan3A_135#2, %scan3A_135#0 : vector<32x128xi1>, vector<32x128xf32>
    %select_n3A_143 = arith.select %or3A_141, %scan3A_135#3, %scan3A_135#1 : vector<32x128xi1>, vector<32x128xi32>
    %slice3A_144 = vector.extract_strided_slice %select_n3A_142 {offsets = [0, 0], sizes = [32, 64], strides = [1, 1]} : vector<32x128xf32> to vector<32x64xf32>
    %slice3A_145 = vector.extract_strided_slice %select_n3A_143 {offsets = [0, 0], sizes = [32, 64], strides = [1, 1]} : vector<32x128xi32> to vector<32x64xi32>
    %slice3A_146 = vector.extract_strided_slice %select_n3A_142 {offsets = [0, 64], sizes = [32, 64], strides = [1, 1]} : vector<32x128xf32> to vector<32x64xf32>
    %slice3A_147 = vector.extract_strided_slice %select_n3A_143 {offsets = [0, 64], sizes = [32, 64], strides = [1, 1]} : vector<32x128xi32> to vector<32x64xi32>
    %lt3A_148 = arith.cmpf olt, %slice3A_146, %slice3A_144 : vector<32x64xf32>
    %eq3A_149 = arith.cmpf oeq, %slice3A_146, %slice3A_144 : vector<32x64xf32>
    %lt3A_150 = arith.cmpi slt, %slice3A_147, %slice3A_145 : vector<32x64xi32>
    %and3A_151 = arith.andi %eq3A_149, %lt3A_150 : vector<32x64xi1>
    %or3A_152 = arith.ori %lt3A_148, %and3A_151 : vector<32x64xi1>
    %select_n3A_153 = arith.select %or3A_152, %slice3A_146, %slice3A_144 : vector<32x64xi1>, vector<32x64xf32>
    %select_n3A_154 = arith.select %or3A_152, %slice3A_147, %slice3A_145 : vector<32x64xi1>, vector<32x64xi32>
    %slice3A_155 = vector.extract_strided_slice %select_n3A_153 {offsets = [0, 0], sizes = [32, 32], strides = [1, 1]} : vector<32x64xf32> to vector<32x32xf32>
    %slice3A_156 = vector.extract_strided_slice %select_n3A_154 {offsets = [0, 0], sizes = [32, 32], strides = [1, 1]} : vector<32x64xi32> to vector<32x32xi32>
    %slice3A_157 = vector.extract_strided_slice %select_n3A_153 {offsets = [0, 32], sizes = [32, 32], strides = [1, 1]} : vector<32x64xf32> to vector<32x32xf32>
    %slice3A_158 = vector.extract_strided_slice %select_n3A_154 {offsets = [0, 32], sizes = [32, 32], strides = [1, 1]} : vector<32x64xi32> to vector<32x32xi32>
    %lt3A_159 = arith.cmpf olt, %slice3A_157, %slice3A_155 : vector<32x32xf32>
    %eq3A_160 = arith.cmpf oeq, %slice3A_157, %slice3A_155 : vector<32x32xf32>
    %lt3A_161 = arith.cmpi slt, %slice3A_158, %slice3A_156 : vector<32x32xi32>
    %and3A_162 = arith.andi %eq3A_160, %lt3A_161 : vector<32x32xi1>
    %or3A_163 = arith.ori %lt3A_159, %and3A_162 : vector<32x32xi1>
    %select_n3A_164 = arith.select %or3A_163, %slice3A_157, %slice3A_155 : vector<32x32xi1>, vector<32x32xf32>
    %select_n3A_165 = arith.select %or3A_163, %slice3A_158, %slice3A_156 : vector<32x32xi1>, vector<32x32xi32>
    %slice3A_166 = vector.extract_strided_slice %select_n3A_164 {offsets = [0, 0], sizes = [32, 16], strides = [1, 1]} : vector<32x32xf32> to vector<32x16xf32>
    %slice3A_167 = vector.extract_strided_slice %select_n3A_165 {offsets = [0, 0], sizes = [32, 16], strides = [1, 1]} : vector<32x32xi32> to vector<32x16xi32>
    %slice3A_168 = vector.extract_strided_slice %select_n3A_164 {offsets = [0, 16], sizes = [32, 16], strides = [1, 1]} : vector<32x32xf32> to vector<32x16xf32>
    %slice3A_169 = vector.extract_strided_slice %select_n3A_165 {offsets = [0, 16], sizes = [32, 16], strides = [1, 1]} : vector<32x32xi32> to vector<32x16xi32>
    %lt3A_170 = arith.cmpf olt, %slice3A_168, %slice3A_166 : vector<32x16xf32>
    %eq3A_171 = arith.cmpf oeq, %slice3A_168, %slice3A_166 : vector<32x16xf32>
    %lt3A_172 = arith.cmpi slt, %slice3A_169, %slice3A_167 : vector<32x16xi32>
    %and3A_173 = arith.andi %eq3A_171, %lt3A_172 : vector<32x16xi1>
    %or3A_174 = arith.ori %lt3A_170, %and3A_173 : vector<32x16xi1>
    %select_n3A_175 = arith.select %or3A_174, %slice3A_168, %slice3A_166 : vector<32x16xi1>, vector<32x16xf32>
    %select_n3A_176 = arith.select %or3A_174, %slice3A_169, %slice3A_167 : vector<32x16xi1>, vector<32x16xi32>
    %slice3A_177 = vector.extract_strided_slice %select_n3A_175 {offsets = [0, 0], sizes = [32, 8], strides = [1, 1]} : vector<32x16xf32> to vector<32x8xf32>
    %slice3A_178 = vector.extract_strided_slice %select_n3A_176 {offsets = [0, 0], sizes = [32, 8], strides = [1, 1]} : vector<32x16xi32> to vector<32x8xi32>
    %slice3A_179 = vector.extract_strided_slice %select_n3A_175 {offsets = [0, 8], sizes = [32, 8], strides = [1, 1]} : vector<32x16xf32> to vector<32x8xf32>
    %slice3A_180 = vector.extract_strided_slice %select_n3A_176 {offsets = [0, 8], sizes = [32, 8], strides = [1, 1]} : vector<32x16xi32> to vector<32x8xi32>
    %lt3A_181 = arith.cmpf olt, %slice3A_179, %slice3A_177 : vector<32x8xf32>
    %eq3A_182 = arith.cmpf oeq, %slice3A_179, %slice3A_177 : vector<32x8xf32>
    %lt3A_183 = arith.cmpi slt, %slice3A_180, %slice3A_178 : vector<32x8xi32>
    %and3A_184 = arith.andi %eq3A_182, %lt3A_183 : vector<32x8xi1>
    %or3A_185 = arith.ori %lt3A_181, %and3A_184 : vector<32x8xi1>
    %select_n3A_186 = arith.select %or3A_185, %slice3A_179, %slice3A_177 : vector<32x8xi1>, vector<32x8xf32>
    %select_n3A_187 = arith.select %or3A_185, %slice3A_180, %slice3A_178 : vector<32x8xi1>, vector<32x8xi32>
    %slice3A_188 = vector.extract_strided_slice %select_n3A_186 {offsets = [0, 0], sizes = [32, 4], strides = [1, 1]} : vector<32x8xf32> to vector<32x4xf32>
    %slice3A_189 = vector.extract_strided_slice %select_n3A_187 {offsets = [0, 0], sizes = [32, 4], strides = [1, 1]} : vector<32x8xi32> to vector<32x4xi32>
    %slice3A_190 = vector.extract_strided_slice %select_n3A_186 {offsets = [0, 4], sizes = [32, 4], strides = [1, 1]} : vector<32x8xf32> to vector<32x4xf32>
    %slice3A_191 = vector.extract_strided_slice %select_n3A_187 {offsets = [0, 4], sizes = [32, 4], strides = [1, 1]} : vector<32x8xi32> to vector<32x4xi32>
    %lt3A_192 = arith.cmpf olt, %slice3A_190, %slice3A_188 : vector<32x4xf32>
    %eq3A_193 = arith.cmpf oeq, %slice3A_190, %slice3A_188 : vector<32x4xf32>
    %lt3A_194 = arith.cmpi slt, %slice3A_191, %slice3A_189 : vector<32x4xi32>
    %and3A_195 = arith.andi %eq3A_193, %lt3A_194 : vector<32x4xi1>
    %or3A_196 = arith.ori %lt3A_192, %and3A_195 : vector<32x4xi1>
    %select_n3A_197 = arith.select %or3A_196, %slice3A_190, %slice3A_188 : vector<32x4xi1>, vector<32x4xf32>
    %select_n3A_198 = arith.select %or3A_196, %slice3A_191, %slice3A_189 : vector<32x4xi1>, vector<32x4xi32>
    %slice3A_199 = vector.extract_strided_slice %select_n3A_197 {offsets = [0, 0], sizes = [32, 2], strides = [1, 1]} : vector<32x4xf32> to vector<32x2xf32>
    %slice3A_200 = vector.extract_strided_slice %select_n3A_198 {offsets = [0, 0], sizes = [32, 2], strides = [1, 1]} : vector<32x4xi32> to vector<32x2xi32>
    %slice3A_201 = vector.extract_strided_slice %select_n3A_197 {offsets = [0, 2], sizes = [32, 2], strides = [1, 1]} : vector<32x4xf32> to vector<32x2xf32>
    %slice3A_202 = vector.extract_strided_slice %select_n3A_198 {offsets = [0, 2], sizes = [32, 2], strides = [1, 1]} : vector<32x4xi32> to vector<32x2xi32>
    %lt3A_203 = arith.cmpf olt, %slice3A_201, %slice3A_199 : vector<32x2xf32>
    %eq3A_204 = arith.cmpf oeq, %slice3A_201, %slice3A_199 : vector<32x2xf32>
    %lt3A_205 = arith.cmpi slt, %slice3A_202, %slice3A_200 : vector<32x2xi32>
    %and3A_206 = arith.andi %eq3A_204, %lt3A_205 : vector<32x2xi1>
    %or3A_207 = arith.ori %lt3A_203, %and3A_206 : vector<32x2xi1>
    %select_n3A_208 = arith.select %or3A_207, %slice3A_201, %slice3A_199 : vector<32x2xi1>, vector<32x2xf32>
    %select_n3A_209 = arith.select %or3A_207, %slice3A_202, %slice3A_200 : vector<32x2xi1>, vector<32x2xi32>
    %slice3A_210 = vector.extract_strided_slice %select_n3A_208 {offsets = [0, 0], sizes = [32, 1], strides = [1, 1]} : vector<32x2xf32> to vector<32x1xf32>
    %slice3A_211 = vector.extract_strided_slice %select_n3A_209 {offsets = [0, 0], sizes = [32, 1], strides = [1, 1]} : vector<32x2xi32> to vector<32x1xi32>
    %slice3A_212 = vector.extract_strided_slice %select_n3A_208 {offsets = [0, 1], sizes = [32, 1], strides = [1, 1]} : vector<32x2xf32> to vector<32x1xf32>
    %slice3A_213 = vector.extract_strided_slice %select_n3A_209 {offsets = [0, 1], sizes = [32, 1], strides = [1, 1]} : vector<32x2xi32> to vector<32x1xi32>
    %lt3A_214 = arith.cmpf olt, %slice3A_212, %slice3A_210 : vector<32x1xf32>
    %eq3A_215 = arith.cmpf oeq, %slice3A_212, %slice3A_210 : vector<32x1xf32>
    %lt3A_216 = arith.cmpi slt, %slice3A_213, %slice3A_211 : vector<32x1xi32>
    %and3A_217 = arith.andi %eq3A_215, %lt3A_216 : vector<32x1xi1>
    %or3A_218 = arith.ori %lt3A_214, %and3A_217 : vector<32x1xi1>
    %select_n3A_219 = arith.select %or3A_218, %slice3A_212, %slice3A_210 : vector<32x1xi1>, vector<32x1xf32>
    %select_n3A_220 = arith.select %or3A_218, %slice3A_213, %slice3A_211 : vector<32x1xi1>, vector<32x1xi32>
    %swap3A_221 = arith.constant 0 : index
    %swap3A_222 = arith.constant 1 : index
    %swap3A_223 = vector.load %arg5[%swap3A_221, %swap3A_222] : memref<32x16xi32, #tpu.memory_space<vmem>>, vector<32x1xi32>
    tpu.vector_store %arg5[%swap3A_221, %swap3A_222], %select_n3A_220 {strides = array<i32>} : memref<32x16xi32, #tpu.memory_space<vmem>>, vector<32x1xi32>,
    %broadcast_in_dim3A_224 = vector.shape_cast %select_n3A_219 : vector<32x1xf32> to vector<32x1xf32>
    %broadcast_in_dim3A_225 = vector.broadcast %broadcast_in_dim3A_224 : vector<32x1xf32> to vector<32x128xf32>
    %broadcast_in_dim3A_226 = vector.shape_cast %select_n3A_220 : vector<32x1xi32> to vector<32x1xi32>
    %broadcast_in_dim3A_227 = vector.broadcast %broadcast_in_dim3A_226 : vector<32x1xi32> to vector<32x128xi32>
    %broadcast_in_dim3A_228 = arith.constant 0x7F800000 : f32
    %broadcast_in_dim3A_229 = vector.broadcast %broadcast_in_dim3A_228 : f32 to vector<32x128xf32>
    %broadcast_in_dim3A_230 = arith.constant 0 : i32
    %broadcast_in_dim3A_231 = vector.broadcast %broadcast_in_dim3A_230 : i32 to vector<32x128xi32>
    %scan3A_232 = arith.constant 0x7F800000 : f32
    %scan3A_233 = arith.constant 0 : i32
    %scan3A_234 = arith.constant 16 : i32
    %scan3A_235 = arith.addi %scan3A_233, %scan3A_234 : i32
    %scan3A_236 = arith.constant 1 : i32
    %scan3A_237:4 = scf.for %scan3A_1651 = %scan3A_233 to %scan3A_235 step %scan3A_236 iter_args(%scan3A_1652 = %broadcast_in_dim3A_229, %scan3A_1653 = %broadcast_in_dim3A_231, %scan3A_1654 = %broadcast_in_dim3A_229, %scan3A_1655 = %broadcast_in_dim3A_231) -> (vector<32x128xf32>, vector<32x128xi32>, vector<32x128xf32>, vector<32x128xi32>)  : i32 {
      %mul3A = arith.constant 8 : i32
      %mul3A_1656 = arith.muli %scan3A_1651, %mul3A : i32
      %add3A = arith.constant 0 : i32
      %add3A_1657 = arith.addi %mul3A_1656, %add3A : i32
      %mul3A_1658 = arith.constant 128 : i32
      %mul3A_1659 = arith.muli %add3A_1657, %mul3A_1658 : i32
      %get3A_1660 = arith.constant 0 : index
      %get3A_1661 = arith.index_cast %mul3A_1659 : i32 to index
      %get3A_1662 = vector.load %arg6[%get3A_1660, %get3A_1661] : memref<32x16384xf32, #tpu.memory_space<vmem>>, vector<32x128xf32>
      %add3A_1663 = vector.broadcast %mul3A_1659 : i32 to vector<32x128xi32>
      %add3A_1664 = arith.addi %iota3A, %add3A_1663 : vector<32x128xi32>
      %gt3A = arith.cmpf ogt, %get3A_1662, %broadcast_in_dim3A_225 : vector<32x128xf32>
      %eq3A_1665 = arith.cmpf oeq, %get3A_1662, %broadcast_in_dim3A_225 : vector<32x128xf32>
      %gt3A_1666 = arith.cmpi sgt, %add3A_1664, %broadcast_in_dim3A_227 : vector<32x128xi32>
      %and3A_1667 = arith.andi %eq3A_1665, %gt3A_1666 : vector<32x128xi1>
      %or3A_1668 = arith.ori %gt3A, %and3A_1667 : vector<32x128xi1>
      %broadcast_in_dim3A_1669 = vector.broadcast %scan3A_232 : f32 to vector<32x128xf32>
      %select_n3A_1670 = arith.select %or3A_1668, %get3A_1662, %broadcast_in_dim3A_1669 : vector<32x128xi1>, vector<32x128xf32>
      %lt3A_1671 = arith.cmpf olt, %select_n3A_1670, %scan3A_1652 : vector<32x128xf32>
      %select_n3A_1672 = arith.select %lt3A_1671, %add3A_1664, %scan3A_1653 : vector<32x128xi1>, vector<32x128xi32>
      %min3A = arith.minimumf %scan3A_1652, %select_n3A_1670 : vector<32x128xf32>
      %mul3A_1673 = arith.constant 8 : i32
      %mul3A_1674 = arith.muli %scan3A_1651, %mul3A_1673 : i32
      %add3A_1675 = arith.constant 1 : i32
      %add3A_1676 = arith.addi %mul3A_1674, %add3A_1675 : i32
      %mul3A_1677 = arith.constant 128 : i32
      %mul3A_1678 = arith.muli %add3A_1676, %mul3A_1677 : i32
      %get3A_1679 = arith.constant 0 : index
      %get3A_1680 = arith.index_cast %mul3A_1678 : i32 to index
      %get3A_1681 = vector.load %arg6[%get3A_1679, %get3A_1680] : memref<32x16384xf32, #tpu.memory_space<vmem>>, vector<32x128xf32>
      %add3A_1682 = vector.broadcast %mul3A_1678 : i32 to vector<32x128xi32>
      %add3A_1683 = arith.addi %iota3A, %add3A_1682 : vector<32x128xi32>
      %gt3A_1684 = arith.cmpf ogt, %get3A_1681, %broadcast_in_dim3A_225 : vector<32x128xf32>
      %eq3A_1685 = arith.cmpf oeq, %get3A_1681, %broadcast_in_dim3A_225 : vector<32x128xf32>
      %gt3A_1686 = arith.cmpi sgt, %add3A_1683, %broadcast_in_dim3A_227 : vector<32x128xi32>
      %and3A_1687 = arith.andi %eq3A_1685, %gt3A_1686 : vector<32x128xi1>
      %or3A_1688 = arith.ori %gt3A_1684, %and3A_1687 : vector<32x128xi1>
      %broadcast_in_dim3A_1689 = vector.broadcast %scan3A_232 : f32 to vector<32x128xf32>
      %select_n3A_1690 = arith.select %or3A_1688, %get3A_1681, %broadcast_in_dim3A_1689 : vector<32x128xi1>, vector<32x128xf32>
      %lt3A_1691 = arith.cmpf olt, %select_n3A_1690, %scan3A_1654 : vector<32x128xf32>
      %select_n3A_1692 = arith.select %lt3A_1691, %add3A_1683, %scan3A_1655 : vector<32x128xi1>, vector<32x128xi32>
      %min3A_1693 = arith.minimumf %scan3A_1654, %select_n3A_1690 : vector<32x128xf32>
      %mul3A_1694 = arith.constant 8 : i32
      %mul3A_1695 = arith.muli %scan3A_1651, %mul3A_1694 : i32
      %add3A_1696 = arith.constant 2 : i32
      %add3A_1697 = arith.addi %mul3A_1695, %add3A_1696 : i32
      %mul3A_1698 = arith.constant 128 : i32
      %mul3A_1699 = arith.muli %add3A_1697, %mul3A_1698 : i32
      %get3A_1700 = arith.constant 0 : index
      %get3A_1701 = arith.index_cast %mul3A_1699 : i32 to index
      %get3A_1702 = vector.load %arg6[%get3A_1700, %get3A_1701] : memref<32x16384xf32, #tpu.memory_space<vmem>>, vector<32x128xf32>
      %add3A_1703 = vector.broadcast %mul3A_1699 : i32 to vector<32x128xi32>
      %add3A_1704 = arith.addi %iota3A, %add3A_1703 : vector<32x128xi32>
      %gt3A_1705 = arith.cmpf ogt, %get3A_1702, %broadcast_in_dim3A_225 : vector<32x128xf32>
      %eq3A_1706 = arith.cmpf oeq, %get3A_1702, %broadcast_in_dim3A_225 : vector<32x128xf32>
      %gt3A_1707 = arith.cmpi sgt, %add3A_1704, %broadcast_in_dim3A_227 : vector<32x128xi32>
      %and3A_1708 = arith.andi %eq3A_1706, %gt3A_1707 : vector<32x128xi1>
      %or3A_1709 = arith.ori %gt3A_1705, %and3A_1708 : vector<32x128xi1>
      %broadcast_in_dim3A_1710 = vector.broadcast %scan3A_232 : f32 to vector<32x128xf32>
      %select_n3A_1711 = arith.select %or3A_1709, %get3A_1702, %broadcast_in_dim3A_1710 : vector<32x128xi1>, vector<32x128xf32>
      %lt3A_1712 = arith.cmpf olt, %select_n3A_1711, %min3A : vector<32x128xf32>
      %select_n3A_1713 = arith.select %lt3A_1712, %add3A_1704, %select_n3A_1672 : vector<32x128xi1>, vector<32x128xi32>
      %min3A_1714 = arith.minimumf %min3A, %select_n3A_1711 : vector<32x128xf32>
      %mul3A_1715 = arith.constant 8 : i32
      %mul3A_1716 = arith.muli %scan3A_1651, %mul3A_1715 : i32
      %add3A_1717 = arith.constant 3 : i32
      %add3A_1718 = arith.addi %mul3A_1716, %add3A_1717 : i32
      %mul3A_1719 = arith.constant 128 : i32
      %mul3A_1720 = arith.muli %add3A_1718, %mul3A_1719 : i32
      %get3A_1721 = arith.constant 0 : index
      %get3A_1722 = arith.index_cast %mul3A_1720 : i32 to index
      %get3A_1723 = vector.load %arg6[%get3A_1721, %get3A_1722] : memref<32x16384xf32, #tpu.memory_space<vmem>>, vector<32x128xf32>
      %add3A_1724 = vector.broadcast %mul3A_1720 : i32 to vector<32x128xi32>
      %add3A_1725 = arith.addi %iota3A, %add3A_1724 : vector<32x128xi32>
      %gt3A_1726 = arith.cmpf ogt, %get3A_1723, %broadcast_in_dim3A_225 : vector<32x128xf32>
      %eq3A_1727 = arith.cmpf oeq, %get3A_1723, %broadcast_in_dim3A_225 : vector<32x128xf32>
      %gt3A_1728 = arith.cmpi sgt, %add3A_1725, %broadcast_in_dim3A_227 : vector<32x128xi32>
      %and3A_1729 = arith.andi %eq3A_1727, %gt3A_1728 : vector<32x128xi1>
      %or3A_1730 = arith.ori %gt3A_1726, %and3A_1729 : vector<32x128xi1>
      %broadcast_in_dim3A_1731 = vector.broadcast %scan3A_232 : f32 to vector<32x128xf32>
      %select_n3A_1732 = arith.select %or3A_1730, %get3A_1723, %broadcast_in_dim3A_1731 : vector<32x128xi1>, vector<32x128xf32>
      %lt3A_1733 = arith.cmpf olt, %select_n3A_1732, %min3A_1693 : vector<32x128xf32>
      %select_n3A_1734 = arith.select %lt3A_1733, %add3A_1725, %select_n3A_1692 : vector<32x128xi1>, vector<32x128xi32>
      %min3A_1735 = arith.minimumf %min3A_1693, %select_n3A_1732 : vector<32x128xf32>
      %mul3A_1736 = arith.constant 8 : i32
      %mul3A_1737 = arith.muli %scan3A_1651, %mul3A_1736 : i32
      %add3A_1738 = arith.constant 4 : i32
      %add3A_1739 = arith.addi %mul3A_1737, %add3A_1738 : i32
      %mul3A_1740 = arith.constant 128 : i32
      %mul3A_1741 = arith.muli %add3A_1739, %mul3A_1740 : i32
      %get3A_1742 = arith.constant 0 : index
      %get3A_1743 = arith.index_cast %mul3A_1741 : i32 to index
      %get3A_1744 = vector.load %arg6[%get3A_1742, %get3A_1743] : memref<32x16384xf32, #tpu.memory_space<vmem>>, vector<32x128xf32>
      %add3A_1745 = vector.broadcast %mul3A_1741 : i32 to vector<32x128xi32>
      %add3A_1746 = arith.addi %iota3A, %add3A_1745 : vector<32x128xi32>
      %gt3A_1747 = arith.cmpf ogt, %get3A_1744, %broadcast_in_dim3A_225 : vector<32x128xf32>
      %eq3A_1748 = arith.cmpf oeq, %get3A_1744, %broadcast_in_dim3A_225 : vector<32x128xf32>
      %gt3A_1749 = arith.cmpi sgt, %add3A_1746, %broadcast_in_dim3A_227 : vector<32x128xi32>
      %and3A_1750 = arith.andi %eq3A_1748, %gt3A_1749 : vector<32x128xi1>
      %or3A_1751 = arith.ori %gt3A_1747, %and3A_1750 : vector<32x128xi1>
      %broadcast_in_dim3A_1752 = vector.broadcast %scan3A_232 : f32 to vector<32x128xf32>
      %select_n3A_1753 = arith.select %or3A_1751, %get3A_1744, %broadcast_in_dim3A_1752 : vector<32x128xi1>, vector<32x128xf32>
      %lt3A_1754 = arith.cmpf olt, %select_n3A_1753, %min3A_1714 : vector<32x128xf32>
      %select_n3A_1755 = arith.select %lt3A_1754, %add3A_1746, %select_n3A_1713 : vector<32x128xi1>, vector<32x128xi32>
      %min3A_1756 = arith.minimumf %min3A_1714, %select_n3A_1753 : vector<32x128xf32>
      %mul3A_1757 = arith.constant 8 : i32
      %mul3A_1758 = arith.muli %scan3A_1651, %mul3A_1757 : i32
      %add3A_1759 = arith.constant 5 : i32
      %add3A_1760 = arith.addi %mul3A_1758, %add3A_1759 : i32
      %mul3A_1761 = arith.constant 128 : i32
      %mul3A_1762 = arith.muli %add3A_1760, %mul3A_1761 : i32
      %get3A_1763 = arith.constant 0 : index
      %get3A_1764 = arith.index_cast %mul3A_1762 : i32 to index
      %get3A_1765 = vector.load %arg6[%get3A_1763, %get3A_1764] : memref<32x16384xf32, #tpu.memory_space<vmem>>, vector<32x128xf32>
      %add3A_1766 = vector.broadcast %mul3A_1762 : i32 to vector<32x128xi32>
      %add3A_1767 = arith.addi %iota3A, %add3A_1766 : vector<32x128xi32>
      %gt3A_1768 = arith.cmpf ogt, %get3A_1765, %broadcast_in_dim3A_225 : vector<32x128xf32>
      %eq3A_1769 = arith.cmpf oeq, %get3A_1765, %broadcast_in_dim3A_225 : vector<32x128xf32>
      %gt3A_1770 = arith.cmpi sgt, %add3A_1767, %broadcast_in_dim3A_227 : vector<32x128xi32>
      %and3A_1771 = arith.andi %eq3A_1769, %gt3A_1770 : vector<32x128xi1>
      %or3A_1772 = arith.ori %gt3A_1768, %and3A_1771 : vector<32x128xi1>
      %broadcast_in_dim3A_1773 = vector.broadcast %scan3A_232 : f32 to vector<32x128xf32>
      %select_n3A_1774 = arith.select %or3A_1772, %get3A_1765, %broadcast_in_dim3A_1773 : vector<32x128xi1>, vector<32x128xf32>
      %lt3A_1775 = arith.cmpf olt, %select_n3A_1774, %min3A_1735 : vector<32x128xf32>
      %select_n3A_1776 = arith.select %lt3A_1775, %add3A_1767, %select_n3A_1734 : vector<32x128xi1>, vector<32x128xi32>
      %min3A_1777 = arith.minimumf %min3A_1735, %select_n3A_1774 : vector<32x128xf32>
      %mul3A_1778 = arith.constant 8 : i32
      %mul3A_1779 = arith.muli %scan3A_1651, %mul3A_1778 : i32
      %add3A_1780 = arith.constant 6 : i32
      %add3A_1781 = arith.addi %mul3A_1779, %add3A_1780 : i32
      %mul3A_1782 = arith.constant 128 : i32
      %mul3A_1783 = arith.muli %add3A_1781, %mul3A_1782 : i32
      %get3A_1784 = arith.constant 0 : index
      %get3A_1785 = arith.index_cast %mul3A_1783 : i32 to index
      %get3A_1786 = vector.load %arg6[%get3A_1784, %get3A_1785] : memref<32x16384xf32, #tpu.memory_space<vmem>>, vector<32x128xf32>
      %add3A_1787 = vector.broadcast %mul3A_1783 : i32 to vector<32x128xi32>
      %add3A_1788 = arith.addi %iota3A, %add3A_1787 : vector<32x128xi32>
      %gt3A_1789 = arith.cmpf ogt, %get3A_1786, %broadcast_in_dim3A_225 : vector<32x128xf32>
      %eq3A_1790 = arith.cmpf oeq, %get3A_1786, %broadcast_in_dim3A_225 : vector<32x128xf32>
      %gt3A_1791 = arith.cmpi sgt, %add3A_1788, %broadcast_in_dim3A_227 : vector<32x128xi32>
      %and3A_1792 = arith.andi %eq3A_1790, %gt3A_1791 : vector<32x128xi1>
      %or3A_1793 = arith.ori %gt3A_1789, %and3A_1792 : vector<32x128xi1>
      %broadcast_in_dim3A_1794 = vector.broadcast %scan3A_232 : f32 to vector<32x128xf32>
      %select_n3A_1795 = arith.select %or3A_1793, %get3A_1786, %broadcast_in_dim3A_1794 : vector<32x128xi1>, vector<32x128xf32>
      %lt3A_1796 = arith.cmpf olt, %select_n3A_1795, %min3A_1756 : vector<32x128xf32>
      %select_n3A_1797 = arith.select %lt3A_1796, %add3A_1788, %select_n3A_1755 : vector<32x128xi1>, vector<32x128xi32>
      %min3A_1798 = arith.minimumf %min3A_1756, %select_n3A_1795 : vector<32x128xf32>
      %mul3A_1799 = arith.constant 8 : i32
      %mul3A_1800 = arith.muli %scan3A_1651, %mul3A_1799 : i32
      %add3A_1801 = arith.constant 7 : i32
      %add3A_1802 = arith.addi %mul3A_1800, %add3A_1801 : i32
      %mul3A_1803 = arith.constant 128 : i32
      %mul3A_1804 = arith.muli %add3A_1802, %mul3A_1803 : i32
      %get3A_1805 = arith.constant 0 : index
      %get3A_1806 = arith.index_cast %mul3A_1804 : i32 to index
      %get3A_1807 = vector.load %arg6[%get3A_1805, %get3A_1806] : memref<32x16384xf32, #tpu.memory_space<vmem>>, vector<32x128xf32>
      %add3A_1808 = vector.broadcast %mul3A_1804 : i32 to vector<32x128xi32>
      %add3A_1809 = arith.addi %iota3A, %add3A_1808 : vector<32x128xi32>
      %gt3A_1810 = arith.cmpf ogt, %get3A_1807, %broadcast_in_dim3A_225 : vector<32x128xf32>
      %eq3A_1811 = arith.cmpf oeq, %get3A_1807, %broadcast_in_dim3A_225 : vector<32x128xf32>
      %gt3A_1812 = arith.cmpi sgt, %add3A_1809, %broadcast_in_dim3A_227 : vector<32x128xi32>
      %and3A_1813 = arith.andi %eq3A_1811, %gt3A_1812 : vector<32x128xi1>
      %or3A_1814 = arith.ori %gt3A_1810, %and3A_1813 : vector<32x128xi1>
      %broadcast_in_dim3A_1815 = vector.broadcast %scan3A_232 : f32 to vector<32x128xf32>
      %select_n3A_1816 = arith.select %or3A_1814, %get3A_1807, %broadcast_in_dim3A_1815 : vector<32x128xi1>, vector<32x128xf32>
      %lt3A_1817 = arith.cmpf olt, %select_n3A_1816, %min3A_1777 : vector<32x128xf32>
      %select_n3A_1818 = arith.select %lt3A_1817, %add3A_1809, %select_n3A_1776 : vector<32x128xi1>, vector<32x128xi32>
      %min3A_1819 = arith.minimumf %min3A_1777, %select_n3A_1816 : vector<32x128xf32>
      scf.yield %min3A_1798, %select_n3A_1797, %min3A_1819, %select_n3A_1818 : vector<32x128xf32>, vector<32x128xi32>, vector<32x128xf32>, vector<32x128xi32>
    }
    %scan3A_238 = arith.constant 16 : i32
    %lt3A_239 = arith.cmpf olt, %scan3A_237#2, %scan3A_237#0 : vector<32x128xf32>
    %eq3A_240 = arith.cmpf oeq, %scan3A_237#2, %scan3A_237#0 : vector<32x128xf32>
    %lt3A_241 = arith.cmpi slt, %scan3A_237#3, %scan3A_237#1 : vector<32x128xi32>
    %and3A_242 = arith.andi %eq3A_240, %lt3A_241 : vector<32x128xi1>
    %or3A_243 = arith.ori %lt3A_239, %and3A_242 : vector<32x128xi1>
    %select_n3A_244 = arith.select %or3A_243, %scan3A_237#2, %scan3A_237#0 : vector<32x128xi1>, vector<32x128xf32>
    %select_n3A_245 = arith.select %or3A_243, %scan3A_237#3, %scan3A_237#1 : vector<32x128xi1>, vector<32x128xi32>
    %slice3A_246 = vector.extract_strided_slice %select_n3A_244 {offsets = [0, 0], sizes = [32, 64], strides = [1, 1]} : vector<32x128xf32> to vector<32x64xf32>
    %slice3A_247 = vector.extract_strided_slice %select_n3A_245 {offsets = [0, 0], sizes = [32, 64], strides = [1, 1]} : vector<32x128xi32> to vector<32x64xi32>
    %slice3A_248 = vector.extract_strided_slice %select_n3A_244 {offsets = [0, 64], sizes = [32, 64], strides = [1, 1]} : vector<32x128xf32> to vector<32x64xf32>
    %slice3A_249 = vector.extract_strided_slice %select_n3A_245 {offsets = [0, 64], sizes = [32, 64], strides = [1, 1]} : vector<32x128xi32> to vector<32x64xi32>
    %lt3A_250 = arith.cmpf olt, %slice3A_248, %slice3A_246 : vector<32x64xf32>
    %eq3A_251 = arith.cmpf oeq, %slice3A_248, %slice3A_246 : vector<32x64xf32>
    %lt3A_252 = arith.cmpi slt, %slice3A_249, %slice3A_247 : vector<32x64xi32>
    %and3A_253 = arith.andi %eq3A_251, %lt3A_252 : vector<32x64xi1>
    %or3A_254 = arith.ori %lt3A_250, %and3A_253 : vector<32x64xi1>
    %select_n3A_255 = arith.select %or3A_254, %slice3A_248, %slice3A_246 : vector<32x64xi1>, vector<32x64xf32>
    %select_n3A_256 = arith.select %or3A_254, %slice3A_249, %slice3A_247 : vector<32x64xi1>, vector<32x64xi32>
    %slice3A_257 = vector.extract_strided_slice %select_n3A_255 {offsets = [0, 0], sizes = [32, 32], strides = [1, 1]} : vector<32x64xf32> to vector<32x32xf32>
    %slice3A_258 = vector.extract_strided_slice %select_n3A_256 {offsets = [0, 0], sizes = [32, 32], strides = [1, 1]} : vector<32x64xi32> to vector<32x32xi32>
    %slice3A_259 = vector.extract_strided_slice %select_n3A_255 {offsets = [0, 32], sizes = [32, 32], strides = [1, 1]} : vector<32x64xf32> to vector<32x32xf32>
    %slice3A_260 = vector.extract_strided_slice %select_n3A_256 {offsets = [0, 32], sizes = [32, 32], strides = [1, 1]} : vector<32x64xi32> to vector<32x32xi32>
    %lt3A_261 = arith.cmpf olt, %slice3A_259, %slice3A_257 : vector<32x32xf32>
    %eq3A_262 = arith.cmpf oeq, %slice3A_259, %slice3A_257 : vector<32x32xf32>
    %lt3A_263 = arith.cmpi slt, %slice3A_260, %slice3A_258 : vector<32x32xi32>
    %and3A_264 = arith.andi %eq3A_262, %lt3A_263 : vector<32x32xi1>
    %or3A_265 = arith.ori %lt3A_261, %and3A_264 : vector<32x32xi1>
    %select_n3A_266 = arith.select %or3A_265, %slice3A_259, %slice3A_257 : vector<32x32xi1>, vector<32x32xf32>
    %select_n3A_267 = arith.select %or3A_265, %slice3A_260, %slice3A_258 : vector<32x32xi1>, vector<32x32xi32>
    %slice3A_268 = vector.extract_strided_slice %select_n3A_266 {offsets = [0, 0], sizes = [32, 16], strides = [1, 1]} : vector<32x32xf32> to vector<32x16xf32>
    %slice3A_269 = vector.extract_strided_slice %select_n3A_267 {offsets = [0, 0], sizes = [32, 16], strides = [1, 1]} : vector<32x32xi32> to vector<32x16xi32>
    %slice3A_270 = vector.extract_strided_slice %select_n3A_266 {offsets = [0, 16], sizes = [32, 16], strides = [1, 1]} : vector<32x32xf32> to vector<32x16xf32>
    %slice3A_271 = vector.extract_strided_slice %select_n3A_267 {offsets = [0, 16], sizes = [32, 16], strides = [1, 1]} : vector<32x32xi32> to vector<32x16xi32>
    %lt3A_272 = arith.cmpf olt, %slice3A_270, %slice3A_268 : vector<32x16xf32>
    %eq3A_273 = arith.cmpf oeq, %slice3A_270, %slice3A_268 : vector<32x16xf32>
    %lt3A_274 = arith.cmpi slt, %slice3A_271, %slice3A_269 : vector<32x16xi32>
    %and3A_275 = arith.andi %eq3A_273, %lt3A_274 : vector<32x16xi1>
    %or3A_276 = arith.ori %lt3A_272, %and3A_275 : vector<32x16xi1>
    %select_n3A_277 = arith.select %or3A_276, %slice3A_270, %slice3A_268 : vector<32x16xi1>, vector<32x16xf32>
    %select_n3A_278 = arith.select %or3A_276, %slice3A_271, %slice3A_269 : vector<32x16xi1>, vector<32x16xi32>
    %slice3A_279 = vector.extract_strided_slice %select_n3A_277 {offsets = [0, 0], sizes = [32, 8], strides = [1, 1]} : vector<32x16xf32> to vector<32x8xf32>
    %slice3A_280 = vector.extract_strided_slice %select_n3A_278 {offsets = [0, 0], sizes = [32, 8], strides = [1, 1]} : vector<32x16xi32> to vector<32x8xi32>
    %slice3A_281 = vector.extract_strided_slice %select_n3A_277 {offsets = [0, 8], sizes = [32, 8], strides = [1, 1]} : vector<32x16xf32> to vector<32x8xf32>
    %slice3A_282 = vector.extract_strided_slice %select_n3A_278 {offsets = [0, 8], sizes = [32, 8], strides = [1, 1]} : vector<32x16xi32> to vector<32x8xi32>
    %lt3A_283 = arith.cmpf olt, %slice3A_281, %slice3A_279 : vector<32x8xf32>
    %eq3A_284 = arith.cmpf oeq, %slice3A_281, %slice3A_279 : vector<32x8xf32>
    %lt3A_285 = arith.cmpi slt, %slice3A_282, %slice3A_280 : vector<32x8xi32>
    %and3A_286 = arith.andi %eq3A_284, %lt3A_285 : vector<32x8xi1>
    %or3A_287 = arith.ori %lt3A_283, %and3A_286 : vector<32x8xi1>
    %select_n3A_288 = arith.select %or3A_287, %slice3A_281, %slice3A_279 : vector<32x8xi1>, vector<32x8xf32>
    %select_n3A_289 = arith.select %or3A_287, %slice3A_282, %slice3A_280 : vector<32x8xi1>, vector<32x8xi32>
    %slice3A_290 = vector.extract_strided_slice %select_n3A_288 {offsets = [0, 0], sizes = [32, 4], strides = [1, 1]} : vector<32x8xf32> to vector<32x4xf32>
    %slice3A_291 = vector.extract_strided_slice %select_n3A_289 {offsets = [0, 0], sizes = [32, 4], strides = [1, 1]} : vector<32x8xi32> to vector<32x4xi32>
    %slice3A_292 = vector.extract_strided_slice %select_n3A_288 {offsets = [0, 4], sizes = [32, 4], strides = [1, 1]} : vector<32x8xf32> to vector<32x4xf32>
    %slice3A_293 = vector.extract_strided_slice %select_n3A_289 {offsets = [0, 4], sizes = [32, 4], strides = [1, 1]} : vector<32x8xi32> to vector<32x4xi32>
    %lt3A_294 = arith.cmpf olt, %slice3A_292, %slice3A_290 : vector<32x4xf32>
    %eq3A_295 = arith.cmpf oeq, %slice3A_292, %slice3A_290 : vector<32x4xf32>
    %lt3A_296 = arith.cmpi slt, %slice3A_293, %slice3A_291 : vector<32x4xi32>
    %and3A_297 = arith.andi %eq3A_295, %lt3A_296 : vector<32x4xi1>
    %or3A_298 = arith.ori %lt3A_294, %and3A_297 : vector<32x4xi1>
    %select_n3A_299 = arith.select %or3A_298, %slice3A_292, %slice3A_290 : vector<32x4xi1>, vector<32x4xf32>
    %select_n3A_300 = arith.select %or3A_298, %slice3A_293, %slice3A_291 : vector<32x4xi1>, vector<32x4xi32>
    %slice3A_301 = vector.extract_strided_slice %select_n3A_299 {offsets = [0, 0], sizes = [32, 2], strides = [1, 1]} : vector<32x4xf32> to vector<32x2xf32>
    %slice3A_302 = vector.extract_strided_slice %select_n3A_300 {offsets = [0, 0], sizes = [32, 2], strides = [1, 1]} : vector<32x4xi32> to vector<32x2xi32>
    %slice3A_303 = vector.extract_strided_slice %select_n3A_299 {offsets = [0, 2], sizes = [32, 2], strides = [1, 1]} : vector<32x4xf32> to vector<32x2xf32>
    %slice3A_304 = vector.extract_strided_slice %select_n3A_300 {offsets = [0, 2], sizes = [32, 2], strides = [1, 1]} : vector<32x4xi32> to vector<32x2xi32>
    %lt3A_305 = arith.cmpf olt, %slice3A_303, %slice3A_301 : vector<32x2xf32>
    %eq3A_306 = arith.cmpf oeq, %slice3A_303, %slice3A_301 : vector<32x2xf32>
    %lt3A_307 = arith.cmpi slt, %slice3A_304, %slice3A_302 : vector<32x2xi32>
    %and3A_308 = arith.andi %eq3A_306, %lt3A_307 : vector<32x2xi1>
    %or3A_309 = arith.ori %lt3A_305, %and3A_308 : vector<32x2xi1>
    %select_n3A_310 = arith.select %or3A_309, %slice3A_303, %slice3A_301 : vector<32x2xi1>, vector<32x2xf32>
    %select_n3A_311 = arith.select %or3A_309, %slice3A_304, %slice3A_302 : vector<32x2xi1>, vector<32x2xi32>
    %slice3A_312 = vector.extract_strided_slice %select_n3A_310 {offsets = [0, 0], sizes = [32, 1], strides = [1, 1]} : vector<32x2xf32> to vector<32x1xf32>
    %slice3A_313 = vector.extract_strided_slice %select_n3A_311 {offsets = [0, 0], sizes = [32, 1], strides = [1, 1]} : vector<32x2xi32> to vector<32x1xi32>
    %slice3A_314 = vector.extract_strided_slice %select_n3A_310 {offsets = [0, 1], sizes = [32, 1], strides = [1, 1]} : vector<32x2xf32> to vector<32x1xf32>
    %slice3A_315 = vector.extract_strided_slice %select_n3A_311 {offsets = [0, 1], sizes = [32, 1], strides = [1, 1]} : vector<32x2xi32> to vector<32x1xi32>
    %lt3A_316 = arith.cmpf olt, %slice3A_314, %slice3A_312 : vector<32x1xf32>
    %eq3A_317 = arith.cmpf oeq, %slice3A_314, %slice3A_312 : vector<32x1xf32>
    %lt3A_318 = arith.cmpi slt, %slice3A_315, %slice3A_313 : vector<32x1xi32>
    %and3A_319 = arith.andi %eq3A_317, %lt3A_318 : vector<32x1xi1>
    %or3A_320 = arith.ori %lt3A_316, %and3A_319 : vector<32x1xi1>
    %select_n3A_321 = arith.select %or3A_320, %slice3A_314, %slice3A_312 : vector<32x1xi1>, vector<32x1xf32>
    %select_n3A_322 = arith.select %or3A_320, %slice3A_315, %slice3A_313 : vector<32x1xi1>, vector<32x1xi32>
    %swap3A_323 = arith.constant 0 : index
    %swap3A_324 = arith.constant 2 : index
    %swap3A_325 = vector.load %arg5[%swap3A_323, %swap3A_324] : memref<32x16xi32, #tpu.memory_space<vmem>>, vector<32x1xi32>
    tpu.vector_store %arg5[%swap3A_323, %swap3A_324], %select_n3A_322 {strides = array<i32>} : memref<32x16xi32, #tpu.memory_space<vmem>>, vector<32x1xi32>,
    %broadcast_in_dim3A_326 = vector.shape_cast %select_n3A_321 : vector<32x1xf32> to vector<32x1xf32>
    %broadcast_in_dim3A_327 = vector.broadcast %broadcast_in_dim3A_326 : vector<32x1xf32> to vector<32x128xf32>
    %broadcast_in_dim3A_328 = vector.shape_cast %select_n3A_322 : vector<32x1xi32> to vector<32x1xi32>
    %broadcast_in_dim3A_329 = vector.broadcast %broadcast_in_dim3A_328 : vector<32x1xi32> to vector<32x128xi32>
    %broadcast_in_dim3A_330 = arith.constant 0x7F800000 : f32
    %broadcast_in_dim3A_331 = vector.broadcast %broadcast_in_dim3A_330 : f32 to vector<32x128xf32>
    %broadcast_in_dim3A_332 = arith.constant 0 : i32
    %broadcast_in_dim3A_333 = vector.broadcast %broadcast_in_dim3A_332 : i32 to vector<32x128xi32>
    %scan3A_334 = arith.constant 0x7F800000 : f32
    %scan3A_335 = arith.constant 0 : i32
    %scan3A_336 = arith.constant 16 : i32
    %scan3A_337 = arith.addi %scan3A_335, %scan3A_336 : i32
    %scan3A_338 = arith.constant 1 : i32
    %scan3A_339:4 = scf.for %scan3A_1651 = %scan3A_335 to %scan3A_337 step %scan3A_338 iter_args(%scan3A_1652 = %broadcast_in_dim3A_331, %scan3A_1653 = %broadcast_in_dim3A_333, %scan3A_1654 = %broadcast_in_dim3A_331, %scan3A_1655 = %broadcast_in_dim3A_333) -> (vector<32x128xf32>, vector<32x128xi32>, vector<32x128xf32>, vector<32x128xi32>)  : i32 {
      %mul3A = arith.constant 8 : i32
      %mul3A_1656 = arith.muli %scan3A_1651, %mul3A : i32
      %add3A = arith.constant 0 : i32
      %add3A_1657 = arith.addi %mul3A_1656, %add3A : i32
      %mul3A_1658 = arith.constant 128 : i32
      %mul3A_1659 = arith.muli %add3A_1657, %mul3A_1658 : i32
      %get3A_1660 = arith.constant 0 : index
      %get3A_1661 = arith.index_cast %mul3A_1659 : i32 to index
      %get3A_1662 = vector.load %arg6[%get3A_1660, %get3A_1661] : memref<32x16384xf32, #tpu.memory_space<vmem>>, vector<32x128xf32>
      %add3A_1663 = vector.broadcast %mul3A_1659 : i32 to vector<32x128xi32>
      %add3A_1664 = arith.addi %iota3A, %add3A_1663 : vector<32x128xi32>
      %gt3A = arith.cmpf ogt, %get3A_1662, %broadcast_in_dim3A_327 : vector<32x128xf32>
      %eq3A_1665 = arith.cmpf oeq, %get3A_1662, %broadcast_in_dim3A_327 : vector<32x128xf32>
      %gt3A_1666 = arith.cmpi sgt, %add3A_1664, %broadcast_in_dim3A_329 : vector<32x128xi32>
      %and3A_1667 = arith.andi %eq3A_1665, %gt3A_1666 : vector<32x128xi1>
      %or3A_1668 = arith.ori %gt3A, %and3A_1667 : vector<32x128xi1>
      %broadcast_in_dim3A_1669 = vector.broadcast %scan3A_334 : f32 to vector<32x128xf32>
      %select_n3A_1670 = arith.select %or3A_1668, %get3A_1662, %broadcast_in_dim3A_1669 : vector<32x128xi1>, vector<32x128xf32>
      %lt3A_1671 = arith.cmpf olt, %select_n3A_1670, %scan3A_1652 : vector<32x128xf32>
      %select_n3A_1672 = arith.select %lt3A_1671, %add3A_1664, %scan3A_1653 : vector<32x128xi1>, vector<32x128xi32>
      %min3A = arith.minimumf %scan3A_1652, %select_n3A_1670 : vector<32x128xf32>
      %mul3A_1673 = arith.constant 8 : i32
      %mul3A_1674 = arith.muli %scan3A_1651, %mul3A_1673 : i32
      %add3A_1675 = arith.constant 1 : i32
      %add3A_1676 = arith.addi %mul3A_1674, %add3A_1675 : i32
      %mul3A_1677 = arith.constant 128 : i32
      %mul3A_1678 = arith.muli %add3A_1676, %mul3A_1677 : i32
      %get3A_1679 = arith.constant 0 : index
      %get3A_1680 = arith.index_cast %mul3A_1678 : i32 to index
      %get3A_1681 = vector.load %arg6[%get3A_1679, %get3A_1680] : memref<32x16384xf32, #tpu.memory_space<vmem>>, vector<32x128xf32>
      %add3A_1682 = vector.broadcast %mul3A_1678 : i32 to vector<32x128xi32>
      %add3A_1683 = arith.addi %iota3A, %add3A_1682 : vector<32x128xi32>
      %gt3A_1684 = arith.cmpf ogt, %get3A_1681, %broadcast_in_dim3A_327 : vector<32x128xf32>
      %eq3A_1685 = arith.cmpf oeq, %get3A_1681, %broadcast_in_dim3A_327 : vector<32x128xf32>
      %gt3A_1686 = arith.cmpi sgt, %add3A_1683, %broadcast_in_dim3A_329 : vector<32x128xi32>
      %and3A_1687 = arith.andi %eq3A_1685, %gt3A_1686 : vector<32x128xi1>
      %or3A_1688 = arith.ori %gt3A_1684, %and3A_1687 : vector<32x128xi1>
      %broadcast_in_dim3A_1689 = vector.broadcast %scan3A_334 : f32 to vector<32x128xf32>
      %select_n3A_1690 = arith.select %or3A_1688, %get3A_1681, %broadcast_in_dim3A_1689 : vector<32x128xi1>, vector<32x128xf32>
      %lt3A_1691 = arith.cmpf olt, %select_n3A_1690, %scan3A_1654 : vector<32x128xf32>
      %select_n3A_1692 = arith.select %lt3A_1691, %add3A_1683, %scan3A_1655 : vector<32x128xi1>, vector<32x128xi32>
      %min3A_1693 = arith.minimumf %scan3A_1654, %select_n3A_1690 : vector<32x128xf32>
      %mul3A_1694 = arith.constant 8 : i32
      %mul3A_1695 = arith.muli %scan3A_1651, %mul3A_1694 : i32
      %add3A_1696 = arith.constant 2 : i32
      %add3A_1697 = arith.addi %mul3A_1695, %add3A_1696 : i32
      %mul3A_1698 = arith.constant 128 : i32
      %mul3A_1699 = arith.muli %add3A_1697, %mul3A_1698 : i32
      %get3A_1700 = arith.constant 0 : index
      %get3A_1701 = arith.index_cast %mul3A_1699 : i32 to index
      %get3A_1702 = vector.load %arg6[%get3A_1700, %get3A_1701] : memref<32x16384xf32, #tpu.memory_space<vmem>>, vector<32x128xf32>
      %add3A_1703 = vector.broadcast %mul3A_1699 : i32 to vector<32x128xi32>
      %add3A_1704 = arith.addi %iota3A, %add3A_1703 : vector<32x128xi32>
      %gt3A_1705 = arith.cmpf ogt, %get3A_1702, %broadcast_in_dim3A_327 : vector<32x128xf32>
      %eq3A_1706 = arith.cmpf oeq, %get3A_1702, %broadcast_in_dim3A_327 : vector<32x128xf32>
      %gt3A_1707 = arith.cmpi sgt, %add3A_1704, %broadcast_in_dim3A_329 : vector<32x128xi32>
      %and3A_1708 = arith.andi %eq3A_1706, %gt3A_1707 : vector<32x128xi1>
      %or3A_1709 = arith.ori %gt3A_1705, %and3A_1708 : vector<32x128xi1>
      %broadcast_in_dim3A_1710 = vector.broadcast %scan3A_334 : f32 to vector<32x128xf32>
      %select_n3A_1711 = arith.select %or3A_1709, %get3A_1702, %broadcast_in_dim3A_1710 : vector<32x128xi1>, vector<32x128xf32>
      %lt3A_1712 = arith.cmpf olt, %select_n3A_1711, %min3A : vector<32x128xf32>
      %select_n3A_1713 = arith.select %lt3A_1712, %add3A_1704, %select_n3A_1672 : vector<32x128xi1>, vector<32x128xi32>
      %min3A_1714 = arith.minimumf %min3A, %select_n3A_1711 : vector<32x128xf32>
      %mul3A_1715 = arith.constant 8 : i32
      %mul3A_1716 = arith.muli %scan3A_1651, %mul3A_1715 : i32
      %add3A_1717 = arith.constant 3 : i32
      %add3A_1718 = arith.addi %mul3A_1716, %add3A_1717 : i32
      %mul3A_1719 = arith.constant 128 : i32
      %mul3A_1720 = arith.muli %add3A_1718, %mul3A_1719 : i32
      %get3A_1721 = arith.constant 0 : index
      %get3A_1722 = arith.index_cast %mul3A_1720 : i32 to index
      %get3A_1723 = vector.load %arg6[%get3A_1721, %get3A_1722] : memref<32x16384xf32, #tpu.memory_space<vmem>>, vector<32x128xf32>
      %add3A_1724 = vector.broadcast %mul3A_1720 : i32 to vector<32x128xi32>
      %add3A_1725 = arith.addi %iota3A, %add3A_1724 : vector<32x128xi32>
      %gt3A_1726 = arith.cmpf ogt, %get3A_1723, %broadcast_in_dim3A_327 : vector<32x128xf32>
      %eq3A_1727 = arith.cmpf oeq, %get3A_1723, %broadcast_in_dim3A_327 : vector<32x128xf32>
      %gt3A_1728 = arith.cmpi sgt, %add3A_1725, %broadcast_in_dim3A_329 : vector<32x128xi32>
      %and3A_1729 = arith.andi %eq3A_1727, %gt3A_1728 : vector<32x128xi1>
      %or3A_1730 = arith.ori %gt3A_1726, %and3A_1729 : vector<32x128xi1>
      %broadcast_in_dim3A_1731 = vector.broadcast %scan3A_334 : f32 to vector<32x128xf32>
      %select_n3A_1732 = arith.select %or3A_1730, %get3A_1723, %broadcast_in_dim3A_1731 : vector<32x128xi1>, vector<32x128xf32>
      %lt3A_1733 = arith.cmpf olt, %select_n3A_1732, %min3A_1693 : vector<32x128xf32>
      %select_n3A_1734 = arith.select %lt3A_1733, %add3A_1725, %select_n3A_1692 : vector<32x128xi1>, vector<32x128xi32>
      %min3A_1735 = arith.minimumf %min3A_1693, %select_n3A_1732 : vector<32x128xf32>
      %mul3A_1736 = arith.constant 8 : i32
      %mul3A_1737 = arith.muli %scan3A_1651, %mul3A_1736 : i32
      %add3A_1738 = arith.constant 4 : i32
      %add3A_1739 = arith.addi %mul3A_1737, %add3A_1738 : i32
      %mul3A_1740 = arith.constant 128 : i32
      %mul3A_1741 = arith.muli %add3A_1739, %mul3A_1740 : i32
      %get3A_1742 = arith.constant 0 : index
      %get3A_1743 = arith.index_cast %mul3A_1741 : i32 to index
      %get3A_1744 = vector.load %arg6[%get3A_1742, %get3A_1743] : memref<32x16384xf32, #tpu.memory_space<vmem>>, vector<32x128xf32>
      %add3A_1745 = vector.broadcast %mul3A_1741 : i32 to vector<32x128xi32>
      %add3A_1746 = arith.addi %iota3A, %add3A_1745 : vector<32x128xi32>
      %gt3A_1747 = arith.cmpf ogt, %get3A_1744, %broadcast_in_dim3A_327 : vector<32x128xf32>
      %eq3A_1748 = arith.cmpf oeq, %get3A_1744, %broadcast_in_dim3A_327 : vector<32x128xf32>
      %gt3A_1749 = arith.cmpi sgt, %add3A_1746, %broadcast_in_dim3A_329 : vector<32x128xi32>
      %and3A_1750 = arith.andi %eq3A_1748, %gt3A_1749 : vector<32x128xi1>
      %or3A_1751 = arith.ori %gt3A_1747, %and3A_1750 : vector<32x128xi1>
      %broadcast_in_dim3A_1752 = vector.broadcast %scan3A_334 : f32 to vector<32x128xf32>
      %select_n3A_1753 = arith.select %or3A_1751, %get3A_1744, %broadcast_in_dim3A_1752 : vector<32x128xi1>, vector<32x128xf32>
      %lt3A_1754 = arith.cmpf olt, %select_n3A_1753, %min3A_1714 : vector<32x128xf32>
      %select_n3A_1755 = arith.select %lt3A_1754, %add3A_1746, %select_n3A_1713 : vector<32x128xi1>, vector<32x128xi32>
      %min3A_1756 = arith.minimumf %min3A_1714, %select_n3A_1753 : vector<32x128xf32>
      %mul3A_1757 = arith.constant 8 : i32
      %mul3A_1758 = arith.muli %scan3A_1651, %mul3A_1757 : i32
      %add3A_1759 = arith.constant 5 : i32
      %add3A_1760 = arith.addi %mul3A_1758, %add3A_1759 : i32
      %mul3A_1761 = arith.constant 128 : i32
      %mul3A_1762 = arith.muli %add3A_1760, %mul3A_1761 : i32
      %get3A_1763 = arith.constant 0 : index
      %get3A_1764 = arith.index_cast %mul3A_1762 : i32 to index
      %get3A_1765 = vector.load %arg6[%get3A_1763, %get3A_1764] : memref<32x16384xf32, #tpu.memory_space<vmem>>, vector<32x128xf32>
      %add3A_1766 = vector.broadcast %mul3A_1762 : i32 to vector<32x128xi32>
      %add3A_1767 = arith.addi %iota3A, %add3A_1766 : vector<32x128xi32>
      %gt3A_1768 = arith.cmpf ogt, %get3A_1765, %broadcast_in_dim3A_327 : vector<32x128xf32>
      %eq3A_1769 = arith.cmpf oeq, %get3A_1765, %broadcast_in_dim3A_327 : vector<32x128xf32>
      %gt3A_1770 = arith.cmpi sgt, %add3A_1767, %broadcast_in_dim3A_329 : vector<32x128xi32>
      %and3A_1771 = arith.andi %eq3A_1769, %gt3A_1770 : vector<32x128xi1>
      %or3A_1772 = arith.ori %gt3A_1768, %and3A_1771 : vector<32x128xi1>
      %broadcast_in_dim3A_1773 = vector.broadcast %scan3A_334 : f32 to vector<32x128xf32>
      %select_n3A_1774 = arith.select %or3A_1772, %get3A_1765, %broadcast_in_dim3A_1773 : vector<32x128xi1>, vector<32x128xf32>
      %lt3A_1775 = arith.cmpf olt, %select_n3A_1774, %min3A_1735 : vector<32x128xf32>
      %select_n3A_1776 = arith.select %lt3A_1775, %add3A_1767, %select_n3A_1734 : vector<32x128xi1>, vector<32x128xi32>
      %min3A_1777 = arith.minimumf %min3A_1735, %select_n3A_1774 : vector<32x128xf32>
      %mul3A_1778 = arith.constant 8 : i32
      %mul3A_1779 = arith.muli %scan3A_1651, %mul3A_1778 : i32
      %add3A_1780 = arith.constant 6 : i32
      %add3A_1781 = arith.addi %mul3A_1779, %add3A_1780 : i32
      %mul3A_1782 = arith.constant 128 : i32
      %mul3A_1783 = arith.muli %add3A_1781, %mul3A_1782 : i32
      %get3A_1784 = arith.constant 0 : index
      %get3A_1785 = arith.index_cast %mul3A_1783 : i32 to index
      %get3A_1786 = vector.load %arg6[%get3A_1784, %get3A_1785] : memref<32x16384xf32, #tpu.memory_space<vmem>>, vector<32x128xf32>
      %add3A_1787 = vector.broadcast %mul3A_1783 : i32 to vector<32x128xi32>
      %add3A_1788 = arith.addi %iota3A, %add3A_1787 : vector<32x128xi32>
      %gt3A_1789 = arith.cmpf ogt, %get3A_1786, %broadcast_in_dim3A_327 : vector<32x128xf32>
      %eq3A_1790 = arith.cmpf oeq, %get3A_1786, %broadcast_in_dim3A_327 : vector<32x128xf32>
      %gt3A_1791 = arith.cmpi sgt, %add3A_1788, %broadcast_in_dim3A_329 : vector<32x128xi32>
      %and3A_1792 = arith.andi %eq3A_1790, %gt3A_1791 : vector<32x128xi1>
      %or3A_1793 = arith.ori %gt3A_1789, %and3A_1792 : vector<32x128xi1>
      %broadcast_in_dim3A_1794 = vector.broadcast %scan3A_334 : f32 to vector<32x128xf32>
      %select_n3A_1795 = arith.select %or3A_1793, %get3A_1786, %broadcast_in_dim3A_1794 : vector<32x128xi1>, vector<32x128xf32>
      %lt3A_1796 = arith.cmpf olt, %select_n3A_1795, %min3A_1756 : vector<32x128xf32>
      %select_n3A_1797 = arith.select %lt3A_1796, %add3A_1788, %select_n3A_1755 : vector<32x128xi1>, vector<32x128xi32>
      %min3A_1798 = arith.minimumf %min3A_1756, %select_n3A_1795 : vector<32x128xf32>
      %mul3A_1799 = arith.constant 8 : i32
      %mul3A_1800 = arith.muli %scan3A_1651, %mul3A_1799 : i32
      %add3A_1801 = arith.constant 7 : i32
      %add3A_1802 = arith.addi %mul3A_1800, %add3A_1801 : i32
      %mul3A_1803 = arith.constant 128 : i32
      %mul3A_1804 = arith.muli %add3A_1802, %mul3A_1803 : i32
      %get3A_1805 = arith.constant 0 : index
      %get3A_1806 = arith.index_cast %mul3A_1804 : i32 to index
      %get3A_1807 = vector.load %arg6[%get3A_1805, %get3A_1806] : memref<32x16384xf32, #tpu.memory_space<vmem>>, vector<32x128xf32>
      %add3A_1808 = vector.broadcast %mul3A_1804 : i32 to vector<32x128xi32>
      %add3A_1809 = arith.addi %iota3A, %add3A_1808 : vector<32x128xi32>
      %gt3A_1810 = arith.cmpf ogt, %get3A_1807, %broadcast_in_dim3A_327 : vector<32x128xf32>
      %eq3A_1811 = arith.cmpf oeq, %get3A_1807, %broadcast_in_dim3A_327 : vector<32x128xf32>
      %gt3A_1812 = arith.cmpi sgt, %add3A_1809, %broadcast_in_dim3A_329 : vector<32x128xi32>
      %and3A_1813 = arith.andi %eq3A_1811, %gt3A_1812 : vector<32x128xi1>
      %or3A_1814 = arith.ori %gt3A_1810, %and3A_1813 : vector<32x128xi1>
      %broadcast_in_dim3A_1815 = vector.broadcast %scan3A_334 : f32 to vector<32x128xf32>
      %select_n3A_1816 = arith.select %or3A_1814, %get3A_1807, %broadcast_in_dim3A_1815 : vector<32x128xi1>, vector<32x128xf32>
      %lt3A_1817 = arith.cmpf olt, %select_n3A_1816, %min3A_1777 : vector<32x128xf32>
      %select_n3A_1818 = arith.select %lt3A_1817, %add3A_1809, %select_n3A_1776 : vector<32x128xi1>, vector<32x128xi32>
      %min3A_1819 = arith.minimumf %min3A_1777, %select_n3A_1816 : vector<32x128xf32>
      scf.yield %min3A_1798, %select_n3A_1797, %min3A_1819, %select_n3A_1818 : vector<32x128xf32>, vector<32x128xi32>, vector<32x128xf32>, vector<32x128xi32>
    }
    %scan3A_340 = arith.constant 16 : i32
    %lt3A_341 = arith.cmpf olt, %scan3A_339#2, %scan3A_339#0 : vector<32x128xf32>
    %eq3A_342 = arith.cmpf oeq, %scan3A_339#2, %scan3A_339#0 : vector<32x128xf32>
    %lt3A_343 = arith.cmpi slt, %scan3A_339#3, %scan3A_339#1 : vector<32x128xi32>
    %and3A_344 = arith.andi %eq3A_342, %lt3A_343 : vector<32x128xi1>
    %or3A_345 = arith.ori %lt3A_341, %and3A_344 : vector<32x128xi1>
    %select_n3A_346 = arith.select %or3A_345, %scan3A_339#2, %scan3A_339#0 : vector<32x128xi1>, vector<32x128xf32>
    %select_n3A_347 = arith.select %or3A_345, %scan3A_339#3, %scan3A_339#1 : vector<32x128xi1>, vector<32x128xi32>
    %slice3A_348 = vector.extract_strided_slice %select_n3A_346 {offsets = [0, 0], sizes = [32, 64], strides = [1, 1]} : vector<32x128xf32> to vector<32x64xf32>
    %slice3A_349 = vector.extract_strided_slice %select_n3A_347 {offsets = [0, 0], sizes = [32, 64], strides = [1, 1]} : vector<32x128xi32> to vector<32x64xi32>
    %slice3A_350 = vector.extract_strided_slice %select_n3A_346 {offsets = [0, 64], sizes = [32, 64], strides = [1, 1]} : vector<32x128xf32> to vector<32x64xf32>
    %slice3A_351 = vector.extract_strided_slice %select_n3A_347 {offsets = [0, 64], sizes = [32, 64], strides = [1, 1]} : vector<32x128xi32> to vector<32x64xi32>
    %lt3A_352 = arith.cmpf olt, %slice3A_350, %slice3A_348 : vector<32x64xf32>
    %eq3A_353 = arith.cmpf oeq, %slice3A_350, %slice3A_348 : vector<32x64xf32>
    %lt3A_354 = arith.cmpi slt, %slice3A_351, %slice3A_349 : vector<32x64xi32>
    %and3A_355 = arith.andi %eq3A_353, %lt3A_354 : vector<32x64xi1>
    %or3A_356 = arith.ori %lt3A_352, %and3A_355 : vector<32x64xi1>
    %select_n3A_357 = arith.select %or3A_356, %slice3A_350, %slice3A_348 : vector<32x64xi1>, vector<32x64xf32>
    %select_n3A_358 = arith.select %or3A_356, %slice3A_351, %slice3A_349 : vector<32x64xi1>, vector<32x64xi32>
    %slice3A_359 = vector.extract_strided_slice %select_n3A_357 {offsets = [0, 0], sizes = [32, 32], strides = [1, 1]} : vector<32x64xf32> to vector<32x32xf32>
    %slice3A_360 = vector.extract_strided_slice %select_n3A_358 {offsets = [0, 0], sizes = [32, 32], strides = [1, 1]} : vector<32x64xi32> to vector<32x32xi32>
    %slice3A_361 = vector.extract_strided_slice %select_n3A_357 {offsets = [0, 32], sizes = [32, 32], strides = [1, 1]} : vector<32x64xf32> to vector<32x32xf32>
    %slice3A_362 = vector.extract_strided_slice %select_n3A_358 {offsets = [0, 32], sizes = [32, 32], strides = [1, 1]} : vector<32x64xi32> to vector<32x32xi32>
    %lt3A_363 = arith.cmpf olt, %slice3A_361, %slice3A_359 : vector<32x32xf32>
    %eq3A_364 = arith.cmpf oeq, %slice3A_361, %slice3A_359 : vector<32x32xf32>
    %lt3A_365 = arith.cmpi slt, %slice3A_362, %slice3A_360 : vector<32x32xi32>
    %and3A_366 = arith.andi %eq3A_364, %lt3A_365 : vector<32x32xi1>
    %or3A_367 = arith.ori %lt3A_363, %and3A_366 : vector<32x32xi1>
    %select_n3A_368 = arith.select %or3A_367, %slice3A_361, %slice3A_359 : vector<32x32xi1>, vector<32x32xf32>
    %select_n3A_369 = arith.select %or3A_367, %slice3A_362, %slice3A_360 : vector<32x32xi1>, vector<32x32xi32>
    %slice3A_370 = vector.extract_strided_slice %select_n3A_368 {offsets = [0, 0], sizes = [32, 16], strides = [1, 1]} : vector<32x32xf32> to vector<32x16xf32>
    %slice3A_371 = vector.extract_strided_slice %select_n3A_369 {offsets = [0, 0], sizes = [32, 16], strides = [1, 1]} : vector<32x32xi32> to vector<32x16xi32>
    %slice3A_372 = vector.extract_strided_slice %select_n3A_368 {offsets = [0, 16], sizes = [32, 16], strides = [1, 1]} : vector<32x32xf32> to vector<32x16xf32>
    %slice3A_373 = vector.extract_strided_slice %select_n3A_369 {offsets = [0, 16], sizes = [32, 16], strides = [1, 1]} : vector<32x32xi32> to vector<32x16xi32>
    %lt3A_374 = arith.cmpf olt, %slice3A_372, %slice3A_370 : vector<32x16xf32>
    %eq3A_375 = arith.cmpf oeq, %slice3A_372, %slice3A_370 : vector<32x16xf32>
    %lt3A_376 = arith.cmpi slt, %slice3A_373, %slice3A_371 : vector<32x16xi32>
    %and3A_377 = arith.andi %eq3A_375, %lt3A_376 : vector<32x16xi1>
    %or3A_378 = arith.ori %lt3A_374, %and3A_377 : vector<32x16xi1>
    %select_n3A_379 = arith.select %or3A_378, %slice3A_372, %slice3A_370 : vector<32x16xi1>, vector<32x16xf32>
    %select_n3A_380 = arith.select %or3A_378, %slice3A_373, %slice3A_371 : vector<32x16xi1>, vector<32x16xi32>
    %slice3A_381 = vector.extract_strided_slice %select_n3A_379 {offsets = [0, 0], sizes = [32, 8], strides = [1, 1]} : vector<32x16xf32> to vector<32x8xf32>
    %slice3A_382 = vector.extract_strided_slice %select_n3A_380 {offsets = [0, 0], sizes = [32, 8], strides = [1, 1]} : vector<32x16xi32> to vector<32x8xi32>
    %slice3A_383 = vector.extract_strided_slice %select_n3A_379 {offsets = [0, 8], sizes = [32, 8], strides = [1, 1]} : vector<32x16xf32> to vector<32x8xf32>
    %slice3A_384 = vector.extract_strided_slice %select_n3A_380 {offsets = [0, 8], sizes = [32, 8], strides = [1, 1]} : vector<32x16xi32> to vector<32x8xi32>
    %lt3A_385 = arith.cmpf olt, %slice3A_383, %slice3A_381 : vector<32x8xf32>
    %eq3A_386 = arith.cmpf oeq, %slice3A_383, %slice3A_381 : vector<32x8xf32>
    %lt3A_387 = arith.cmpi slt, %slice3A_384, %slice3A_382 : vector<32x8xi32>
    %and3A_388 = arith.andi %eq3A_386, %lt3A_387 : vector<32x8xi1>
    %or3A_389 = arith.ori %lt3A_385, %and3A_388 : vector<32x8xi1>
    %select_n3A_390 = arith.select %or3A_389, %slice3A_383, %slice3A_381 : vector<32x8xi1>, vector<32x8xf32>
    %select_n3A_391 = arith.select %or3A_389, %slice3A_384, %slice3A_382 : vector<32x8xi1>, vector<32x8xi32>
    %slice3A_392 = vector.extract_strided_slice %select_n3A_390 {offsets = [0, 0], sizes = [32, 4], strides = [1, 1]} : vector<32x8xf32> to vector<32x4xf32>
    %slice3A_393 = vector.extract_strided_slice %select_n3A_391 {offsets = [0, 0], sizes = [32, 4], strides = [1, 1]} : vector<32x8xi32> to vector<32x4xi32>
    %slice3A_394 = vector.extract_strided_slice %select_n3A_390 {offsets = [0, 4], sizes = [32, 4], strides = [1, 1]} : vector<32x8xf32> to vector<32x4xf32>
    %slice3A_395 = vector.extract_strided_slice %select_n3A_391 {offsets = [0, 4], sizes = [32, 4], strides = [1, 1]} : vector<32x8xi32> to vector<32x4xi32>
    %lt3A_396 = arith.cmpf olt, %slice3A_394, %slice3A_392 : vector<32x4xf32>
    %eq3A_397 = arith.cmpf oeq, %slice3A_394, %slice3A_392 : vector<32x4xf32>
    %lt3A_398 = arith.cmpi slt, %slice3A_395, %slice3A_393 : vector<32x4xi32>
    %and3A_399 = arith.andi %eq3A_397, %lt3A_398 : vector<32x4xi1>
    %or3A_400 = arith.ori %lt3A_396, %and3A_399 : vector<32x4xi1>
    %select_n3A_401 = arith.select %or3A_400, %slice3A_394, %slice3A_392 : vector<32x4xi1>, vector<32x4xf32>
    %select_n3A_402 = arith.select %or3A_400, %slice3A_395, %slice3A_393 : vector<32x4xi1>, vector<32x4xi32>
    %slice3A_403 = vector.extract_strided_slice %select_n3A_401 {offsets = [0, 0], sizes = [32, 2], strides = [1, 1]} : vector<32x4xf32> to vector<32x2xf32>
    %slice3A_404 = vector.extract_strided_slice %select_n3A_402 {offsets = [0, 0], sizes = [32, 2], strides = [1, 1]} : vector<32x4xi32> to vector<32x2xi32>
    %slice3A_405 = vector.extract_strided_slice %select_n3A_401 {offsets = [0, 2], sizes = [32, 2], strides = [1, 1]} : vector<32x4xf32> to vector<32x2xf32>
    %slice3A_406 = vector.extract_strided_slice %select_n3A_402 {offsets = [0, 2], sizes = [32, 2], strides = [1, 1]} : vector<32x4xi32> to vector<32x2xi32>
    %lt3A_407 = arith.cmpf olt, %slice3A_405, %slice3A_403 : vector<32x2xf32>
    %eq3A_408 = arith.cmpf oeq, %slice3A_405, %slice3A_403 : vector<32x2xf32>
    %lt3A_409 = arith.cmpi slt, %slice3A_406, %slice3A_404 : vector<32x2xi32>
    %and3A_410 = arith.andi %eq3A_408, %lt3A_409 : vector<32x2xi1>
    %or3A_411 = arith.ori %lt3A_407, %and3A_410 : vector<32x2xi1>
    %select_n3A_412 = arith.select %or3A_411, %slice3A_405, %slice3A_403 : vector<32x2xi1>, vector<32x2xf32>
    %select_n3A_413 = arith.select %or3A_411, %slice3A_406, %slice3A_404 : vector<32x2xi1>, vector<32x2xi32>
    %slice3A_414 = vector.extract_strided_slice %select_n3A_412 {offsets = [0, 0], sizes = [32, 1], strides = [1, 1]} : vector<32x2xf32> to vector<32x1xf32>
    %slice3A_415 = vector.extract_strided_slice %select_n3A_413 {offsets = [0, 0], sizes = [32, 1], strides = [1, 1]} : vector<32x2xi32> to vector<32x1xi32>
    %slice3A_416 = vector.extract_strided_slice %select_n3A_412 {offsets = [0, 1], sizes = [32, 1], strides = [1, 1]} : vector<32x2xf32> to vector<32x1xf32>
    %slice3A_417 = vector.extract_strided_slice %select_n3A_413 {offsets = [0, 1], sizes = [32, 1], strides = [1, 1]} : vector<32x2xi32> to vector<32x1xi32>
    %lt3A_418 = arith.cmpf olt, %slice3A_416, %slice3A_414 : vector<32x1xf32>
    %eq3A_419 = arith.cmpf oeq, %slice3A_416, %slice3A_414 : vector<32x1xf32>
    %lt3A_420 = arith.cmpi slt, %slice3A_417, %slice3A_415 : vector<32x1xi32>
    %and3A_421 = arith.andi %eq3A_419, %lt3A_420 : vector<32x1xi1>
    %or3A_422 = arith.ori %lt3A_418, %and3A_421 : vector<32x1xi1>
    %select_n3A_423 = arith.select %or3A_422, %slice3A_416, %slice3A_414 : vector<32x1xi1>, vector<32x1xf32>
    %select_n3A_424 = arith.select %or3A_422, %slice3A_417, %slice3A_415 : vector<32x1xi1>, vector<32x1xi32>
    %swap3A_425 = arith.constant 0 : index
    %swap3A_426 = arith.constant 3 : index
    %swap3A_427 = vector.load %arg5[%swap3A_425, %swap3A_426] : memref<32x16xi32, #tpu.memory_space<vmem>>, vector<32x1xi32>
    tpu.vector_store %arg5[%swap3A_425, %swap3A_426], %select_n3A_424 {strides = array<i32>} : memref<32x16xi32, #tpu.memory_space<vmem>>, vector<32x1xi32>,
    %broadcast_in_dim3A_428 = vector.shape_cast %select_n3A_423 : vector<32x1xf32> to vector<32x1xf32>
    %broadcast_in_dim3A_429 = vector.broadcast %broadcast_in_dim3A_428 : vector<32x1xf32> to vector<32x128xf32>
    %broadcast_in_dim3A_430 = vector.shape_cast %select_n3A_424 : vector<32x1xi32> to vector<32x1xi32>
    %broadcast_in_dim3A_431 = vector.broadcast %broadcast_in_dim3A_430 : vector<32x1xi32> to vector<32x128xi32>
    %broadcast_in_dim3A_432 = arith.constant 0x7F800000 : f32
    %broadcast_in_dim3A_433 = vector.broadcast %broadcast_in_dim3A_432 : f32 to vector<32x128xf32>
    %broadcast_in_dim3A_434 = arith.constant 0 : i32
    %broadcast_in_dim3A_435 = vector.broadcast %broadcast_in_dim3A_434 : i32 to vector<32x128xi32>
    %scan3A_436 = arith.constant 0x7F800000 : f32
    %scan3A_437 = arith.constant 0 : i32
    %scan3A_438 = arith.constant 16 : i32
    %scan3A_439 = arith.addi %scan3A_437, %scan3A_438 : i32
    %scan3A_440 = arith.constant 1 : i32
    %scan3A_441:4 = scf.for %scan3A_1651 = %scan3A_437 to %scan3A_439 step %scan3A_440 iter_args(%scan3A_1652 = %broadcast_in_dim3A_433, %scan3A_1653 = %broadcast_in_dim3A_435, %scan3A_1654 = %broadcast_in_dim3A_433, %scan3A_1655 = %broadcast_in_dim3A_435) -> (vector<32x128xf32>, vector<32x128xi32>, vector<32x128xf32>, vector<32x128xi32>)  : i32 {
      %mul3A = arith.constant 8 : i32
      %mul3A_1656 = arith.muli %scan3A_1651, %mul3A : i32
      %add3A = arith.constant 0 : i32
      %add3A_1657 = arith.addi %mul3A_1656, %add3A : i32
      %mul3A_1658 = arith.constant 128 : i32
      %mul3A_1659 = arith.muli %add3A_1657, %mul3A_1658 : i32
      %get3A_1660 = arith.constant 0 : index
      %get3A_1661 = arith.index_cast %mul3A_1659 : i32 to index
      %get3A_1662 = vector.load %arg6[%get3A_1660, %get3A_1661] : memref<32x16384xf32, #tpu.memory_space<vmem>>, vector<32x128xf32>
      %add3A_1663 = vector.broadcast %mul3A_1659 : i32 to vector<32x128xi32>
      %add3A_1664 = arith.addi %iota3A, %add3A_1663 : vector<32x128xi32>
      %gt3A = arith.cmpf ogt, %get3A_1662, %broadcast_in_dim3A_429 : vector<32x128xf32>
      %eq3A_1665 = arith.cmpf oeq, %get3A_1662, %broadcast_in_dim3A_429 : vector<32x128xf32>
      %gt3A_1666 = arith.cmpi sgt, %add3A_1664, %broadcast_in_dim3A_431 : vector<32x128xi32>
      %and3A_1667 = arith.andi %eq3A_1665, %gt3A_1666 : vector<32x128xi1>
      %or3A_1668 = arith.ori %gt3A, %and3A_1667 : vector<32x128xi1>
      %broadcast_in_dim3A_1669 = vector.broadcast %scan3A_436 : f32 to vector<32x128xf32>
      %select_n3A_1670 = arith.select %or3A_1668, %get3A_1662, %broadcast_in_dim3A_1669 : vector<32x128xi1>, vector<32x128xf32>
      %lt3A_1671 = arith.cmpf olt, %select_n3A_1670, %scan3A_1652 : vector<32x128xf32>
      %select_n3A_1672 = arith.select %lt3A_1671, %add3A_1664, %scan3A_1653 : vector<32x128xi1>, vector<32x128xi32>
      %min3A = arith.minimumf %scan3A_1652, %select_n3A_1670 : vector<32x128xf32>
      %mul3A_1673 = arith.constant 8 : i32
      %mul3A_1674 = arith.muli %scan3A_1651, %mul3A_1673 : i32
      %add3A_1675 = arith.constant 1 : i32
      %add3A_1676 = arith.addi %mul3A_1674, %add3A_1675 : i32
      %mul3A_1677 = arith.constant 128 : i32
      %mul3A_1678 = arith.muli %add3A_1676, %mul3A_1677 : i32
      %get3A_1679 = arith.constant 0 : index
      %get3A_1680 = arith.index_cast %mul3A_1678 : i32 to index
      %get3A_1681 = vector.load %arg6[%get3A_1679, %get3A_1680] : memref<32x16384xf32, #tpu.memory_space<vmem>>, vector<32x128xf32>
      %add3A_1682 = vector.broadcast %mul3A_1678 : i32 to vector<32x128xi32>
      %add3A_1683 = arith.addi %iota3A, %add3A_1682 : vector<32x128xi32>
      %gt3A_1684 = arith.cmpf ogt, %get3A_1681, %broadcast_in_dim3A_429 : vector<32x128xf32>
      %eq3A_1685 = arith.cmpf oeq, %get3A_1681, %broadcast_in_dim3A_429 : vector<32x128xf32>
      %gt3A_1686 = arith.cmpi sgt, %add3A_1683, %broadcast_in_dim3A_431 : vector<32x128xi32>
      %and3A_1687 = arith.andi %eq3A_1685, %gt3A_1686 : vector<32x128xi1>
      %or3A_1688 = arith.ori %gt3A_1684, %and3A_1687 : vector<32x128xi1>
      %broadcast_in_dim3A_1689 = vector.broadcast %scan3A_436 : f32 to vector<32x128xf32>
      %select_n3A_1690 = arith.select %or3A_1688, %get3A_1681, %broadcast_in_dim3A_1689 : vector<32x128xi1>, vector<32x128xf32>
      %lt3A_1691 = arith.cmpf olt, %select_n3A_1690, %scan3A_1654 : vector<32x128xf32>
      %select_n3A_1692 = arith.select %lt3A_1691, %add3A_1683, %scan3A_1655 : vector<32x128xi1>, vector<32x128xi32>
      %min3A_1693 = arith.minimumf %scan3A_1654, %select_n3A_1690 : vector<32x128xf32>
      %mul3A_1694 = arith.constant 8 : i32
      %mul3A_1695 = arith.muli %scan3A_1651, %mul3A_1694 : i32
      %add3A_1696 = arith.constant 2 : i32
      %add3A_1697 = arith.addi %mul3A_1695, %add3A_1696 : i32
      %mul3A_1698 = arith.constant 128 : i32
      %mul3A_1699 = arith.muli %add3A_1697, %mul3A_1698 : i32
      %get3A_1700 = arith.constant 0 : index
      %get3A_1701 = arith.index_cast %mul3A_1699 : i32 to index
      %get3A_1702 = vector.load %arg6[%get3A_1700, %get3A_1701] : memref<32x16384xf32, #tpu.memory_space<vmem>>, vector<32x128xf32>
      %add3A_1703 = vector.broadcast %mul3A_1699 : i32 to vector<32x128xi32>
      %add3A_1704 = arith.addi %iota3A, %add3A_1703 : vector<32x128xi32>
      %gt3A_1705 = arith.cmpf ogt, %get3A_1702, %broadcast_in_dim3A_429 : vector<32x128xf32>
      %eq3A_1706 = arith.cmpf oeq, %get3A_1702, %broadcast_in_dim3A_429 : vector<32x128xf32>
      %gt3A_1707 = arith.cmpi sgt, %add3A_1704, %broadcast_in_dim3A_431 : vector<32x128xi32>
      %and3A_1708 = arith.andi %eq3A_1706, %gt3A_1707 : vector<32x128xi1>
      %or3A_1709 = arith.ori %gt3A_1705, %and3A_1708 : vector<32x128xi1>
      %broadcast_in_dim3A_1710 = vector.broadcast %scan3A_436 : f32 to vector<32x128xf32>
      %select_n3A_1711 = arith.select %or3A_1709, %get3A_1702, %broadcast_in_dim3A_1710 : vector<32x128xi1>, vector<32x128xf32>
      %lt3A_1712 = arith.cmpf olt, %select_n3A_1711, %min3A : vector<32x128xf32>
      %select_n3A_1713 = arith.select %lt3A_1712, %add3A_1704, %select_n3A_1672 : vector<32x128xi1>, vector<32x128xi32>
      %min3A_1714 = arith.minimumf %min3A, %select_n3A_1711 : vector<32x128xf32>
      %mul3A_1715 = arith.constant 8 : i32
      %mul3A_1716 = arith.muli %scan3A_1651, %mul3A_1715 : i32
      %add3A_1717 = arith.constant 3 : i32
      %add3A_1718 = arith.addi %mul3A_1716, %add3A_1717 : i32
      %mul3A_1719 = arith.constant 128 : i32
      %mul3A_1720 = arith.muli %add3A_1718, %mul3A_1719 : i32
      %get3A_1721 = arith.constant 0 : index
      %get3A_1722 = arith.index_cast %mul3A_1720 : i32 to index
      %get3A_1723 = vector.load %arg6[%get3A_1721, %get3A_1722] : memref<32x16384xf32, #tpu.memory_space<vmem>>, vector<32x128xf32>
      %add3A_1724 = vector.broadcast %mul3A_1720 : i32 to vector<32x128xi32>
      %add3A_1725 = arith.addi %iota3A, %add3A_1724 : vector<32x128xi32>
      %gt3A_1726 = arith.cmpf ogt, %get3A_1723, %broadcast_in_dim3A_429 : vector<32x128xf32>
      %eq3A_1727 = arith.cmpf oeq, %get3A_1723, %broadcast_in_dim3A_429 : vector<32x128xf32>
      %gt3A_1728 = arith.cmpi sgt, %add3A_1725, %broadcast_in_dim3A_431 : vector<32x128xi32>
      %and3A_1729 = arith.andi %eq3A_1727, %gt3A_1728 : vector<32x128xi1>
      %or3A_1730 = arith.ori %gt3A_1726, %and3A_1729 : vector<32x128xi1>
      %broadcast_in_dim3A_1731 = vector.broadcast %scan3A_436 : f32 to vector<32x128xf32>
      %select_n3A_1732 = arith.select %or3A_1730, %get3A_1723, %broadcast_in_dim3A_1731 : vector<32x128xi1>, vector<32x128xf32>
      %lt3A_1733 = arith.cmpf olt, %select_n3A_1732, %min3A_1693 : vector<32x128xf32>
      %select_n3A_1734 = arith.select %lt3A_1733, %add3A_1725, %select_n3A_1692 : vector<32x128xi1>, vector<32x128xi32>
      %min3A_1735 = arith.minimumf %min3A_1693, %select_n3A_1732 : vector<32x128xf32>
      %mul3A_1736 = arith.constant 8 : i32
      %mul3A_1737 = arith.muli %scan3A_1651, %mul3A_1736 : i32
      %add3A_1738 = arith.constant 4 : i32
      %add3A_1739 = arith.addi %mul3A_1737, %add3A_1738 : i32
      %mul3A_1740 = arith.constant 128 : i32
      %mul3A_1741 = arith.muli %add3A_1739, %mul3A_1740 : i32
      %get3A_1742 = arith.constant 0 : index
      %get3A_1743 = arith.index_cast %mul3A_1741 : i32 to index
      %get3A_1744 = vector.load %arg6[%get3A_1742, %get3A_1743] : memref<32x16384xf32, #tpu.memory_space<vmem>>, vector<32x128xf32>
      %add3A_1745 = vector.broadcast %mul3A_1741 : i32 to vector<32x128xi32>
      %add3A_1746 = arith.addi %iota3A, %add3A_1745 : vector<32x128xi32>
      %gt3A_1747 = arith.cmpf ogt, %get3A_1744, %broadcast_in_dim3A_429 : vector<32x128xf32>
      %eq3A_1748 = arith.cmpf oeq, %get3A_1744, %broadcast_in_dim3A_429 : vector<32x128xf32>
      %gt3A_1749 = arith.cmpi sgt, %add3A_1746, %broadcast_in_dim3A_431 : vector<32x128xi32>
      %and3A_1750 = arith.andi %eq3A_1748, %gt3A_1749 : vector<32x128xi1>
      %or3A_1751 = arith.ori %gt3A_1747, %and3A_1750 : vector<32x128xi1>
      %broadcast_in_dim3A_1752 = vector.broadcast %scan3A_436 : f32 to vector<32x128xf32>
      %select_n3A_1753 = arith.select %or3A_1751, %get3A_1744, %broadcast_in_dim3A_1752 : vector<32x128xi1>, vector<32x128xf32>
      %lt3A_1754 = arith.cmpf olt, %select_n3A_1753, %min3A_1714 : vector<32x128xf32>
      %select_n3A_1755 = arith.select %lt3A_1754, %add3A_1746, %select_n3A_1713 : vector<32x128xi1>, vector<32x128xi32>
      %min3A_1756 = arith.minimumf %min3A_1714, %select_n3A_1753 : vector<32x128xf32>
      %mul3A_1757 = arith.constant 8 : i32
      %mul3A_1758 = arith.muli %scan3A_1651, %mul3A_1757 : i32
      %add3A_1759 = arith.constant 5 : i32
      %add3A_1760 = arith.addi %mul3A_1758, %add3A_1759 : i32
      %mul3A_1761 = arith.constant 128 : i32
      %mul3A_1762 = arith.muli %add3A_1760, %mul3A_1761 : i32
      %get3A_1763 = arith.constant 0 : index
      %get3A_1764 = arith.index_cast %mul3A_1762 : i32 to index
      %get3A_1765 = vector.load %arg6[%get3A_1763, %get3A_1764] : memref<32x16384xf32, #tpu.memory_space<vmem>>, vector<32x128xf32>
      %add3A_1766 = vector.broadcast %mul3A_1762 : i32 to vector<32x128xi32>
      %add3A_1767 = arith.addi %iota3A, %add3A_1766 : vector<32x128xi32>
      %gt3A_1768 = arith.cmpf ogt, %get3A_1765, %broadcast_in_dim3A_429 : vector<32x128xf32>
      %eq3A_1769 = arith.cmpf oeq, %get3A_1765, %broadcast_in_dim3A_429 : vector<32x128xf32>
      %gt3A_1770 = arith.cmpi sgt, %add3A_1767, %broadcast_in_dim3A_431 : vector<32x128xi32>
      %and3A_1771 = arith.andi %eq3A_1769, %gt3A_1770 : vector<32x128xi1>
      %or3A_1772 = arith.ori %gt3A_1768, %and3A_1771 : vector<32x128xi1>
      %broadcast_in_dim3A_1773 = vector.broadcast %scan3A_436 : f32 to vector<32x128xf32>
      %select_n3A_1774 = arith.select %or3A_1772, %get3A_1765, %broadcast_in_dim3A_1773 : vector<32x128xi1>, vector<32x128xf32>
      %lt3A_1775 = arith.cmpf olt, %select_n3A_1774, %min3A_1735 : vector<32x128xf32>
      %select_n3A_1776 = arith.select %lt3A_1775, %add3A_1767, %select_n3A_1734 : vector<32x128xi1>, vector<32x128xi32>
      %min3A_1777 = arith.minimumf %min3A_1735, %select_n3A_1774 : vector<32x128xf32>
      %mul3A_1778 = arith.constant 8 : i32
      %mul3A_1779 = arith.muli %scan3A_1651, %mul3A_1778 : i32
      %add3A_1780 = arith.constant 6 : i32
      %add3A_1781 = arith.addi %mul3A_1779, %add3A_1780 : i32
      %mul3A_1782 = arith.constant 128 : i32
      %mul3A_1783 = arith.muli %add3A_1781, %mul3A_1782 : i32
      %get3A_1784 = arith.constant 0 : index
      %get3A_1785 = arith.index_cast %mul3A_1783 : i32 to index
      %get3A_1786 = vector.load %arg6[%get3A_1784, %get3A_1785] : memref<32x16384xf32, #tpu.memory_space<vmem>>, vector<32x128xf32>
      %add3A_1787 = vector.broadcast %mul3A_1783 : i32 to vector<32x128xi32>
      %add3A_1788 = arith.addi %iota3A, %add3A_1787 : vector<32x128xi32>
      %gt3A_1789 = arith.cmpf ogt, %get3A_1786, %broadcast_in_dim3A_429 : vector<32x128xf32>
      %eq3A_1790 = arith.cmpf oeq, %get3A_1786, %broadcast_in_dim3A_429 : vector<32x128xf32>
      %gt3A_1791 = arith.cmpi sgt, %add3A_1788, %broadcast_in_dim3A_431 : vector<32x128xi32>
      %and3A_1792 = arith.andi %eq3A_1790, %gt3A_1791 : vector<32x128xi1>
      %or3A_1793 = arith.ori %gt3A_1789, %and3A_1792 : vector<32x128xi1>
      %broadcast_in_dim3A_1794 = vector.broadcast %scan3A_436 : f32 to vector<32x128xf32>
      %select_n3A_1795 = arith.select %or3A_1793, %get3A_1786, %broadcast_in_dim3A_1794 : vector<32x128xi1>, vector<32x128xf32>
      %lt3A_1796 = arith.cmpf olt, %select_n3A_1795, %min3A_1756 : vector<32x128xf32>
      %select_n3A_1797 = arith.select %lt3A_1796, %add3A_1788, %select_n3A_1755 : vector<32x128xi1>, vector<32x128xi32>
      %min3A_1798 = arith.minimumf %min3A_1756, %select_n3A_1795 : vector<32x128xf32>
      %mul3A_1799 = arith.constant 8 : i32
      %mul3A_1800 = arith.muli %scan3A_1651, %mul3A_1799 : i32
      %add3A_1801 = arith.constant 7 : i32
      %add3A_1802 = arith.addi %mul3A_1800, %add3A_1801 : i32
      %mul3A_1803 = arith.constant 128 : i32
      %mul3A_1804 = arith.muli %add3A_1802, %mul3A_1803 : i32
      %get3A_1805 = arith.constant 0 : index
      %get3A_1806 = arith.index_cast %mul3A_1804 : i32 to index
      %get3A_1807 = vector.load %arg6[%get3A_1805, %get3A_1806] : memref<32x16384xf32, #tpu.memory_space<vmem>>, vector<32x128xf32>
      %add3A_1808 = vector.broadcast %mul3A_1804 : i32 to vector<32x128xi32>
      %add3A_1809 = arith.addi %iota3A, %add3A_1808 : vector<32x128xi32>
      %gt3A_1810 = arith.cmpf ogt, %get3A_1807, %broadcast_in_dim3A_429 : vector<32x128xf32>
      %eq3A_1811 = arith.cmpf oeq, %get3A_1807, %broadcast_in_dim3A_429 : vector<32x128xf32>
      %gt3A_1812 = arith.cmpi sgt, %add3A_1809, %broadcast_in_dim3A_431 : vector<32x128xi32>
      %and3A_1813 = arith.andi %eq3A_1811, %gt3A_1812 : vector<32x128xi1>
      %or3A_1814 = arith.ori %gt3A_1810, %and3A_1813 : vector<32x128xi1>
      %broadcast_in_dim3A_1815 = vector.broadcast %scan3A_436 : f32 to vector<32x128xf32>
      %select_n3A_1816 = arith.select %or3A_1814, %get3A_1807, %broadcast_in_dim3A_1815 : vector<32x128xi1>, vector<32x128xf32>
      %lt3A_1817 = arith.cmpf olt, %select_n3A_1816, %min3A_1777 : vector<32x128xf32>
      %select_n3A_1818 = arith.select %lt3A_1817, %add3A_1809, %select_n3A_1776 : vector<32x128xi1>, vector<32x128xi32>
      %min3A_1819 = arith.minimumf %min3A_1777, %select_n3A_1816 : vector<32x128xf32>
      scf.yield %min3A_1798, %select_n3A_1797, %min3A_1819, %select_n3A_1818 : vector<32x128xf32>, vector<32x128xi32>, vector<32x128xf32>, vector<32x128xi32>
    }
    %scan3A_442 = arith.constant 16 : i32
    %lt3A_443 = arith.cmpf olt, %scan3A_441#2, %scan3A_441#0 : vector<32x128xf32>
    %eq3A_444 = arith.cmpf oeq, %scan3A_441#2, %scan3A_441#0 : vector<32x128xf32>
    %lt3A_445 = arith.cmpi slt, %scan3A_441#3, %scan3A_441#1 : vector<32x128xi32>
    %and3A_446 = arith.andi %eq3A_444, %lt3A_445 : vector<32x128xi1>
    %or3A_447 = arith.ori %lt3A_443, %and3A_446 : vector<32x128xi1>
    %select_n3A_448 = arith.select %or3A_447, %scan3A_441#2, %scan3A_441#0 : vector<32x128xi1>, vector<32x128xf32>
    %select_n3A_449 = arith.select %or3A_447, %scan3A_441#3, %scan3A_441#1 : vector<32x128xi1>, vector<32x128xi32>
    %slice3A_450 = vector.extract_strided_slice %select_n3A_448 {offsets = [0, 0], sizes = [32, 64], strides = [1, 1]} : vector<32x128xf32> to vector<32x64xf32>
    %slice3A_451 = vector.extract_strided_slice %select_n3A_449 {offsets = [0, 0], sizes = [32, 64], strides = [1, 1]} : vector<32x128xi32> to vector<32x64xi32>
    %slice3A_452 = vector.extract_strided_slice %select_n3A_448 {offsets = [0, 64], sizes = [32, 64], strides = [1, 1]} : vector<32x128xf32> to vector<32x64xf32>
    %slice3A_453 = vector.extract_strided_slice %select_n3A_449 {offsets = [0, 64], sizes = [32, 64], strides = [1, 1]} : vector<32x128xi32> to vector<32x64xi32>
    %lt3A_454 = arith.cmpf olt, %slice3A_452, %slice3A_450 : vector<32x64xf32>
    %eq3A_455 = arith.cmpf oeq, %slice3A_452, %slice3A_450 : vector<32x64xf32>
    %lt3A_456 = arith.cmpi slt, %slice3A_453, %slice3A_451 : vector<32x64xi32>
    %and3A_457 = arith.andi %eq3A_455, %lt3A_456 : vector<32x64xi1>
    %or3A_458 = arith.ori %lt3A_454, %and3A_457 : vector<32x64xi1>
    %select_n3A_459 = arith.select %or3A_458, %slice3A_452, %slice3A_450 : vector<32x64xi1>, vector<32x64xf32>
    %select_n3A_460 = arith.select %or3A_458, %slice3A_453, %slice3A_451 : vector<32x64xi1>, vector<32x64xi32>
    %slice3A_461 = vector.extract_strided_slice %select_n3A_459 {offsets = [0, 0], sizes = [32, 32], strides = [1, 1]} : vector<32x64xf32> to vector<32x32xf32>
    %slice3A_462 = vector.extract_strided_slice %select_n3A_460 {offsets = [0, 0], sizes = [32, 32], strides = [1, 1]} : vector<32x64xi32> to vector<32x32xi32>
    %slice3A_463 = vector.extract_strided_slice %select_n3A_459 {offsets = [0, 32], sizes = [32, 32], strides = [1, 1]} : vector<32x64xf32> to vector<32x32xf32>
    %slice3A_464 = vector.extract_strided_slice %select_n3A_460 {offsets = [0, 32], sizes = [32, 32], strides = [1, 1]} : vector<32x64xi32> to vector<32x32xi32>
    %lt3A_465 = arith.cmpf olt, %slice3A_463, %slice3A_461 : vector<32x32xf32>
    %eq3A_466 = arith.cmpf oeq, %slice3A_463, %slice3A_461 : vector<32x32xf32>
    %lt3A_467 = arith.cmpi slt, %slice3A_464, %slice3A_462 : vector<32x32xi32>
    %and3A_468 = arith.andi %eq3A_466, %lt3A_467 : vector<32x32xi1>
    %or3A_469 = arith.ori %lt3A_465, %and3A_468 : vector<32x32xi1>
    %select_n3A_470 = arith.select %or3A_469, %slice3A_463, %slice3A_461 : vector<32x32xi1>, vector<32x32xf32>
    %select_n3A_471 = arith.select %or3A_469, %slice3A_464, %slice3A_462 : vector<32x32xi1>, vector<32x32xi32>
    %slice3A_472 = vector.extract_strided_slice %select_n3A_470 {offsets = [0, 0], sizes = [32, 16], strides = [1, 1]} : vector<32x32xf32> to vector<32x16xf32>
    %slice3A_473 = vector.extract_strided_slice %select_n3A_471 {offsets = [0, 0], sizes = [32, 16], strides = [1, 1]} : vector<32x32xi32> to vector<32x16xi32>
    %slice3A_474 = vector.extract_strided_slice %select_n3A_470 {offsets = [0, 16], sizes = [32, 16], strides = [1, 1]} : vector<32x32xf32> to vector<32x16xf32>
    %slice3A_475 = vector.extract_strided_slice %select_n3A_471 {offsets = [0, 16], sizes = [32, 16], strides = [1, 1]} : vector<32x32xi32> to vector<32x16xi32>
    %lt3A_476 = arith.cmpf olt, %slice3A_474, %slice3A_472 : vector<32x16xf32>
    %eq3A_477 = arith.cmpf oeq, %slice3A_474, %slice3A_472 : vector<32x16xf32>
    %lt3A_478 = arith.cmpi slt, %slice3A_475, %slice3A_473 : vector<32x16xi32>
    %and3A_479 = arith.andi %eq3A_477, %lt3A_478 : vector<32x16xi1>
    %or3A_480 = arith.ori %lt3A_476, %and3A_479 : vector<32x16xi1>
    %select_n3A_481 = arith.select %or3A_480, %slice3A_474, %slice3A_472 : vector<32x16xi1>, vector<32x16xf32>
    %select_n3A_482 = arith.select %or3A_480, %slice3A_475, %slice3A_473 : vector<32x16xi1>, vector<32x16xi32>
    %slice3A_483 = vector.extract_strided_slice %select_n3A_481 {offsets = [0, 0], sizes = [32, 8], strides = [1, 1]} : vector<32x16xf32> to vector<32x8xf32>
    %slice3A_484 = vector.extract_strided_slice %select_n3A_482 {offsets = [0, 0], sizes = [32, 8], strides = [1, 1]} : vector<32x16xi32> to vector<32x8xi32>
    %slice3A_485 = vector.extract_strided_slice %select_n3A_481 {offsets = [0, 8], sizes = [32, 8], strides = [1, 1]} : vector<32x16xf32> to vector<32x8xf32>
    %slice3A_486 = vector.extract_strided_slice %select_n3A_482 {offsets = [0, 8], sizes = [32, 8], strides = [1, 1]} : vector<32x16xi32> to vector<32x8xi32>
    %lt3A_487 = arith.cmpf olt, %slice3A_485, %slice3A_483 : vector<32x8xf32>
    %eq3A_488 = arith.cmpf oeq, %slice3A_485, %slice3A_483 : vector<32x8xf32>
    %lt3A_489 = arith.cmpi slt, %slice3A_486, %slice3A_484 : vector<32x8xi32>
    %and3A_490 = arith.andi %eq3A_488, %lt3A_489 : vector<32x8xi1>
    %or3A_491 = arith.ori %lt3A_487, %and3A_490 : vector<32x8xi1>
    %select_n3A_492 = arith.select %or3A_491, %slice3A_485, %slice3A_483 : vector<32x8xi1>, vector<32x8xf32>
    %select_n3A_493 = arith.select %or3A_491, %slice3A_486, %slice3A_484 : vector<32x8xi1>, vector<32x8xi32>
    %slice3A_494 = vector.extract_strided_slice %select_n3A_492 {offsets = [0, 0], sizes = [32, 4], strides = [1, 1]} : vector<32x8xf32> to vector<32x4xf32>
    %slice3A_495 = vector.extract_strided_slice %select_n3A_493 {offsets = [0, 0], sizes = [32, 4], strides = [1, 1]} : vector<32x8xi32> to vector<32x4xi32>
    %slice3A_496 = vector.extract_strided_slice %select_n3A_492 {offsets = [0, 4], sizes = [32, 4], strides = [1, 1]} : vector<32x8xf32> to vector<32x4xf32>
    %slice3A_497 = vector.extract_strided_slice %select_n3A_493 {offsets = [0, 4], sizes = [32, 4], strides = [1, 1]} : vector<32x8xi32> to vector<32x4xi32>
    %lt3A_498 = arith.cmpf olt, %slice3A_496, %slice3A_494 : vector<32x4xf32>
    %eq3A_499 = arith.cmpf oeq, %slice3A_496, %slice3A_494 : vector<32x4xf32>
    %lt3A_500 = arith.cmpi slt, %slice3A_497, %slice3A_495 : vector<32x4xi32>
    %and3A_501 = arith.andi %eq3A_499, %lt3A_500 : vector<32x4xi1>
    %or3A_502 = arith.ori %lt3A_498, %and3A_501 : vector<32x4xi1>
    %select_n3A_503 = arith.select %or3A_502, %slice3A_496, %slice3A_494 : vector<32x4xi1>, vector<32x4xf32>
    %select_n3A_504 = arith.select %or3A_502, %slice3A_497, %slice3A_495 : vector<32x4xi1>, vector<32x4xi32>
    %slice3A_505 = vector.extract_strided_slice %select_n3A_503 {offsets = [0, 0], sizes = [32, 2], strides = [1, 1]} : vector<32x4xf32> to vector<32x2xf32>
    %slice3A_506 = vector.extract_strided_slice %select_n3A_504 {offsets = [0, 0], sizes = [32, 2], strides = [1, 1]} : vector<32x4xi32> to vector<32x2xi32>
    %slice3A_507 = vector.extract_strided_slice %select_n3A_503 {offsets = [0, 2], sizes = [32, 2], strides = [1, 1]} : vector<32x4xf32> to vector<32x2xf32>
    %slice3A_508 = vector.extract_strided_slice %select_n3A_504 {offsets = [0, 2], sizes = [32, 2], strides = [1, 1]} : vector<32x4xi32> to vector<32x2xi32>
    %lt3A_509 = arith.cmpf olt, %slice3A_507, %slice3A_505 : vector<32x2xf32>
    %eq3A_510 = arith.cmpf oeq, %slice3A_507, %slice3A_505 : vector<32x2xf32>
    %lt3A_511 = arith.cmpi slt, %slice3A_508, %slice3A_506 : vector<32x2xi32>
    %and3A_512 = arith.andi %eq3A_510, %lt3A_511 : vector<32x2xi1>
    %or3A_513 = arith.ori %lt3A_509, %and3A_512 : vector<32x2xi1>
    %select_n3A_514 = arith.select %or3A_513, %slice3A_507, %slice3A_505 : vector<32x2xi1>, vector<32x2xf32>
    %select_n3A_515 = arith.select %or3A_513, %slice3A_508, %slice3A_506 : vector<32x2xi1>, vector<32x2xi32>
    %slice3A_516 = vector.extract_strided_slice %select_n3A_514 {offsets = [0, 0], sizes = [32, 1], strides = [1, 1]} : vector<32x2xf32> to vector<32x1xf32>
    %slice3A_517 = vector.extract_strided_slice %select_n3A_515 {offsets = [0, 0], sizes = [32, 1], strides = [1, 1]} : vector<32x2xi32> to vector<32x1xi32>
    %slice3A_518 = vector.extract_strided_slice %select_n3A_514 {offsets = [0, 1], sizes = [32, 1], strides = [1, 1]} : vector<32x2xf32> to vector<32x1xf32>
    %slice3A_519 = vector.extract_strided_slice %select_n3A_515 {offsets = [0, 1], sizes = [32, 1], strides = [1, 1]} : vector<32x2xi32> to vector<32x1xi32>
    %lt3A_520 = arith.cmpf olt, %slice3A_518, %slice3A_516 : vector<32x1xf32>
    %eq3A_521 = arith.cmpf oeq, %slice3A_518, %slice3A_516 : vector<32x1xf32>
    %lt3A_522 = arith.cmpi slt, %slice3A_519, %slice3A_517 : vector<32x1xi32>
    %and3A_523 = arith.andi %eq3A_521, %lt3A_522 : vector<32x1xi1>
    %or3A_524 = arith.ori %lt3A_520, %and3A_523 : vector<32x1xi1>
    %select_n3A_525 = arith.select %or3A_524, %slice3A_518, %slice3A_516 : vector<32x1xi1>, vector<32x1xf32>
    %select_n3A_526 = arith.select %or3A_524, %slice3A_519, %slice3A_517 : vector<32x1xi1>, vector<32x1xi32>
    %swap3A_527 = arith.constant 0 : index
    %swap3A_528 = arith.constant 4 : index
    %swap3A_529 = vector.load %arg5[%swap3A_527, %swap3A_528] : memref<32x16xi32, #tpu.memory_space<vmem>>, vector<32x1xi32>
    tpu.vector_store %arg5[%swap3A_527, %swap3A_528], %select_n3A_526 {strides = array<i32>} : memref<32x16xi32, #tpu.memory_space<vmem>>, vector<32x1xi32>,
    %broadcast_in_dim3A_530 = vector.shape_cast %select_n3A_525 : vector<32x1xf32> to vector<32x1xf32>
    %broadcast_in_dim3A_531 = vector.broadcast %broadcast_in_dim3A_530 : vector<32x1xf32> to vector<32x128xf32>
    %broadcast_in_dim3A_532 = vector.shape_cast %select_n3A_526 : vector<32x1xi32> to vector<32x1xi32>
    %broadcast_in_dim3A_533 = vector.broadcast %broadcast_in_dim3A_532 : vector<32x1xi32> to vector<32x128xi32>
    %broadcast_in_dim3A_534 = arith.constant 0x7F800000 : f32
    %broadcast_in_dim3A_535 = vector.broadcast %broadcast_in_dim3A_534 : f32 to vector<32x128xf32>
    %broadcast_in_dim3A_536 = arith.constant 0 : i32
    %broadcast_in_dim3A_537 = vector.broadcast %broadcast_in_dim3A_536 : i32 to vector<32x128xi32>
    %scan3A_538 = arith.constant 0x7F800000 : f32
    %scan3A_539 = arith.constant 0 : i32
    %scan3A_540 = arith.constant 16 : i32
    %scan3A_541 = arith.addi %scan3A_539, %scan3A_540 : i32
    %scan3A_542 = arith.constant 1 : i32
    %scan3A_543:4 = scf.for %scan3A_1651 = %scan3A_539 to %scan3A_541 step %scan3A_542 iter_args(%scan3A_1652 = %broadcast_in_dim3A_535, %scan3A_1653 = %broadcast_in_dim3A_537, %scan3A_1654 = %broadcast_in_dim3A_535, %scan3A_1655 = %broadcast_in_dim3A_537) -> (vector<32x128xf32>, vector<32x128xi32>, vector<32x128xf32>, vector<32x128xi32>)  : i32 {
      %mul3A = arith.constant 8 : i32
      %mul3A_1656 = arith.muli %scan3A_1651, %mul3A : i32
      %add3A = arith.constant 0 : i32
      %add3A_1657 = arith.addi %mul3A_1656, %add3A : i32
      %mul3A_1658 = arith.constant 128 : i32
      %mul3A_1659 = arith.muli %add3A_1657, %mul3A_1658 : i32
      %get3A_1660 = arith.constant 0 : index
      %get3A_1661 = arith.index_cast %mul3A_1659 : i32 to index
      %get3A_1662 = vector.load %arg6[%get3A_1660, %get3A_1661] : memref<32x16384xf32, #tpu.memory_space<vmem>>, vector<32x128xf32>
      %add3A_1663 = vector.broadcast %mul3A_1659 : i32 to vector<32x128xi32>
      %add3A_1664 = arith.addi %iota3A, %add3A_1663 : vector<32x128xi32>
      %gt3A = arith.cmpf ogt, %get3A_1662, %broadcast_in_dim3A_531 : vector<32x128xf32>
      %eq3A_1665 = arith.cmpf oeq, %get3A_1662, %broadcast_in_dim3A_531 : vector<32x128xf32>
      %gt3A_1666 = arith.cmpi sgt, %add3A_1664, %broadcast_in_dim3A_533 : vector<32x128xi32>
      %and3A_1667 = arith.andi %eq3A_1665, %gt3A_1666 : vector<32x128xi1>
      %or3A_1668 = arith.ori %gt3A, %and3A_1667 : vector<32x128xi1>
      %broadcast_in_dim3A_1669 = vector.broadcast %scan3A_538 : f32 to vector<32x128xf32>
      %select_n3A_1670 = arith.select %or3A_1668, %get3A_1662, %broadcast_in_dim3A_1669 : vector<32x128xi1>, vector<32x128xf32>
      %lt3A_1671 = arith.cmpf olt, %select_n3A_1670, %scan3A_1652 : vector<32x128xf32>
      %select_n3A_1672 = arith.select %lt3A_1671, %add3A_1664, %scan3A_1653 : vector<32x128xi1>, vector<32x128xi32>
      %min3A = arith.minimumf %scan3A_1652, %select_n3A_1670 : vector<32x128xf32>
      %mul3A_1673 = arith.constant 8 : i32
      %mul3A_1674 = arith.muli %scan3A_1651, %mul3A_1673 : i32
      %add3A_1675 = arith.constant 1 : i32
      %add3A_1676 = arith.addi %mul3A_1674, %add3A_1675 : i32
      %mul3A_1677 = arith.constant 128 : i32
      %mul3A_1678 = arith.muli %add3A_1676, %mul3A_1677 : i32
      %get3A_1679 = arith.constant 0 : index
      %get3A_1680 = arith.index_cast %mul3A_1678 : i32 to index
      %get3A_1681 = vector.load %arg6[%get3A_1679, %get3A_1680] : memref<32x16384xf32, #tpu.memory_space<vmem>>, vector<32x128xf32>
      %add3A_1682 = vector.broadcast %mul3A_1678 : i32 to vector<32x128xi32>
      %add3A_1683 = arith.addi %iota3A, %add3A_1682 : vector<32x128xi32>
      %gt3A_1684 = arith.cmpf ogt, %get3A_1681, %broadcast_in_dim3A_531 : vector<32x128xf32>
      %eq3A_1685 = arith.cmpf oeq, %get3A_1681, %broadcast_in_dim3A_531 : vector<32x128xf32>
      %gt3A_1686 = arith.cmpi sgt, %add3A_1683, %broadcast_in_dim3A_533 : vector<32x128xi32>
      %and3A_1687 = arith.andi %eq3A_1685, %gt3A_1686 : vector<32x128xi1>
      %or3A_1688 = arith.ori %gt3A_1684, %and3A_1687 : vector<32x128xi1>
      %broadcast_in_dim3A_1689 = vector.broadcast %scan3A_538 : f32 to vector<32x128xf32>
      %select_n3A_1690 = arith.select %or3A_1688, %get3A_1681, %broadcast_in_dim3A_1689 : vector<32x128xi1>, vector<32x128xf32>
      %lt3A_1691 = arith.cmpf olt, %select_n3A_1690, %scan3A_1654 : vector<32x128xf32>
      %select_n3A_1692 = arith.select %lt3A_1691, %add3A_1683, %scan3A_1655 : vector<32x128xi1>, vector<32x128xi32>
      %min3A_1693 = arith.minimumf %scan3A_1654, %select_n3A_1690 : vector<32x128xf32>
      %mul3A_1694 = arith.constant 8 : i32
      %mul3A_1695 = arith.muli %scan3A_1651, %mul3A_1694 : i32
      %add3A_1696 = arith.constant 2 : i32
      %add3A_1697 = arith.addi %mul3A_1695, %add3A_1696 : i32
      %mul3A_1698 = arith.constant 128 : i32
      %mul3A_1699 = arith.muli %add3A_1697, %mul3A_1698 : i32
      %get3A_1700 = arith.constant 0 : index
      %get3A_1701 = arith.index_cast %mul3A_1699 : i32 to index
      %get3A_1702 = vector.load %arg6[%get3A_1700, %get3A_1701] : memref<32x16384xf32, #tpu.memory_space<vmem>>, vector<32x128xf32>
      %add3A_1703 = vector.broadcast %mul3A_1699 : i32 to vector<32x128xi32>
      %add3A_1704 = arith.addi %iota3A, %add3A_1703 : vector<32x128xi32>
      %gt3A_1705 = arith.cmpf ogt, %get3A_1702, %broadcast_in_dim3A_531 : vector<32x128xf32>
      %eq3A_1706 = arith.cmpf oeq, %get3A_1702, %broadcast_in_dim3A_531 : vector<32x128xf32>
      %gt3A_1707 = arith.cmpi sgt, %add3A_1704, %broadcast_in_dim3A_533 : vector<32x128xi32>
      %and3A_1708 = arith.andi %eq3A_1706, %gt3A_1707 : vector<32x128xi1>
      %or3A_1709 = arith.ori %gt3A_1705, %and3A_1708 : vector<32x128xi1>
      %broadcast_in_dim3A_1710 = vector.broadcast %scan3A_538 : f32 to vector<32x128xf32>
      %select_n3A_1711 = arith.select %or3A_1709, %get3A_1702, %broadcast_in_dim3A_1710 : vector<32x128xi1>, vector<32x128xf32>
      %lt3A_1712 = arith.cmpf olt, %select_n3A_1711, %min3A : vector<32x128xf32>
      %select_n3A_1713 = arith.select %lt3A_1712, %add3A_1704, %select_n3A_1672 : vector<32x128xi1>, vector<32x128xi32>
      %min3A_1714 = arith.minimumf %min3A, %select_n3A_1711 : vector<32x128xf32>
      %mul3A_1715 = arith.constant 8 : i32
      %mul3A_1716 = arith.muli %scan3A_1651, %mul3A_1715 : i32
      %add3A_1717 = arith.constant 3 : i32
      %add3A_1718 = arith.addi %mul3A_1716, %add3A_1717 : i32
      %mul3A_1719 = arith.constant 128 : i32
      %mul3A_1720 = arith.muli %add3A_1718, %mul3A_1719 : i32
      %get3A_1721 = arith.constant 0 : index
      %get3A_1722 = arith.index_cast %mul3A_1720 : i32 to index
      %get3A_1723 = vector.load %arg6[%get3A_1721, %get3A_1722] : memref<32x16384xf32, #tpu.memory_space<vmem>>, vector<32x128xf32>
      %add3A_1724 = vector.broadcast %mul3A_1720 : i32 to vector<32x128xi32>
      %add3A_1725 = arith.addi %iota3A, %add3A_1724 : vector<32x128xi32>
      %gt3A_1726 = arith.cmpf ogt, %get3A_1723, %broadcast_in_dim3A_531 : vector<32x128xf32>
      %eq3A_1727 = arith.cmpf oeq, %get3A_1723, %broadcast_in_dim3A_531 : vector<32x128xf32>
      %gt3A_1728 = arith.cmpi sgt, %add3A_1725, %broadcast_in_dim3A_533 : vector<32x128xi32>
      %and3A_1729 = arith.andi %eq3A_1727, %gt3A_1728 : vector<32x128xi1>
      %or3A_1730 = arith.ori %gt3A_1726, %and3A_1729 : vector<32x128xi1>
      %broadcast_in_dim3A_1731 = vector.broadcast %scan3A_538 : f32 to vector<32x128xf32>
      %select_n3A_1732 = arith.select %or3A_1730, %get3A_1723, %broadcast_in_dim3A_1731 : vector<32x128xi1>, vector<32x128xf32>
      %lt3A_1733 = arith.cmpf olt, %select_n3A_1732, %min3A_1693 : vector<32x128xf32>
      %select_n3A_1734 = arith.select %lt3A_1733, %add3A_1725, %select_n3A_1692 : vector<32x128xi1>, vector<32x128xi32>
      %min3A_1735 = arith.minimumf %min3A_1693, %select_n3A_1732 : vector<32x128xf32>
      %mul3A_1736 = arith.constant 8 : i32
      %mul3A_1737 = arith.muli %scan3A_1651, %mul3A_1736 : i32
      %add3A_1738 = arith.constant 4 : i32
      %add3A_1739 = arith.addi %mul3A_1737, %add3A_1738 : i32
      %mul3A_1740 = arith.constant 128 : i32
      %mul3A_1741 = arith.muli %add3A_1739, %mul3A_1740 : i32
      %get3A_1742 = arith.constant 0 : index
      %get3A_1743 = arith.index_cast %mul3A_1741 : i32 to index
      %get3A_1744 = vector.load %arg6[%get3A_1742, %get3A_1743] : memref<32x16384xf32, #tpu.memory_space<vmem>>, vector<32x128xf32>
      %add3A_1745 = vector.broadcast %mul3A_1741 : i32 to vector<32x128xi32>
      %add3A_1746 = arith.addi %iota3A, %add3A_1745 : vector<32x128xi32>
      %gt3A_1747 = arith.cmpf ogt, %get3A_1744, %broadcast_in_dim3A_531 : vector<32x128xf32>
      %eq3A_1748 = arith.cmpf oeq, %get3A_1744, %broadcast_in_dim3A_531 : vector<32x128xf32>
      %gt3A_1749 = arith.cmpi sgt, %add3A_1746, %broadcast_in_dim3A_533 : vector<32x128xi32>
      %and3A_1750 = arith.andi %eq3A_1748, %gt3A_1749 : vector<32x128xi1>
      %or3A_1751 = arith.ori %gt3A_1747, %and3A_1750 : vector<32x128xi1>
      %broadcast_in_dim3A_1752 = vector.broadcast %scan3A_538 : f32 to vector<32x128xf32>
      %select_n3A_1753 = arith.select %or3A_1751, %get3A_1744, %broadcast_in_dim3A_1752 : vector<32x128xi1>, vector<32x128xf32>
      %lt3A_1754 = arith.cmpf olt, %select_n3A_1753, %min3A_1714 : vector<32x128xf32>
      %select_n3A_1755 = arith.select %lt3A_1754, %add3A_1746, %select_n3A_1713 : vector<32x128xi1>, vector<32x128xi32>
      %min3A_1756 = arith.minimumf %min3A_1714, %select_n3A_1753 : vector<32x128xf32>
      %mul3A_1757 = arith.constant 8 : i32
      %mul3A_1758 = arith.muli %scan3A_1651, %mul3A_1757 : i32
      %add3A_1759 = arith.constant 5 : i32
      %add3A_1760 = arith.addi %mul3A_1758, %add3A_1759 : i32
      %mul3A_1761 = arith.constant 128 : i32
      %mul3A_1762 = arith.muli %add3A_1760, %mul3A_1761 : i32
      %get3A_1763 = arith.constant 0 : index
      %get3A_1764 = arith.index_cast %mul3A_1762 : i32 to index
      %get3A_1765 = vector.load %arg6[%get3A_1763, %get3A_1764] : memref<32x16384xf32, #tpu.memory_space<vmem>>, vector<32x128xf32>
      %add3A_1766 = vector.broadcast %mul3A_1762 : i32 to vector<32x128xi32>
      %add3A_1767 = arith.addi %iota3A, %add3A_1766 : vector<32x128xi32>
      %gt3A_1768 = arith.cmpf ogt, %get3A_1765, %broadcast_in_dim3A_531 : vector<32x128xf32>
      %eq3A_1769 = arith.cmpf oeq, %get3A_1765, %broadcast_in_dim3A_531 : vector<32x128xf32>
      %gt3A_1770 = arith.cmpi sgt, %add3A_1767, %broadcast_in_dim3A_533 : vector<32x128xi32>
      %and3A_1771 = arith.andi %eq3A_1769, %gt3A_1770 : vector<32x128xi1>
      %or3A_1772 = arith.ori %gt3A_1768, %and3A_1771 : vector<32x128xi1>
      %broadcast_in_dim3A_1773 = vector.broadcast %scan3A_538 : f32 to vector<32x128xf32>
      %select_n3A_1774 = arith.select %or3A_1772, %get3A_1765, %broadcast_in_dim3A_1773 : vector<32x128xi1>, vector<32x128xf32>
      %lt3A_1775 = arith.cmpf olt, %select_n3A_1774, %min3A_1735 : vector<32x128xf32>
      %select_n3A_1776 = arith.select %lt3A_1775, %add3A_1767, %select_n3A_1734 : vector<32x128xi1>, vector<32x128xi32>
      %min3A_1777 = arith.minimumf %min3A_1735, %select_n3A_1774 : vector<32x128xf32>
      %mul3A_1778 = arith.constant 8 : i32
      %mul3A_1779 = arith.muli %scan3A_1651, %mul3A_1778 : i32
      %add3A_1780 = arith.constant 6 : i32
      %add3A_1781 = arith.addi %mul3A_1779, %add3A_1780 : i32
      %mul3A_1782 = arith.constant 128 : i32
      %mul3A_1783 = arith.muli %add3A_1781, %mul3A_1782 : i32
      %get3A_1784 = arith.constant 0 : index
      %get3A_1785 = arith.index_cast %mul3A_1783 : i32 to index
      %get3A_1786 = vector.load %arg6[%get3A_1784, %get3A_1785] : memref<32x16384xf32, #tpu.memory_space<vmem>>, vector<32x128xf32>
      %add3A_1787 = vector.broadcast %mul3A_1783 : i32 to vector<32x128xi32>
      %add3A_1788 = arith.addi %iota3A, %add3A_1787 : vector<32x128xi32>
      %gt3A_1789 = arith.cmpf ogt, %get3A_1786, %broadcast_in_dim3A_531 : vector<32x128xf32>
      %eq3A_1790 = arith.cmpf oeq, %get3A_1786, %broadcast_in_dim3A_531 : vector<32x128xf32>
      %gt3A_1791 = arith.cmpi sgt, %add3A_1788, %broadcast_in_dim3A_533 : vector<32x128xi32>
      %and3A_1792 = arith.andi %eq3A_1790, %gt3A_1791 : vector<32x128xi1>
      %or3A_1793 = arith.ori %gt3A_1789, %and3A_1792 : vector<32x128xi1>
      %broadcast_in_dim3A_1794 = vector.broadcast %scan3A_538 : f32 to vector<32x128xf32>
      %select_n3A_1795 = arith.select %or3A_1793, %get3A_1786, %broadcast_in_dim3A_1794 : vector<32x128xi1>, vector<32x128xf32>
      %lt3A_1796 = arith.cmpf olt, %select_n3A_1795, %min3A_1756 : vector<32x128xf32>
      %select_n3A_1797 = arith.select %lt3A_1796, %add3A_1788, %select_n3A_1755 : vector<32x128xi1>, vector<32x128xi32>
      %min3A_1798 = arith.minimumf %min3A_1756, %select_n3A_1795 : vector<32x128xf32>
      %mul3A_1799 = arith.constant 8 : i32
      %mul3A_1800 = arith.muli %scan3A_1651, %mul3A_1799 : i32
      %add3A_1801 = arith.constant 7 : i32
      %add3A_1802 = arith.addi %mul3A_1800, %add3A_1801 : i32
      %mul3A_1803 = arith.constant 128 : i32
      %mul3A_1804 = arith.muli %add3A_1802, %mul3A_1803 : i32
      %get3A_1805 = arith.constant 0 : index
      %get3A_1806 = arith.index_cast %mul3A_1804 : i32 to index
      %get3A_1807 = vector.load %arg6[%get3A_1805, %get3A_1806] : memref<32x16384xf32, #tpu.memory_space<vmem>>, vector<32x128xf32>
      %add3A_1808 = vector.broadcast %mul3A_1804 : i32 to vector<32x128xi32>
      %add3A_1809 = arith.addi %iota3A, %add3A_1808 : vector<32x128xi32>
      %gt3A_1810 = arith.cmpf ogt, %get3A_1807, %broadcast_in_dim3A_531 : vector<32x128xf32>
      %eq3A_1811 = arith.cmpf oeq, %get3A_1807, %broadcast_in_dim3A_531 : vector<32x128xf32>
      %gt3A_1812 = arith.cmpi sgt, %add3A_1809, %broadcast_in_dim3A_533 : vector<32x128xi32>
      %and3A_1813 = arith.andi %eq3A_1811, %gt3A_1812 : vector<32x128xi1>
      %or3A_1814 = arith.ori %gt3A_1810, %and3A_1813 : vector<32x128xi1>
      %broadcast_in_dim3A_1815 = vector.broadcast %scan3A_538 : f32 to vector<32x128xf32>
      %select_n3A_1816 = arith.select %or3A_1814, %get3A_1807, %broadcast_in_dim3A_1815 : vector<32x128xi1>, vector<32x128xf32>
      %lt3A_1817 = arith.cmpf olt, %select_n3A_1816, %min3A_1777 : vector<32x128xf32>
      %select_n3A_1818 = arith.select %lt3A_1817, %add3A_1809, %select_n3A_1776 : vector<32x128xi1>, vector<32x128xi32>
      %min3A_1819 = arith.minimumf %min3A_1777, %select_n3A_1816 : vector<32x128xf32>
      scf.yield %min3A_1798, %select_n3A_1797, %min3A_1819, %select_n3A_1818 : vector<32x128xf32>, vector<32x128xi32>, vector<32x128xf32>, vector<32x128xi32>
    }
    %scan3A_544 = arith.constant 16 : i32
    %lt3A_545 = arith.cmpf olt, %scan3A_543#2, %scan3A_543#0 : vector<32x128xf32>
    %eq3A_546 = arith.cmpf oeq, %scan3A_543#2, %scan3A_543#0 : vector<32x128xf32>
    %lt3A_547 = arith.cmpi slt, %scan3A_543#3, %scan3A_543#1 : vector<32x128xi32>
    %and3A_548 = arith.andi %eq3A_546, %lt3A_547 : vector<32x128xi1>
    %or3A_549 = arith.ori %lt3A_545, %and3A_548 : vector<32x128xi1>
    %select_n3A_550 = arith.select %or3A_549, %scan3A_543#2, %scan3A_543#0 : vector<32x128xi1>, vector<32x128xf32>
    %select_n3A_551 = arith.select %or3A_549, %scan3A_543#3, %scan3A_543#1 : vector<32x128xi1>, vector<32x128xi32>
    %slice3A_552 = vector.extract_strided_slice %select_n3A_550 {offsets = [0, 0], sizes = [32, 64], strides = [1, 1]} : vector<32x128xf32> to vector<32x64xf32>
    %slice3A_553 = vector.extract_strided_slice %select_n3A_551 {offsets = [0, 0], sizes = [32, 64], strides = [1, 1]} : vector<32x128xi32> to vector<32x64xi32>
    %slice3A_554 = vector.extract_strided_slice %select_n3A_550 {offsets = [0, 64], sizes = [32, 64], strides = [1, 1]} : vector<32x128xf32> to vector<32x64xf32>
    %slice3A_555 = vector.extract_strided_slice %select_n3A_551 {offsets = [0, 64], sizes = [32, 64], strides = [1, 1]} : vector<32x128xi32> to vector<32x64xi32>
    %lt3A_556 = arith.cmpf olt, %slice3A_554, %slice3A_552 : vector<32x64xf32>
    %eq3A_557 = arith.cmpf oeq, %slice3A_554, %slice3A_552 : vector<32x64xf32>
    %lt3A_558 = arith.cmpi slt, %slice3A_555, %slice3A_553 : vector<32x64xi32>
    %and3A_559 = arith.andi %eq3A_557, %lt3A_558 : vector<32x64xi1>
    %or3A_560 = arith.ori %lt3A_556, %and3A_559 : vector<32x64xi1>
    %select_n3A_561 = arith.select %or3A_560, %slice3A_554, %slice3A_552 : vector<32x64xi1>, vector<32x64xf32>
    %select_n3A_562 = arith.select %or3A_560, %slice3A_555, %slice3A_553 : vector<32x64xi1>, vector<32x64xi32>
    %slice3A_563 = vector.extract_strided_slice %select_n3A_561 {offsets = [0, 0], sizes = [32, 32], strides = [1, 1]} : vector<32x64xf32> to vector<32x32xf32>
    %slice3A_564 = vector.extract_strided_slice %select_n3A_562 {offsets = [0, 0], sizes = [32, 32], strides = [1, 1]} : vector<32x64xi32> to vector<32x32xi32>
    %slice3A_565 = vector.extract_strided_slice %select_n3A_561 {offsets = [0, 32], sizes = [32, 32], strides = [1, 1]} : vector<32x64xf32> to vector<32x32xf32>
    %slice3A_566 = vector.extract_strided_slice %select_n3A_562 {offsets = [0, 32], sizes = [32, 32], strides = [1, 1]} : vector<32x64xi32> to vector<32x32xi32>
    %lt3A_567 = arith.cmpf olt, %slice3A_565, %slice3A_563 : vector<32x32xf32>
    %eq3A_568 = arith.cmpf oeq, %slice3A_565, %slice3A_563 : vector<32x32xf32>
    %lt3A_569 = arith.cmpi slt, %slice3A_566, %slice3A_564 : vector<32x32xi32>
    %and3A_570 = arith.andi %eq3A_568, %lt3A_569 : vector<32x32xi1>
    %or3A_571 = arith.ori %lt3A_567, %and3A_570 : vector<32x32xi1>
    %select_n3A_572 = arith.select %or3A_571, %slice3A_565, %slice3A_563 : vector<32x32xi1>, vector<32x32xf32>
    %select_n3A_573 = arith.select %or3A_571, %slice3A_566, %slice3A_564 : vector<32x32xi1>, vector<32x32xi32>
    %slice3A_574 = vector.extract_strided_slice %select_n3A_572 {offsets = [0, 0], sizes = [32, 16], strides = [1, 1]} : vector<32x32xf32> to vector<32x16xf32>
    %slice3A_575 = vector.extract_strided_slice %select_n3A_573 {offsets = [0, 0], sizes = [32, 16], strides = [1, 1]} : vector<32x32xi32> to vector<32x16xi32>
    %slice3A_576 = vector.extract_strided_slice %select_n3A_572 {offsets = [0, 16], sizes = [32, 16], strides = [1, 1]} : vector<32x32xf32> to vector<32x16xf32>
    %slice3A_577 = vector.extract_strided_slice %select_n3A_573 {offsets = [0, 16], sizes = [32, 16], strides = [1, 1]} : vector<32x32xi32> to vector<32x16xi32>
    %lt3A_578 = arith.cmpf olt, %slice3A_576, %slice3A_574 : vector<32x16xf32>
    %eq3A_579 = arith.cmpf oeq, %slice3A_576, %slice3A_574 : vector<32x16xf32>
    %lt3A_580 = arith.cmpi slt, %slice3A_577, %slice3A_575 : vector<32x16xi32>
    %and3A_581 = arith.andi %eq3A_579, %lt3A_580 : vector<32x16xi1>
    %or3A_582 = arith.ori %lt3A_578, %and3A_581 : vector<32x16xi1>
    %select_n3A_583 = arith.select %or3A_582, %slice3A_576, %slice3A_574 : vector<32x16xi1>, vector<32x16xf32>
    %select_n3A_584 = arith.select %or3A_582, %slice3A_577, %slice3A_575 : vector<32x16xi1>, vector<32x16xi32>
    %slice3A_585 = vector.extract_strided_slice %select_n3A_583 {offsets = [0, 0], sizes = [32, 8], strides = [1, 1]} : vector<32x16xf32> to vector<32x8xf32>
    %slice3A_586 = vector.extract_strided_slice %select_n3A_584 {offsets = [0, 0], sizes = [32, 8], strides = [1, 1]} : vector<32x16xi32> to vector<32x8xi32>
    %slice3A_587 = vector.extract_strided_slice %select_n3A_583 {offsets = [0, 8], sizes = [32, 8], strides = [1, 1]} : vector<32x16xf32> to vector<32x8xf32>
    %slice3A_588 = vector.extract_strided_slice %select_n3A_584 {offsets = [0, 8], sizes = [32, 8], strides = [1, 1]} : vector<32x16xi32> to vector<32x8xi32>
    %lt3A_589 = arith.cmpf olt, %slice3A_587, %slice3A_585 : vector<32x8xf32>
    %eq3A_590 = arith.cmpf oeq, %slice3A_587, %slice3A_585 : vector<32x8xf32>
    %lt3A_591 = arith.cmpi slt, %slice3A_588, %slice3A_586 : vector<32x8xi32>
    %and3A_592 = arith.andi %eq3A_590, %lt3A_591 : vector<32x8xi1>
    %or3A_593 = arith.ori %lt3A_589, %and3A_592 : vector<32x8xi1>
    %select_n3A_594 = arith.select %or3A_593, %slice3A_587, %slice3A_585 : vector<32x8xi1>, vector<32x8xf32>
    %select_n3A_595 = arith.select %or3A_593, %slice3A_588, %slice3A_586 : vector<32x8xi1>, vector<32x8xi32>
    %slice3A_596 = vector.extract_strided_slice %select_n3A_594 {offsets = [0, 0], sizes = [32, 4], strides = [1, 1]} : vector<32x8xf32> to vector<32x4xf32>
    %slice3A_597 = vector.extract_strided_slice %select_n3A_595 {offsets = [0, 0], sizes = [32, 4], strides = [1, 1]} : vector<32x8xi32> to vector<32x4xi32>
    %slice3A_598 = vector.extract_strided_slice %select_n3A_594 {offsets = [0, 4], sizes = [32, 4], strides = [1, 1]} : vector<32x8xf32> to vector<32x4xf32>
    %slice3A_599 = vector.extract_strided_slice %select_n3A_595 {offsets = [0, 4], sizes = [32, 4], strides = [1, 1]} : vector<32x8xi32> to vector<32x4xi32>
    %lt3A_600 = arith.cmpf olt, %slice3A_598, %slice3A_596 : vector<32x4xf32>
    %eq3A_601 = arith.cmpf oeq, %slice3A_598, %slice3A_596 : vector<32x4xf32>
    %lt3A_602 = arith.cmpi slt, %slice3A_599, %slice3A_597 : vector<32x4xi32>
    %and3A_603 = arith.andi %eq3A_601, %lt3A_602 : vector<32x4xi1>
    %or3A_604 = arith.ori %lt3A_600, %and3A_603 : vector<32x4xi1>
    %select_n3A_605 = arith.select %or3A_604, %slice3A_598, %slice3A_596 : vector<32x4xi1>, vector<32x4xf32>
    %select_n3A_606 = arith.select %or3A_604, %slice3A_599, %slice3A_597 : vector<32x4xi1>, vector<32x4xi32>
    %slice3A_607 = vector.extract_strided_slice %select_n3A_605 {offsets = [0, 0], sizes = [32, 2], strides = [1, 1]} : vector<32x4xf32> to vector<32x2xf32>
    %slice3A_608 = vector.extract_strided_slice %select_n3A_606 {offsets = [0, 0], sizes = [32, 2], strides = [1, 1]} : vector<32x4xi32> to vector<32x2xi32>
    %slice3A_609 = vector.extract_strided_slice %select_n3A_605 {offsets = [0, 2], sizes = [32, 2], strides = [1, 1]} : vector<32x4xf32> to vector<32x2xf32>
    %slice3A_610 = vector.extract_strided_slice %select_n3A_606 {offsets = [0, 2], sizes = [32, 2], strides = [1, 1]} : vector<32x4xi32> to vector<32x2xi32>
    %lt3A_611 = arith.cmpf olt, %slice3A_609, %slice3A_607 : vector<32x2xf32>
    %eq3A_612 = arith.cmpf oeq, %slice3A_609, %slice3A_607 : vector<32x2xf32>
    %lt3A_613 = arith.cmpi slt, %slice3A_610, %slice3A_608 : vector<32x2xi32>
    %and3A_614 = arith.andi %eq3A_612, %lt3A_613 : vector<32x2xi1>
    %or3A_615 = arith.ori %lt3A_611, %and3A_614 : vector<32x2xi1>
    %select_n3A_616 = arith.select %or3A_615, %slice3A_609, %slice3A_607 : vector<32x2xi1>, vector<32x2xf32>
    %select_n3A_617 = arith.select %or3A_615, %slice3A_610, %slice3A_608 : vector<32x2xi1>, vector<32x2xi32>
    %slice3A_618 = vector.extract_strided_slice %select_n3A_616 {offsets = [0, 0], sizes = [32, 1], strides = [1, 1]} : vector<32x2xf32> to vector<32x1xf32>
    %slice3A_619 = vector.extract_strided_slice %select_n3A_617 {offsets = [0, 0], sizes = [32, 1], strides = [1, 1]} : vector<32x2xi32> to vector<32x1xi32>
    %slice3A_620 = vector.extract_strided_slice %select_n3A_616 {offsets = [0, 1], sizes = [32, 1], strides = [1, 1]} : vector<32x2xf32> to vector<32x1xf32>
    %slice3A_621 = vector.extract_strided_slice %select_n3A_617 {offsets = [0, 1], sizes = [32, 1], strides = [1, 1]} : vector<32x2xi32> to vector<32x1xi32>
    %lt3A_622 = arith.cmpf olt, %slice3A_620, %slice3A_618 : vector<32x1xf32>
    %eq3A_623 = arith.cmpf oeq, %slice3A_620, %slice3A_618 : vector<32x1xf32>
    %lt3A_624 = arith.cmpi slt, %slice3A_621, %slice3A_619 : vector<32x1xi32>
    %and3A_625 = arith.andi %eq3A_623, %lt3A_624 : vector<32x1xi1>
    %or3A_626 = arith.ori %lt3A_622, %and3A_625 : vector<32x1xi1>
    %select_n3A_627 = arith.select %or3A_626, %slice3A_620, %slice3A_618 : vector<32x1xi1>, vector<32x1xf32>
    %select_n3A_628 = arith.select %or3A_626, %slice3A_621, %slice3A_619 : vector<32x1xi1>, vector<32x1xi32>
    %swap3A_629 = arith.constant 0 : index
    %swap3A_630 = arith.constant 5 : index
    %swap3A_631 = vector.load %arg5[%swap3A_629, %swap3A_630] : memref<32x16xi32, #tpu.memory_space<vmem>>, vector<32x1xi32>
    tpu.vector_store %arg5[%swap3A_629, %swap3A_630], %select_n3A_628 {strides = array<i32>} : memref<32x16xi32, #tpu.memory_space<vmem>>, vector<32x1xi32>,
    %broadcast_in_dim3A_632 = vector.shape_cast %select_n3A_627 : vector<32x1xf32> to vector<32x1xf32>
    %broadcast_in_dim3A_633 = vector.broadcast %broadcast_in_dim3A_632 : vector<32x1xf32> to vector<32x128xf32>
    %broadcast_in_dim3A_634 = vector.shape_cast %select_n3A_628 : vector<32x1xi32> to vector<32x1xi32>
    %broadcast_in_dim3A_635 = vector.broadcast %broadcast_in_dim3A_634 : vector<32x1xi32> to vector<32x128xi32>
    %broadcast_in_dim3A_636 = arith.constant 0x7F800000 : f32
    %broadcast_in_dim3A_637 = vector.broadcast %broadcast_in_dim3A_636 : f32 to vector<32x128xf32>
    %broadcast_in_dim3A_638 = arith.constant 0 : i32
    %broadcast_in_dim3A_639 = vector.broadcast %broadcast_in_dim3A_638 : i32 to vector<32x128xi32>
    %scan3A_640 = arith.constant 0x7F800000 : f32
    %scan3A_641 = arith.constant 0 : i32
    %scan3A_642 = arith.constant 16 : i32
    %scan3A_643 = arith.addi %scan3A_641, %scan3A_642 : i32
    %scan3A_644 = arith.constant 1 : i32
    %scan3A_645:4 = scf.for %scan3A_1651 = %scan3A_641 to %scan3A_643 step %scan3A_644 iter_args(%scan3A_1652 = %broadcast_in_dim3A_637, %scan3A_1653 = %broadcast_in_dim3A_639, %scan3A_1654 = %broadcast_in_dim3A_637, %scan3A_1655 = %broadcast_in_dim3A_639) -> (vector<32x128xf32>, vector<32x128xi32>, vector<32x128xf32>, vector<32x128xi32>)  : i32 {
      %mul3A = arith.constant 8 : i32
      %mul3A_1656 = arith.muli %scan3A_1651, %mul3A : i32
      %add3A = arith.constant 0 : i32
      %add3A_1657 = arith.addi %mul3A_1656, %add3A : i32
      %mul3A_1658 = arith.constant 128 : i32
      %mul3A_1659 = arith.muli %add3A_1657, %mul3A_1658 : i32
      %get3A_1660 = arith.constant 0 : index
      %get3A_1661 = arith.index_cast %mul3A_1659 : i32 to index
      %get3A_1662 = vector.load %arg6[%get3A_1660, %get3A_1661] : memref<32x16384xf32, #tpu.memory_space<vmem>>, vector<32x128xf32>
      %add3A_1663 = vector.broadcast %mul3A_1659 : i32 to vector<32x128xi32>
      %add3A_1664 = arith.addi %iota3A, %add3A_1663 : vector<32x128xi32>
      %gt3A = arith.cmpf ogt, %get3A_1662, %broadcast_in_dim3A_633 : vector<32x128xf32>
      %eq3A_1665 = arith.cmpf oeq, %get3A_1662, %broadcast_in_dim3A_633 : vector<32x128xf32>
      %gt3A_1666 = arith.cmpi sgt, %add3A_1664, %broadcast_in_dim3A_635 : vector<32x128xi32>
      %and3A_1667 = arith.andi %eq3A_1665, %gt3A_1666 : vector<32x128xi1>
      %or3A_1668 = arith.ori %gt3A, %and3A_1667 : vector<32x128xi1>
      %broadcast_in_dim3A_1669 = vector.broadcast %scan3A_640 : f32 to vector<32x128xf32>
      %select_n3A_1670 = arith.select %or3A_1668, %get3A_1662, %broadcast_in_dim3A_1669 : vector<32x128xi1>, vector<32x128xf32>
      %lt3A_1671 = arith.cmpf olt, %select_n3A_1670, %scan3A_1652 : vector<32x128xf32>
      %select_n3A_1672 = arith.select %lt3A_1671, %add3A_1664, %scan3A_1653 : vector<32x128xi1>, vector<32x128xi32>
      %min3A = arith.minimumf %scan3A_1652, %select_n3A_1670 : vector<32x128xf32>
      %mul3A_1673 = arith.constant 8 : i32
      %mul3A_1674 = arith.muli %scan3A_1651, %mul3A_1673 : i32
      %add3A_1675 = arith.constant 1 : i32
      %add3A_1676 = arith.addi %mul3A_1674, %add3A_1675 : i32
      %mul3A_1677 = arith.constant 128 : i32
      %mul3A_1678 = arith.muli %add3A_1676, %mul3A_1677 : i32
      %get3A_1679 = arith.constant 0 : index
      %get3A_1680 = arith.index_cast %mul3A_1678 : i32 to index
      %get3A_1681 = vector.load %arg6[%get3A_1679, %get3A_1680] : memref<32x16384xf32, #tpu.memory_space<vmem>>, vector<32x128xf32>
      %add3A_1682 = vector.broadcast %mul3A_1678 : i32 to vector<32x128xi32>
      %add3A_1683 = arith.addi %iota3A, %add3A_1682 : vector<32x128xi32>
      %gt3A_1684 = arith.cmpf ogt, %get3A_1681, %broadcast_in_dim3A_633 : vector<32x128xf32>
      %eq3A_1685 = arith.cmpf oeq, %get3A_1681, %broadcast_in_dim3A_633 : vector<32x128xf32>
      %gt3A_1686 = arith.cmpi sgt, %add3A_1683, %broadcast_in_dim3A_635 : vector<32x128xi32>
      %and3A_1687 = arith.andi %eq3A_1685, %gt3A_1686 : vector<32x128xi1>
      %or3A_1688 = arith.ori %gt3A_1684, %and3A_1687 : vector<32x128xi1>
      %broadcast_in_dim3A_1689 = vector.broadcast %scan3A_640 : f32 to vector<32x128xf32>
      %select_n3A_1690 = arith.select %or3A_1688, %get3A_1681, %broadcast_in_dim3A_1689 : vector<32x128xi1>, vector<32x128xf32>
      %lt3A_1691 = arith.cmpf olt, %select_n3A_1690, %scan3A_1654 : vector<32x128xf32>
      %select_n3A_1692 = arith.select %lt3A_1691, %add3A_1683, %scan3A_1655 : vector<32x128xi1>, vector<32x128xi32>
      %min3A_1693 = arith.minimumf %scan3A_1654, %select_n3A_1690 : vector<32x128xf32>
      %mul3A_1694 = arith.constant 8 : i32
      %mul3A_1695 = arith.muli %scan3A_1651, %mul3A_1694 : i32
      %add3A_1696 = arith.constant 2 : i32
      %add3A_1697 = arith.addi %mul3A_1695, %add3A_1696 : i32
      %mul3A_1698 = arith.constant 128 : i32
      %mul3A_1699 = arith.muli %add3A_1697, %mul3A_1698 : i32
      %get3A_1700 = arith.constant 0 : index
      %get3A_1701 = arith.index_cast %mul3A_1699 : i32 to index
      %get3A_1702 = vector.load %arg6[%get3A_1700, %get3A_1701] : memref<32x16384xf32, #tpu.memory_space<vmem>>, vector<32x128xf32>
      %add3A_1703 = vector.broadcast %mul3A_1699 : i32 to vector<32x128xi32>
      %add3A_1704 = arith.addi %iota3A, %add3A_1703 : vector<32x128xi32>
      %gt3A_1705 = arith.cmpf ogt, %get3A_1702, %broadcast_in_dim3A_633 : vector<32x128xf32>
      %eq3A_1706 = arith.cmpf oeq, %get3A_1702, %broadcast_in_dim3A_633 : vector<32x128xf32>
      %gt3A_1707 = arith.cmpi sgt, %add3A_1704, %broadcast_in_dim3A_635 : vector<32x128xi32>
      %and3A_1708 = arith.andi %eq3A_1706, %gt3A_1707 : vector<32x128xi1>
      %or3A_1709 = arith.ori %gt3A_1705, %and3A_1708 : vector<32x128xi1>
      %broadcast_in_dim3A_1710 = vector.broadcast %scan3A_640 : f32 to vector<32x128xf32>
      %select_n3A_1711 = arith.select %or3A_1709, %get3A_1702, %broadcast_in_dim3A_1710 : vector<32x128xi1>, vector<32x128xf32>
      %lt3A_1712 = arith.cmpf olt, %select_n3A_1711, %min3A : vector<32x128xf32>
      %select_n3A_1713 = arith.select %lt3A_1712, %add3A_1704, %select_n3A_1672 : vector<32x128xi1>, vector<32x128xi32>
      %min3A_1714 = arith.minimumf %min3A, %select_n3A_1711 : vector<32x128xf32>
      %mul3A_1715 = arith.constant 8 : i32
      %mul3A_1716 = arith.muli %scan3A_1651, %mul3A_1715 : i32
      %add3A_1717 = arith.constant 3 : i32
      %add3A_1718 = arith.addi %mul3A_1716, %add3A_1717 : i32
      %mul3A_1719 = arith.constant 128 : i32
      %mul3A_1720 = arith.muli %add3A_1718, %mul3A_1719 : i32
      %get3A_1721 = arith.constant 0 : index
      %get3A_1722 = arith.index_cast %mul3A_1720 : i32 to index
      %get3A_1723 = vector.load %arg6[%get3A_1721, %get3A_1722] : memref<32x16384xf32, #tpu.memory_space<vmem>>, vector<32x128xf32>
      %add3A_1724 = vector.broadcast %mul3A_1720 : i32 to vector<32x128xi32>
      %add3A_1725 = arith.addi %iota3A, %add3A_1724 : vector<32x128xi32>
      %gt3A_1726 = arith.cmpf ogt, %get3A_1723, %broadcast_in_dim3A_633 : vector<32x128xf32>
      %eq3A_1727 = arith.cmpf oeq, %get3A_1723, %broadcast_in_dim3A_633 : vector<32x128xf32>
      %gt3A_1728 = arith.cmpi sgt, %add3A_1725, %broadcast_in_dim3A_635 : vector<32x128xi32>
      %and3A_1729 = arith.andi %eq3A_1727, %gt3A_1728 : vector<32x128xi1>
      %or3A_1730 = arith.ori %gt3A_1726, %and3A_1729 : vector<32x128xi1>
      %broadcast_in_dim3A_1731 = vector.broadcast %scan3A_640 : f32 to vector<32x128xf32>
      %select_n3A_1732 = arith.select %or3A_1730, %get3A_1723, %broadcast_in_dim3A_1731 : vector<32x128xi1>, vector<32x128xf32>
      %lt3A_1733 = arith.cmpf olt, %select_n3A_1732, %min3A_1693 : vector<32x128xf32>
      %select_n3A_1734 = arith.select %lt3A_1733, %add3A_1725, %select_n3A_1692 : vector<32x128xi1>, vector<32x128xi32>
      %min3A_1735 = arith.minimumf %min3A_1693, %select_n3A_1732 : vector<32x128xf32>
      %mul3A_1736 = arith.constant 8 : i32
      %mul3A_1737 = arith.muli %scan3A_1651, %mul3A_1736 : i32
      %add3A_1738 = arith.constant 4 : i32
      %add3A_1739 = arith.addi %mul3A_1737, %add3A_1738 : i32
      %mul3A_1740 = arith.constant 128 : i32
      %mul3A_1741 = arith.muli %add3A_1739, %mul3A_1740 : i32
      %get3A_1742 = arith.constant 0 : index
      %get3A_1743 = arith.index_cast %mul3A_1741 : i32 to index
      %get3A_1744 = vector.load %arg6[%get3A_1742, %get3A_1743] : memref<32x16384xf32, #tpu.memory_space<vmem>>, vector<32x128xf32>
      %add3A_1745 = vector.broadcast %mul3A_1741 : i32 to vector<32x128xi32>
      %add3A_1746 = arith.addi %iota3A, %add3A_1745 : vector<32x128xi32>
      %gt3A_1747 = arith.cmpf ogt, %get3A_1744, %broadcast_in_dim3A_633 : vector<32x128xf32>
      %eq3A_1748 = arith.cmpf oeq, %get3A_1744, %broadcast_in_dim3A_633 : vector<32x128xf32>
      %gt3A_1749 = arith.cmpi sgt, %add3A_1746, %broadcast_in_dim3A_635 : vector<32x128xi32>
      %and3A_1750 = arith.andi %eq3A_1748, %gt3A_1749 : vector<32x128xi1>
      %or3A_1751 = arith.ori %gt3A_1747, %and3A_1750 : vector<32x128xi1>
      %broadcast_in_dim3A_1752 = vector.broadcast %scan3A_640 : f32 to vector<32x128xf32>
      %select_n3A_1753 = arith.select %or3A_1751, %get3A_1744, %broadcast_in_dim3A_1752 : vector<32x128xi1>, vector<32x128xf32>
      %lt3A_1754 = arith.cmpf olt, %select_n3A_1753, %min3A_1714 : vector<32x128xf32>
      %select_n3A_1755 = arith.select %lt3A_1754, %add3A_1746, %select_n3A_1713 : vector<32x128xi1>, vector<32x128xi32>
      %min3A_1756 = arith.minimumf %min3A_1714, %select_n3A_1753 : vector<32x128xf32>
      %mul3A_1757 = arith.constant 8 : i32
      %mul3A_1758 = arith.muli %scan3A_1651, %mul3A_1757 : i32
      %add3A_1759 = arith.constant 5 : i32
      %add3A_1760 = arith.addi %mul3A_1758, %add3A_1759 : i32
      %mul3A_1761 = arith.constant 128 : i32
      %mul3A_1762 = arith.muli %add3A_1760, %mul3A_1761 : i32
      %get3A_1763 = arith.constant 0 : index
      %get3A_1764 = arith.index_cast %mul3A_1762 : i32 to index
      %get3A_1765 = vector.load %arg6[%get3A_1763, %get3A_1764] : memref<32x16384xf32, #tpu.memory_space<vmem>>, vector<32x128xf32>
      %add3A_1766 = vector.broadcast %mul3A_1762 : i32 to vector<32x128xi32>
      %add3A_1767 = arith.addi %iota3A, %add3A_1766 : vector<32x128xi32>
      %gt3A_1768 = arith.cmpf ogt, %get3A_1765, %broadcast_in_dim3A_633 : vector<32x128xf32>
      %eq3A_1769 = arith.cmpf oeq, %get3A_1765, %broadcast_in_dim3A_633 : vector<32x128xf32>
      %gt3A_1770 = arith.cmpi sgt, %add3A_1767, %broadcast_in_dim3A_635 : vector<32x128xi32>
      %and3A_1771 = arith.andi %eq3A_1769, %gt3A_1770 : vector<32x128xi1>
      %or3A_1772 = arith.ori %gt3A_1768, %and3A_1771 : vector<32x128xi1>
      %broadcast_in_dim3A_1773 = vector.broadcast %scan3A_640 : f32 to vector<32x128xf32>
      %select_n3A_1774 = arith.select %or3A_1772, %get3A_1765, %broadcast_in_dim3A_1773 : vector<32x128xi1>, vector<32x128xf32>
      %lt3A_1775 = arith.cmpf olt, %select_n3A_1774, %min3A_1735 : vector<32x128xf32>
      %select_n3A_1776 = arith.select %lt3A_1775, %add3A_1767, %select_n3A_1734 : vector<32x128xi1>, vector<32x128xi32>
      %min3A_1777 = arith.minimumf %min3A_1735, %select_n3A_1774 : vector<32x128xf32>
      %mul3A_1778 = arith.constant 8 : i32
      %mul3A_1779 = arith.muli %scan3A_1651, %mul3A_1778 : i32
      %add3A_1780 = arith.constant 6 : i32
      %add3A_1781 = arith.addi %mul3A_1779, %add3A_1780 : i32
      %mul3A_1782 = arith.constant 128 : i32
      %mul3A_1783 = arith.muli %add3A_1781, %mul3A_1782 : i32
      %get3A_1784 = arith.constant 0 : index
      %get3A_1785 = arith.index_cast %mul3A_1783 : i32 to index
      %get3A_1786 = vector.load %arg6[%get3A_1784, %get3A_1785] : memref<32x16384xf32, #tpu.memory_space<vmem>>, vector<32x128xf32>
      %add3A_1787 = vector.broadcast %mul3A_1783 : i32 to vector<32x128xi32>
      %add3A_1788 = arith.addi %iota3A, %add3A_1787 : vector<32x128xi32>
      %gt3A_1789 = arith.cmpf ogt, %get3A_1786, %broadcast_in_dim3A_633 : vector<32x128xf32>
      %eq3A_1790 = arith.cmpf oeq, %get3A_1786, %broadcast_in_dim3A_633 : vector<32x128xf32>
      %gt3A_1791 = arith.cmpi sgt, %add3A_1788, %broadcast_in_dim3A_635 : vector<32x128xi32>
      %and3A_1792 = arith.andi %eq3A_1790, %gt3A_1791 : vector<32x128xi1>
      %or3A_1793 = arith.ori %gt3A_1789, %and3A_1792 : vector<32x128xi1>
      %broadcast_in_dim3A_1794 = vector.broadcast %scan3A_640 : f32 to vector<32x128xf32>
      %select_n3A_1795 = arith.select %or3A_1793, %get3A_1786, %broadcast_in_dim3A_1794 : vector<32x128xi1>, vector<32x128xf32>
      %lt3A_1796 = arith.cmpf olt, %select_n3A_1795, %min3A_1756 : vector<32x128xf32>
      %select_n3A_1797 = arith.select %lt3A_1796, %add3A_1788, %select_n3A_1755 : vector<32x128xi1>, vector<32x128xi32>
      %min3A_1798 = arith.minimumf %min3A_1756, %select_n3A_1795 : vector<32x128xf32>
      %mul3A_1799 = arith.constant 8 : i32
      %mul3A_1800 = arith.muli %scan3A_1651, %mul3A_1799 : i32
      %add3A_1801 = arith.constant 7 : i32
      %add3A_1802 = arith.addi %mul3A_1800, %add3A_1801 : i32
      %mul3A_1803 = arith.constant 128 : i32
      %mul3A_1804 = arith.muli %add3A_1802, %mul3A_1803 : i32
      %get3A_1805 = arith.constant 0 : index
      %get3A_1806 = arith.index_cast %mul3A_1804 : i32 to index
      %get3A_1807 = vector.load %arg6[%get3A_1805, %get3A_1806] : memref<32x16384xf32, #tpu.memory_space<vmem>>, vector<32x128xf32>
      %add3A_1808 = vector.broadcast %mul3A_1804 : i32 to vector<32x128xi32>
      %add3A_1809 = arith.addi %iota3A, %add3A_1808 : vector<32x128xi32>
      %gt3A_1810 = arith.cmpf ogt, %get3A_1807, %broadcast_in_dim3A_633 : vector<32x128xf32>
      %eq3A_1811 = arith.cmpf oeq, %get3A_1807, %broadcast_in_dim3A_633 : vector<32x128xf32>
      %gt3A_1812 = arith.cmpi sgt, %add3A_1809, %broadcast_in_dim3A_635 : vector<32x128xi32>
      %and3A_1813 = arith.andi %eq3A_1811, %gt3A_1812 : vector<32x128xi1>
      %or3A_1814 = arith.ori %gt3A_1810, %and3A_1813 : vector<32x128xi1>
      %broadcast_in_dim3A_1815 = vector.broadcast %scan3A_640 : f32 to vector<32x128xf32>
      %select_n3A_1816 = arith.select %or3A_1814, %get3A_1807, %broadcast_in_dim3A_1815 : vector<32x128xi1>, vector<32x128xf32>
      %lt3A_1817 = arith.cmpf olt, %select_n3A_1816, %min3A_1777 : vector<32x128xf32>
      %select_n3A_1818 = arith.select %lt3A_1817, %add3A_1809, %select_n3A_1776 : vector<32x128xi1>, vector<32x128xi32>
      %min3A_1819 = arith.minimumf %min3A_1777, %select_n3A_1816 : vector<32x128xf32>
      scf.yield %min3A_1798, %select_n3A_1797, %min3A_1819, %select_n3A_1818 : vector<32x128xf32>, vector<32x128xi32>, vector<32x128xf32>, vector<32x128xi32>
    }
    %scan3A_646 = arith.constant 16 : i32
    %lt3A_647 = arith.cmpf olt, %scan3A_645#2, %scan3A_645#0 : vector<32x128xf32>
    %eq3A_648 = arith.cmpf oeq, %scan3A_645#2, %scan3A_645#0 : vector<32x128xf32>
    %lt3A_649 = arith.cmpi slt, %scan3A_645#3, %scan3A_645#1 : vector<32x128xi32>
    %and3A_650 = arith.andi %eq3A_648, %lt3A_649 : vector<32x128xi1>
    %or3A_651 = arith.ori %lt3A_647, %and3A_650 : vector<32x128xi1>
    %select_n3A_652 = arith.select %or3A_651, %scan3A_645#2, %scan3A_645#0 : vector<32x128xi1>, vector<32x128xf32>
    %select_n3A_653 = arith.select %or3A_651, %scan3A_645#3, %scan3A_645#1 : vector<32x128xi1>, vector<32x128xi32>
    %slice3A_654 = vector.extract_strided_slice %select_n3A_652 {offsets = [0, 0], sizes = [32, 64], strides = [1, 1]} : vector<32x128xf32> to vector<32x64xf32>
    %slice3A_655 = vector.extract_strided_slice %select_n3A_653 {offsets = [0, 0], sizes = [32, 64], strides = [1, 1]} : vector<32x128xi32> to vector<32x64xi32>
    %slice3A_656 = vector.extract_strided_slice %select_n3A_652 {offsets = [0, 64], sizes = [32, 64], strides = [1, 1]} : vector<32x128xf32> to vector<32x64xf32>
    %slice3A_657 = vector.extract_strided_slice %select_n3A_653 {offsets = [0, 64], sizes = [32, 64], strides = [1, 1]} : vector<32x128xi32> to vector<32x64xi32>
    %lt3A_658 = arith.cmpf olt, %slice3A_656, %slice3A_654 : vector<32x64xf32>
    %eq3A_659 = arith.cmpf oeq, %slice3A_656, %slice3A_654 : vector<32x64xf32>
    %lt3A_660 = arith.cmpi slt, %slice3A_657, %slice3A_655 : vector<32x64xi32>
    %and3A_661 = arith.andi %eq3A_659, %lt3A_660 : vector<32x64xi1>
    %or3A_662 = arith.ori %lt3A_658, %and3A_661 : vector<32x64xi1>
    %select_n3A_663 = arith.select %or3A_662, %slice3A_656, %slice3A_654 : vector<32x64xi1>, vector<32x64xf32>
    %select_n3A_664 = arith.select %or3A_662, %slice3A_657, %slice3A_655 : vector<32x64xi1>, vector<32x64xi32>
    %slice3A_665 = vector.extract_strided_slice %select_n3A_663 {offsets = [0, 0], sizes = [32, 32], strides = [1, 1]} : vector<32x64xf32> to vector<32x32xf32>
    %slice3A_666 = vector.extract_strided_slice %select_n3A_664 {offsets = [0, 0], sizes = [32, 32], strides = [1, 1]} : vector<32x64xi32> to vector<32x32xi32>
    %slice3A_667 = vector.extract_strided_slice %select_n3A_663 {offsets = [0, 32], sizes = [32, 32], strides = [1, 1]} : vector<32x64xf32> to vector<32x32xf32>
    %slice3A_668 = vector.extract_strided_slice %select_n3A_664 {offsets = [0, 32], sizes = [32, 32], strides = [1, 1]} : vector<32x64xi32> to vector<32x32xi32>
    %lt3A_669 = arith.cmpf olt, %slice3A_667, %slice3A_665 : vector<32x32xf32>
    %eq3A_670 = arith.cmpf oeq, %slice3A_667, %slice3A_665 : vector<32x32xf32>
    %lt3A_671 = arith.cmpi slt, %slice3A_668, %slice3A_666 : vector<32x32xi32>
    %and3A_672 = arith.andi %eq3A_670, %lt3A_671 : vector<32x32xi1>
    %or3A_673 = arith.ori %lt3A_669, %and3A_672 : vector<32x32xi1>
    %select_n3A_674 = arith.select %or3A_673, %slice3A_667, %slice3A_665 : vector<32x32xi1>, vector<32x32xf32>
    %select_n3A_675 = arith.select %or3A_673, %slice3A_668, %slice3A_666 : vector<32x32xi1>, vector<32x32xi32>
    %slice3A_676 = vector.extract_strided_slice %select_n3A_674 {offsets = [0, 0], sizes = [32, 16], strides = [1, 1]} : vector<32x32xf32> to vector<32x16xf32>
    %slice3A_677 = vector.extract_strided_slice %select_n3A_675 {offsets = [0, 0], sizes = [32, 16], strides = [1, 1]} : vector<32x32xi32> to vector<32x16xi32>
    %slice3A_678 = vector.extract_strided_slice %select_n3A_674 {offsets = [0, 16], sizes = [32, 16], strides = [1, 1]} : vector<32x32xf32> to vector<32x16xf32>
    %slice3A_679 = vector.extract_strided_slice %select_n3A_675 {offsets = [0, 16], sizes = [32, 16], strides = [1, 1]} : vector<32x32xi32> to vector<32x16xi32>
    %lt3A_680 = arith.cmpf olt, %slice3A_678, %slice3A_676 : vector<32x16xf32>
    %eq3A_681 = arith.cmpf oeq, %slice3A_678, %slice3A_676 : vector<32x16xf32>
    %lt3A_682 = arith.cmpi slt, %slice3A_679, %slice3A_677 : vector<32x16xi32>
    %and3A_683 = arith.andi %eq3A_681, %lt3A_682 : vector<32x16xi1>
    %or3A_684 = arith.ori %lt3A_680, %and3A_683 : vector<32x16xi1>
    %select_n3A_685 = arith.select %or3A_684, %slice3A_678, %slice3A_676 : vector<32x16xi1>, vector<32x16xf32>
    %select_n3A_686 = arith.select %or3A_684, %slice3A_679, %slice3A_677 : vector<32x16xi1>, vector<32x16xi32>
    %slice3A_687 = vector.extract_strided_slice %select_n3A_685 {offsets = [0, 0], sizes = [32, 8], strides = [1, 1]} : vector<32x16xf32> to vector<32x8xf32>
    %slice3A_688 = vector.extract_strided_slice %select_n3A_686 {offsets = [0, 0], sizes = [32, 8], strides = [1, 1]} : vector<32x16xi32> to vector<32x8xi32>
    %slice3A_689 = vector.extract_strided_slice %select_n3A_685 {offsets = [0, 8], sizes = [32, 8], strides = [1, 1]} : vector<32x16xf32> to vector<32x8xf32>
    %slice3A_690 = vector.extract_strided_slice %select_n3A_686 {offsets = [0, 8], sizes = [32, 8], strides = [1, 1]} : vector<32x16xi32> to vector<32x8xi32>
    %lt3A_691 = arith.cmpf olt, %slice3A_689, %slice3A_687 : vector<32x8xf32>
    %eq3A_692 = arith.cmpf oeq, %slice3A_689, %slice3A_687 : vector<32x8xf32>
    %lt3A_693 = arith.cmpi slt, %slice3A_690, %slice3A_688 : vector<32x8xi32>
    %and3A_694 = arith.andi %eq3A_692, %lt3A_693 : vector<32x8xi1>
    %or3A_695 = arith.ori %lt3A_691, %and3A_694 : vector<32x8xi1>
    %select_n3A_696 = arith.select %or3A_695, %slice3A_689, %slice3A_687 : vector<32x8xi1>, vector<32x8xf32>
    %select_n3A_697 = arith.select %or3A_695, %slice3A_690, %slice3A_688 : vector<32x8xi1>, vector<32x8xi32>
    %slice3A_698 = vector.extract_strided_slice %select_n3A_696 {offsets = [0, 0], sizes = [32, 4], strides = [1, 1]} : vector<32x8xf32> to vector<32x4xf32>
    %slice3A_699 = vector.extract_strided_slice %select_n3A_697 {offsets = [0, 0], sizes = [32, 4], strides = [1, 1]} : vector<32x8xi32> to vector<32x4xi32>
    %slice3A_700 = vector.extract_strided_slice %select_n3A_696 {offsets = [0, 4], sizes = [32, 4], strides = [1, 1]} : vector<32x8xf32> to vector<32x4xf32>
    %slice3A_701 = vector.extract_strided_slice %select_n3A_697 {offsets = [0, 4], sizes = [32, 4], strides = [1, 1]} : vector<32x8xi32> to vector<32x4xi32>
    %lt3A_702 = arith.cmpf olt, %slice3A_700, %slice3A_698 : vector<32x4xf32>
    %eq3A_703 = arith.cmpf oeq, %slice3A_700, %slice3A_698 : vector<32x4xf32>
    %lt3A_704 = arith.cmpi slt, %slice3A_701, %slice3A_699 : vector<32x4xi32>
    %and3A_705 = arith.andi %eq3A_703, %lt3A_704 : vector<32x4xi1>
    %or3A_706 = arith.ori %lt3A_702, %and3A_705 : vector<32x4xi1>
    %select_n3A_707 = arith.select %or3A_706, %slice3A_700, %slice3A_698 : vector<32x4xi1>, vector<32x4xf32>
    %select_n3A_708 = arith.select %or3A_706, %slice3A_701, %slice3A_699 : vector<32x4xi1>, vector<32x4xi32>
    %slice3A_709 = vector.extract_strided_slice %select_n3A_707 {offsets = [0, 0], sizes = [32, 2], strides = [1, 1]} : vector<32x4xf32> to vector<32x2xf32>
    %slice3A_710 = vector.extract_strided_slice %select_n3A_708 {offsets = [0, 0], sizes = [32, 2], strides = [1, 1]} : vector<32x4xi32> to vector<32x2xi32>
    %slice3A_711 = vector.extract_strided_slice %select_n3A_707 {offsets = [0, 2], sizes = [32, 2], strides = [1, 1]} : vector<32x4xf32> to vector<32x2xf32>
    %slice3A_712 = vector.extract_strided_slice %select_n3A_708 {offsets = [0, 2], sizes = [32, 2], strides = [1, 1]} : vector<32x4xi32> to vector<32x2xi32>
    %lt3A_713 = arith.cmpf olt, %slice3A_711, %slice3A_709 : vector<32x2xf32>
    %eq3A_714 = arith.cmpf oeq, %slice3A_711, %slice3A_709 : vector<32x2xf32>
    %lt3A_715 = arith.cmpi slt, %slice3A_712, %slice3A_710 : vector<32x2xi32>
    %and3A_716 = arith.andi %eq3A_714, %lt3A_715 : vector<32x2xi1>
    %or3A_717 = arith.ori %lt3A_713, %and3A_716 : vector<32x2xi1>
    %select_n3A_718 = arith.select %or3A_717, %slice3A_711, %slice3A_709 : vector<32x2xi1>, vector<32x2xf32>
    %select_n3A_719 = arith.select %or3A_717, %slice3A_712, %slice3A_710 : vector<32x2xi1>, vector<32x2xi32>
    %slice3A_720 = vector.extract_strided_slice %select_n3A_718 {offsets = [0, 0], sizes = [32, 1], strides = [1, 1]} : vector<32x2xf32> to vector<32x1xf32>
    %slice3A_721 = vector.extract_strided_slice %select_n3A_719 {offsets = [0, 0], sizes = [32, 1], strides = [1, 1]} : vector<32x2xi32> to vector<32x1xi32>
    %slice3A_722 = vector.extract_strided_slice %select_n3A_718 {offsets = [0, 1], sizes = [32, 1], strides = [1, 1]} : vector<32x2xf32> to vector<32x1xf32>
    %slice3A_723 = vector.extract_strided_slice %select_n3A_719 {offsets = [0, 1], sizes = [32, 1], strides = [1, 1]} : vector<32x2xi32> to vector<32x1xi32>
    %lt3A_724 = arith.cmpf olt, %slice3A_722, %slice3A_720 : vector<32x1xf32>
    %eq3A_725 = arith.cmpf oeq, %slice3A_722, %slice3A_720 : vector<32x1xf32>
    %lt3A_726 = arith.cmpi slt, %slice3A_723, %slice3A_721 : vector<32x1xi32>
    %and3A_727 = arith.andi %eq3A_725, %lt3A_726 : vector<32x1xi1>
    %or3A_728 = arith.ori %lt3A_724, %and3A_727 : vector<32x1xi1>
    %select_n3A_729 = arith.select %or3A_728, %slice3A_722, %slice3A_720 : vector<32x1xi1>, vector<32x1xf32>
    %select_n3A_730 = arith.select %or3A_728, %slice3A_723, %slice3A_721 : vector<32x1xi1>, vector<32x1xi32>
    %swap3A_731 = arith.constant 0 : index
    %swap3A_732 = arith.constant 6 : index
    %swap3A_733 = vector.load %arg5[%swap3A_731, %swap3A_732] : memref<32x16xi32, #tpu.memory_space<vmem>>, vector<32x1xi32>
    tpu.vector_store %arg5[%swap3A_731, %swap3A_732], %select_n3A_730 {strides = array<i32>} : memref<32x16xi32, #tpu.memory_space<vmem>>, vector<32x1xi32>,
    %broadcast_in_dim3A_734 = vector.shape_cast %select_n3A_729 : vector<32x1xf32> to vector<32x1xf32>
    %broadcast_in_dim3A_735 = vector.broadcast %broadcast_in_dim3A_734 : vector<32x1xf32> to vector<32x128xf32>
    %broadcast_in_dim3A_736 = vector.shape_cast %select_n3A_730 : vector<32x1xi32> to vector<32x1xi32>
    %broadcast_in_dim3A_737 = vector.broadcast %broadcast_in_dim3A_736 : vector<32x1xi32> to vector<32x128xi32>
    %broadcast_in_dim3A_738 = arith.constant 0x7F800000 : f32
    %broadcast_in_dim3A_739 = vector.broadcast %broadcast_in_dim3A_738 : f32 to vector<32x128xf32>
    %broadcast_in_dim3A_740 = arith.constant 0 : i32
    %broadcast_in_dim3A_741 = vector.broadcast %broadcast_in_dim3A_740 : i32 to vector<32x128xi32>
    %scan3A_742 = arith.constant 0x7F800000 : f32
    %scan3A_743 = arith.constant 0 : i32
    %scan3A_744 = arith.constant 16 : i32
    %scan3A_745 = arith.addi %scan3A_743, %scan3A_744 : i32
    %scan3A_746 = arith.constant 1 : i32
    %scan3A_747:4 = scf.for %scan3A_1651 = %scan3A_743 to %scan3A_745 step %scan3A_746 iter_args(%scan3A_1652 = %broadcast_in_dim3A_739, %scan3A_1653 = %broadcast_in_dim3A_741, %scan3A_1654 = %broadcast_in_dim3A_739, %scan3A_1655 = %broadcast_in_dim3A_741) -> (vector<32x128xf32>, vector<32x128xi32>, vector<32x128xf32>, vector<32x128xi32>)  : i32 {
      %mul3A = arith.constant 8 : i32
      %mul3A_1656 = arith.muli %scan3A_1651, %mul3A : i32
      %add3A = arith.constant 0 : i32
      %add3A_1657 = arith.addi %mul3A_1656, %add3A : i32
      %mul3A_1658 = arith.constant 128 : i32
      %mul3A_1659 = arith.muli %add3A_1657, %mul3A_1658 : i32
      %get3A_1660 = arith.constant 0 : index
      %get3A_1661 = arith.index_cast %mul3A_1659 : i32 to index
      %get3A_1662 = vector.load %arg6[%get3A_1660, %get3A_1661] : memref<32x16384xf32, #tpu.memory_space<vmem>>, vector<32x128xf32>
      %add3A_1663 = vector.broadcast %mul3A_1659 : i32 to vector<32x128xi32>
      %add3A_1664 = arith.addi %iota3A, %add3A_1663 : vector<32x128xi32>
      %gt3A = arith.cmpf ogt, %get3A_1662, %broadcast_in_dim3A_735 : vector<32x128xf32>
      %eq3A_1665 = arith.cmpf oeq, %get3A_1662, %broadcast_in_dim3A_735 : vector<32x128xf32>
      %gt3A_1666 = arith.cmpi sgt, %add3A_1664, %broadcast_in_dim3A_737 : vector<32x128xi32>
      %and3A_1667 = arith.andi %eq3A_1665, %gt3A_1666 : vector<32x128xi1>
      %or3A_1668 = arith.ori %gt3A, %and3A_1667 : vector<32x128xi1>
      %broadcast_in_dim3A_1669 = vector.broadcast %scan3A_742 : f32 to vector<32x128xf32>
      %select_n3A_1670 = arith.select %or3A_1668, %get3A_1662, %broadcast_in_dim3A_1669 : vector<32x128xi1>, vector<32x128xf32>
      %lt3A_1671 = arith.cmpf olt, %select_n3A_1670, %scan3A_1652 : vector<32x128xf32>
      %select_n3A_1672 = arith.select %lt3A_1671, %add3A_1664, %scan3A_1653 : vector<32x128xi1>, vector<32x128xi32>
      %min3A = arith.minimumf %scan3A_1652, %select_n3A_1670 : vector<32x128xf32>
      %mul3A_1673 = arith.constant 8 : i32
      %mul3A_1674 = arith.muli %scan3A_1651, %mul3A_1673 : i32
      %add3A_1675 = arith.constant 1 : i32
      %add3A_1676 = arith.addi %mul3A_1674, %add3A_1675 : i32
      %mul3A_1677 = arith.constant 128 : i32
      %mul3A_1678 = arith.muli %add3A_1676, %mul3A_1677 : i32
      %get3A_1679 = arith.constant 0 : index
      %get3A_1680 = arith.index_cast %mul3A_1678 : i32 to index
      %get3A_1681 = vector.load %arg6[%get3A_1679, %get3A_1680] : memref<32x16384xf32, #tpu.memory_space<vmem>>, vector<32x128xf32>
      %add3A_1682 = vector.broadcast %mul3A_1678 : i32 to vector<32x128xi32>
      %add3A_1683 = arith.addi %iota3A, %add3A_1682 : vector<32x128xi32>
      %gt3A_1684 = arith.cmpf ogt, %get3A_1681, %broadcast_in_dim3A_735 : vector<32x128xf32>
      %eq3A_1685 = arith.cmpf oeq, %get3A_1681, %broadcast_in_dim3A_735 : vector<32x128xf32>
      %gt3A_1686 = arith.cmpi sgt, %add3A_1683, %broadcast_in_dim3A_737 : vector<32x128xi32>
      %and3A_1687 = arith.andi %eq3A_1685, %gt3A_1686 : vector<32x128xi1>
      %or3A_1688 = arith.ori %gt3A_1684, %and3A_1687 : vector<32x128xi1>
      %broadcast_in_dim3A_1689 = vector.broadcast %scan3A_742 : f32 to vector<32x128xf32>
      %select_n3A_1690 = arith.select %or3A_1688, %get3A_1681, %broadcast_in_dim3A_1689 : vector<32x128xi1>, vector<32x128xf32>
      %lt3A_1691 = arith.cmpf olt, %select_n3A_1690, %scan3A_1654 : vector<32x128xf32>
      %select_n3A_1692 = arith.select %lt3A_1691, %add3A_1683, %scan3A_1655 : vector<32x128xi1>, vector<32x128xi32>
      %min3A_1693 = arith.minimumf %scan3A_1654, %select_n3A_1690 : vector<32x128xf32>
      %mul3A_1694 = arith.constant 8 : i32
      %mul3A_1695 = arith.muli %scan3A_1651, %mul3A_1694 : i32
      %add3A_1696 = arith.constant 2 : i32
      %add3A_1697 = arith.addi %mul3A_1695, %add3A_1696 : i32
      %mul3A_1698 = arith.constant 128 : i32
      %mul3A_1699 = arith.muli %add3A_1697, %mul3A_1698 : i32
      %get3A_1700 = arith.constant 0 : index
      %get3A_1701 = arith.index_cast %mul3A_1699 : i32 to index
      %get3A_1702 = vector.load %arg6[%get3A_1700, %get3A_1701] : memref<32x16384xf32, #tpu.memory_space<vmem>>, vector<32x128xf32>
      %add3A_1703 = vector.broadcast %mul3A_1699 : i32 to vector<32x128xi32>
      %add3A_1704 = arith.addi %iota3A, %add3A_1703 : vector<32x128xi32>
      %gt3A_1705 = arith.cmpf ogt, %get3A_1702, %broadcast_in_dim3A_735 : vector<32x128xf32>
      %eq3A_1706 = arith.cmpf oeq, %get3A_1702, %broadcast_in_dim3A_735 : vector<32x128xf32>
      %gt3A_1707 = arith.cmpi sgt, %add3A_1704, %broadcast_in_dim3A_737 : vector<32x128xi32>
      %and3A_1708 = arith.andi %eq3A_1706, %gt3A_1707 : vector<32x128xi1>
      %or3A_1709 = arith.ori %gt3A_1705, %and3A_1708 : vector<32x128xi1>
      %broadcast_in_dim3A_1710 = vector.broadcast %scan3A_742 : f32 to vector<32x128xf32>
      %select_n3A_1711 = arith.select %or3A_1709, %get3A_1702, %broadcast_in_dim3A_1710 : vector<32x128xi1>, vector<32x128xf32>
      %lt3A_1712 = arith.cmpf olt, %select_n3A_1711, %min3A : vector<32x128xf32>
      %select_n3A_1713 = arith.select %lt3A_1712, %add3A_1704, %select_n3A_1672 : vector<32x128xi1>, vector<32x128xi32>
      %min3A_1714 = arith.minimumf %min3A, %select_n3A_1711 : vector<32x128xf32>
      %mul3A_1715 = arith.constant 8 : i32
      %mul3A_1716 = arith.muli %scan3A_1651, %mul3A_1715 : i32
      %add3A_1717 = arith.constant 3 : i32
      %add3A_1718 = arith.addi %mul3A_1716, %add3A_1717 : i32
      %mul3A_1719 = arith.constant 128 : i32
      %mul3A_1720 = arith.muli %add3A_1718, %mul3A_1719 : i32
      %get3A_1721 = arith.constant 0 : index
      %get3A_1722 = arith.index_cast %mul3A_1720 : i32 to index
      %get3A_1723 = vector.load %arg6[%get3A_1721, %get3A_1722] : memref<32x16384xf32, #tpu.memory_space<vmem>>, vector<32x128xf32>
      %add3A_1724 = vector.broadcast %mul3A_1720 : i32 to vector<32x128xi32>
      %add3A_1725 = arith.addi %iota3A, %add3A_1724 : vector<32x128xi32>
      %gt3A_1726 = arith.cmpf ogt, %get3A_1723, %broadcast_in_dim3A_735 : vector<32x128xf32>
      %eq3A_1727 = arith.cmpf oeq, %get3A_1723, %broadcast_in_dim3A_735 : vector<32x128xf32>
      %gt3A_1728 = arith.cmpi sgt, %add3A_1725, %broadcast_in_dim3A_737 : vector<32x128xi32>
      %and3A_1729 = arith.andi %eq3A_1727, %gt3A_1728 : vector<32x128xi1>
      %or3A_1730 = arith.ori %gt3A_1726, %and3A_1729 : vector<32x128xi1>
      %broadcast_in_dim3A_1731 = vector.broadcast %scan3A_742 : f32 to vector<32x128xf32>
      %select_n3A_1732 = arith.select %or3A_1730, %get3A_1723, %broadcast_in_dim3A_1731 : vector<32x128xi1>, vector<32x128xf32>
      %lt3A_1733 = arith.cmpf olt, %select_n3A_1732, %min3A_1693 : vector<32x128xf32>
      %select_n3A_1734 = arith.select %lt3A_1733, %add3A_1725, %select_n3A_1692 : vector<32x128xi1>, vector<32x128xi32>
      %min3A_1735 = arith.minimumf %min3A_1693, %select_n3A_1732 : vector<32x128xf32>
      %mul3A_1736 = arith.constant 8 : i32
      %mul3A_1737 = arith.muli %scan3A_1651, %mul3A_1736 : i32
      %add3A_1738 = arith.constant 4 : i32
      %add3A_1739 = arith.addi %mul3A_1737, %add3A_1738 : i32
      %mul3A_1740 = arith.constant 128 : i32
      %mul3A_1741 = arith.muli %add3A_1739, %mul3A_1740 : i32
      %get3A_1742 = arith.constant 0 : index
      %get3A_1743 = arith.index_cast %mul3A_1741 : i32 to index
      %get3A_1744 = vector.load %arg6[%get3A_1742, %get3A_1743] : memref<32x16384xf32, #tpu.memory_space<vmem>>, vector<32x128xf32>
      %add3A_1745 = vector.broadcast %mul3A_1741 : i32 to vector<32x128xi32>
      %add3A_1746 = arith.addi %iota3A, %add3A_1745 : vector<32x128xi32>
      %gt3A_1747 = arith.cmpf ogt, %get3A_1744, %broadcast_in_dim3A_735 : vector<32x128xf32>
      %eq3A_1748 = arith.cmpf oeq, %get3A_1744, %broadcast_in_dim3A_735 : vector<32x128xf32>
      %gt3A_1749 = arith.cmpi sgt, %add3A_1746, %broadcast_in_dim3A_737 : vector<32x128xi32>
      %and3A_1750 = arith.andi %eq3A_1748, %gt3A_1749 : vector<32x128xi1>
      %or3A_1751 = arith.ori %gt3A_1747, %and3A_1750 : vector<32x128xi1>
      %broadcast_in_dim3A_1752 = vector.broadcast %scan3A_742 : f32 to vector<32x128xf32>
      %select_n3A_1753 = arith.select %or3A_1751, %get3A_1744, %broadcast_in_dim3A_1752 : vector<32x128xi1>, vector<32x128xf32>
      %lt3A_1754 = arith.cmpf olt, %select_n3A_1753, %min3A_1714 : vector<32x128xf32>
      %select_n3A_1755 = arith.select %lt3A_1754, %add3A_1746, %select_n3A_1713 : vector<32x128xi1>, vector<32x128xi32>
      %min3A_1756 = arith.minimumf %min3A_1714, %select_n3A_1753 : vector<32x128xf32>
      %mul3A_1757 = arith.constant 8 : i32
      %mul3A_1758 = arith.muli %scan3A_1651, %mul3A_1757 : i32
      %add3A_1759 = arith.constant 5 : i32
      %add3A_1760 = arith.addi %mul3A_1758, %add3A_1759 : i32
      %mul3A_1761 = arith.constant 128 : i32
      %mul3A_1762 = arith.muli %add3A_1760, %mul3A_1761 : i32
      %get3A_1763 = arith.constant 0 : index
      %get3A_1764 = arith.index_cast %mul3A_1762 : i32 to index
      %get3A_1765 = vector.load %arg6[%get3A_1763, %get3A_1764] : memref<32x16384xf32, #tpu.memory_space<vmem>>, vector<32x128xf32>
      %add3A_1766 = vector.broadcast %mul3A_1762 : i32 to vector<32x128xi32>
      %add3A_1767 = arith.addi %iota3A, %add3A_1766 : vector<32x128xi32>
      %gt3A_1768 = arith.cmpf ogt, %get3A_1765, %broadcast_in_dim3A_735 : vector<32x128xf32>
      %eq3A_1769 = arith.cmpf oeq, %get3A_1765, %broadcast_in_dim3A_735 : vector<32x128xf32>
      %gt3A_1770 = arith.cmpi sgt, %add3A_1767, %broadcast_in_dim3A_737 : vector<32x128xi32>
      %and3A_1771 = arith.andi %eq3A_1769, %gt3A_1770 : vector<32x128xi1>
      %or3A_1772 = arith.ori %gt3A_1768, %and3A_1771 : vector<32x128xi1>
      %broadcast_in_dim3A_1773 = vector.broadcast %scan3A_742 : f32 to vector<32x128xf32>
      %select_n3A_1774 = arith.select %or3A_1772, %get3A_1765, %broadcast_in_dim3A_1773 : vector<32x128xi1>, vector<32x128xf32>
      %lt3A_1775 = arith.cmpf olt, %select_n3A_1774, %min3A_1735 : vector<32x128xf32>
      %select_n3A_1776 = arith.select %lt3A_1775, %add3A_1767, %select_n3A_1734 : vector<32x128xi1>, vector<32x128xi32>
      %min3A_1777 = arith.minimumf %min3A_1735, %select_n3A_1774 : vector<32x128xf32>
      %mul3A_1778 = arith.constant 8 : i32
      %mul3A_1779 = arith.muli %scan3A_1651, %mul3A_1778 : i32
      %add3A_1780 = arith.constant 6 : i32
      %add3A_1781 = arith.addi %mul3A_1779, %add3A_1780 : i32
      %mul3A_1782 = arith.constant 128 : i32
      %mul3A_1783 = arith.muli %add3A_1781, %mul3A_1782 : i32
      %get3A_1784 = arith.constant 0 : index
      %get3A_1785 = arith.index_cast %mul3A_1783 : i32 to index
      %get3A_1786 = vector.load %arg6[%get3A_1784, %get3A_1785] : memref<32x16384xf32, #tpu.memory_space<vmem>>, vector<32x128xf32>
      %add3A_1787 = vector.broadcast %mul3A_1783 : i32 to vector<32x128xi32>
      %add3A_1788 = arith.addi %iota3A, %add3A_1787 : vector<32x128xi32>
      %gt3A_1789 = arith.cmpf ogt, %get3A_1786, %broadcast_in_dim3A_735 : vector<32x128xf32>
      %eq3A_1790 = arith.cmpf oeq, %get3A_1786, %broadcast_in_dim3A_735 : vector<32x128xf32>
      %gt3A_1791 = arith.cmpi sgt, %add3A_1788, %broadcast_in_dim3A_737 : vector<32x128xi32>
      %and3A_1792 = arith.andi %eq3A_1790, %gt3A_1791 : vector<32x128xi1>
      %or3A_1793 = arith.ori %gt3A_1789, %and3A_1792 : vector<32x128xi1>
      %broadcast_in_dim3A_1794 = vector.broadcast %scan3A_742 : f32 to vector<32x128xf32>
      %select_n3A_1795 = arith.select %or3A_1793, %get3A_1786, %broadcast_in_dim3A_1794 : vector<32x128xi1>, vector<32x128xf32>
      %lt3A_1796 = arith.cmpf olt, %select_n3A_1795, %min3A_1756 : vector<32x128xf32>
      %select_n3A_1797 = arith.select %lt3A_1796, %add3A_1788, %select_n3A_1755 : vector<32x128xi1>, vector<32x128xi32>
      %min3A_1798 = arith.minimumf %min3A_1756, %select_n3A_1795 : vector<32x128xf32>
      %mul3A_1799 = arith.constant 8 : i32
      %mul3A_1800 = arith.muli %scan3A_1651, %mul3A_1799 : i32
      %add3A_1801 = arith.constant 7 : i32
      %add3A_1802 = arith.addi %mul3A_1800, %add3A_1801 : i32
      %mul3A_1803 = arith.constant 128 : i32
      %mul3A_1804 = arith.muli %add3A_1802, %mul3A_1803 : i32
      %get3A_1805 = arith.constant 0 : index
      %get3A_1806 = arith.index_cast %mul3A_1804 : i32 to index
      %get3A_1807 = vector.load %arg6[%get3A_1805, %get3A_1806] : memref<32x16384xf32, #tpu.memory_space<vmem>>, vector<32x128xf32>
      %add3A_1808 = vector.broadcast %mul3A_1804 : i32 to vector<32x128xi32>
      %add3A_1809 = arith.addi %iota3A, %add3A_1808 : vector<32x128xi32>
      %gt3A_1810 = arith.cmpf ogt, %get3A_1807, %broadcast_in_dim3A_735 : vector<32x128xf32>
      %eq3A_1811 = arith.cmpf oeq, %get3A_1807, %broadcast_in_dim3A_735 : vector<32x128xf32>
      %gt3A_1812 = arith.cmpi sgt, %add3A_1809, %broadcast_in_dim3A_737 : vector<32x128xi32>
      %and3A_1813 = arith.andi %eq3A_1811, %gt3A_1812 : vector<32x128xi1>
      %or3A_1814 = arith.ori %gt3A_1810, %and3A_1813 : vector<32x128xi1>
      %broadcast_in_dim3A_1815 = vector.broadcast %scan3A_742 : f32 to vector<32x128xf32>
      %select_n3A_1816 = arith.select %or3A_1814, %get3A_1807, %broadcast_in_dim3A_1815 : vector<32x128xi1>, vector<32x128xf32>
      %lt3A_1817 = arith.cmpf olt, %select_n3A_1816, %min3A_1777 : vector<32x128xf32>
      %select_n3A_1818 = arith.select %lt3A_1817, %add3A_1809, %select_n3A_1776 : vector<32x128xi1>, vector<32x128xi32>
      %min3A_1819 = arith.minimumf %min3A_1777, %select_n3A_1816 : vector<32x128xf32>
      scf.yield %min3A_1798, %select_n3A_1797, %min3A_1819, %select_n3A_1818 : vector<32x128xf32>, vector<32x128xi32>, vector<32x128xf32>, vector<32x128xi32>
    }
    %scan3A_748 = arith.constant 16 : i32
    %lt3A_749 = arith.cmpf olt, %scan3A_747#2, %scan3A_747#0 : vector<32x128xf32>
    %eq3A_750 = arith.cmpf oeq, %scan3A_747#2, %scan3A_747#0 : vector<32x128xf32>
    %lt3A_751 = arith.cmpi slt, %scan3A_747#3, %scan3A_747#1 : vector<32x128xi32>
    %and3A_752 = arith.andi %eq3A_750, %lt3A_751 : vector<32x128xi1>
    %or3A_753 = arith.ori %lt3A_749, %and3A_752 : vector<32x128xi1>
    %select_n3A_754 = arith.select %or3A_753, %scan3A_747#2, %scan3A_747#0 : vector<32x128xi1>, vector<32x128xf32>
    %select_n3A_755 = arith.select %or3A_753, %scan3A_747#3, %scan3A_747#1 : vector<32x128xi1>, vector<32x128xi32>
    %slice3A_756 = vector.extract_strided_slice %select_n3A_754 {offsets = [0, 0], sizes = [32, 64], strides = [1, 1]} : vector<32x128xf32> to vector<32x64xf32>
    %slice3A_757 = vector.extract_strided_slice %select_n3A_755 {offsets = [0, 0], sizes = [32, 64], strides = [1, 1]} : vector<32x128xi32> to vector<32x64xi32>
    %slice3A_758 = vector.extract_strided_slice %select_n3A_754 {offsets = [0, 64], sizes = [32, 64], strides = [1, 1]} : vector<32x128xf32> to vector<32x64xf32>
    %slice3A_759 = vector.extract_strided_slice %select_n3A_755 {offsets = [0, 64], sizes = [32, 64], strides = [1, 1]} : vector<32x128xi32> to vector<32x64xi32>
    %lt3A_760 = arith.cmpf olt, %slice3A_758, %slice3A_756 : vector<32x64xf32>
    %eq3A_761 = arith.cmpf oeq, %slice3A_758, %slice3A_756 : vector<32x64xf32>
    %lt3A_762 = arith.cmpi slt, %slice3A_759, %slice3A_757 : vector<32x64xi32>
    %and3A_763 = arith.andi %eq3A_761, %lt3A_762 : vector<32x64xi1>
    %or3A_764 = arith.ori %lt3A_760, %and3A_763 : vector<32x64xi1>
    %select_n3A_765 = arith.select %or3A_764, %slice3A_758, %slice3A_756 : vector<32x64xi1>, vector<32x64xf32>
    %select_n3A_766 = arith.select %or3A_764, %slice3A_759, %slice3A_757 : vector<32x64xi1>, vector<32x64xi32>
    %slice3A_767 = vector.extract_strided_slice %select_n3A_765 {offsets = [0, 0], sizes = [32, 32], strides = [1, 1]} : vector<32x64xf32> to vector<32x32xf32>
    %slice3A_768 = vector.extract_strided_slice %select_n3A_766 {offsets = [0, 0], sizes = [32, 32], strides = [1, 1]} : vector<32x64xi32> to vector<32x32xi32>
    %slice3A_769 = vector.extract_strided_slice %select_n3A_765 {offsets = [0, 32], sizes = [32, 32], strides = [1, 1]} : vector<32x64xf32> to vector<32x32xf32>
    %slice3A_770 = vector.extract_strided_slice %select_n3A_766 {offsets = [0, 32], sizes = [32, 32], strides = [1, 1]} : vector<32x64xi32> to vector<32x32xi32>
    %lt3A_771 = arith.cmpf olt, %slice3A_769, %slice3A_767 : vector<32x32xf32>
    %eq3A_772 = arith.cmpf oeq, %slice3A_769, %slice3A_767 : vector<32x32xf32>
    %lt3A_773 = arith.cmpi slt, %slice3A_770, %slice3A_768 : vector<32x32xi32>
    %and3A_774 = arith.andi %eq3A_772, %lt3A_773 : vector<32x32xi1>
    %or3A_775 = arith.ori %lt3A_771, %and3A_774 : vector<32x32xi1>
    %select_n3A_776 = arith.select %or3A_775, %slice3A_769, %slice3A_767 : vector<32x32xi1>, vector<32x32xf32>
    %select_n3A_777 = arith.select %or3A_775, %slice3A_770, %slice3A_768 : vector<32x32xi1>, vector<32x32xi32>
    %slice3A_778 = vector.extract_strided_slice %select_n3A_776 {offsets = [0, 0], sizes = [32, 16], strides = [1, 1]} : vector<32x32xf32> to vector<32x16xf32>
    %slice3A_779 = vector.extract_strided_slice %select_n3A_777 {offsets = [0, 0], sizes = [32, 16], strides = [1, 1]} : vector<32x32xi32> to vector<32x16xi32>
    %slice3A_780 = vector.extract_strided_slice %select_n3A_776 {offsets = [0, 16], sizes = [32, 16], strides = [1, 1]} : vector<32x32xf32> to vector<32x16xf32>
    %slice3A_781 = vector.extract_strided_slice %select_n3A_777 {offsets = [0, 16], sizes = [32, 16], strides = [1, 1]} : vector<32x32xi32> to vector<32x16xi32>
    %lt3A_782 = arith.cmpf olt, %slice3A_780, %slice3A_778 : vector<32x16xf32>
    %eq3A_783 = arith.cmpf oeq, %slice3A_780, %slice3A_778 : vector<32x16xf32>
    %lt3A_784 = arith.cmpi slt, %slice3A_781, %slice3A_779 : vector<32x16xi32>
    %and3A_785 = arith.andi %eq3A_783, %lt3A_784 : vector<32x16xi1>
    %or3A_786 = arith.ori %lt3A_782, %and3A_785 : vector<32x16xi1>
    %select_n3A_787 = arith.select %or3A_786, %slice3A_780, %slice3A_778 : vector<32x16xi1>, vector<32x16xf32>
    %select_n3A_788 = arith.select %or3A_786, %slice3A_781, %slice3A_779 : vector<32x16xi1>, vector<32x16xi32>
    %slice3A_789 = vector.extract_strided_slice %select_n3A_787 {offsets = [0, 0], sizes = [32, 8], strides = [1, 1]} : vector<32x16xf32> to vector<32x8xf32>
    %slice3A_790 = vector.extract_strided_slice %select_n3A_788 {offsets = [0, 0], sizes = [32, 8], strides = [1, 1]} : vector<32x16xi32> to vector<32x8xi32>
    %slice3A_791 = vector.extract_strided_slice %select_n3A_787 {offsets = [0, 8], sizes = [32, 8], strides = [1, 1]} : vector<32x16xf32> to vector<32x8xf32>
    %slice3A_792 = vector.extract_strided_slice %select_n3A_788 {offsets = [0, 8], sizes = [32, 8], strides = [1, 1]} : vector<32x16xi32> to vector<32x8xi32>
    %lt3A_793 = arith.cmpf olt, %slice3A_791, %slice3A_789 : vector<32x8xf32>
    %eq3A_794 = arith.cmpf oeq, %slice3A_791, %slice3A_789 : vector<32x8xf32>
    %lt3A_795 = arith.cmpi slt, %slice3A_792, %slice3A_790 : vector<32x8xi32>
    %and3A_796 = arith.andi %eq3A_794, %lt3A_795 : vector<32x8xi1>
    %or3A_797 = arith.ori %lt3A_793, %and3A_796 : vector<32x8xi1>
    %select_n3A_798 = arith.select %or3A_797, %slice3A_791, %slice3A_789 : vector<32x8xi1>, vector<32x8xf32>
    %select_n3A_799 = arith.select %or3A_797, %slice3A_792, %slice3A_790 : vector<32x8xi1>, vector<32x8xi32>
    %slice3A_800 = vector.extract_strided_slice %select_n3A_798 {offsets = [0, 0], sizes = [32, 4], strides = [1, 1]} : vector<32x8xf32> to vector<32x4xf32>
    %slice3A_801 = vector.extract_strided_slice %select_n3A_799 {offsets = [0, 0], sizes = [32, 4], strides = [1, 1]} : vector<32x8xi32> to vector<32x4xi32>
    %slice3A_802 = vector.extract_strided_slice %select_n3A_798 {offsets = [0, 4], sizes = [32, 4], strides = [1, 1]} : vector<32x8xf32> to vector<32x4xf32>
    %slice3A_803 = vector.extract_strided_slice %select_n3A_799 {offsets = [0, 4], sizes = [32, 4], strides = [1, 1]} : vector<32x8xi32> to vector<32x4xi32>
    %lt3A_804 = arith.cmpf olt, %slice3A_802, %slice3A_800 : vector<32x4xf32>
    %eq3A_805 = arith.cmpf oeq, %slice3A_802, %slice3A_800 : vector<32x4xf32>
    %lt3A_806 = arith.cmpi slt, %slice3A_803, %slice3A_801 : vector<32x4xi32>
    %and3A_807 = arith.andi %eq3A_805, %lt3A_806 : vector<32x4xi1>
    %or3A_808 = arith.ori %lt3A_804, %and3A_807 : vector<32x4xi1>
    %select_n3A_809 = arith.select %or3A_808, %slice3A_802, %slice3A_800 : vector<32x4xi1>, vector<32x4xf32>
    %select_n3A_810 = arith.select %or3A_808, %slice3A_803, %slice3A_801 : vector<32x4xi1>, vector<32x4xi32>
    %slice3A_811 = vector.extract_strided_slice %select_n3A_809 {offsets = [0, 0], sizes = [32, 2], strides = [1, 1]} : vector<32x4xf32> to vector<32x2xf32>
    %slice3A_812 = vector.extract_strided_slice %select_n3A_810 {offsets = [0, 0], sizes = [32, 2], strides = [1, 1]} : vector<32x4xi32> to vector<32x2xi32>
    %slice3A_813 = vector.extract_strided_slice %select_n3A_809 {offsets = [0, 2], sizes = [32, 2], strides = [1, 1]} : vector<32x4xf32> to vector<32x2xf32>
    %slice3A_814 = vector.extract_strided_slice %select_n3A_810 {offsets = [0, 2], sizes = [32, 2], strides = [1, 1]} : vector<32x4xi32> to vector<32x2xi32>
    %lt3A_815 = arith.cmpf olt, %slice3A_813, %slice3A_811 : vector<32x2xf32>
    %eq3A_816 = arith.cmpf oeq, %slice3A_813, %slice3A_811 : vector<32x2xf32>
    %lt3A_817 = arith.cmpi slt, %slice3A_814, %slice3A_812 : vector<32x2xi32>
    %and3A_818 = arith.andi %eq3A_816, %lt3A_817 : vector<32x2xi1>
    %or3A_819 = arith.ori %lt3A_815, %and3A_818 : vector<32x2xi1>
    %select_n3A_820 = arith.select %or3A_819, %slice3A_813, %slice3A_811 : vector<32x2xi1>, vector<32x2xf32>
    %select_n3A_821 = arith.select %or3A_819, %slice3A_814, %slice3A_812 : vector<32x2xi1>, vector<32x2xi32>
    %slice3A_822 = vector.extract_strided_slice %select_n3A_820 {offsets = [0, 0], sizes = [32, 1], strides = [1, 1]} : vector<32x2xf32> to vector<32x1xf32>
    %slice3A_823 = vector.extract_strided_slice %select_n3A_821 {offsets = [0, 0], sizes = [32, 1], strides = [1, 1]} : vector<32x2xi32> to vector<32x1xi32>
    %slice3A_824 = vector.extract_strided_slice %select_n3A_820 {offsets = [0, 1], sizes = [32, 1], strides = [1, 1]} : vector<32x2xf32> to vector<32x1xf32>
    %slice3A_825 = vector.extract_strided_slice %select_n3A_821 {offsets = [0, 1], sizes = [32, 1], strides = [1, 1]} : vector<32x2xi32> to vector<32x1xi32>
    %lt3A_826 = arith.cmpf olt, %slice3A_824, %slice3A_822 : vector<32x1xf32>
    %eq3A_827 = arith.cmpf oeq, %slice3A_824, %slice3A_822 : vector<32x1xf32>
    %lt3A_828 = arith.cmpi slt, %slice3A_825, %slice3A_823 : vector<32x1xi32>
    %and3A_829 = arith.andi %eq3A_827, %lt3A_828 : vector<32x1xi1>
    %or3A_830 = arith.ori %lt3A_826, %and3A_829 : vector<32x1xi1>
    %select_n3A_831 = arith.select %or3A_830, %slice3A_824, %slice3A_822 : vector<32x1xi1>, vector<32x1xf32>
    %select_n3A_832 = arith.select %or3A_830, %slice3A_825, %slice3A_823 : vector<32x1xi1>, vector<32x1xi32>
    %swap3A_833 = arith.constant 0 : index
    %swap3A_834 = arith.constant 7 : index
    %swap3A_835 = vector.load %arg5[%swap3A_833, %swap3A_834] : memref<32x16xi32, #tpu.memory_space<vmem>>, vector<32x1xi32>
    tpu.vector_store %arg5[%swap3A_833, %swap3A_834], %select_n3A_832 {strides = array<i32>} : memref<32x16xi32, #tpu.memory_space<vmem>>, vector<32x1xi32>,
    %broadcast_in_dim3A_836 = vector.shape_cast %select_n3A_831 : vector<32x1xf32> to vector<32x1xf32>
    %broadcast_in_dim3A_837 = vector.broadcast %broadcast_in_dim3A_836 : vector<32x1xf32> to vector<32x128xf32>
    %broadcast_in_dim3A_838 = vector.shape_cast %select_n3A_832 : vector<32x1xi32> to vector<32x1xi32>
    %broadcast_in_dim3A_839 = vector.broadcast %broadcast_in_dim3A_838 : vector<32x1xi32> to vector<32x128xi32>
    %broadcast_in_dim3A_840 = arith.constant 0x7F800000 : f32
    %broadcast_in_dim3A_841 = vector.broadcast %broadcast_in_dim3A_840 : f32 to vector<32x128xf32>
    %broadcast_in_dim3A_842 = arith.constant 0 : i32
    %broadcast_in_dim3A_843 = vector.broadcast %broadcast_in_dim3A_842 : i32 to vector<32x128xi32>
    %scan3A_844 = arith.constant 0x7F800000 : f32
    %scan3A_845 = arith.constant 0 : i32
    %scan3A_846 = arith.constant 16 : i32
    %scan3A_847 = arith.addi %scan3A_845, %scan3A_846 : i32
    %scan3A_848 = arith.constant 1 : i32
    %scan3A_849:4 = scf.for %scan3A_1651 = %scan3A_845 to %scan3A_847 step %scan3A_848 iter_args(%scan3A_1652 = %broadcast_in_dim3A_841, %scan3A_1653 = %broadcast_in_dim3A_843, %scan3A_1654 = %broadcast_in_dim3A_841, %scan3A_1655 = %broadcast_in_dim3A_843) -> (vector<32x128xf32>, vector<32x128xi32>, vector<32x128xf32>, vector<32x128xi32>)  : i32 {
      %mul3A = arith.constant 8 : i32
      %mul3A_1656 = arith.muli %scan3A_1651, %mul3A : i32
      %add3A = arith.constant 0 : i32
      %add3A_1657 = arith.addi %mul3A_1656, %add3A : i32
      %mul3A_1658 = arith.constant 128 : i32
      %mul3A_1659 = arith.muli %add3A_1657, %mul3A_1658 : i32
      %get3A_1660 = arith.constant 0 : index
      %get3A_1661 = arith.index_cast %mul3A_1659 : i32 to index
      %get3A_1662 = vector.load %arg6[%get3A_1660, %get3A_1661] : memref<32x16384xf32, #tpu.memory_space<vmem>>, vector<32x128xf32>
      %add3A_1663 = vector.broadcast %mul3A_1659 : i32 to vector<32x128xi32>
      %add3A_1664 = arith.addi %iota3A, %add3A_1663 : vector<32x128xi32>
      %gt3A = arith.cmpf ogt, %get3A_1662, %broadcast_in_dim3A_837 : vector<32x128xf32>
      %eq3A_1665 = arith.cmpf oeq, %get3A_1662, %broadcast_in_dim3A_837 : vector<32x128xf32>
      %gt3A_1666 = arith.cmpi sgt, %add3A_1664, %broadcast_in_dim3A_839 : vector<32x128xi32>
      %and3A_1667 = arith.andi %eq3A_1665, %gt3A_1666 : vector<32x128xi1>
      %or3A_1668 = arith.ori %gt3A, %and3A_1667 : vector<32x128xi1>
      %broadcast_in_dim3A_1669 = vector.broadcast %scan3A_844 : f32 to vector<32x128xf32>
      %select_n3A_1670 = arith.select %or3A_1668, %get3A_1662, %broadcast_in_dim3A_1669 : vector<32x128xi1>, vector<32x128xf32>
      %lt3A_1671 = arith.cmpf olt, %select_n3A_1670, %scan3A_1652 : vector<32x128xf32>
      %select_n3A_1672 = arith.select %lt3A_1671, %add3A_1664, %scan3A_1653 : vector<32x128xi1>, vector<32x128xi32>
      %min3A = arith.minimumf %scan3A_1652, %select_n3A_1670 : vector<32x128xf32>
      %mul3A_1673 = arith.constant 8 : i32
      %mul3A_1674 = arith.muli %scan3A_1651, %mul3A_1673 : i32
      %add3A_1675 = arith.constant 1 : i32
      %add3A_1676 = arith.addi %mul3A_1674, %add3A_1675 : i32
      %mul3A_1677 = arith.constant 128 : i32
      %mul3A_1678 = arith.muli %add3A_1676, %mul3A_1677 : i32
      %get3A_1679 = arith.constant 0 : index
      %get3A_1680 = arith.index_cast %mul3A_1678 : i32 to index
      %get3A_1681 = vector.load %arg6[%get3A_1679, %get3A_1680] : memref<32x16384xf32, #tpu.memory_space<vmem>>, vector<32x128xf32>
      %add3A_1682 = vector.broadcast %mul3A_1678 : i32 to vector<32x128xi32>
      %add3A_1683 = arith.addi %iota3A, %add3A_1682 : vector<32x128xi32>
      %gt3A_1684 = arith.cmpf ogt, %get3A_1681, %broadcast_in_dim3A_837 : vector<32x128xf32>
      %eq3A_1685 = arith.cmpf oeq, %get3A_1681, %broadcast_in_dim3A_837 : vector<32x128xf32>
      %gt3A_1686 = arith.cmpi sgt, %add3A_1683, %broadcast_in_dim3A_839 : vector<32x128xi32>
      %and3A_1687 = arith.andi %eq3A_1685, %gt3A_1686 : vector<32x128xi1>
      %or3A_1688 = arith.ori %gt3A_1684, %and3A_1687 : vector<32x128xi1>
      %broadcast_in_dim3A_1689 = vector.broadcast %scan3A_844 : f32 to vector<32x128xf32>
      %select_n3A_1690 = arith.select %or3A_1688, %get3A_1681, %broadcast_in_dim3A_1689 : vector<32x128xi1>, vector<32x128xf32>
      %lt3A_1691 = arith.cmpf olt, %select_n3A_1690, %scan3A_1654 : vector<32x128xf32>
      %select_n3A_1692 = arith.select %lt3A_1691, %add3A_1683, %scan3A_1655 : vector<32x128xi1>, vector<32x128xi32>
      %min3A_1693 = arith.minimumf %scan3A_1654, %select_n3A_1690 : vector<32x128xf32>
      %mul3A_1694 = arith.constant 8 : i32
      %mul3A_1695 = arith.muli %scan3A_1651, %mul3A_1694 : i32
      %add3A_1696 = arith.constant 2 : i32
      %add3A_1697 = arith.addi %mul3A_1695, %add3A_1696 : i32
      %mul3A_1698 = arith.constant 128 : i32
      %mul3A_1699 = arith.muli %add3A_1697, %mul3A_1698 : i32
      %get3A_1700 = arith.constant 0 : index
      %get3A_1701 = arith.index_cast %mul3A_1699 : i32 to index
      %get3A_1702 = vector.load %arg6[%get3A_1700, %get3A_1701] : memref<32x16384xf32, #tpu.memory_space<vmem>>, vector<32x128xf32>
      %add3A_1703 = vector.broadcast %mul3A_1699 : i32 to vector<32x128xi32>
      %add3A_1704 = arith.addi %iota3A, %add3A_1703 : vector<32x128xi32>
      %gt3A_1705 = arith.cmpf ogt, %get3A_1702, %broadcast_in_dim3A_837 : vector<32x128xf32>
      %eq3A_1706 = arith.cmpf oeq, %get3A_1702, %broadcast_in_dim3A_837 : vector<32x128xf32>
      %gt3A_1707 = arith.cmpi sgt, %add3A_1704, %broadcast_in_dim3A_839 : vector<32x128xi32>
      %and3A_1708 = arith.andi %eq3A_1706, %gt3A_1707 : vector<32x128xi1>
      %or3A_1709 = arith.ori %gt3A_1705, %and3A_1708 : vector<32x128xi1>
      %broadcast_in_dim3A_1710 = vector.broadcast %scan3A_844 : f32 to vector<32x128xf32>
      %select_n3A_1711 = arith.select %or3A_1709, %get3A_1702, %broadcast_in_dim3A_1710 : vector<32x128xi1>, vector<32x128xf32>
      %lt3A_1712 = arith.cmpf olt, %select_n3A_1711, %min3A : vector<32x128xf32>
      %select_n3A_1713 = arith.select %lt3A_1712, %add3A_1704, %select_n3A_1672 : vector<32x128xi1>, vector<32x128xi32>
      %min3A_1714 = arith.minimumf %min3A, %select_n3A_1711 : vector<32x128xf32>
      %mul3A_1715 = arith.constant 8 : i32
      %mul3A_1716 = arith.muli %scan3A_1651, %mul3A_1715 : i32
      %add3A_1717 = arith.constant 3 : i32
      %add3A_1718 = arith.addi %mul3A_1716, %add3A_1717 : i32
      %mul3A_1719 = arith.constant 128 : i32
      %mul3A_1720 = arith.muli %add3A_1718, %mul3A_1719 : i32
      %get3A_1721 = arith.constant 0 : index
      %get3A_1722 = arith.index_cast %mul3A_1720 : i32 to index
      %get3A_1723 = vector.load %arg6[%get3A_1721, %get3A_1722] : memref<32x16384xf32, #tpu.memory_space<vmem>>, vector<32x128xf32>
      %add3A_1724 = vector.broadcast %mul3A_1720 : i32 to vector<32x128xi32>
      %add3A_1725 = arith.addi %iota3A, %add3A_1724 : vector<32x128xi32>
      %gt3A_1726 = arith.cmpf ogt, %get3A_1723, %broadcast_in_dim3A_837 : vector<32x128xf32>
      %eq3A_1727 = arith.cmpf oeq, %get3A_1723, %broadcast_in_dim3A_837 : vector<32x128xf32>
      %gt3A_1728 = arith.cmpi sgt, %add3A_1725, %broadcast_in_dim3A_839 : vector<32x128xi32>
      %and3A_1729 = arith.andi %eq3A_1727, %gt3A_1728 : vector<32x128xi1>
      %or3A_1730 = arith.ori %gt3A_1726, %and3A_1729 : vector<32x128xi1>
      %broadcast_in_dim3A_1731 = vector.broadcast %scan3A_844 : f32 to vector<32x128xf32>
      %select_n3A_1732 = arith.select %or3A_1730, %get3A_1723, %broadcast_in_dim3A_1731 : vector<32x128xi1>, vector<32x128xf32>
      %lt3A_1733 = arith.cmpf olt, %select_n3A_1732, %min3A_1693 : vector<32x128xf32>
      %select_n3A_1734 = arith.select %lt3A_1733, %add3A_1725, %select_n3A_1692 : vector<32x128xi1>, vector<32x128xi32>
      %min3A_1735 = arith.minimumf %min3A_1693, %select_n3A_1732 : vector<32x128xf32>
      %mul3A_1736 = arith.constant 8 : i32
      %mul3A_1737 = arith.muli %scan3A_1651, %mul3A_1736 : i32
      %add3A_1738 = arith.constant 4 : i32
      %add3A_1739 = arith.addi %mul3A_1737, %add3A_1738 : i32
      %mul3A_1740 = arith.constant 128 : i32
      %mul3A_1741 = arith.muli %add3A_1739, %mul3A_1740 : i32
      %get3A_1742 = arith.constant 0 : index
      %get3A_1743 = arith.index_cast %mul3A_1741 : i32 to index
      %get3A_1744 = vector.load %arg6[%get3A_1742, %get3A_1743] : memref<32x16384xf32, #tpu.memory_space<vmem>>, vector<32x128xf32>
      %add3A_1745 = vector.broadcast %mul3A_1741 : i32 to vector<32x128xi32>
      %add3A_1746 = arith.addi %iota3A, %add3A_1745 : vector<32x128xi32>
      %gt3A_1747 = arith.cmpf ogt, %get3A_1744, %broadcast_in_dim3A_837 : vector<32x128xf32>
      %eq3A_1748 = arith.cmpf oeq, %get3A_1744, %broadcast_in_dim3A_837 : vector<32x128xf32>
      %gt3A_1749 = arith.cmpi sgt, %add3A_1746, %broadcast_in_dim3A_839 : vector<32x128xi32>
      %and3A_1750 = arith.andi %eq3A_1748, %gt3A_1749 : vector<32x128xi1>
      %or3A_1751 = arith.ori %gt3A_1747, %and3A_1750 : vector<32x128xi1>
      %broadcast_in_dim3A_1752 = vector.broadcast %scan3A_844 : f32 to vector<32x128xf32>
      %select_n3A_1753 = arith.select %or3A_1751, %get3A_1744, %broadcast_in_dim3A_1752 : vector<32x128xi1>, vector<32x128xf32>
      %lt3A_1754 = arith.cmpf olt, %select_n3A_1753, %min3A_1714 : vector<32x128xf32>
      %select_n3A_1755 = arith.select %lt3A_1754, %add3A_1746, %select_n3A_1713 : vector<32x128xi1>, vector<32x128xi32>
      %min3A_1756 = arith.minimumf %min3A_1714, %select_n3A_1753 : vector<32x128xf32>
      %mul3A_1757 = arith.constant 8 : i32
      %mul3A_1758 = arith.muli %scan3A_1651, %mul3A_1757 : i32
      %add3A_1759 = arith.constant 5 : i32
      %add3A_1760 = arith.addi %mul3A_1758, %add3A_1759 : i32
      %mul3A_1761 = arith.constant 128 : i32
      %mul3A_1762 = arith.muli %add3A_1760, %mul3A_1761 : i32
      %get3A_1763 = arith.constant 0 : index
      %get3A_1764 = arith.index_cast %mul3A_1762 : i32 to index
      %get3A_1765 = vector.load %arg6[%get3A_1763, %get3A_1764] : memref<32x16384xf32, #tpu.memory_space<vmem>>, vector<32x128xf32>
      %add3A_1766 = vector.broadcast %mul3A_1762 : i32 to vector<32x128xi32>
      %add3A_1767 = arith.addi %iota3A, %add3A_1766 : vector<32x128xi32>
      %gt3A_1768 = arith.cmpf ogt, %get3A_1765, %broadcast_in_dim3A_837 : vector<32x128xf32>
      %eq3A_1769 = arith.cmpf oeq, %get3A_1765, %broadcast_in_dim3A_837 : vector<32x128xf32>
      %gt3A_1770 = arith.cmpi sgt, %add3A_1767, %broadcast_in_dim3A_839 : vector<32x128xi32>
      %and3A_1771 = arith.andi %eq3A_1769, %gt3A_1770 : vector<32x128xi1>
      %or3A_1772 = arith.ori %gt3A_1768, %and3A_1771 : vector<32x128xi1>
      %broadcast_in_dim3A_1773 = vector.broadcast %scan3A_844 : f32 to vector<32x128xf32>
      %select_n3A_1774 = arith.select %or3A_1772, %get3A_1765, %broadcast_in_dim3A_1773 : vector<32x128xi1>, vector<32x128xf32>
      %lt3A_1775 = arith.cmpf olt, %select_n3A_1774, %min3A_1735 : vector<32x128xf32>
      %select_n3A_1776 = arith.select %lt3A_1775, %add3A_1767, %select_n3A_1734 : vector<32x128xi1>, vector<32x128xi32>
      %min3A_1777 = arith.minimumf %min3A_1735, %select_n3A_1774 : vector<32x128xf32>
      %mul3A_1778 = arith.constant 8 : i32
      %mul3A_1779 = arith.muli %scan3A_1651, %mul3A_1778 : i32
      %add3A_1780 = arith.constant 6 : i32
      %add3A_1781 = arith.addi %mul3A_1779, %add3A_1780 : i32
      %mul3A_1782 = arith.constant 128 : i32
      %mul3A_1783 = arith.muli %add3A_1781, %mul3A_1782 : i32
      %get3A_1784 = arith.constant 0 : index
      %get3A_1785 = arith.index_cast %mul3A_1783 : i32 to index
      %get3A_1786 = vector.load %arg6[%get3A_1784, %get3A_1785] : memref<32x16384xf32, #tpu.memory_space<vmem>>, vector<32x128xf32>
      %add3A_1787 = vector.broadcast %mul3A_1783 : i32 to vector<32x128xi32>
      %add3A_1788 = arith.addi %iota3A, %add3A_1787 : vector<32x128xi32>
      %gt3A_1789 = arith.cmpf ogt, %get3A_1786, %broadcast_in_dim3A_837 : vector<32x128xf32>
      %eq3A_1790 = arith.cmpf oeq, %get3A_1786, %broadcast_in_dim3A_837 : vector<32x128xf32>
      %gt3A_1791 = arith.cmpi sgt, %add3A_1788, %broadcast_in_dim3A_839 : vector<32x128xi32>
      %and3A_1792 = arith.andi %eq3A_1790, %gt3A_1791 : vector<32x128xi1>
      %or3A_1793 = arith.ori %gt3A_1789, %and3A_1792 : vector<32x128xi1>
      %broadcast_in_dim3A_1794 = vector.broadcast %scan3A_844 : f32 to vector<32x128xf32>
      %select_n3A_1795 = arith.select %or3A_1793, %get3A_1786, %broadcast_in_dim3A_1794 : vector<32x128xi1>, vector<32x128xf32>
      %lt3A_1796 = arith.cmpf olt, %select_n3A_1795, %min3A_1756 : vector<32x128xf32>
      %select_n3A_1797 = arith.select %lt3A_1796, %add3A_1788, %select_n3A_1755 : vector<32x128xi1>, vector<32x128xi32>
      %min3A_1798 = arith.minimumf %min3A_1756, %select_n3A_1795 : vector<32x128xf32>
      %mul3A_1799 = arith.constant 8 : i32
      %mul3A_1800 = arith.muli %scan3A_1651, %mul3A_1799 : i32
      %add3A_1801 = arith.constant 7 : i32
      %add3A_1802 = arith.addi %mul3A_1800, %add3A_1801 : i32
      %mul3A_1803 = arith.constant 128 : i32
      %mul3A_1804 = arith.muli %add3A_1802, %mul3A_1803 : i32
      %get3A_1805 = arith.constant 0 : index
      %get3A_1806 = arith.index_cast %mul3A_1804 : i32 to index
      %get3A_1807 = vector.load %arg6[%get3A_1805, %get3A_1806] : memref<32x16384xf32, #tpu.memory_space<vmem>>, vector<32x128xf32>
      %add3A_1808 = vector.broadcast %mul3A_1804 : i32 to vector<32x128xi32>
      %add3A_1809 = arith.addi %iota3A, %add3A_1808 : vector<32x128xi32>
      %gt3A_1810 = arith.cmpf ogt, %get3A_1807, %broadcast_in_dim3A_837 : vector<32x128xf32>
      %eq3A_1811 = arith.cmpf oeq, %get3A_1807, %broadcast_in_dim3A_837 : vector<32x128xf32>
      %gt3A_1812 = arith.cmpi sgt, %add3A_1809, %broadcast_in_dim3A_839 : vector<32x128xi32>
      %and3A_1813 = arith.andi %eq3A_1811, %gt3A_1812 : vector<32x128xi1>
      %or3A_1814 = arith.ori %gt3A_1810, %and3A_1813 : vector<32x128xi1>
      %broadcast_in_dim3A_1815 = vector.broadcast %scan3A_844 : f32 to vector<32x128xf32>
      %select_n3A_1816 = arith.select %or3A_1814, %get3A_1807, %broadcast_in_dim3A_1815 : vector<32x128xi1>, vector<32x128xf32>
      %lt3A_1817 = arith.cmpf olt, %select_n3A_1816, %min3A_1777 : vector<32x128xf32>
      %select_n3A_1818 = arith.select %lt3A_1817, %add3A_1809, %select_n3A_1776 : vector<32x128xi1>, vector<32x128xi32>
      %min3A_1819 = arith.minimumf %min3A_1777, %select_n3A_1816 : vector<32x128xf32>
      scf.yield %min3A_1798, %select_n3A_1797, %min3A_1819, %select_n3A_1818 : vector<32x128xf32>, vector<32x128xi32>, vector<32x128xf32>, vector<32x128xi32>
    }
    %scan3A_850 = arith.constant 16 : i32
    %lt3A_851 = arith.cmpf olt, %scan3A_849#2, %scan3A_849#0 : vector<32x128xf32>
    %eq3A_852 = arith.cmpf oeq, %scan3A_849#2, %scan3A_849#0 : vector<32x128xf32>
    %lt3A_853 = arith.cmpi slt, %scan3A_849#3, %scan3A_849#1 : vector<32x128xi32>
    %and3A_854 = arith.andi %eq3A_852, %lt3A_853 : vector<32x128xi1>
    %or3A_855 = arith.ori %lt3A_851, %and3A_854 : vector<32x128xi1>
    %select_n3A_856 = arith.select %or3A_855, %scan3A_849#2, %scan3A_849#0 : vector<32x128xi1>, vector<32x128xf32>
    %select_n3A_857 = arith.select %or3A_855, %scan3A_849#3, %scan3A_849#1 : vector<32x128xi1>, vector<32x128xi32>
    %slice3A_858 = vector.extract_strided_slice %select_n3A_856 {offsets = [0, 0], sizes = [32, 64], strides = [1, 1]} : vector<32x128xf32> to vector<32x64xf32>
    %slice3A_859 = vector.extract_strided_slice %select_n3A_857 {offsets = [0, 0], sizes = [32, 64], strides = [1, 1]} : vector<32x128xi32> to vector<32x64xi32>
    %slice3A_860 = vector.extract_strided_slice %select_n3A_856 {offsets = [0, 64], sizes = [32, 64], strides = [1, 1]} : vector<32x128xf32> to vector<32x64xf32>
    %slice3A_861 = vector.extract_strided_slice %select_n3A_857 {offsets = [0, 64], sizes = [32, 64], strides = [1, 1]} : vector<32x128xi32> to vector<32x64xi32>
    %lt3A_862 = arith.cmpf olt, %slice3A_860, %slice3A_858 : vector<32x64xf32>
    %eq3A_863 = arith.cmpf oeq, %slice3A_860, %slice3A_858 : vector<32x64xf32>
    %lt3A_864 = arith.cmpi slt, %slice3A_861, %slice3A_859 : vector<32x64xi32>
    %and3A_865 = arith.andi %eq3A_863, %lt3A_864 : vector<32x64xi1>
    %or3A_866 = arith.ori %lt3A_862, %and3A_865 : vector<32x64xi1>
    %select_n3A_867 = arith.select %or3A_866, %slice3A_860, %slice3A_858 : vector<32x64xi1>, vector<32x64xf32>
    %select_n3A_868 = arith.select %or3A_866, %slice3A_861, %slice3A_859 : vector<32x64xi1>, vector<32x64xi32>
    %slice3A_869 = vector.extract_strided_slice %select_n3A_867 {offsets = [0, 0], sizes = [32, 32], strides = [1, 1]} : vector<32x64xf32> to vector<32x32xf32>
    %slice3A_870 = vector.extract_strided_slice %select_n3A_868 {offsets = [0, 0], sizes = [32, 32], strides = [1, 1]} : vector<32x64xi32> to vector<32x32xi32>
    %slice3A_871 = vector.extract_strided_slice %select_n3A_867 {offsets = [0, 32], sizes = [32, 32], strides = [1, 1]} : vector<32x64xf32> to vector<32x32xf32>
    %slice3A_872 = vector.extract_strided_slice %select_n3A_868 {offsets = [0, 32], sizes = [32, 32], strides = [1, 1]} : vector<32x64xi32> to vector<32x32xi32>
    %lt3A_873 = arith.cmpf olt, %slice3A_871, %slice3A_869 : vector<32x32xf32>
    %eq3A_874 = arith.cmpf oeq, %slice3A_871, %slice3A_869 : vector<32x32xf32>
    %lt3A_875 = arith.cmpi slt, %slice3A_872, %slice3A_870 : vector<32x32xi32>
    %and3A_876 = arith.andi %eq3A_874, %lt3A_875 : vector<32x32xi1>
    %or3A_877 = arith.ori %lt3A_873, %and3A_876 : vector<32x32xi1>
    %select_n3A_878 = arith.select %or3A_877, %slice3A_871, %slice3A_869 : vector<32x32xi1>, vector<32x32xf32>
    %select_n3A_879 = arith.select %or3A_877, %slice3A_872, %slice3A_870 : vector<32x32xi1>, vector<32x32xi32>
    %slice3A_880 = vector.extract_strided_slice %select_n3A_878 {offsets = [0, 0], sizes = [32, 16], strides = [1, 1]} : vector<32x32xf32> to vector<32x16xf32>
    %slice3A_881 = vector.extract_strided_slice %select_n3A_879 {offsets = [0, 0], sizes = [32, 16], strides = [1, 1]} : vector<32x32xi32> to vector<32x16xi32>
    %slice3A_882 = vector.extract_strided_slice %select_n3A_878 {offsets = [0, 16], sizes = [32, 16], strides = [1, 1]} : vector<32x32xf32> to vector<32x16xf32>
    %slice3A_883 = vector.extract_strided_slice %select_n3A_879 {offsets = [0, 16], sizes = [32, 16], strides = [1, 1]} : vector<32x32xi32> to vector<32x16xi32>
    %lt3A_884 = arith.cmpf olt, %slice3A_882, %slice3A_880 : vector<32x16xf32>
    %eq3A_885 = arith.cmpf oeq, %slice3A_882, %slice3A_880 : vector<32x16xf32>
    %lt3A_886 = arith.cmpi slt, %slice3A_883, %slice3A_881 : vector<32x16xi32>
    %and3A_887 = arith.andi %eq3A_885, %lt3A_886 : vector<32x16xi1>
    %or3A_888 = arith.ori %lt3A_884, %and3A_887 : vector<32x16xi1>
    %select_n3A_889 = arith.select %or3A_888, %slice3A_882, %slice3A_880 : vector<32x16xi1>, vector<32x16xf32>
    %select_n3A_890 = arith.select %or3A_888, %slice3A_883, %slice3A_881 : vector<32x16xi1>, vector<32x16xi32>
    %slice3A_891 = vector.extract_strided_slice %select_n3A_889 {offsets = [0, 0], sizes = [32, 8], strides = [1, 1]} : vector<32x16xf32> to vector<32x8xf32>
    %slice3A_892 = vector.extract_strided_slice %select_n3A_890 {offsets = [0, 0], sizes = [32, 8], strides = [1, 1]} : vector<32x16xi32> to vector<32x8xi32>
    %slice3A_893 = vector.extract_strided_slice %select_n3A_889 {offsets = [0, 8], sizes = [32, 8], strides = [1, 1]} : vector<32x16xf32> to vector<32x8xf32>
    %slice3A_894 = vector.extract_strided_slice %select_n3A_890 {offsets = [0, 8], sizes = [32, 8], strides = [1, 1]} : vector<32x16xi32> to vector<32x8xi32>
    %lt3A_895 = arith.cmpf olt, %slice3A_893, %slice3A_891 : vector<32x8xf32>
    %eq3A_896 = arith.cmpf oeq, %slice3A_893, %slice3A_891 : vector<32x8xf32>
    %lt3A_897 = arith.cmpi slt, %slice3A_894, %slice3A_892 : vector<32x8xi32>
    %and3A_898 = arith.andi %eq3A_896, %lt3A_897 : vector<32x8xi1>
    %or3A_899 = arith.ori %lt3A_895, %and3A_898 : vector<32x8xi1>
    %select_n3A_900 = arith.select %or3A_899, %slice3A_893, %slice3A_891 : vector<32x8xi1>, vector<32x8xf32>
    %select_n3A_901 = arith.select %or3A_899, %slice3A_894, %slice3A_892 : vector<32x8xi1>, vector<32x8xi32>
    %slice3A_902 = vector.extract_strided_slice %select_n3A_900 {offsets = [0, 0], sizes = [32, 4], strides = [1, 1]} : vector<32x8xf32> to vector<32x4xf32>
    %slice3A_903 = vector.extract_strided_slice %select_n3A_901 {offsets = [0, 0], sizes = [32, 4], strides = [1, 1]} : vector<32x8xi32> to vector<32x4xi32>
    %slice3A_904 = vector.extract_strided_slice %select_n3A_900 {offsets = [0, 4], sizes = [32, 4], strides = [1, 1]} : vector<32x8xf32> to vector<32x4xf32>
    %slice3A_905 = vector.extract_strided_slice %select_n3A_901 {offsets = [0, 4], sizes = [32, 4], strides = [1, 1]} : vector<32x8xi32> to vector<32x4xi32>
    %lt3A_906 = arith.cmpf olt, %slice3A_904, %slice3A_902 : vector<32x4xf32>
    %eq3A_907 = arith.cmpf oeq, %slice3A_904, %slice3A_902 : vector<32x4xf32>
    %lt3A_908 = arith.cmpi slt, %slice3A_905, %slice3A_903 : vector<32x4xi32>
    %and3A_909 = arith.andi %eq3A_907, %lt3A_908 : vector<32x4xi1>
    %or3A_910 = arith.ori %lt3A_906, %and3A_909 : vector<32x4xi1>
    %select_n3A_911 = arith.select %or3A_910, %slice3A_904, %slice3A_902 : vector<32x4xi1>, vector<32x4xf32>
    %select_n3A_912 = arith.select %or3A_910, %slice3A_905, %slice3A_903 : vector<32x4xi1>, vector<32x4xi32>
    %slice3A_913 = vector.extract_strided_slice %select_n3A_911 {offsets = [0, 0], sizes = [32, 2], strides = [1, 1]} : vector<32x4xf32> to vector<32x2xf32>
    %slice3A_914 = vector.extract_strided_slice %select_n3A_912 {offsets = [0, 0], sizes = [32, 2], strides = [1, 1]} : vector<32x4xi32> to vector<32x2xi32>
    %slice3A_915 = vector.extract_strided_slice %select_n3A_911 {offsets = [0, 2], sizes = [32, 2], strides = [1, 1]} : vector<32x4xf32> to vector<32x2xf32>
    %slice3A_916 = vector.extract_strided_slice %select_n3A_912 {offsets = [0, 2], sizes = [32, 2], strides = [1, 1]} : vector<32x4xi32> to vector<32x2xi32>
    %lt3A_917 = arith.cmpf olt, %slice3A_915, %slice3A_913 : vector<32x2xf32>
    %eq3A_918 = arith.cmpf oeq, %slice3A_915, %slice3A_913 : vector<32x2xf32>
    %lt3A_919 = arith.cmpi slt, %slice3A_916, %slice3A_914 : vector<32x2xi32>
    %and3A_920 = arith.andi %eq3A_918, %lt3A_919 : vector<32x2xi1>
    %or3A_921 = arith.ori %lt3A_917, %and3A_920 : vector<32x2xi1>
    %select_n3A_922 = arith.select %or3A_921, %slice3A_915, %slice3A_913 : vector<32x2xi1>, vector<32x2xf32>
    %select_n3A_923 = arith.select %or3A_921, %slice3A_916, %slice3A_914 : vector<32x2xi1>, vector<32x2xi32>
    %slice3A_924 = vector.extract_strided_slice %select_n3A_922 {offsets = [0, 0], sizes = [32, 1], strides = [1, 1]} : vector<32x2xf32> to vector<32x1xf32>
    %slice3A_925 = vector.extract_strided_slice %select_n3A_923 {offsets = [0, 0], sizes = [32, 1], strides = [1, 1]} : vector<32x2xi32> to vector<32x1xi32>
    %slice3A_926 = vector.extract_strided_slice %select_n3A_922 {offsets = [0, 1], sizes = [32, 1], strides = [1, 1]} : vector<32x2xf32> to vector<32x1xf32>
    %slice3A_927 = vector.extract_strided_slice %select_n3A_923 {offsets = [0, 1], sizes = [32, 1], strides = [1, 1]} : vector<32x2xi32> to vector<32x1xi32>
    %lt3A_928 = arith.cmpf olt, %slice3A_926, %slice3A_924 : vector<32x1xf32>
    %eq3A_929 = arith.cmpf oeq, %slice3A_926, %slice3A_924 : vector<32x1xf32>
    %lt3A_930 = arith.cmpi slt, %slice3A_927, %slice3A_925 : vector<32x1xi32>
    %and3A_931 = arith.andi %eq3A_929, %lt3A_930 : vector<32x1xi1>
    %or3A_932 = arith.ori %lt3A_928, %and3A_931 : vector<32x1xi1>
    %select_n3A_933 = arith.select %or3A_932, %slice3A_926, %slice3A_924 : vector<32x1xi1>, vector<32x1xf32>
    %select_n3A_934 = arith.select %or3A_932, %slice3A_927, %slice3A_925 : vector<32x1xi1>, vector<32x1xi32>
    %swap3A_935 = arith.constant 0 : index
    %swap3A_936 = arith.constant 8 : index
    %swap3A_937 = vector.load %arg5[%swap3A_935, %swap3A_936] : memref<32x16xi32, #tpu.memory_space<vmem>>, vector<32x1xi32>
    tpu.vector_store %arg5[%swap3A_935, %swap3A_936], %select_n3A_934 {strides = array<i32>} : memref<32x16xi32, #tpu.memory_space<vmem>>, vector<32x1xi32>,
    %broadcast_in_dim3A_938 = vector.shape_cast %select_n3A_933 : vector<32x1xf32> to vector<32x1xf32>
    %broadcast_in_dim3A_939 = vector.broadcast %broadcast_in_dim3A_938 : vector<32x1xf32> to vector<32x128xf32>
    %broadcast_in_dim3A_940 = vector.shape_cast %select_n3A_934 : vector<32x1xi32> to vector<32x1xi32>
    %broadcast_in_dim3A_941 = vector.broadcast %broadcast_in_dim3A_940 : vector<32x1xi32> to vector<32x128xi32>
    %broadcast_in_dim3A_942 = arith.constant 0x7F800000 : f32
    %broadcast_in_dim3A_943 = vector.broadcast %broadcast_in_dim3A_942 : f32 to vector<32x128xf32>
    %broadcast_in_dim3A_944 = arith.constant 0 : i32
    %broadcast_in_dim3A_945 = vector.broadcast %broadcast_in_dim3A_944 : i32 to vector<32x128xi32>
    %scan3A_946 = arith.constant 0x7F800000 : f32
    %scan3A_947 = arith.constant 0 : i32
    %scan3A_948 = arith.constant 16 : i32
    %scan3A_949 = arith.addi %scan3A_947, %scan3A_948 : i32
    %scan3A_950 = arith.constant 1 : i32
    %scan3A_951:4 = scf.for %scan3A_1651 = %scan3A_947 to %scan3A_949 step %scan3A_950 iter_args(%scan3A_1652 = %broadcast_in_dim3A_943, %scan3A_1653 = %broadcast_in_dim3A_945, %scan3A_1654 = %broadcast_in_dim3A_943, %scan3A_1655 = %broadcast_in_dim3A_945) -> (vector<32x128xf32>, vector<32x128xi32>, vector<32x128xf32>, vector<32x128xi32>)  : i32 {
      %mul3A = arith.constant 8 : i32
      %mul3A_1656 = arith.muli %scan3A_1651, %mul3A : i32
      %add3A = arith.constant 0 : i32
      %add3A_1657 = arith.addi %mul3A_1656, %add3A : i32
      %mul3A_1658 = arith.constant 128 : i32
      %mul3A_1659 = arith.muli %add3A_1657, %mul3A_1658 : i32
      %get3A_1660 = arith.constant 0 : index
      %get3A_1661 = arith.index_cast %mul3A_1659 : i32 to index
      %get3A_1662 = vector.load %arg6[%get3A_1660, %get3A_1661] : memref<32x16384xf32, #tpu.memory_space<vmem>>, vector<32x128xf32>
      %add3A_1663 = vector.broadcast %mul3A_1659 : i32 to vector<32x128xi32>
      %add3A_1664 = arith.addi %iota3A, %add3A_1663 : vector<32x128xi32>
      %gt3A = arith.cmpf ogt, %get3A_1662, %broadcast_in_dim3A_939 : vector<32x128xf32>
      %eq3A_1665 = arith.cmpf oeq, %get3A_1662, %broadcast_in_dim3A_939 : vector<32x128xf32>
      %gt3A_1666 = arith.cmpi sgt, %add3A_1664, %broadcast_in_dim3A_941 : vector<32x128xi32>
      %and3A_1667 = arith.andi %eq3A_1665, %gt3A_1666 : vector<32x128xi1>
      %or3A_1668 = arith.ori %gt3A, %and3A_1667 : vector<32x128xi1>
      %broadcast_in_dim3A_1669 = vector.broadcast %scan3A_946 : f32 to vector<32x128xf32>
      %select_n3A_1670 = arith.select %or3A_1668, %get3A_1662, %broadcast_in_dim3A_1669 : vector<32x128xi1>, vector<32x128xf32>
      %lt3A_1671 = arith.cmpf olt, %select_n3A_1670, %scan3A_1652 : vector<32x128xf32>
      %select_n3A_1672 = arith.select %lt3A_1671, %add3A_1664, %scan3A_1653 : vector<32x128xi1>, vector<32x128xi32>
      %min3A = arith.minimumf %scan3A_1652, %select_n3A_1670 : vector<32x128xf32>
      %mul3A_1673 = arith.constant 8 : i32
      %mul3A_1674 = arith.muli %scan3A_1651, %mul3A_1673 : i32
      %add3A_1675 = arith.constant 1 : i32
      %add3A_1676 = arith.addi %mul3A_1674, %add3A_1675 : i32
      %mul3A_1677 = arith.constant 128 : i32
      %mul3A_1678 = arith.muli %add3A_1676, %mul3A_1677 : i32
      %get3A_1679 = arith.constant 0 : index
      %get3A_1680 = arith.index_cast %mul3A_1678 : i32 to index
      %get3A_1681 = vector.load %arg6[%get3A_1679, %get3A_1680] : memref<32x16384xf32, #tpu.memory_space<vmem>>, vector<32x128xf32>
      %add3A_1682 = vector.broadcast %mul3A_1678 : i32 to vector<32x128xi32>
      %add3A_1683 = arith.addi %iota3A, %add3A_1682 : vector<32x128xi32>
      %gt3A_1684 = arith.cmpf ogt, %get3A_1681, %broadcast_in_dim3A_939 : vector<32x128xf32>
      %eq3A_1685 = arith.cmpf oeq, %get3A_1681, %broadcast_in_dim3A_939 : vector<32x128xf32>
      %gt3A_1686 = arith.cmpi sgt, %add3A_1683, %broadcast_in_dim3A_941 : vector<32x128xi32>
      %and3A_1687 = arith.andi %eq3A_1685, %gt3A_1686 : vector<32x128xi1>
      %or3A_1688 = arith.ori %gt3A_1684, %and3A_1687 : vector<32x128xi1>
      %broadcast_in_dim3A_1689 = vector.broadcast %scan3A_946 : f32 to vector<32x128xf32>
      %select_n3A_1690 = arith.select %or3A_1688, %get3A_1681, %broadcast_in_dim3A_1689 : vector<32x128xi1>, vector<32x128xf32>
      %lt3A_1691 = arith.cmpf olt, %select_n3A_1690, %scan3A_1654 : vector<32x128xf32>
      %select_n3A_1692 = arith.select %lt3A_1691, %add3A_1683, %scan3A_1655 : vector<32x128xi1>, vector<32x128xi32>
      %min3A_1693 = arith.minimumf %scan3A_1654, %select_n3A_1690 : vector<32x128xf32>
      %mul3A_1694 = arith.constant 8 : i32
      %mul3A_1695 = arith.muli %scan3A_1651, %mul3A_1694 : i32
      %add3A_1696 = arith.constant 2 : i32
      %add3A_1697 = arith.addi %mul3A_1695, %add3A_1696 : i32
      %mul3A_1698 = arith.constant 128 : i32
      %mul3A_1699 = arith.muli %add3A_1697, %mul3A_1698 : i32
      %get3A_1700 = arith.constant 0 : index
      %get3A_1701 = arith.index_cast %mul3A_1699 : i32 to index
      %get3A_1702 = vector.load %arg6[%get3A_1700, %get3A_1701] : memref<32x16384xf32, #tpu.memory_space<vmem>>, vector<32x128xf32>
      %add3A_1703 = vector.broadcast %mul3A_1699 : i32 to vector<32x128xi32>
      %add3A_1704 = arith.addi %iota3A, %add3A_1703 : vector<32x128xi32>
      %gt3A_1705 = arith.cmpf ogt, %get3A_1702, %broadcast_in_dim3A_939 : vector<32x128xf32>
      %eq3A_1706 = arith.cmpf oeq, %get3A_1702, %broadcast_in_dim3A_939 : vector<32x128xf32>
      %gt3A_1707 = arith.cmpi sgt, %add3A_1704, %broadcast_in_dim3A_941 : vector<32x128xi32>
      %and3A_1708 = arith.andi %eq3A_1706, %gt3A_1707 : vector<32x128xi1>
      %or3A_1709 = arith.ori %gt3A_1705, %and3A_1708 : vector<32x128xi1>
      %broadcast_in_dim3A_1710 = vector.broadcast %scan3A_946 : f32 to vector<32x128xf32>
      %select_n3A_1711 = arith.select %or3A_1709, %get3A_1702, %broadcast_in_dim3A_1710 : vector<32x128xi1>, vector<32x128xf32>
      %lt3A_1712 = arith.cmpf olt, %select_n3A_1711, %min3A : vector<32x128xf32>
      %select_n3A_1713 = arith.select %lt3A_1712, %add3A_1704, %select_n3A_1672 : vector<32x128xi1>, vector<32x128xi32>
      %min3A_1714 = arith.minimumf %min3A, %select_n3A_1711 : vector<32x128xf32>
      %mul3A_1715 = arith.constant 8 : i32
      %mul3A_1716 = arith.muli %scan3A_1651, %mul3A_1715 : i32
      %add3A_1717 = arith.constant 3 : i32
      %add3A_1718 = arith.addi %mul3A_1716, %add3A_1717 : i32
      %mul3A_1719 = arith.constant 128 : i32
      %mul3A_1720 = arith.muli %add3A_1718, %mul3A_1719 : i32
      %get3A_1721 = arith.constant 0 : index
      %get3A_1722 = arith.index_cast %mul3A_1720 : i32 to index
      %get3A_1723 = vector.load %arg6[%get3A_1721, %get3A_1722] : memref<32x16384xf32, #tpu.memory_space<vmem>>, vector<32x128xf32>
      %add3A_1724 = vector.broadcast %mul3A_1720 : i32 to vector<32x128xi32>
      %add3A_1725 = arith.addi %iota3A, %add3A_1724 : vector<32x128xi32>
      %gt3A_1726 = arith.cmpf ogt, %get3A_1723, %broadcast_in_dim3A_939 : vector<32x128xf32>
      %eq3A_1727 = arith.cmpf oeq, %get3A_1723, %broadcast_in_dim3A_939 : vector<32x128xf32>
      %gt3A_1728 = arith.cmpi sgt, %add3A_1725, %broadcast_in_dim3A_941 : vector<32x128xi32>
      %and3A_1729 = arith.andi %eq3A_1727, %gt3A_1728 : vector<32x128xi1>
      %or3A_1730 = arith.ori %gt3A_1726, %and3A_1729 : vector<32x128xi1>
      %broadcast_in_dim3A_1731 = vector.broadcast %scan3A_946 : f32 to vector<32x128xf32>
      %select_n3A_1732 = arith.select %or3A_1730, %get3A_1723, %broadcast_in_dim3A_1731 : vector<32x128xi1>, vector<32x128xf32>
      %lt3A_1733 = arith.cmpf olt, %select_n3A_1732, %min3A_1693 : vector<32x128xf32>
      %select_n3A_1734 = arith.select %lt3A_1733, %add3A_1725, %select_n3A_1692 : vector<32x128xi1>, vector<32x128xi32>
      %min3A_1735 = arith.minimumf %min3A_1693, %select_n3A_1732 : vector<32x128xf32>
      %mul3A_1736 = arith.constant 8 : i32
      %mul3A_1737 = arith.muli %scan3A_1651, %mul3A_1736 : i32
      %add3A_1738 = arith.constant 4 : i32
      %add3A_1739 = arith.addi %mul3A_1737, %add3A_1738 : i32
      %mul3A_1740 = arith.constant 128 : i32
      %mul3A_1741 = arith.muli %add3A_1739, %mul3A_1740 : i32
      %get3A_1742 = arith.constant 0 : index
      %get3A_1743 = arith.index_cast %mul3A_1741 : i32 to index
      %get3A_1744 = vector.load %arg6[%get3A_1742, %get3A_1743] : memref<32x16384xf32, #tpu.memory_space<vmem>>, vector<32x128xf32>
      %add3A_1745 = vector.broadcast %mul3A_1741 : i32 to vector<32x128xi32>
      %add3A_1746 = arith.addi %iota3A, %add3A_1745 : vector<32x128xi32>
      %gt3A_1747 = arith.cmpf ogt, %get3A_1744, %broadcast_in_dim3A_939 : vector<32x128xf32>
      %eq3A_1748 = arith.cmpf oeq, %get3A_1744, %broadcast_in_dim3A_939 : vector<32x128xf32>
      %gt3A_1749 = arith.cmpi sgt, %add3A_1746, %broadcast_in_dim3A_941 : vector<32x128xi32>
      %and3A_1750 = arith.andi %eq3A_1748, %gt3A_1749 : vector<32x128xi1>
      %or3A_1751 = arith.ori %gt3A_1747, %and3A_1750 : vector<32x128xi1>
      %broadcast_in_dim3A_1752 = vector.broadcast %scan3A_946 : f32 to vector<32x128xf32>
      %select_n3A_1753 = arith.select %or3A_1751, %get3A_1744, %broadcast_in_dim3A_1752 : vector<32x128xi1>, vector<32x128xf32>
      %lt3A_1754 = arith.cmpf olt, %select_n3A_1753, %min3A_1714 : vector<32x128xf32>
      %select_n3A_1755 = arith.select %lt3A_1754, %add3A_1746, %select_n3A_1713 : vector<32x128xi1>, vector<32x128xi32>
      %min3A_1756 = arith.minimumf %min3A_1714, %select_n3A_1753 : vector<32x128xf32>
      %mul3A_1757 = arith.constant 8 : i32
      %mul3A_1758 = arith.muli %scan3A_1651, %mul3A_1757 : i32
      %add3A_1759 = arith.constant 5 : i32
      %add3A_1760 = arith.addi %mul3A_1758, %add3A_1759 : i32
      %mul3A_1761 = arith.constant 128 : i32
      %mul3A_1762 = arith.muli %add3A_1760, %mul3A_1761 : i32
      %get3A_1763 = arith.constant 0 : index
      %get3A_1764 = arith.index_cast %mul3A_1762 : i32 to index
      %get3A_1765 = vector.load %arg6[%get3A_1763, %get3A_1764] : memref<32x16384xf32, #tpu.memory_space<vmem>>, vector<32x128xf32>
      %add3A_1766 = vector.broadcast %mul3A_1762 : i32 to vector<32x128xi32>
      %add3A_1767 = arith.addi %iota3A, %add3A_1766 : vector<32x128xi32>
      %gt3A_1768 = arith.cmpf ogt, %get3A_1765, %broadcast_in_dim3A_939 : vector<32x128xf32>
      %eq3A_1769 = arith.cmpf oeq, %get3A_1765, %broadcast_in_dim3A_939 : vector<32x128xf32>
      %gt3A_1770 = arith.cmpi sgt, %add3A_1767, %broadcast_in_dim3A_941 : vector<32x128xi32>
      %and3A_1771 = arith.andi %eq3A_1769, %gt3A_1770 : vector<32x128xi1>
      %or3A_1772 = arith.ori %gt3A_1768, %and3A_1771 : vector<32x128xi1>
      %broadcast_in_dim3A_1773 = vector.broadcast %scan3A_946 : f32 to vector<32x128xf32>
      %select_n3A_1774 = arith.select %or3A_1772, %get3A_1765, %broadcast_in_dim3A_1773 : vector<32x128xi1>, vector<32x128xf32>
      %lt3A_1775 = arith.cmpf olt, %select_n3A_1774, %min3A_1735 : vector<32x128xf32>
      %select_n3A_1776 = arith.select %lt3A_1775, %add3A_1767, %select_n3A_1734 : vector<32x128xi1>, vector<32x128xi32>
      %min3A_1777 = arith.minimumf %min3A_1735, %select_n3A_1774 : vector<32x128xf32>
      %mul3A_1778 = arith.constant 8 : i32
      %mul3A_1779 = arith.muli %scan3A_1651, %mul3A_1778 : i32
      %add3A_1780 = arith.constant 6 : i32
      %add3A_1781 = arith.addi %mul3A_1779, %add3A_1780 : i32
      %mul3A_1782 = arith.constant 128 : i32
      %mul3A_1783 = arith.muli %add3A_1781, %mul3A_1782 : i32
      %get3A_1784 = arith.constant 0 : index
      %get3A_1785 = arith.index_cast %mul3A_1783 : i32 to index
      %get3A_1786 = vector.load %arg6[%get3A_1784, %get3A_1785] : memref<32x16384xf32, #tpu.memory_space<vmem>>, vector<32x128xf32>
      %add3A_1787 = vector.broadcast %mul3A_1783 : i32 to vector<32x128xi32>
      %add3A_1788 = arith.addi %iota3A, %add3A_1787 : vector<32x128xi32>
      %gt3A_1789 = arith.cmpf ogt, %get3A_1786, %broadcast_in_dim3A_939 : vector<32x128xf32>
      %eq3A_1790 = arith.cmpf oeq, %get3A_1786, %broadcast_in_dim3A_939 : vector<32x128xf32>
      %gt3A_1791 = arith.cmpi sgt, %add3A_1788, %broadcast_in_dim3A_941 : vector<32x128xi32>
      %and3A_1792 = arith.andi %eq3A_1790, %gt3A_1791 : vector<32x128xi1>
      %or3A_1793 = arith.ori %gt3A_1789, %and3A_1792 : vector<32x128xi1>
      %broadcast_in_dim3A_1794 = vector.broadcast %scan3A_946 : f32 to vector<32x128xf32>
      %select_n3A_1795 = arith.select %or3A_1793, %get3A_1786, %broadcast_in_dim3A_1794 : vector<32x128xi1>, vector<32x128xf32>
      %lt3A_1796 = arith.cmpf olt, %select_n3A_1795, %min3A_1756 : vector<32x128xf32>
      %select_n3A_1797 = arith.select %lt3A_1796, %add3A_1788, %select_n3A_1755 : vector<32x128xi1>, vector<32x128xi32>
      %min3A_1798 = arith.minimumf %min3A_1756, %select_n3A_1795 : vector<32x128xf32>
      %mul3A_1799 = arith.constant 8 : i32
      %mul3A_1800 = arith.muli %scan3A_1651, %mul3A_1799 : i32
      %add3A_1801 = arith.constant 7 : i32
      %add3A_1802 = arith.addi %mul3A_1800, %add3A_1801 : i32
      %mul3A_1803 = arith.constant 128 : i32
      %mul3A_1804 = arith.muli %add3A_1802, %mul3A_1803 : i32
      %get3A_1805 = arith.constant 0 : index
      %get3A_1806 = arith.index_cast %mul3A_1804 : i32 to index
      %get3A_1807 = vector.load %arg6[%get3A_1805, %get3A_1806] : memref<32x16384xf32, #tpu.memory_space<vmem>>, vector<32x128xf32>
      %add3A_1808 = vector.broadcast %mul3A_1804 : i32 to vector<32x128xi32>
      %add3A_1809 = arith.addi %iota3A, %add3A_1808 : vector<32x128xi32>
      %gt3A_1810 = arith.cmpf ogt, %get3A_1807, %broadcast_in_dim3A_939 : vector<32x128xf32>
      %eq3A_1811 = arith.cmpf oeq, %get3A_1807, %broadcast_in_dim3A_939 : vector<32x128xf32>
      %gt3A_1812 = arith.cmpi sgt, %add3A_1809, %broadcast_in_dim3A_941 : vector<32x128xi32>
      %and3A_1813 = arith.andi %eq3A_1811, %gt3A_1812 : vector<32x128xi1>
      %or3A_1814 = arith.ori %gt3A_1810, %and3A_1813 : vector<32x128xi1>
      %broadcast_in_dim3A_1815 = vector.broadcast %scan3A_946 : f32 to vector<32x128xf32>
      %select_n3A_1816 = arith.select %or3A_1814, %get3A_1807, %broadcast_in_dim3A_1815 : vector<32x128xi1>, vector<32x128xf32>
      %lt3A_1817 = arith.cmpf olt, %select_n3A_1816, %min3A_1777 : vector<32x128xf32>
      %select_n3A_1818 = arith.select %lt3A_1817, %add3A_1809, %select_n3A_1776 : vector<32x128xi1>, vector<32x128xi32>
      %min3A_1819 = arith.minimumf %min3A_1777, %select_n3A_1816 : vector<32x128xf32>
      scf.yield %min3A_1798, %select_n3A_1797, %min3A_1819, %select_n3A_1818 : vector<32x128xf32>, vector<32x128xi32>, vector<32x128xf32>, vector<32x128xi32>
    }
    %scan3A_952 = arith.constant 16 : i32
    %lt3A_953 = arith.cmpf olt, %scan3A_951#2, %scan3A_951#0 : vector<32x128xf32>
    %eq3A_954 = arith.cmpf oeq, %scan3A_951#2, %scan3A_951#0 : vector<32x128xf32>
    %lt3A_955 = arith.cmpi slt, %scan3A_951#3, %scan3A_951#1 : vector<32x128xi32>
    %and3A_956 = arith.andi %eq3A_954, %lt3A_955 : vector<32x128xi1>
    %or3A_957 = arith.ori %lt3A_953, %and3A_956 : vector<32x128xi1>
    %select_n3A_958 = arith.select %or3A_957, %scan3A_951#2, %scan3A_951#0 : vector<32x128xi1>, vector<32x128xf32>
    %select_n3A_959 = arith.select %or3A_957, %scan3A_951#3, %scan3A_951#1 : vector<32x128xi1>, vector<32x128xi32>
    %slice3A_960 = vector.extract_strided_slice %select_n3A_958 {offsets = [0, 0], sizes = [32, 64], strides = [1, 1]} : vector<32x128xf32> to vector<32x64xf32>
    %slice3A_961 = vector.extract_strided_slice %select_n3A_959 {offsets = [0, 0], sizes = [32, 64], strides = [1, 1]} : vector<32x128xi32> to vector<32x64xi32>
    %slice3A_962 = vector.extract_strided_slice %select_n3A_958 {offsets = [0, 64], sizes = [32, 64], strides = [1, 1]} : vector<32x128xf32> to vector<32x64xf32>
    %slice3A_963 = vector.extract_strided_slice %select_n3A_959 {offsets = [0, 64], sizes = [32, 64], strides = [1, 1]} : vector<32x128xi32> to vector<32x64xi32>
    %lt3A_964 = arith.cmpf olt, %slice3A_962, %slice3A_960 : vector<32x64xf32>
    %eq3A_965 = arith.cmpf oeq, %slice3A_962, %slice3A_960 : vector<32x64xf32>
    %lt3A_966 = arith.cmpi slt, %slice3A_963, %slice3A_961 : vector<32x64xi32>
    %and3A_967 = arith.andi %eq3A_965, %lt3A_966 : vector<32x64xi1>
    %or3A_968 = arith.ori %lt3A_964, %and3A_967 : vector<32x64xi1>
    %select_n3A_969 = arith.select %or3A_968, %slice3A_962, %slice3A_960 : vector<32x64xi1>, vector<32x64xf32>
    %select_n3A_970 = arith.select %or3A_968, %slice3A_963, %slice3A_961 : vector<32x64xi1>, vector<32x64xi32>
    %slice3A_971 = vector.extract_strided_slice %select_n3A_969 {offsets = [0, 0], sizes = [32, 32], strides = [1, 1]} : vector<32x64xf32> to vector<32x32xf32>
    %slice3A_972 = vector.extract_strided_slice %select_n3A_970 {offsets = [0, 0], sizes = [32, 32], strides = [1, 1]} : vector<32x64xi32> to vector<32x32xi32>
    %slice3A_973 = vector.extract_strided_slice %select_n3A_969 {offsets = [0, 32], sizes = [32, 32], strides = [1, 1]} : vector<32x64xf32> to vector<32x32xf32>
    %slice3A_974 = vector.extract_strided_slice %select_n3A_970 {offsets = [0, 32], sizes = [32, 32], strides = [1, 1]} : vector<32x64xi32> to vector<32x32xi32>
    %lt3A_975 = arith.cmpf olt, %slice3A_973, %slice3A_971 : vector<32x32xf32>
    %eq3A_976 = arith.cmpf oeq, %slice3A_973, %slice3A_971 : vector<32x32xf32>
    %lt3A_977 = arith.cmpi slt, %slice3A_974, %slice3A_972 : vector<32x32xi32>
    %and3A_978 = arith.andi %eq3A_976, %lt3A_977 : vector<32x32xi1>
    %or3A_979 = arith.ori %lt3A_975, %and3A_978 : vector<32x32xi1>
    %select_n3A_980 = arith.select %or3A_979, %slice3A_973, %slice3A_971 : vector<32x32xi1>, vector<32x32xf32>
    %select_n3A_981 = arith.select %or3A_979, %slice3A_974, %slice3A_972 : vector<32x32xi1>, vector<32x32xi32>
    %slice3A_982 = vector.extract_strided_slice %select_n3A_980 {offsets = [0, 0], sizes = [32, 16], strides = [1, 1]} : vector<32x32xf32> to vector<32x16xf32>
    %slice3A_983 = vector.extract_strided_slice %select_n3A_981 {offsets = [0, 0], sizes = [32, 16], strides = [1, 1]} : vector<32x32xi32> to vector<32x16xi32>
    %slice3A_984 = vector.extract_strided_slice %select_n3A_980 {offsets = [0, 16], sizes = [32, 16], strides = [1, 1]} : vector<32x32xf32> to vector<32x16xf32>
    %slice3A_985 = vector.extract_strided_slice %select_n3A_981 {offsets = [0, 16], sizes = [32, 16], strides = [1, 1]} : vector<32x32xi32> to vector<32x16xi32>
    %lt3A_986 = arith.cmpf olt, %slice3A_984, %slice3A_982 : vector<32x16xf32>
    %eq3A_987 = arith.cmpf oeq, %slice3A_984, %slice3A_982 : vector<32x16xf32>
    %lt3A_988 = arith.cmpi slt, %slice3A_985, %slice3A_983 : vector<32x16xi32>
    %and3A_989 = arith.andi %eq3A_987, %lt3A_988 : vector<32x16xi1>
    %or3A_990 = arith.ori %lt3A_986, %and3A_989 : vector<32x16xi1>
    %select_n3A_991 = arith.select %or3A_990, %slice3A_984, %slice3A_982 : vector<32x16xi1>, vector<32x16xf32>
    %select_n3A_992 = arith.select %or3A_990, %slice3A_985, %slice3A_983 : vector<32x16xi1>, vector<32x16xi32>
    %slice3A_993 = vector.extract_strided_slice %select_n3A_991 {offsets = [0, 0], sizes = [32, 8], strides = [1, 1]} : vector<32x16xf32> to vector<32x8xf32>
    %slice3A_994 = vector.extract_strided_slice %select_n3A_992 {offsets = [0, 0], sizes = [32, 8], strides = [1, 1]} : vector<32x16xi32> to vector<32x8xi32>
    %slice3A_995 = vector.extract_strided_slice %select_n3A_991 {offsets = [0, 8], sizes = [32, 8], strides = [1, 1]} : vector<32x16xf32> to vector<32x8xf32>
    %slice3A_996 = vector.extract_strided_slice %select_n3A_992 {offsets = [0, 8], sizes = [32, 8], strides = [1, 1]} : vector<32x16xi32> to vector<32x8xi32>
    %lt3A_997 = arith.cmpf olt, %slice3A_995, %slice3A_993 : vector<32x8xf32>
    %eq3A_998 = arith.cmpf oeq, %slice3A_995, %slice3A_993 : vector<32x8xf32>
    %lt3A_999 = arith.cmpi slt, %slice3A_996, %slice3A_994 : vector<32x8xi32>
    %and3A_1000 = arith.andi %eq3A_998, %lt3A_999 : vector<32x8xi1>
    %or3A_1001 = arith.ori %lt3A_997, %and3A_1000 : vector<32x8xi1>
    %select_n3A_1002 = arith.select %or3A_1001, %slice3A_995, %slice3A_993 : vector<32x8xi1>, vector<32x8xf32>
    %select_n3A_1003 = arith.select %or3A_1001, %slice3A_996, %slice3A_994 : vector<32x8xi1>, vector<32x8xi32>
    %slice3A_1004 = vector.extract_strided_slice %select_n3A_1002 {offsets = [0, 0], sizes = [32, 4], strides = [1, 1]} : vector<32x8xf32> to vector<32x4xf32>
    %slice3A_1005 = vector.extract_strided_slice %select_n3A_1003 {offsets = [0, 0], sizes = [32, 4], strides = [1, 1]} : vector<32x8xi32> to vector<32x4xi32>
    %slice3A_1006 = vector.extract_strided_slice %select_n3A_1002 {offsets = [0, 4], sizes = [32, 4], strides = [1, 1]} : vector<32x8xf32> to vector<32x4xf32>
    %slice3A_1007 = vector.extract_strided_slice %select_n3A_1003 {offsets = [0, 4], sizes = [32, 4], strides = [1, 1]} : vector<32x8xi32> to vector<32x4xi32>
    %lt3A_1008 = arith.cmpf olt, %slice3A_1006, %slice3A_1004 : vector<32x4xf32>
    %eq3A_1009 = arith.cmpf oeq, %slice3A_1006, %slice3A_1004 : vector<32x4xf32>
    %lt3A_1010 = arith.cmpi slt, %slice3A_1007, %slice3A_1005 : vector<32x4xi32>
    %and3A_1011 = arith.andi %eq3A_1009, %lt3A_1010 : vector<32x4xi1>
    %or3A_1012 = arith.ori %lt3A_1008, %and3A_1011 : vector<32x4xi1>
    %select_n3A_1013 = arith.select %or3A_1012, %slice3A_1006, %slice3A_1004 : vector<32x4xi1>, vector<32x4xf32>
    %select_n3A_1014 = arith.select %or3A_1012, %slice3A_1007, %slice3A_1005 : vector<32x4xi1>, vector<32x4xi32>
    %slice3A_1015 = vector.extract_strided_slice %select_n3A_1013 {offsets = [0, 0], sizes = [32, 2], strides = [1, 1]} : vector<32x4xf32> to vector<32x2xf32>
    %slice3A_1016 = vector.extract_strided_slice %select_n3A_1014 {offsets = [0, 0], sizes = [32, 2], strides = [1, 1]} : vector<32x4xi32> to vector<32x2xi32>
    %slice3A_1017 = vector.extract_strided_slice %select_n3A_1013 {offsets = [0, 2], sizes = [32, 2], strides = [1, 1]} : vector<32x4xf32> to vector<32x2xf32>
    %slice3A_1018 = vector.extract_strided_slice %select_n3A_1014 {offsets = [0, 2], sizes = [32, 2], strides = [1, 1]} : vector<32x4xi32> to vector<32x2xi32>
    %lt3A_1019 = arith.cmpf olt, %slice3A_1017, %slice3A_1015 : vector<32x2xf32>
    %eq3A_1020 = arith.cmpf oeq, %slice3A_1017, %slice3A_1015 : vector<32x2xf32>
    %lt3A_1021 = arith.cmpi slt, %slice3A_1018, %slice3A_1016 : vector<32x2xi32>
    %and3A_1022 = arith.andi %eq3A_1020, %lt3A_1021 : vector<32x2xi1>
    %or3A_1023 = arith.ori %lt3A_1019, %and3A_1022 : vector<32x2xi1>
    %select_n3A_1024 = arith.select %or3A_1023, %slice3A_1017, %slice3A_1015 : vector<32x2xi1>, vector<32x2xf32>
    %select_n3A_1025 = arith.select %or3A_1023, %slice3A_1018, %slice3A_1016 : vector<32x2xi1>, vector<32x2xi32>
    %slice3A_1026 = vector.extract_strided_slice %select_n3A_1024 {offsets = [0, 0], sizes = [32, 1], strides = [1, 1]} : vector<32x2xf32> to vector<32x1xf32>
    %slice3A_1027 = vector.extract_strided_slice %select_n3A_1025 {offsets = [0, 0], sizes = [32, 1], strides = [1, 1]} : vector<32x2xi32> to vector<32x1xi32>
    %slice3A_1028 = vector.extract_strided_slice %select_n3A_1024 {offsets = [0, 1], sizes = [32, 1], strides = [1, 1]} : vector<32x2xf32> to vector<32x1xf32>
    %slice3A_1029 = vector.extract_strided_slice %select_n3A_1025 {offsets = [0, 1], sizes = [32, 1], strides = [1, 1]} : vector<32x2xi32> to vector<32x1xi32>
    %lt3A_1030 = arith.cmpf olt, %slice3A_1028, %slice3A_1026 : vector<32x1xf32>
    %eq3A_1031 = arith.cmpf oeq, %slice3A_1028, %slice3A_1026 : vector<32x1xf32>
    %lt3A_1032 = arith.cmpi slt, %slice3A_1029, %slice3A_1027 : vector<32x1xi32>
    %and3A_1033 = arith.andi %eq3A_1031, %lt3A_1032 : vector<32x1xi1>
    %or3A_1034 = arith.ori %lt3A_1030, %and3A_1033 : vector<32x1xi1>
    %select_n3A_1035 = arith.select %or3A_1034, %slice3A_1028, %slice3A_1026 : vector<32x1xi1>, vector<32x1xf32>
    %select_n3A_1036 = arith.select %or3A_1034, %slice3A_1029, %slice3A_1027 : vector<32x1xi1>, vector<32x1xi32>
    %swap3A_1037 = arith.constant 0 : index
    %swap3A_1038 = arith.constant 9 : index
    %swap3A_1039 = vector.load %arg5[%swap3A_1037, %swap3A_1038] : memref<32x16xi32, #tpu.memory_space<vmem>>, vector<32x1xi32>
    tpu.vector_store %arg5[%swap3A_1037, %swap3A_1038], %select_n3A_1036 {strides = array<i32>} : memref<32x16xi32, #tpu.memory_space<vmem>>, vector<32x1xi32>,
    %broadcast_in_dim3A_1040 = vector.shape_cast %select_n3A_1035 : vector<32x1xf32> to vector<32x1xf32>
    %broadcast_in_dim3A_1041 = vector.broadcast %broadcast_in_dim3A_1040 : vector<32x1xf32> to vector<32x128xf32>
    %broadcast_in_dim3A_1042 = vector.shape_cast %select_n3A_1036 : vector<32x1xi32> to vector<32x1xi32>
    %broadcast_in_dim3A_1043 = vector.broadcast %broadcast_in_dim3A_1042 : vector<32x1xi32> to vector<32x128xi32>
    %broadcast_in_dim3A_1044 = arith.constant 0x7F800000 : f32
    %broadcast_in_dim3A_1045 = vector.broadcast %broadcast_in_dim3A_1044 : f32 to vector<32x128xf32>
    %broadcast_in_dim3A_1046 = arith.constant 0 : i32
    %broadcast_in_dim3A_1047 = vector.broadcast %broadcast_in_dim3A_1046 : i32 to vector<32x128xi32>
    %scan3A_1048 = arith.constant 0x7F800000 : f32
    %scan3A_1049 = arith.constant 0 : i32
    %scan3A_1050 = arith.constant 16 : i32
    %scan3A_1051 = arith.addi %scan3A_1049, %scan3A_1050 : i32
    %scan3A_1052 = arith.constant 1 : i32
    %scan3A_1053:4 = scf.for %scan3A_1651 = %scan3A_1049 to %scan3A_1051 step %scan3A_1052 iter_args(%scan3A_1652 = %broadcast_in_dim3A_1045, %scan3A_1653 = %broadcast_in_dim3A_1047, %scan3A_1654 = %broadcast_in_dim3A_1045, %scan3A_1655 = %broadcast_in_dim3A_1047) -> (vector<32x128xf32>, vector<32x128xi32>, vector<32x128xf32>, vector<32x128xi32>)  : i32 {
      %mul3A = arith.constant 8 : i32
      %mul3A_1656 = arith.muli %scan3A_1651, %mul3A : i32
      %add3A = arith.constant 0 : i32
      %add3A_1657 = arith.addi %mul3A_1656, %add3A : i32
      %mul3A_1658 = arith.constant 128 : i32
      %mul3A_1659 = arith.muli %add3A_1657, %mul3A_1658 : i32
      %get3A_1660 = arith.constant 0 : index
      %get3A_1661 = arith.index_cast %mul3A_1659 : i32 to index
      %get3A_1662 = vector.load %arg6[%get3A_1660, %get3A_1661] : memref<32x16384xf32, #tpu.memory_space<vmem>>, vector<32x128xf32>
      %add3A_1663 = vector.broadcast %mul3A_1659 : i32 to vector<32x128xi32>
      %add3A_1664 = arith.addi %iota3A, %add3A_1663 : vector<32x128xi32>
      %gt3A = arith.cmpf ogt, %get3A_1662, %broadcast_in_dim3A_1041 : vector<32x128xf32>
      %eq3A_1665 = arith.cmpf oeq, %get3A_1662, %broadcast_in_dim3A_1041 : vector<32x128xf32>
      %gt3A_1666 = arith.cmpi sgt, %add3A_1664, %broadcast_in_dim3A_1043 : vector<32x128xi32>
      %and3A_1667 = arith.andi %eq3A_1665, %gt3A_1666 : vector<32x128xi1>
      %or3A_1668 = arith.ori %gt3A, %and3A_1667 : vector<32x128xi1>
      %broadcast_in_dim3A_1669 = vector.broadcast %scan3A_1048 : f32 to vector<32x128xf32>
      %select_n3A_1670 = arith.select %or3A_1668, %get3A_1662, %broadcast_in_dim3A_1669 : vector<32x128xi1>, vector<32x128xf32>
      %lt3A_1671 = arith.cmpf olt, %select_n3A_1670, %scan3A_1652 : vector<32x128xf32>
      %select_n3A_1672 = arith.select %lt3A_1671, %add3A_1664, %scan3A_1653 : vector<32x128xi1>, vector<32x128xi32>
      %min3A = arith.minimumf %scan3A_1652, %select_n3A_1670 : vector<32x128xf32>
      %mul3A_1673 = arith.constant 8 : i32
      %mul3A_1674 = arith.muli %scan3A_1651, %mul3A_1673 : i32
      %add3A_1675 = arith.constant 1 : i32
      %add3A_1676 = arith.addi %mul3A_1674, %add3A_1675 : i32
      %mul3A_1677 = arith.constant 128 : i32
      %mul3A_1678 = arith.muli %add3A_1676, %mul3A_1677 : i32
      %get3A_1679 = arith.constant 0 : index
      %get3A_1680 = arith.index_cast %mul3A_1678 : i32 to index
      %get3A_1681 = vector.load %arg6[%get3A_1679, %get3A_1680] : memref<32x16384xf32, #tpu.memory_space<vmem>>, vector<32x128xf32>
      %add3A_1682 = vector.broadcast %mul3A_1678 : i32 to vector<32x128xi32>
      %add3A_1683 = arith.addi %iota3A, %add3A_1682 : vector<32x128xi32>
      %gt3A_1684 = arith.cmpf ogt, %get3A_1681, %broadcast_in_dim3A_1041 : vector<32x128xf32>
      %eq3A_1685 = arith.cmpf oeq, %get3A_1681, %broadcast_in_dim3A_1041 : vector<32x128xf32>
      %gt3A_1686 = arith.cmpi sgt, %add3A_1683, %broadcast_in_dim3A_1043 : vector<32x128xi32>
      %and3A_1687 = arith.andi %eq3A_1685, %gt3A_1686 : vector<32x128xi1>
      %or3A_1688 = arith.ori %gt3A_1684, %and3A_1687 : vector<32x128xi1>
      %broadcast_in_dim3A_1689 = vector.broadcast %scan3A_1048 : f32 to vector<32x128xf32>
      %select_n3A_1690 = arith.select %or3A_1688, %get3A_1681, %broadcast_in_dim3A_1689 : vector<32x128xi1>, vector<32x128xf32>
      %lt3A_1691 = arith.cmpf olt, %select_n3A_1690, %scan3A_1654 : vector<32x128xf32>
      %select_n3A_1692 = arith.select %lt3A_1691, %add3A_1683, %scan3A_1655 : vector<32x128xi1>, vector<32x128xi32>
      %min3A_1693 = arith.minimumf %scan3A_1654, %select_n3A_1690 : vector<32x128xf32>
      %mul3A_1694 = arith.constant 8 : i32
      %mul3A_1695 = arith.muli %scan3A_1651, %mul3A_1694 : i32
      %add3A_1696 = arith.constant 2 : i32
      %add3A_1697 = arith.addi %mul3A_1695, %add3A_1696 : i32
      %mul3A_1698 = arith.constant 128 : i32
      %mul3A_1699 = arith.muli %add3A_1697, %mul3A_1698 : i32
      %get3A_1700 = arith.constant 0 : index
      %get3A_1701 = arith.index_cast %mul3A_1699 : i32 to index
      %get3A_1702 = vector.load %arg6[%get3A_1700, %get3A_1701] : memref<32x16384xf32, #tpu.memory_space<vmem>>, vector<32x128xf32>
      %add3A_1703 = vector.broadcast %mul3A_1699 : i32 to vector<32x128xi32>
      %add3A_1704 = arith.addi %iota3A, %add3A_1703 : vector<32x128xi32>
      %gt3A_1705 = arith.cmpf ogt, %get3A_1702, %broadcast_in_dim3A_1041 : vector<32x128xf32>
      %eq3A_1706 = arith.cmpf oeq, %get3A_1702, %broadcast_in_dim3A_1041 : vector<32x128xf32>
      %gt3A_1707 = arith.cmpi sgt, %add3A_1704, %broadcast_in_dim3A_1043 : vector<32x128xi32>
      %and3A_1708 = arith.andi %eq3A_1706, %gt3A_1707 : vector<32x128xi1>
      %or3A_1709 = arith.ori %gt3A_1705, %and3A_1708 : vector<32x128xi1>
      %broadcast_in_dim3A_1710 = vector.broadcast %scan3A_1048 : f32 to vector<32x128xf32>
      %select_n3A_1711 = arith.select %or3A_1709, %get3A_1702, %broadcast_in_dim3A_1710 : vector<32x128xi1>, vector<32x128xf32>
      %lt3A_1712 = arith.cmpf olt, %select_n3A_1711, %min3A : vector<32x128xf32>
      %select_n3A_1713 = arith.select %lt3A_1712, %add3A_1704, %select_n3A_1672 : vector<32x128xi1>, vector<32x128xi32>
      %min3A_1714 = arith.minimumf %min3A, %select_n3A_1711 : vector<32x128xf32>
      %mul3A_1715 = arith.constant 8 : i32
      %mul3A_1716 = arith.muli %scan3A_1651, %mul3A_1715 : i32
      %add3A_1717 = arith.constant 3 : i32
      %add3A_1718 = arith.addi %mul3A_1716, %add3A_1717 : i32
      %mul3A_1719 = arith.constant 128 : i32
      %mul3A_1720 = arith.muli %add3A_1718, %mul3A_1719 : i32
      %get3A_1721 = arith.constant 0 : index
      %get3A_1722 = arith.index_cast %mul3A_1720 : i32 to index
      %get3A_1723 = vector.load %arg6[%get3A_1721, %get3A_1722] : memref<32x16384xf32, #tpu.memory_space<vmem>>, vector<32x128xf32>
      %add3A_1724 = vector.broadcast %mul3A_1720 : i32 to vector<32x128xi32>
      %add3A_1725 = arith.addi %iota3A, %add3A_1724 : vector<32x128xi32>
      %gt3A_1726 = arith.cmpf ogt, %get3A_1723, %broadcast_in_dim3A_1041 : vector<32x128xf32>
      %eq3A_1727 = arith.cmpf oeq, %get3A_1723, %broadcast_in_dim3A_1041 : vector<32x128xf32>
      %gt3A_1728 = arith.cmpi sgt, %add3A_1725, %broadcast_in_dim3A_1043 : vector<32x128xi32>
      %and3A_1729 = arith.andi %eq3A_1727, %gt3A_1728 : vector<32x128xi1>
      %or3A_1730 = arith.ori %gt3A_1726, %and3A_1729 : vector<32x128xi1>
      %broadcast_in_dim3A_1731 = vector.broadcast %scan3A_1048 : f32 to vector<32x128xf32>
      %select_n3A_1732 = arith.select %or3A_1730, %get3A_1723, %broadcast_in_dim3A_1731 : vector<32x128xi1>, vector<32x128xf32>
      %lt3A_1733 = arith.cmpf olt, %select_n3A_1732, %min3A_1693 : vector<32x128xf32>
      %select_n3A_1734 = arith.select %lt3A_1733, %add3A_1725, %select_n3A_1692 : vector<32x128xi1>, vector<32x128xi32>
      %min3A_1735 = arith.minimumf %min3A_1693, %select_n3A_1732 : vector<32x128xf32>
      %mul3A_1736 = arith.constant 8 : i32
      %mul3A_1737 = arith.muli %scan3A_1651, %mul3A_1736 : i32
      %add3A_1738 = arith.constant 4 : i32
      %add3A_1739 = arith.addi %mul3A_1737, %add3A_1738 : i32
      %mul3A_1740 = arith.constant 128 : i32
      %mul3A_1741 = arith.muli %add3A_1739, %mul3A_1740 : i32
      %get3A_1742 = arith.constant 0 : index
      %get3A_1743 = arith.index_cast %mul3A_1741 : i32 to index
      %get3A_1744 = vector.load %arg6[%get3A_1742, %get3A_1743] : memref<32x16384xf32, #tpu.memory_space<vmem>>, vector<32x128xf32>
      %add3A_1745 = vector.broadcast %mul3A_1741 : i32 to vector<32x128xi32>
      %add3A_1746 = arith.addi %iota3A, %add3A_1745 : vector<32x128xi32>
      %gt3A_1747 = arith.cmpf ogt, %get3A_1744, %broadcast_in_dim3A_1041 : vector<32x128xf32>
      %eq3A_1748 = arith.cmpf oeq, %get3A_1744, %broadcast_in_dim3A_1041 : vector<32x128xf32>
      %gt3A_1749 = arith.cmpi sgt, %add3A_1746, %broadcast_in_dim3A_1043 : vector<32x128xi32>
      %and3A_1750 = arith.andi %eq3A_1748, %gt3A_1749 : vector<32x128xi1>
      %or3A_1751 = arith.ori %gt3A_1747, %and3A_1750 : vector<32x128xi1>
      %broadcast_in_dim3A_1752 = vector.broadcast %scan3A_1048 : f32 to vector<32x128xf32>
      %select_n3A_1753 = arith.select %or3A_1751, %get3A_1744, %broadcast_in_dim3A_1752 : vector<32x128xi1>, vector<32x128xf32>
      %lt3A_1754 = arith.cmpf olt, %select_n3A_1753, %min3A_1714 : vector<32x128xf32>
      %select_n3A_1755 = arith.select %lt3A_1754, %add3A_1746, %select_n3A_1713 : vector<32x128xi1>, vector<32x128xi32>
      %min3A_1756 = arith.minimumf %min3A_1714, %select_n3A_1753 : vector<32x128xf32>
      %mul3A_1757 = arith.constant 8 : i32
      %mul3A_1758 = arith.muli %scan3A_1651, %mul3A_1757 : i32
      %add3A_1759 = arith.constant 5 : i32
      %add3A_1760 = arith.addi %mul3A_1758, %add3A_1759 : i32
      %mul3A_1761 = arith.constant 128 : i32
      %mul3A_1762 = arith.muli %add3A_1760, %mul3A_1761 : i32
      %get3A_1763 = arith.constant 0 : index
      %get3A_1764 = arith.index_cast %mul3A_1762 : i32 to index
      %get3A_1765 = vector.load %arg6[%get3A_1763, %get3A_1764] : memref<32x16384xf32, #tpu.memory_space<vmem>>, vector<32x128xf32>
      %add3A_1766 = vector.broadcast %mul3A_1762 : i32 to vector<32x128xi32>
      %add3A_1767 = arith.addi %iota3A, %add3A_1766 : vector<32x128xi32>
      %gt3A_1768 = arith.cmpf ogt, %get3A_1765, %broadcast_in_dim3A_1041 : vector<32x128xf32>
      %eq3A_1769 = arith.cmpf oeq, %get3A_1765, %broadcast_in_dim3A_1041 : vector<32x128xf32>
      %gt3A_1770 = arith.cmpi sgt, %add3A_1767, %broadcast_in_dim3A_1043 : vector<32x128xi32>
      %and3A_1771 = arith.andi %eq3A_1769, %gt3A_1770 : vector<32x128xi1>
      %or3A_1772 = arith.ori %gt3A_1768, %and3A_1771 : vector<32x128xi1>
      %broadcast_in_dim3A_1773 = vector.broadcast %scan3A_1048 : f32 to vector<32x128xf32>
      %select_n3A_1774 = arith.select %or3A_1772, %get3A_1765, %broadcast_in_dim3A_1773 : vector<32x128xi1>, vector<32x128xf32>
      %lt3A_1775 = arith.cmpf olt, %select_n3A_1774, %min3A_1735 : vector<32x128xf32>
      %select_n3A_1776 = arith.select %lt3A_1775, %add3A_1767, %select_n3A_1734 : vector<32x128xi1>, vector<32x128xi32>
      %min3A_1777 = arith.minimumf %min3A_1735, %select_n3A_1774 : vector<32x128xf32>
      %mul3A_1778 = arith.constant 8 : i32
      %mul3A_1779 = arith.muli %scan3A_1651, %mul3A_1778 : i32
      %add3A_1780 = arith.constant 6 : i32
      %add3A_1781 = arith.addi %mul3A_1779, %add3A_1780 : i32
      %mul3A_1782 = arith.constant 128 : i32
      %mul3A_1783 = arith.muli %add3A_1781, %mul3A_1782 : i32
      %get3A_1784 = arith.constant 0 : index
      %get3A_1785 = arith.index_cast %mul3A_1783 : i32 to index
      %get3A_1786 = vector.load %arg6[%get3A_1784, %get3A_1785] : memref<32x16384xf32, #tpu.memory_space<vmem>>, vector<32x128xf32>
      %add3A_1787 = vector.broadcast %mul3A_1783 : i32 to vector<32x128xi32>
      %add3A_1788 = arith.addi %iota3A, %add3A_1787 : vector<32x128xi32>
      %gt3A_1789 = arith.cmpf ogt, %get3A_1786, %broadcast_in_dim3A_1041 : vector<32x128xf32>
      %eq3A_1790 = arith.cmpf oeq, %get3A_1786, %broadcast_in_dim3A_1041 : vector<32x128xf32>
      %gt3A_1791 = arith.cmpi sgt, %add3A_1788, %broadcast_in_dim3A_1043 : vector<32x128xi32>
      %and3A_1792 = arith.andi %eq3A_1790, %gt3A_1791 : vector<32x128xi1>
      %or3A_1793 = arith.ori %gt3A_1789, %and3A_1792 : vector<32x128xi1>
      %broadcast_in_dim3A_1794 = vector.broadcast %scan3A_1048 : f32 to vector<32x128xf32>
      %select_n3A_1795 = arith.select %or3A_1793, %get3A_1786, %broadcast_in_dim3A_1794 : vector<32x128xi1>, vector<32x128xf32>
      %lt3A_1796 = arith.cmpf olt, %select_n3A_1795, %min3A_1756 : vector<32x128xf32>
      %select_n3A_1797 = arith.select %lt3A_1796, %add3A_1788, %select_n3A_1755 : vector<32x128xi1>, vector<32x128xi32>
      %min3A_1798 = arith.minimumf %min3A_1756, %select_n3A_1795 : vector<32x128xf32>
      %mul3A_1799 = arith.constant 8 : i32
      %mul3A_1800 = arith.muli %scan3A_1651, %mul3A_1799 : i32
      %add3A_1801 = arith.constant 7 : i32
      %add3A_1802 = arith.addi %mul3A_1800, %add3A_1801 : i32
      %mul3A_1803 = arith.constant 128 : i32
      %mul3A_1804 = arith.muli %add3A_1802, %mul3A_1803 : i32
      %get3A_1805 = arith.constant 0 : index
      %get3A_1806 = arith.index_cast %mul3A_1804 : i32 to index
      %get3A_1807 = vector.load %arg6[%get3A_1805, %get3A_1806] : memref<32x16384xf32, #tpu.memory_space<vmem>>, vector<32x128xf32>
      %add3A_1808 = vector.broadcast %mul3A_1804 : i32 to vector<32x128xi32>
      %add3A_1809 = arith.addi %iota3A, %add3A_1808 : vector<32x128xi32>
      %gt3A_1810 = arith.cmpf ogt, %get3A_1807, %broadcast_in_dim3A_1041 : vector<32x128xf32>
      %eq3A_1811 = arith.cmpf oeq, %get3A_1807, %broadcast_in_dim3A_1041 : vector<32x128xf32>
      %gt3A_1812 = arith.cmpi sgt, %add3A_1809, %broadcast_in_dim3A_1043 : vector<32x128xi32>
      %and3A_1813 = arith.andi %eq3A_1811, %gt3A_1812 : vector<32x128xi1>
      %or3A_1814 = arith.ori %gt3A_1810, %and3A_1813 : vector<32x128xi1>
      %broadcast_in_dim3A_1815 = vector.broadcast %scan3A_1048 : f32 to vector<32x128xf32>
      %select_n3A_1816 = arith.select %or3A_1814, %get3A_1807, %broadcast_in_dim3A_1815 : vector<32x128xi1>, vector<32x128xf32>
      %lt3A_1817 = arith.cmpf olt, %select_n3A_1816, %min3A_1777 : vector<32x128xf32>
      %select_n3A_1818 = arith.select %lt3A_1817, %add3A_1809, %select_n3A_1776 : vector<32x128xi1>, vector<32x128xi32>
      %min3A_1819 = arith.minimumf %min3A_1777, %select_n3A_1816 : vector<32x128xf32>
      scf.yield %min3A_1798, %select_n3A_1797, %min3A_1819, %select_n3A_1818 : vector<32x128xf32>, vector<32x128xi32>, vector<32x128xf32>, vector<32x128xi32>
    }
    %scan3A_1054 = arith.constant 16 : i32
    %lt3A_1055 = arith.cmpf olt, %scan3A_1053#2, %scan3A_1053#0 : vector<32x128xf32>
    %eq3A_1056 = arith.cmpf oeq, %scan3A_1053#2, %scan3A_1053#0 : vector<32x128xf32>
    %lt3A_1057 = arith.cmpi slt, %scan3A_1053#3, %scan3A_1053#1 : vector<32x128xi32>
    %and3A_1058 = arith.andi %eq3A_1056, %lt3A_1057 : vector<32x128xi1>
    %or3A_1059 = arith.ori %lt3A_1055, %and3A_1058 : vector<32x128xi1>
    %select_n3A_1060 = arith.select %or3A_1059, %scan3A_1053#2, %scan3A_1053#0 : vector<32x128xi1>, vector<32x128xf32>
    %select_n3A_1061 = arith.select %or3A_1059, %scan3A_1053#3, %scan3A_1053#1 : vector<32x128xi1>, vector<32x128xi32>
    %slice3A_1062 = vector.extract_strided_slice %select_n3A_1060 {offsets = [0, 0], sizes = [32, 64], strides = [1, 1]} : vector<32x128xf32> to vector<32x64xf32>
    %slice3A_1063 = vector.extract_strided_slice %select_n3A_1061 {offsets = [0, 0], sizes = [32, 64], strides = [1, 1]} : vector<32x128xi32> to vector<32x64xi32>
    %slice3A_1064 = vector.extract_strided_slice %select_n3A_1060 {offsets = [0, 64], sizes = [32, 64], strides = [1, 1]} : vector<32x128xf32> to vector<32x64xf32>
    %slice3A_1065 = vector.extract_strided_slice %select_n3A_1061 {offsets = [0, 64], sizes = [32, 64], strides = [1, 1]} : vector<32x128xi32> to vector<32x64xi32>
    %lt3A_1066 = arith.cmpf olt, %slice3A_1064, %slice3A_1062 : vector<32x64xf32>
    %eq3A_1067 = arith.cmpf oeq, %slice3A_1064, %slice3A_1062 : vector<32x64xf32>
    %lt3A_1068 = arith.cmpi slt, %slice3A_1065, %slice3A_1063 : vector<32x64xi32>
    %and3A_1069 = arith.andi %eq3A_1067, %lt3A_1068 : vector<32x64xi1>
    %or3A_1070 = arith.ori %lt3A_1066, %and3A_1069 : vector<32x64xi1>
    %select_n3A_1071 = arith.select %or3A_1070, %slice3A_1064, %slice3A_1062 : vector<32x64xi1>, vector<32x64xf32>
    %select_n3A_1072 = arith.select %or3A_1070, %slice3A_1065, %slice3A_1063 : vector<32x64xi1>, vector<32x64xi32>
    %slice3A_1073 = vector.extract_strided_slice %select_n3A_1071 {offsets = [0, 0], sizes = [32, 32], strides = [1, 1]} : vector<32x64xf32> to vector<32x32xf32>
    %slice3A_1074 = vector.extract_strided_slice %select_n3A_1072 {offsets = [0, 0], sizes = [32, 32], strides = [1, 1]} : vector<32x64xi32> to vector<32x32xi32>
    %slice3A_1075 = vector.extract_strided_slice %select_n3A_1071 {offsets = [0, 32], sizes = [32, 32], strides = [1, 1]} : vector<32x64xf32> to vector<32x32xf32>
    %slice3A_1076 = vector.extract_strided_slice %select_n3A_1072 {offsets = [0, 32], sizes = [32, 32], strides = [1, 1]} : vector<32x64xi32> to vector<32x32xi32>
    %lt3A_1077 = arith.cmpf olt, %slice3A_1075, %slice3A_1073 : vector<32x32xf32>
    %eq3A_1078 = arith.cmpf oeq, %slice3A_1075, %slice3A_1073 : vector<32x32xf32>
    %lt3A_1079 = arith.cmpi slt, %slice3A_1076, %slice3A_1074 : vector<32x32xi32>
    %and3A_1080 = arith.andi %eq3A_1078, %lt3A_1079 : vector<32x32xi1>
    %or3A_1081 = arith.ori %lt3A_1077, %and3A_1080 : vector<32x32xi1>
    %select_n3A_1082 = arith.select %or3A_1081, %slice3A_1075, %slice3A_1073 : vector<32x32xi1>, vector<32x32xf32>
    %select_n3A_1083 = arith.select %or3A_1081, %slice3A_1076, %slice3A_1074 : vector<32x32xi1>, vector<32x32xi32>
    %slice3A_1084 = vector.extract_strided_slice %select_n3A_1082 {offsets = [0, 0], sizes = [32, 16], strides = [1, 1]} : vector<32x32xf32> to vector<32x16xf32>
    %slice3A_1085 = vector.extract_strided_slice %select_n3A_1083 {offsets = [0, 0], sizes = [32, 16], strides = [1, 1]} : vector<32x32xi32> to vector<32x16xi32>
    %slice3A_1086 = vector.extract_strided_slice %select_n3A_1082 {offsets = [0, 16], sizes = [32, 16], strides = [1, 1]} : vector<32x32xf32> to vector<32x16xf32>
    %slice3A_1087 = vector.extract_strided_slice %select_n3A_1083 {offsets = [0, 16], sizes = [32, 16], strides = [1, 1]} : vector<32x32xi32> to vector<32x16xi32>
    %lt3A_1088 = arith.cmpf olt, %slice3A_1086, %slice3A_1084 : vector<32x16xf32>
    %eq3A_1089 = arith.cmpf oeq, %slice3A_1086, %slice3A_1084 : vector<32x16xf32>
    %lt3A_1090 = arith.cmpi slt, %slice3A_1087, %slice3A_1085 : vector<32x16xi32>
    %and3A_1091 = arith.andi %eq3A_1089, %lt3A_1090 : vector<32x16xi1>
    %or3A_1092 = arith.ori %lt3A_1088, %and3A_1091 : vector<32x16xi1>
    %select_n3A_1093 = arith.select %or3A_1092, %slice3A_1086, %slice3A_1084 : vector<32x16xi1>, vector<32x16xf32>
    %select_n3A_1094 = arith.select %or3A_1092, %slice3A_1087, %slice3A_1085 : vector<32x16xi1>, vector<32x16xi32>
    %slice3A_1095 = vector.extract_strided_slice %select_n3A_1093 {offsets = [0, 0], sizes = [32, 8], strides = [1, 1]} : vector<32x16xf32> to vector<32x8xf32>
    %slice3A_1096 = vector.extract_strided_slice %select_n3A_1094 {offsets = [0, 0], sizes = [32, 8], strides = [1, 1]} : vector<32x16xi32> to vector<32x8xi32>
    %slice3A_1097 = vector.extract_strided_slice %select_n3A_1093 {offsets = [0, 8], sizes = [32, 8], strides = [1, 1]} : vector<32x16xf32> to vector<32x8xf32>
    %slice3A_1098 = vector.extract_strided_slice %select_n3A_1094 {offsets = [0, 8], sizes = [32, 8], strides = [1, 1]} : vector<32x16xi32> to vector<32x8xi32>
    %lt3A_1099 = arith.cmpf olt, %slice3A_1097, %slice3A_1095 : vector<32x8xf32>
    %eq3A_1100 = arith.cmpf oeq, %slice3A_1097, %slice3A_1095 : vector<32x8xf32>
    %lt3A_1101 = arith.cmpi slt, %slice3A_1098, %slice3A_1096 : vector<32x8xi32>
    %and3A_1102 = arith.andi %eq3A_1100, %lt3A_1101 : vector<32x8xi1>
    %or3A_1103 = arith.ori %lt3A_1099, %and3A_1102 : vector<32x8xi1>
    %select_n3A_1104 = arith.select %or3A_1103, %slice3A_1097, %slice3A_1095 : vector<32x8xi1>, vector<32x8xf32>
    %select_n3A_1105 = arith.select %or3A_1103, %slice3A_1098, %slice3A_1096 : vector<32x8xi1>, vector<32x8xi32>
    %slice3A_1106 = vector.extract_strided_slice %select_n3A_1104 {offsets = [0, 0], sizes = [32, 4], strides = [1, 1]} : vector<32x8xf32> to vector<32x4xf32>
    %slice3A_1107 = vector.extract_strided_slice %select_n3A_1105 {offsets = [0, 0], sizes = [32, 4], strides = [1, 1]} : vector<32x8xi32> to vector<32x4xi32>
    %slice3A_1108 = vector.extract_strided_slice %select_n3A_1104 {offsets = [0, 4], sizes = [32, 4], strides = [1, 1]} : vector<32x8xf32> to vector<32x4xf32>
    %slice3A_1109 = vector.extract_strided_slice %select_n3A_1105 {offsets = [0, 4], sizes = [32, 4], strides = [1, 1]} : vector<32x8xi32> to vector<32x4xi32>
    %lt3A_1110 = arith.cmpf olt, %slice3A_1108, %slice3A_1106 : vector<32x4xf32>
    %eq3A_1111 = arith.cmpf oeq, %slice3A_1108, %slice3A_1106 : vector<32x4xf32>
    %lt3A_1112 = arith.cmpi slt, %slice3A_1109, %slice3A_1107 : vector<32x4xi32>
    %and3A_1113 = arith.andi %eq3A_1111, %lt3A_1112 : vector<32x4xi1>
    %or3A_1114 = arith.ori %lt3A_1110, %and3A_1113 : vector<32x4xi1>
    %select_n3A_1115 = arith.select %or3A_1114, %slice3A_1108, %slice3A_1106 : vector<32x4xi1>, vector<32x4xf32>
    %select_n3A_1116 = arith.select %or3A_1114, %slice3A_1109, %slice3A_1107 : vector<32x4xi1>, vector<32x4xi32>
    %slice3A_1117 = vector.extract_strided_slice %select_n3A_1115 {offsets = [0, 0], sizes = [32, 2], strides = [1, 1]} : vector<32x4xf32> to vector<32x2xf32>
    %slice3A_1118 = vector.extract_strided_slice %select_n3A_1116 {offsets = [0, 0], sizes = [32, 2], strides = [1, 1]} : vector<32x4xi32> to vector<32x2xi32>
    %slice3A_1119 = vector.extract_strided_slice %select_n3A_1115 {offsets = [0, 2], sizes = [32, 2], strides = [1, 1]} : vector<32x4xf32> to vector<32x2xf32>
    %slice3A_1120 = vector.extract_strided_slice %select_n3A_1116 {offsets = [0, 2], sizes = [32, 2], strides = [1, 1]} : vector<32x4xi32> to vector<32x2xi32>
    %lt3A_1121 = arith.cmpf olt, %slice3A_1119, %slice3A_1117 : vector<32x2xf32>
    %eq3A_1122 = arith.cmpf oeq, %slice3A_1119, %slice3A_1117 : vector<32x2xf32>
    %lt3A_1123 = arith.cmpi slt, %slice3A_1120, %slice3A_1118 : vector<32x2xi32>
    %and3A_1124 = arith.andi %eq3A_1122, %lt3A_1123 : vector<32x2xi1>
    %or3A_1125 = arith.ori %lt3A_1121, %and3A_1124 : vector<32x2xi1>
    %select_n3A_1126 = arith.select %or3A_1125, %slice3A_1119, %slice3A_1117 : vector<32x2xi1>, vector<32x2xf32>
    %select_n3A_1127 = arith.select %or3A_1125, %slice3A_1120, %slice3A_1118 : vector<32x2xi1>, vector<32x2xi32>
    %slice3A_1128 = vector.extract_strided_slice %select_n3A_1126 {offsets = [0, 0], sizes = [32, 1], strides = [1, 1]} : vector<32x2xf32> to vector<32x1xf32>
    %slice3A_1129 = vector.extract_strided_slice %select_n3A_1127 {offsets = [0, 0], sizes = [32, 1], strides = [1, 1]} : vector<32x2xi32> to vector<32x1xi32>
    %slice3A_1130 = vector.extract_strided_slice %select_n3A_1126 {offsets = [0, 1], sizes = [32, 1], strides = [1, 1]} : vector<32x2xf32> to vector<32x1xf32>
    %slice3A_1131 = vector.extract_strided_slice %select_n3A_1127 {offsets = [0, 1], sizes = [32, 1], strides = [1, 1]} : vector<32x2xi32> to vector<32x1xi32>
    %lt3A_1132 = arith.cmpf olt, %slice3A_1130, %slice3A_1128 : vector<32x1xf32>
    %eq3A_1133 = arith.cmpf oeq, %slice3A_1130, %slice3A_1128 : vector<32x1xf32>
    %lt3A_1134 = arith.cmpi slt, %slice3A_1131, %slice3A_1129 : vector<32x1xi32>
    %and3A_1135 = arith.andi %eq3A_1133, %lt3A_1134 : vector<32x1xi1>
    %or3A_1136 = arith.ori %lt3A_1132, %and3A_1135 : vector<32x1xi1>
    %select_n3A_1137 = arith.select %or3A_1136, %slice3A_1130, %slice3A_1128 : vector<32x1xi1>, vector<32x1xf32>
    %select_n3A_1138 = arith.select %or3A_1136, %slice3A_1131, %slice3A_1129 : vector<32x1xi1>, vector<32x1xi32>
    %swap3A_1139 = arith.constant 0 : index
    %swap3A_1140 = arith.constant 10 : index
    %swap3A_1141 = vector.load %arg5[%swap3A_1139, %swap3A_1140] : memref<32x16xi32, #tpu.memory_space<vmem>>, vector<32x1xi32>
    tpu.vector_store %arg5[%swap3A_1139, %swap3A_1140], %select_n3A_1138 {strides = array<i32>} : memref<32x16xi32, #tpu.memory_space<vmem>>, vector<32x1xi32>,
    %broadcast_in_dim3A_1142 = vector.shape_cast %select_n3A_1137 : vector<32x1xf32> to vector<32x1xf32>
    %broadcast_in_dim3A_1143 = vector.broadcast %broadcast_in_dim3A_1142 : vector<32x1xf32> to vector<32x128xf32>
    %broadcast_in_dim3A_1144 = vector.shape_cast %select_n3A_1138 : vector<32x1xi32> to vector<32x1xi32>
    %broadcast_in_dim3A_1145 = vector.broadcast %broadcast_in_dim3A_1144 : vector<32x1xi32> to vector<32x128xi32>
    %broadcast_in_dim3A_1146 = arith.constant 0x7F800000 : f32
    %broadcast_in_dim3A_1147 = vector.broadcast %broadcast_in_dim3A_1146 : f32 to vector<32x128xf32>
    %broadcast_in_dim3A_1148 = arith.constant 0 : i32
    %broadcast_in_dim3A_1149 = vector.broadcast %broadcast_in_dim3A_1148 : i32 to vector<32x128xi32>
    %scan3A_1150 = arith.constant 0x7F800000 : f32
    %scan3A_1151 = arith.constant 0 : i32
    %scan3A_1152 = arith.constant 16 : i32
    %scan3A_1153 = arith.addi %scan3A_1151, %scan3A_1152 : i32
    %scan3A_1154 = arith.constant 1 : i32
    %scan3A_1155:4 = scf.for %scan3A_1651 = %scan3A_1151 to %scan3A_1153 step %scan3A_1154 iter_args(%scan3A_1652 = %broadcast_in_dim3A_1147, %scan3A_1653 = %broadcast_in_dim3A_1149, %scan3A_1654 = %broadcast_in_dim3A_1147, %scan3A_1655 = %broadcast_in_dim3A_1149) -> (vector<32x128xf32>, vector<32x128xi32>, vector<32x128xf32>, vector<32x128xi32>)  : i32 {
      %mul3A = arith.constant 8 : i32
      %mul3A_1656 = arith.muli %scan3A_1651, %mul3A : i32
      %add3A = arith.constant 0 : i32
      %add3A_1657 = arith.addi %mul3A_1656, %add3A : i32
      %mul3A_1658 = arith.constant 128 : i32
      %mul3A_1659 = arith.muli %add3A_1657, %mul3A_1658 : i32
      %get3A_1660 = arith.constant 0 : index
      %get3A_1661 = arith.index_cast %mul3A_1659 : i32 to index
      %get3A_1662 = vector.load %arg6[%get3A_1660, %get3A_1661] : memref<32x16384xf32, #tpu.memory_space<vmem>>, vector<32x128xf32>
      %add3A_1663 = vector.broadcast %mul3A_1659 : i32 to vector<32x128xi32>
      %add3A_1664 = arith.addi %iota3A, %add3A_1663 : vector<32x128xi32>
      %gt3A = arith.cmpf ogt, %get3A_1662, %broadcast_in_dim3A_1143 : vector<32x128xf32>
      %eq3A_1665 = arith.cmpf oeq, %get3A_1662, %broadcast_in_dim3A_1143 : vector<32x128xf32>
      %gt3A_1666 = arith.cmpi sgt, %add3A_1664, %broadcast_in_dim3A_1145 : vector<32x128xi32>
      %and3A_1667 = arith.andi %eq3A_1665, %gt3A_1666 : vector<32x128xi1>
      %or3A_1668 = arith.ori %gt3A, %and3A_1667 : vector<32x128xi1>
      %broadcast_in_dim3A_1669 = vector.broadcast %scan3A_1150 : f32 to vector<32x128xf32>
      %select_n3A_1670 = arith.select %or3A_1668, %get3A_1662, %broadcast_in_dim3A_1669 : vector<32x128xi1>, vector<32x128xf32>
      %lt3A_1671 = arith.cmpf olt, %select_n3A_1670, %scan3A_1652 : vector<32x128xf32>
      %select_n3A_1672 = arith.select %lt3A_1671, %add3A_1664, %scan3A_1653 : vector<32x128xi1>, vector<32x128xi32>
      %min3A = arith.minimumf %scan3A_1652, %select_n3A_1670 : vector<32x128xf32>
      %mul3A_1673 = arith.constant 8 : i32
      %mul3A_1674 = arith.muli %scan3A_1651, %mul3A_1673 : i32
      %add3A_1675 = arith.constant 1 : i32
      %add3A_1676 = arith.addi %mul3A_1674, %add3A_1675 : i32
      %mul3A_1677 = arith.constant 128 : i32
      %mul3A_1678 = arith.muli %add3A_1676, %mul3A_1677 : i32
      %get3A_1679 = arith.constant 0 : index
      %get3A_1680 = arith.index_cast %mul3A_1678 : i32 to index
      %get3A_1681 = vector.load %arg6[%get3A_1679, %get3A_1680] : memref<32x16384xf32, #tpu.memory_space<vmem>>, vector<32x128xf32>
      %add3A_1682 = vector.broadcast %mul3A_1678 : i32 to vector<32x128xi32>
      %add3A_1683 = arith.addi %iota3A, %add3A_1682 : vector<32x128xi32>
      %gt3A_1684 = arith.cmpf ogt, %get3A_1681, %broadcast_in_dim3A_1143 : vector<32x128xf32>
      %eq3A_1685 = arith.cmpf oeq, %get3A_1681, %broadcast_in_dim3A_1143 : vector<32x128xf32>
      %gt3A_1686 = arith.cmpi sgt, %add3A_1683, %broadcast_in_dim3A_1145 : vector<32x128xi32>
      %and3A_1687 = arith.andi %eq3A_1685, %gt3A_1686 : vector<32x128xi1>
      %or3A_1688 = arith.ori %gt3A_1684, %and3A_1687 : vector<32x128xi1>
      %broadcast_in_dim3A_1689 = vector.broadcast %scan3A_1150 : f32 to vector<32x128xf32>
      %select_n3A_1690 = arith.select %or3A_1688, %get3A_1681, %broadcast_in_dim3A_1689 : vector<32x128xi1>, vector<32x128xf32>
      %lt3A_1691 = arith.cmpf olt, %select_n3A_1690, %scan3A_1654 : vector<32x128xf32>
      %select_n3A_1692 = arith.select %lt3A_1691, %add3A_1683, %scan3A_1655 : vector<32x128xi1>, vector<32x128xi32>
      %min3A_1693 = arith.minimumf %scan3A_1654, %select_n3A_1690 : vector<32x128xf32>
      %mul3A_1694 = arith.constant 8 : i32
      %mul3A_1695 = arith.muli %scan3A_1651, %mul3A_1694 : i32
      %add3A_1696 = arith.constant 2 : i32
      %add3A_1697 = arith.addi %mul3A_1695, %add3A_1696 : i32
      %mul3A_1698 = arith.constant 128 : i32
      %mul3A_1699 = arith.muli %add3A_1697, %mul3A_1698 : i32
      %get3A_1700 = arith.constant 0 : index
      %get3A_1701 = arith.index_cast %mul3A_1699 : i32 to index
      %get3A_1702 = vector.load %arg6[%get3A_1700, %get3A_1701] : memref<32x16384xf32, #tpu.memory_space<vmem>>, vector<32x128xf32>
      %add3A_1703 = vector.broadcast %mul3A_1699 : i32 to vector<32x128xi32>
      %add3A_1704 = arith.addi %iota3A, %add3A_1703 : vector<32x128xi32>
      %gt3A_1705 = arith.cmpf ogt, %get3A_1702, %broadcast_in_dim3A_1143 : vector<32x128xf32>
      %eq3A_1706 = arith.cmpf oeq, %get3A_1702, %broadcast_in_dim3A_1143 : vector<32x128xf32>
      %gt3A_1707 = arith.cmpi sgt, %add3A_1704, %broadcast_in_dim3A_1145 : vector<32x128xi32>
      %and3A_1708 = arith.andi %eq3A_1706, %gt3A_1707 : vector<32x128xi1>
      %or3A_1709 = arith.ori %gt3A_1705, %and3A_1708 : vector<32x128xi1>
      %broadcast_in_dim3A_1710 = vector.broadcast %scan3A_1150 : f32 to vector<32x128xf32>
      %select_n3A_1711 = arith.select %or3A_1709, %get3A_1702, %broadcast_in_dim3A_1710 : vector<32x128xi1>, vector<32x128xf32>
      %lt3A_1712 = arith.cmpf olt, %select_n3A_1711, %min3A : vector<32x128xf32>
      %select_n3A_1713 = arith.select %lt3A_1712, %add3A_1704, %select_n3A_1672 : vector<32x128xi1>, vector<32x128xi32>
      %min3A_1714 = arith.minimumf %min3A, %select_n3A_1711 : vector<32x128xf32>
      %mul3A_1715 = arith.constant 8 : i32
      %mul3A_1716 = arith.muli %scan3A_1651, %mul3A_1715 : i32
      %add3A_1717 = arith.constant 3 : i32
      %add3A_1718 = arith.addi %mul3A_1716, %add3A_1717 : i32
      %mul3A_1719 = arith.constant 128 : i32
      %mul3A_1720 = arith.muli %add3A_1718, %mul3A_1719 : i32
      %get3A_1721 = arith.constant 0 : index
      %get3A_1722 = arith.index_cast %mul3A_1720 : i32 to index
      %get3A_1723 = vector.load %arg6[%get3A_1721, %get3A_1722] : memref<32x16384xf32, #tpu.memory_space<vmem>>, vector<32x128xf32>
      %add3A_1724 = vector.broadcast %mul3A_1720 : i32 to vector<32x128xi32>
      %add3A_1725 = arith.addi %iota3A, %add3A_1724 : vector<32x128xi32>
      %gt3A_1726 = arith.cmpf ogt, %get3A_1723, %broadcast_in_dim3A_1143 : vector<32x128xf32>
      %eq3A_1727 = arith.cmpf oeq, %get3A_1723, %broadcast_in_dim3A_1143 : vector<32x128xf32>
      %gt3A_1728 = arith.cmpi sgt, %add3A_1725, %broadcast_in_dim3A_1145 : vector<32x128xi32>
      %and3A_1729 = arith.andi %eq3A_1727, %gt3A_1728 : vector<32x128xi1>
      %or3A_1730 = arith.ori %gt3A_1726, %and3A_1729 : vector<32x128xi1>
      %broadcast_in_dim3A_1731 = vector.broadcast %scan3A_1150 : f32 to vector<32x128xf32>
      %select_n3A_1732 = arith.select %or3A_1730, %get3A_1723, %broadcast_in_dim3A_1731 : vector<32x128xi1>, vector<32x128xf32>
      %lt3A_1733 = arith.cmpf olt, %select_n3A_1732, %min3A_1693 : vector<32x128xf32>
      %select_n3A_1734 = arith.select %lt3A_1733, %add3A_1725, %select_n3A_1692 : vector<32x128xi1>, vector<32x128xi32>
      %min3A_1735 = arith.minimumf %min3A_1693, %select_n3A_1732 : vector<32x128xf32>
      %mul3A_1736 = arith.constant 8 : i32
      %mul3A_1737 = arith.muli %scan3A_1651, %mul3A_1736 : i32
      %add3A_1738 = arith.constant 4 : i32
      %add3A_1739 = arith.addi %mul3A_1737, %add3A_1738 : i32
      %mul3A_1740 = arith.constant 128 : i32
      %mul3A_1741 = arith.muli %add3A_1739, %mul3A_1740 : i32
      %get3A_1742 = arith.constant 0 : index
      %get3A_1743 = arith.index_cast %mul3A_1741 : i32 to index
      %get3A_1744 = vector.load %arg6[%get3A_1742, %get3A_1743] : memref<32x16384xf32, #tpu.memory_space<vmem>>, vector<32x128xf32>
      %add3A_1745 = vector.broadcast %mul3A_1741 : i32 to vector<32x128xi32>
      %add3A_1746 = arith.addi %iota3A, %add3A_1745 : vector<32x128xi32>
      %gt3A_1747 = arith.cmpf ogt, %get3A_1744, %broadcast_in_dim3A_1143 : vector<32x128xf32>
      %eq3A_1748 = arith.cmpf oeq, %get3A_1744, %broadcast_in_dim3A_1143 : vector<32x128xf32>
      %gt3A_1749 = arith.cmpi sgt, %add3A_1746, %broadcast_in_dim3A_1145 : vector<32x128xi32>
      %and3A_1750 = arith.andi %eq3A_1748, %gt3A_1749 : vector<32x128xi1>
      %or3A_1751 = arith.ori %gt3A_1747, %and3A_1750 : vector<32x128xi1>
      %broadcast_in_dim3A_1752 = vector.broadcast %scan3A_1150 : f32 to vector<32x128xf32>
      %select_n3A_1753 = arith.select %or3A_1751, %get3A_1744, %broadcast_in_dim3A_1752 : vector<32x128xi1>, vector<32x128xf32>
      %lt3A_1754 = arith.cmpf olt, %select_n3A_1753, %min3A_1714 : vector<32x128xf32>
      %select_n3A_1755 = arith.select %lt3A_1754, %add3A_1746, %select_n3A_1713 : vector<32x128xi1>, vector<32x128xi32>
      %min3A_1756 = arith.minimumf %min3A_1714, %select_n3A_1753 : vector<32x128xf32>
      %mul3A_1757 = arith.constant 8 : i32
      %mul3A_1758 = arith.muli %scan3A_1651, %mul3A_1757 : i32
      %add3A_1759 = arith.constant 5 : i32
      %add3A_1760 = arith.addi %mul3A_1758, %add3A_1759 : i32
      %mul3A_1761 = arith.constant 128 : i32
      %mul3A_1762 = arith.muli %add3A_1760, %mul3A_1761 : i32
      %get3A_1763 = arith.constant 0 : index
      %get3A_1764 = arith.index_cast %mul3A_1762 : i32 to index
      %get3A_1765 = vector.load %arg6[%get3A_1763, %get3A_1764] : memref<32x16384xf32, #tpu.memory_space<vmem>>, vector<32x128xf32>
      %add3A_1766 = vector.broadcast %mul3A_1762 : i32 to vector<32x128xi32>
      %add3A_1767 = arith.addi %iota3A, %add3A_1766 : vector<32x128xi32>
      %gt3A_1768 = arith.cmpf ogt, %get3A_1765, %broadcast_in_dim3A_1143 : vector<32x128xf32>
      %eq3A_1769 = arith.cmpf oeq, %get3A_1765, %broadcast_in_dim3A_1143 : vector<32x128xf32>
      %gt3A_1770 = arith.cmpi sgt, %add3A_1767, %broadcast_in_dim3A_1145 : vector<32x128xi32>
      %and3A_1771 = arith.andi %eq3A_1769, %gt3A_1770 : vector<32x128xi1>
      %or3A_1772 = arith.ori %gt3A_1768, %and3A_1771 : vector<32x128xi1>
      %broadcast_in_dim3A_1773 = vector.broadcast %scan3A_1150 : f32 to vector<32x128xf32>
      %select_n3A_1774 = arith.select %or3A_1772, %get3A_1765, %broadcast_in_dim3A_1773 : vector<32x128xi1>, vector<32x128xf32>
      %lt3A_1775 = arith.cmpf olt, %select_n3A_1774, %min3A_1735 : vector<32x128xf32>
      %select_n3A_1776 = arith.select %lt3A_1775, %add3A_1767, %select_n3A_1734 : vector<32x128xi1>, vector<32x128xi32>
      %min3A_1777 = arith.minimumf %min3A_1735, %select_n3A_1774 : vector<32x128xf32>
      %mul3A_1778 = arith.constant 8 : i32
      %mul3A_1779 = arith.muli %scan3A_1651, %mul3A_1778 : i32
      %add3A_1780 = arith.constant 6 : i32
      %add3A_1781 = arith.addi %mul3A_1779, %add3A_1780 : i32
      %mul3A_1782 = arith.constant 128 : i32
      %mul3A_1783 = arith.muli %add3A_1781, %mul3A_1782 : i32
      %get3A_1784 = arith.constant 0 : index
      %get3A_1785 = arith.index_cast %mul3A_1783 : i32 to index
      %get3A_1786 = vector.load %arg6[%get3A_1784, %get3A_1785] : memref<32x16384xf32, #tpu.memory_space<vmem>>, vector<32x128xf32>
      %add3A_1787 = vector.broadcast %mul3A_1783 : i32 to vector<32x128xi32>
      %add3A_1788 = arith.addi %iota3A, %add3A_1787 : vector<32x128xi32>
      %gt3A_1789 = arith.cmpf ogt, %get3A_1786, %broadcast_in_dim3A_1143 : vector<32x128xf32>
      %eq3A_1790 = arith.cmpf oeq, %get3A_1786, %broadcast_in_dim3A_1143 : vector<32x128xf32>
      %gt3A_1791 = arith.cmpi sgt, %add3A_1788, %broadcast_in_dim3A_1145 : vector<32x128xi32>
      %and3A_1792 = arith.andi %eq3A_1790, %gt3A_1791 : vector<32x128xi1>
      %or3A_1793 = arith.ori %gt3A_1789, %and3A_1792 : vector<32x128xi1>
      %broadcast_in_dim3A_1794 = vector.broadcast %scan3A_1150 : f32 to vector<32x128xf32>
      %select_n3A_1795 = arith.select %or3A_1793, %get3A_1786, %broadcast_in_dim3A_1794 : vector<32x128xi1>, vector<32x128xf32>
      %lt3A_1796 = arith.cmpf olt, %select_n3A_1795, %min3A_1756 : vector<32x128xf32>
      %select_n3A_1797 = arith.select %lt3A_1796, %add3A_1788, %select_n3A_1755 : vector<32x128xi1>, vector<32x128xi32>
      %min3A_1798 = arith.minimumf %min3A_1756, %select_n3A_1795 : vector<32x128xf32>
      %mul3A_1799 = arith.constant 8 : i32
      %mul3A_1800 = arith.muli %scan3A_1651, %mul3A_1799 : i32
      %add3A_1801 = arith.constant 7 : i32
      %add3A_1802 = arith.addi %mul3A_1800, %add3A_1801 : i32
      %mul3A_1803 = arith.constant 128 : i32
      %mul3A_1804 = arith.muli %add3A_1802, %mul3A_1803 : i32
      %get3A_1805 = arith.constant 0 : index
      %get3A_1806 = arith.index_cast %mul3A_1804 : i32 to index
      %get3A_1807 = vector.load %arg6[%get3A_1805, %get3A_1806] : memref<32x16384xf32, #tpu.memory_space<vmem>>, vector<32x128xf32>
      %add3A_1808 = vector.broadcast %mul3A_1804 : i32 to vector<32x128xi32>
      %add3A_1809 = arith.addi %iota3A, %add3A_1808 : vector<32x128xi32>
      %gt3A_1810 = arith.cmpf ogt, %get3A_1807, %broadcast_in_dim3A_1143 : vector<32x128xf32>
      %eq3A_1811 = arith.cmpf oeq, %get3A_1807, %broadcast_in_dim3A_1143 : vector<32x128xf32>
      %gt3A_1812 = arith.cmpi sgt, %add3A_1809, %broadcast_in_dim3A_1145 : vector<32x128xi32>
      %and3A_1813 = arith.andi %eq3A_1811, %gt3A_1812 : vector<32x128xi1>
      %or3A_1814 = arith.ori %gt3A_1810, %and3A_1813 : vector<32x128xi1>
      %broadcast_in_dim3A_1815 = vector.broadcast %scan3A_1150 : f32 to vector<32x128xf32>
      %select_n3A_1816 = arith.select %or3A_1814, %get3A_1807, %broadcast_in_dim3A_1815 : vector<32x128xi1>, vector<32x128xf32>
      %lt3A_1817 = arith.cmpf olt, %select_n3A_1816, %min3A_1777 : vector<32x128xf32>
      %select_n3A_1818 = arith.select %lt3A_1817, %add3A_1809, %select_n3A_1776 : vector<32x128xi1>, vector<32x128xi32>
      %min3A_1819 = arith.minimumf %min3A_1777, %select_n3A_1816 : vector<32x128xf32>
      scf.yield %min3A_1798, %select_n3A_1797, %min3A_1819, %select_n3A_1818 : vector<32x128xf32>, vector<32x128xi32>, vector<32x128xf32>, vector<32x128xi32>
    }
    %scan3A_1156 = arith.constant 16 : i32
    %lt3A_1157 = arith.cmpf olt, %scan3A_1155#2, %scan3A_1155#0 : vector<32x128xf32>
    %eq3A_1158 = arith.cmpf oeq, %scan3A_1155#2, %scan3A_1155#0 : vector<32x128xf32>
    %lt3A_1159 = arith.cmpi slt, %scan3A_1155#3, %scan3A_1155#1 : vector<32x128xi32>
    %and3A_1160 = arith.andi %eq3A_1158, %lt3A_1159 : vector<32x128xi1>
    %or3A_1161 = arith.ori %lt3A_1157, %and3A_1160 : vector<32x128xi1>
    %select_n3A_1162 = arith.select %or3A_1161, %scan3A_1155#2, %scan3A_1155#0 : vector<32x128xi1>, vector<32x128xf32>
    %select_n3A_1163 = arith.select %or3A_1161, %scan3A_1155#3, %scan3A_1155#1 : vector<32x128xi1>, vector<32x128xi32>
    %slice3A_1164 = vector.extract_strided_slice %select_n3A_1162 {offsets = [0, 0], sizes = [32, 64], strides = [1, 1]} : vector<32x128xf32> to vector<32x64xf32>
    %slice3A_1165 = vector.extract_strided_slice %select_n3A_1163 {offsets = [0, 0], sizes = [32, 64], strides = [1, 1]} : vector<32x128xi32> to vector<32x64xi32>
    %slice3A_1166 = vector.extract_strided_slice %select_n3A_1162 {offsets = [0, 64], sizes = [32, 64], strides = [1, 1]} : vector<32x128xf32> to vector<32x64xf32>
    %slice3A_1167 = vector.extract_strided_slice %select_n3A_1163 {offsets = [0, 64], sizes = [32, 64], strides = [1, 1]} : vector<32x128xi32> to vector<32x64xi32>
    %lt3A_1168 = arith.cmpf olt, %slice3A_1166, %slice3A_1164 : vector<32x64xf32>
    %eq3A_1169 = arith.cmpf oeq, %slice3A_1166, %slice3A_1164 : vector<32x64xf32>
    %lt3A_1170 = arith.cmpi slt, %slice3A_1167, %slice3A_1165 : vector<32x64xi32>
    %and3A_1171 = arith.andi %eq3A_1169, %lt3A_1170 : vector<32x64xi1>
    %or3A_1172 = arith.ori %lt3A_1168, %and3A_1171 : vector<32x64xi1>
    %select_n3A_1173 = arith.select %or3A_1172, %slice3A_1166, %slice3A_1164 : vector<32x64xi1>, vector<32x64xf32>
    %select_n3A_1174 = arith.select %or3A_1172, %slice3A_1167, %slice3A_1165 : vector<32x64xi1>, vector<32x64xi32>
    %slice3A_1175 = vector.extract_strided_slice %select_n3A_1173 {offsets = [0, 0], sizes = [32, 32], strides = [1, 1]} : vector<32x64xf32> to vector<32x32xf32>
    %slice3A_1176 = vector.extract_strided_slice %select_n3A_1174 {offsets = [0, 0], sizes = [32, 32], strides = [1, 1]} : vector<32x64xi32> to vector<32x32xi32>
    %slice3A_1177 = vector.extract_strided_slice %select_n3A_1173 {offsets = [0, 32], sizes = [32, 32], strides = [1, 1]} : vector<32x64xf32> to vector<32x32xf32>
    %slice3A_1178 = vector.extract_strided_slice %select_n3A_1174 {offsets = [0, 32], sizes = [32, 32], strides = [1, 1]} : vector<32x64xi32> to vector<32x32xi32>
    %lt3A_1179 = arith.cmpf olt, %slice3A_1177, %slice3A_1175 : vector<32x32xf32>
    %eq3A_1180 = arith.cmpf oeq, %slice3A_1177, %slice3A_1175 : vector<32x32xf32>
    %lt3A_1181 = arith.cmpi slt, %slice3A_1178, %slice3A_1176 : vector<32x32xi32>
    %and3A_1182 = arith.andi %eq3A_1180, %lt3A_1181 : vector<32x32xi1>
    %or3A_1183 = arith.ori %lt3A_1179, %and3A_1182 : vector<32x32xi1>
    %select_n3A_1184 = arith.select %or3A_1183, %slice3A_1177, %slice3A_1175 : vector<32x32xi1>, vector<32x32xf32>
    %select_n3A_1185 = arith.select %or3A_1183, %slice3A_1178, %slice3A_1176 : vector<32x32xi1>, vector<32x32xi32>
    %slice3A_1186 = vector.extract_strided_slice %select_n3A_1184 {offsets = [0, 0], sizes = [32, 16], strides = [1, 1]} : vector<32x32xf32> to vector<32x16xf32>
    %slice3A_1187 = vector.extract_strided_slice %select_n3A_1185 {offsets = [0, 0], sizes = [32, 16], strides = [1, 1]} : vector<32x32xi32> to vector<32x16xi32>
    %slice3A_1188 = vector.extract_strided_slice %select_n3A_1184 {offsets = [0, 16], sizes = [32, 16], strides = [1, 1]} : vector<32x32xf32> to vector<32x16xf32>
    %slice3A_1189 = vector.extract_strided_slice %select_n3A_1185 {offsets = [0, 16], sizes = [32, 16], strides = [1, 1]} : vector<32x32xi32> to vector<32x16xi32>
    %lt3A_1190 = arith.cmpf olt, %slice3A_1188, %slice3A_1186 : vector<32x16xf32>
    %eq3A_1191 = arith.cmpf oeq, %slice3A_1188, %slice3A_1186 : vector<32x16xf32>
    %lt3A_1192 = arith.cmpi slt, %slice3A_1189, %slice3A_1187 : vector<32x16xi32>
    %and3A_1193 = arith.andi %eq3A_1191, %lt3A_1192 : vector<32x16xi1>
    %or3A_1194 = arith.ori %lt3A_1190, %and3A_1193 : vector<32x16xi1>
    %select_n3A_1195 = arith.select %or3A_1194, %slice3A_1188, %slice3A_1186 : vector<32x16xi1>, vector<32x16xf32>
    %select_n3A_1196 = arith.select %or3A_1194, %slice3A_1189, %slice3A_1187 : vector<32x16xi1>, vector<32x16xi32>
    %slice3A_1197 = vector.extract_strided_slice %select_n3A_1195 {offsets = [0, 0], sizes = [32, 8], strides = [1, 1]} : vector<32x16xf32> to vector<32x8xf32>
    %slice3A_1198 = vector.extract_strided_slice %select_n3A_1196 {offsets = [0, 0], sizes = [32, 8], strides = [1, 1]} : vector<32x16xi32> to vector<32x8xi32>
    %slice3A_1199 = vector.extract_strided_slice %select_n3A_1195 {offsets = [0, 8], sizes = [32, 8], strides = [1, 1]} : vector<32x16xf32> to vector<32x8xf32>
    %slice3A_1200 = vector.extract_strided_slice %select_n3A_1196 {offsets = [0, 8], sizes = [32, 8], strides = [1, 1]} : vector<32x16xi32> to vector<32x8xi32>
    %lt3A_1201 = arith.cmpf olt, %slice3A_1199, %slice3A_1197 : vector<32x8xf32>
    %eq3A_1202 = arith.cmpf oeq, %slice3A_1199, %slice3A_1197 : vector<32x8xf32>
    %lt3A_1203 = arith.cmpi slt, %slice3A_1200, %slice3A_1198 : vector<32x8xi32>
    %and3A_1204 = arith.andi %eq3A_1202, %lt3A_1203 : vector<32x8xi1>
    %or3A_1205 = arith.ori %lt3A_1201, %and3A_1204 : vector<32x8xi1>
    %select_n3A_1206 = arith.select %or3A_1205, %slice3A_1199, %slice3A_1197 : vector<32x8xi1>, vector<32x8xf32>
    %select_n3A_1207 = arith.select %or3A_1205, %slice3A_1200, %slice3A_1198 : vector<32x8xi1>, vector<32x8xi32>
    %slice3A_1208 = vector.extract_strided_slice %select_n3A_1206 {offsets = [0, 0], sizes = [32, 4], strides = [1, 1]} : vector<32x8xf32> to vector<32x4xf32>
    %slice3A_1209 = vector.extract_strided_slice %select_n3A_1207 {offsets = [0, 0], sizes = [32, 4], strides = [1, 1]} : vector<32x8xi32> to vector<32x4xi32>
    %slice3A_1210 = vector.extract_strided_slice %select_n3A_1206 {offsets = [0, 4], sizes = [32, 4], strides = [1, 1]} : vector<32x8xf32> to vector<32x4xf32>
    %slice3A_1211 = vector.extract_strided_slice %select_n3A_1207 {offsets = [0, 4], sizes = [32, 4], strides = [1, 1]} : vector<32x8xi32> to vector<32x4xi32>
    %lt3A_1212 = arith.cmpf olt, %slice3A_1210, %slice3A_1208 : vector<32x4xf32>
    %eq3A_1213 = arith.cmpf oeq, %slice3A_1210, %slice3A_1208 : vector<32x4xf32>
    %lt3A_1214 = arith.cmpi slt, %slice3A_1211, %slice3A_1209 : vector<32x4xi32>
    %and3A_1215 = arith.andi %eq3A_1213, %lt3A_1214 : vector<32x4xi1>
    %or3A_1216 = arith.ori %lt3A_1212, %and3A_1215 : vector<32x4xi1>
    %select_n3A_1217 = arith.select %or3A_1216, %slice3A_1210, %slice3A_1208 : vector<32x4xi1>, vector<32x4xf32>
    %select_n3A_1218 = arith.select %or3A_1216, %slice3A_1211, %slice3A_1209 : vector<32x4xi1>, vector<32x4xi32>
    %slice3A_1219 = vector.extract_strided_slice %select_n3A_1217 {offsets = [0, 0], sizes = [32, 2], strides = [1, 1]} : vector<32x4xf32> to vector<32x2xf32>
    %slice3A_1220 = vector.extract_strided_slice %select_n3A_1218 {offsets = [0, 0], sizes = [32, 2], strides = [1, 1]} : vector<32x4xi32> to vector<32x2xi32>
    %slice3A_1221 = vector.extract_strided_slice %select_n3A_1217 {offsets = [0, 2], sizes = [32, 2], strides = [1, 1]} : vector<32x4xf32> to vector<32x2xf32>
    %slice3A_1222 = vector.extract_strided_slice %select_n3A_1218 {offsets = [0, 2], sizes = [32, 2], strides = [1, 1]} : vector<32x4xi32> to vector<32x2xi32>
    %lt3A_1223 = arith.cmpf olt, %slice3A_1221, %slice3A_1219 : vector<32x2xf32>
    %eq3A_1224 = arith.cmpf oeq, %slice3A_1221, %slice3A_1219 : vector<32x2xf32>
    %lt3A_1225 = arith.cmpi slt, %slice3A_1222, %slice3A_1220 : vector<32x2xi32>
    %and3A_1226 = arith.andi %eq3A_1224, %lt3A_1225 : vector<32x2xi1>
    %or3A_1227 = arith.ori %lt3A_1223, %and3A_1226 : vector<32x2xi1>
    %select_n3A_1228 = arith.select %or3A_1227, %slice3A_1221, %slice3A_1219 : vector<32x2xi1>, vector<32x2xf32>
    %select_n3A_1229 = arith.select %or3A_1227, %slice3A_1222, %slice3A_1220 : vector<32x2xi1>, vector<32x2xi32>
    %slice3A_1230 = vector.extract_strided_slice %select_n3A_1228 {offsets = [0, 0], sizes = [32, 1], strides = [1, 1]} : vector<32x2xf32> to vector<32x1xf32>
    %slice3A_1231 = vector.extract_strided_slice %select_n3A_1229 {offsets = [0, 0], sizes = [32, 1], strides = [1, 1]} : vector<32x2xi32> to vector<32x1xi32>
    %slice3A_1232 = vector.extract_strided_slice %select_n3A_1228 {offsets = [0, 1], sizes = [32, 1], strides = [1, 1]} : vector<32x2xf32> to vector<32x1xf32>
    %slice3A_1233 = vector.extract_strided_slice %select_n3A_1229 {offsets = [0, 1], sizes = [32, 1], strides = [1, 1]} : vector<32x2xi32> to vector<32x1xi32>
    %lt3A_1234 = arith.cmpf olt, %slice3A_1232, %slice3A_1230 : vector<32x1xf32>
    %eq3A_1235 = arith.cmpf oeq, %slice3A_1232, %slice3A_1230 : vector<32x1xf32>
    %lt3A_1236 = arith.cmpi slt, %slice3A_1233, %slice3A_1231 : vector<32x1xi32>
    %and3A_1237 = arith.andi %eq3A_1235, %lt3A_1236 : vector<32x1xi1>
    %or3A_1238 = arith.ori %lt3A_1234, %and3A_1237 : vector<32x1xi1>
    %select_n3A_1239 = arith.select %or3A_1238, %slice3A_1232, %slice3A_1230 : vector<32x1xi1>, vector<32x1xf32>
    %select_n3A_1240 = arith.select %or3A_1238, %slice3A_1233, %slice3A_1231 : vector<32x1xi1>, vector<32x1xi32>
    %swap3A_1241 = arith.constant 0 : index
    %swap3A_1242 = arith.constant 11 : index
    %swap3A_1243 = vector.load %arg5[%swap3A_1241, %swap3A_1242] : memref<32x16xi32, #tpu.memory_space<vmem>>, vector<32x1xi32>
    tpu.vector_store %arg5[%swap3A_1241, %swap3A_1242], %select_n3A_1240 {strides = array<i32>} : memref<32x16xi32, #tpu.memory_space<vmem>>, vector<32x1xi32>,
    %broadcast_in_dim3A_1244 = vector.shape_cast %select_n3A_1239 : vector<32x1xf32> to vector<32x1xf32>
    %broadcast_in_dim3A_1245 = vector.broadcast %broadcast_in_dim3A_1244 : vector<32x1xf32> to vector<32x128xf32>
    %broadcast_in_dim3A_1246 = vector.shape_cast %select_n3A_1240 : vector<32x1xi32> to vector<32x1xi32>
    %broadcast_in_dim3A_1247 = vector.broadcast %broadcast_in_dim3A_1246 : vector<32x1xi32> to vector<32x128xi32>
    %broadcast_in_dim3A_1248 = arith.constant 0x7F800000 : f32
    %broadcast_in_dim3A_1249 = vector.broadcast %broadcast_in_dim3A_1248 : f32 to vector<32x128xf32>
    %broadcast_in_dim3A_1250 = arith.constant 0 : i32
    %broadcast_in_dim3A_1251 = vector.broadcast %broadcast_in_dim3A_1250 : i32 to vector<32x128xi32>
    %scan3A_1252 = arith.constant 0x7F800000 : f32
    %scan3A_1253 = arith.constant 0 : i32
    %scan3A_1254 = arith.constant 16 : i32
    %scan3A_1255 = arith.addi %scan3A_1253, %scan3A_1254 : i32
    %scan3A_1256 = arith.constant 1 : i32
    %scan3A_1257:4 = scf.for %scan3A_1651 = %scan3A_1253 to %scan3A_1255 step %scan3A_1256 iter_args(%scan3A_1652 = %broadcast_in_dim3A_1249, %scan3A_1653 = %broadcast_in_dim3A_1251, %scan3A_1654 = %broadcast_in_dim3A_1249, %scan3A_1655 = %broadcast_in_dim3A_1251) -> (vector<32x128xf32>, vector<32x128xi32>, vector<32x128xf32>, vector<32x128xi32>)  : i32 {
      %mul3A = arith.constant 8 : i32
      %mul3A_1656 = arith.muli %scan3A_1651, %mul3A : i32
      %add3A = arith.constant 0 : i32
      %add3A_1657 = arith.addi %mul3A_1656, %add3A : i32
      %mul3A_1658 = arith.constant 128 : i32
      %mul3A_1659 = arith.muli %add3A_1657, %mul3A_1658 : i32
      %get3A_1660 = arith.constant 0 : index
      %get3A_1661 = arith.index_cast %mul3A_1659 : i32 to index
      %get3A_1662 = vector.load %arg6[%get3A_1660, %get3A_1661] : memref<32x16384xf32, #tpu.memory_space<vmem>>, vector<32x128xf32>
      %add3A_1663 = vector.broadcast %mul3A_1659 : i32 to vector<32x128xi32>
      %add3A_1664 = arith.addi %iota3A, %add3A_1663 : vector<32x128xi32>
      %gt3A = arith.cmpf ogt, %get3A_1662, %broadcast_in_dim3A_1245 : vector<32x128xf32>
      %eq3A_1665 = arith.cmpf oeq, %get3A_1662, %broadcast_in_dim3A_1245 : vector<32x128xf32>
      %gt3A_1666 = arith.cmpi sgt, %add3A_1664, %broadcast_in_dim3A_1247 : vector<32x128xi32>
      %and3A_1667 = arith.andi %eq3A_1665, %gt3A_1666 : vector<32x128xi1>
      %or3A_1668 = arith.ori %gt3A, %and3A_1667 : vector<32x128xi1>
      %broadcast_in_dim3A_1669 = vector.broadcast %scan3A_1252 : f32 to vector<32x128xf32>
      %select_n3A_1670 = arith.select %or3A_1668, %get3A_1662, %broadcast_in_dim3A_1669 : vector<32x128xi1>, vector<32x128xf32>
      %lt3A_1671 = arith.cmpf olt, %select_n3A_1670, %scan3A_1652 : vector<32x128xf32>
      %select_n3A_1672 = arith.select %lt3A_1671, %add3A_1664, %scan3A_1653 : vector<32x128xi1>, vector<32x128xi32>
      %min3A = arith.minimumf %scan3A_1652, %select_n3A_1670 : vector<32x128xf32>
      %mul3A_1673 = arith.constant 8 : i32
      %mul3A_1674 = arith.muli %scan3A_1651, %mul3A_1673 : i32
      %add3A_1675 = arith.constant 1 : i32
      %add3A_1676 = arith.addi %mul3A_1674, %add3A_1675 : i32
      %mul3A_1677 = arith.constant 128 : i32
      %mul3A_1678 = arith.muli %add3A_1676, %mul3A_1677 : i32
      %get3A_1679 = arith.constant 0 : index
      %get3A_1680 = arith.index_cast %mul3A_1678 : i32 to index
      %get3A_1681 = vector.load %arg6[%get3A_1679, %get3A_1680] : memref<32x16384xf32, #tpu.memory_space<vmem>>, vector<32x128xf32>
      %add3A_1682 = vector.broadcast %mul3A_1678 : i32 to vector<32x128xi32>
      %add3A_1683 = arith.addi %iota3A, %add3A_1682 : vector<32x128xi32>
      %gt3A_1684 = arith.cmpf ogt, %get3A_1681, %broadcast_in_dim3A_1245 : vector<32x128xf32>
      %eq3A_1685 = arith.cmpf oeq, %get3A_1681, %broadcast_in_dim3A_1245 : vector<32x128xf32>
      %gt3A_1686 = arith.cmpi sgt, %add3A_1683, %broadcast_in_dim3A_1247 : vector<32x128xi32>
      %and3A_1687 = arith.andi %eq3A_1685, %gt3A_1686 : vector<32x128xi1>
      %or3A_1688 = arith.ori %gt3A_1684, %and3A_1687 : vector<32x128xi1>
      %broadcast_in_dim3A_1689 = vector.broadcast %scan3A_1252 : f32 to vector<32x128xf32>
      %select_n3A_1690 = arith.select %or3A_1688, %get3A_1681, %broadcast_in_dim3A_1689 : vector<32x128xi1>, vector<32x128xf32>
      %lt3A_1691 = arith.cmpf olt, %select_n3A_1690, %scan3A_1654 : vector<32x128xf32>
      %select_n3A_1692 = arith.select %lt3A_1691, %add3A_1683, %scan3A_1655 : vector<32x128xi1>, vector<32x128xi32>
      %min3A_1693 = arith.minimumf %scan3A_1654, %select_n3A_1690 : vector<32x128xf32>
      %mul3A_1694 = arith.constant 8 : i32
      %mul3A_1695 = arith.muli %scan3A_1651, %mul3A_1694 : i32
      %add3A_1696 = arith.constant 2 : i32
      %add3A_1697 = arith.addi %mul3A_1695, %add3A_1696 : i32
      %mul3A_1698 = arith.constant 128 : i32
      %mul3A_1699 = arith.muli %add3A_1697, %mul3A_1698 : i32
      %get3A_1700 = arith.constant 0 : index
      %get3A_1701 = arith.index_cast %mul3A_1699 : i32 to index
      %get3A_1702 = vector.load %arg6[%get3A_1700, %get3A_1701] : memref<32x16384xf32, #tpu.memory_space<vmem>>, vector<32x128xf32>
      %add3A_1703 = vector.broadcast %mul3A_1699 : i32 to vector<32x128xi32>
      %add3A_1704 = arith.addi %iota3A, %add3A_1703 : vector<32x128xi32>
      %gt3A_1705 = arith.cmpf ogt, %get3A_1702, %broadcast_in_dim3A_1245 : vector<32x128xf32>
      %eq3A_1706 = arith.cmpf oeq, %get3A_1702, %broadcast_in_dim3A_1245 : vector<32x128xf32>
      %gt3A_1707 = arith.cmpi sgt, %add3A_1704, %broadcast_in_dim3A_1247 : vector<32x128xi32>
      %and3A_1708 = arith.andi %eq3A_1706, %gt3A_1707 : vector<32x128xi1>
      %or3A_1709 = arith.ori %gt3A_1705, %and3A_1708 : vector<32x128xi1>
      %broadcast_in_dim3A_1710 = vector.broadcast %scan3A_1252 : f32 to vector<32x128xf32>
      %select_n3A_1711 = arith.select %or3A_1709, %get3A_1702, %broadcast_in_dim3A_1710 : vector<32x128xi1>, vector<32x128xf32>
      %lt3A_1712 = arith.cmpf olt, %select_n3A_1711, %min3A : vector<32x128xf32>
      %select_n3A_1713 = arith.select %lt3A_1712, %add3A_1704, %select_n3A_1672 : vector<32x128xi1>, vector<32x128xi32>
      %min3A_1714 = arith.minimumf %min3A, %select_n3A_1711 : vector<32x128xf32>
      %mul3A_1715 = arith.constant 8 : i32
      %mul3A_1716 = arith.muli %scan3A_1651, %mul3A_1715 : i32
      %add3A_1717 = arith.constant 3 : i32
      %add3A_1718 = arith.addi %mul3A_1716, %add3A_1717 : i32
      %mul3A_1719 = arith.constant 128 : i32
      %mul3A_1720 = arith.muli %add3A_1718, %mul3A_1719 : i32
      %get3A_1721 = arith.constant 0 : index
      %get3A_1722 = arith.index_cast %mul3A_1720 : i32 to index
      %get3A_1723 = vector.load %arg6[%get3A_1721, %get3A_1722] : memref<32x16384xf32, #tpu.memory_space<vmem>>, vector<32x128xf32>
      %add3A_1724 = vector.broadcast %mul3A_1720 : i32 to vector<32x128xi32>
      %add3A_1725 = arith.addi %iota3A, %add3A_1724 : vector<32x128xi32>
      %gt3A_1726 = arith.cmpf ogt, %get3A_1723, %broadcast_in_dim3A_1245 : vector<32x128xf32>
      %eq3A_1727 = arith.cmpf oeq, %get3A_1723, %broadcast_in_dim3A_1245 : vector<32x128xf32>
      %gt3A_1728 = arith.cmpi sgt, %add3A_1725, %broadcast_in_dim3A_1247 : vector<32x128xi32>
      %and3A_1729 = arith.andi %eq3A_1727, %gt3A_1728 : vector<32x128xi1>
      %or3A_1730 = arith.ori %gt3A_1726, %and3A_1729 : vector<32x128xi1>
      %broadcast_in_dim3A_1731 = vector.broadcast %scan3A_1252 : f32 to vector<32x128xf32>
      %select_n3A_1732 = arith.select %or3A_1730, %get3A_1723, %broadcast_in_dim3A_1731 : vector<32x128xi1>, vector<32x128xf32>
      %lt3A_1733 = arith.cmpf olt, %select_n3A_1732, %min3A_1693 : vector<32x128xf32>
      %select_n3A_1734 = arith.select %lt3A_1733, %add3A_1725, %select_n3A_1692 : vector<32x128xi1>, vector<32x128xi32>
      %min3A_1735 = arith.minimumf %min3A_1693, %select_n3A_1732 : vector<32x128xf32>
      %mul3A_1736 = arith.constant 8 : i32
      %mul3A_1737 = arith.muli %scan3A_1651, %mul3A_1736 : i32
      %add3A_1738 = arith.constant 4 : i32
      %add3A_1739 = arith.addi %mul3A_1737, %add3A_1738 : i32
      %mul3A_1740 = arith.constant 128 : i32
      %mul3A_1741 = arith.muli %add3A_1739, %mul3A_1740 : i32
      %get3A_1742 = arith.constant 0 : index
      %get3A_1743 = arith.index_cast %mul3A_1741 : i32 to index
      %get3A_1744 = vector.load %arg6[%get3A_1742, %get3A_1743] : memref<32x16384xf32, #tpu.memory_space<vmem>>, vector<32x128xf32>
      %add3A_1745 = vector.broadcast %mul3A_1741 : i32 to vector<32x128xi32>
      %add3A_1746 = arith.addi %iota3A, %add3A_1745 : vector<32x128xi32>
      %gt3A_1747 = arith.cmpf ogt, %get3A_1744, %broadcast_in_dim3A_1245 : vector<32x128xf32>
      %eq3A_1748 = arith.cmpf oeq, %get3A_1744, %broadcast_in_dim3A_1245 : vector<32x128xf32>
      %gt3A_1749 = arith.cmpi sgt, %add3A_1746, %broadcast_in_dim3A_1247 : vector<32x128xi32>
      %and3A_1750 = arith.andi %eq3A_1748, %gt3A_1749 : vector<32x128xi1>
      %or3A_1751 = arith.ori %gt3A_1747, %and3A_1750 : vector<32x128xi1>
      %broadcast_in_dim3A_1752 = vector.broadcast %scan3A_1252 : f32 to vector<32x128xf32>
      %select_n3A_1753 = arith.select %or3A_1751, %get3A_1744, %broadcast_in_dim3A_1752 : vector<32x128xi1>, vector<32x128xf32>
      %lt3A_1754 = arith.cmpf olt, %select_n3A_1753, %min3A_1714 : vector<32x128xf32>
      %select_n3A_1755 = arith.select %lt3A_1754, %add3A_1746, %select_n3A_1713 : vector<32x128xi1>, vector<32x128xi32>
      %min3A_1756 = arith.minimumf %min3A_1714, %select_n3A_1753 : vector<32x128xf32>
      %mul3A_1757 = arith.constant 8 : i32
      %mul3A_1758 = arith.muli %scan3A_1651, %mul3A_1757 : i32
      %add3A_1759 = arith.constant 5 : i32
      %add3A_1760 = arith.addi %mul3A_1758, %add3A_1759 : i32
      %mul3A_1761 = arith.constant 128 : i32
      %mul3A_1762 = arith.muli %add3A_1760, %mul3A_1761 : i32
      %get3A_1763 = arith.constant 0 : index
      %get3A_1764 = arith.index_cast %mul3A_1762 : i32 to index
      %get3A_1765 = vector.load %arg6[%get3A_1763, %get3A_1764] : memref<32x16384xf32, #tpu.memory_space<vmem>>, vector<32x128xf32>
      %add3A_1766 = vector.broadcast %mul3A_1762 : i32 to vector<32x128xi32>
      %add3A_1767 = arith.addi %iota3A, %add3A_1766 : vector<32x128xi32>
      %gt3A_1768 = arith.cmpf ogt, %get3A_1765, %broadcast_in_dim3A_1245 : vector<32x128xf32>
      %eq3A_1769 = arith.cmpf oeq, %get3A_1765, %broadcast_in_dim3A_1245 : vector<32x128xf32>
      %gt3A_1770 = arith.cmpi sgt, %add3A_1767, %broadcast_in_dim3A_1247 : vector<32x128xi32>
      %and3A_1771 = arith.andi %eq3A_1769, %gt3A_1770 : vector<32x128xi1>
      %or3A_1772 = arith.ori %gt3A_1768, %and3A_1771 : vector<32x128xi1>
      %broadcast_in_dim3A_1773 = vector.broadcast %scan3A_1252 : f32 to vector<32x128xf32>
      %select_n3A_1774 = arith.select %or3A_1772, %get3A_1765, %broadcast_in_dim3A_1773 : vector<32x128xi1>, vector<32x128xf32>
      %lt3A_1775 = arith.cmpf olt, %select_n3A_1774, %min3A_1735 : vector<32x128xf32>
      %select_n3A_1776 = arith.select %lt3A_1775, %add3A_1767, %select_n3A_1734 : vector<32x128xi1>, vector<32x128xi32>
      %min3A_1777 = arith.minimumf %min3A_1735, %select_n3A_1774 : vector<32x128xf32>
      %mul3A_1778 = arith.constant 8 : i32
      %mul3A_1779 = arith.muli %scan3A_1651, %mul3A_1778 : i32
      %add3A_1780 = arith.constant 6 : i32
      %add3A_1781 = arith.addi %mul3A_1779, %add3A_1780 : i32
      %mul3A_1782 = arith.constant 128 : i32
      %mul3A_1783 = arith.muli %add3A_1781, %mul3A_1782 : i32
      %get3A_1784 = arith.constant 0 : index
      %get3A_1785 = arith.index_cast %mul3A_1783 : i32 to index
      %get3A_1786 = vector.load %arg6[%get3A_1784, %get3A_1785] : memref<32x16384xf32, #tpu.memory_space<vmem>>, vector<32x128xf32>
      %add3A_1787 = vector.broadcast %mul3A_1783 : i32 to vector<32x128xi32>
      %add3A_1788 = arith.addi %iota3A, %add3A_1787 : vector<32x128xi32>
      %gt3A_1789 = arith.cmpf ogt, %get3A_1786, %broadcast_in_dim3A_1245 : vector<32x128xf32>
      %eq3A_1790 = arith.cmpf oeq, %get3A_1786, %broadcast_in_dim3A_1245 : vector<32x128xf32>
      %gt3A_1791 = arith.cmpi sgt, %add3A_1788, %broadcast_in_dim3A_1247 : vector<32x128xi32>
      %and3A_1792 = arith.andi %eq3A_1790, %gt3A_1791 : vector<32x128xi1>
      %or3A_1793 = arith.ori %gt3A_1789, %and3A_1792 : vector<32x128xi1>
      %broadcast_in_dim3A_1794 = vector.broadcast %scan3A_1252 : f32 to vector<32x128xf32>
      %select_n3A_1795 = arith.select %or3A_1793, %get3A_1786, %broadcast_in_dim3A_1794 : vector<32x128xi1>, vector<32x128xf32>
      %lt3A_1796 = arith.cmpf olt, %select_n3A_1795, %min3A_1756 : vector<32x128xf32>
      %select_n3A_1797 = arith.select %lt3A_1796, %add3A_1788, %select_n3A_1755 : vector<32x128xi1>, vector<32x128xi32>
      %min3A_1798 = arith.minimumf %min3A_1756, %select_n3A_1795 : vector<32x128xf32>
      %mul3A_1799 = arith.constant 8 : i32
      %mul3A_1800 = arith.muli %scan3A_1651, %mul3A_1799 : i32
      %add3A_1801 = arith.constant 7 : i32
      %add3A_1802 = arith.addi %mul3A_1800, %add3A_1801 : i32
      %mul3A_1803 = arith.constant 128 : i32
      %mul3A_1804 = arith.muli %add3A_1802, %mul3A_1803 : i32
      %get3A_1805 = arith.constant 0 : index
      %get3A_1806 = arith.index_cast %mul3A_1804 : i32 to index
      %get3A_1807 = vector.load %arg6[%get3A_1805, %get3A_1806] : memref<32x16384xf32, #tpu.memory_space<vmem>>, vector<32x128xf32>
      %add3A_1808 = vector.broadcast %mul3A_1804 : i32 to vector<32x128xi32>
      %add3A_1809 = arith.addi %iota3A, %add3A_1808 : vector<32x128xi32>
      %gt3A_1810 = arith.cmpf ogt, %get3A_1807, %broadcast_in_dim3A_1245 : vector<32x128xf32>
      %eq3A_1811 = arith.cmpf oeq, %get3A_1807, %broadcast_in_dim3A_1245 : vector<32x128xf32>
      %gt3A_1812 = arith.cmpi sgt, %add3A_1809, %broadcast_in_dim3A_1247 : vector<32x128xi32>
      %and3A_1813 = arith.andi %eq3A_1811, %gt3A_1812 : vector<32x128xi1>
      %or3A_1814 = arith.ori %gt3A_1810, %and3A_1813 : vector<32x128xi1>
      %broadcast_in_dim3A_1815 = vector.broadcast %scan3A_1252 : f32 to vector<32x128xf32>
      %select_n3A_1816 = arith.select %or3A_1814, %get3A_1807, %broadcast_in_dim3A_1815 : vector<32x128xi1>, vector<32x128xf32>
      %lt3A_1817 = arith.cmpf olt, %select_n3A_1816, %min3A_1777 : vector<32x128xf32>
      %select_n3A_1818 = arith.select %lt3A_1817, %add3A_1809, %select_n3A_1776 : vector<32x128xi1>, vector<32x128xi32>
      %min3A_1819 = arith.minimumf %min3A_1777, %select_n3A_1816 : vector<32x128xf32>
      scf.yield %min3A_1798, %select_n3A_1797, %min3A_1819, %select_n3A_1818 : vector<32x128xf32>, vector<32x128xi32>, vector<32x128xf32>, vector<32x128xi32>
    }
    %scan3A_1258 = arith.constant 16 : i32
    %lt3A_1259 = arith.cmpf olt, %scan3A_1257#2, %scan3A_1257#0 : vector<32x128xf32>
    %eq3A_1260 = arith.cmpf oeq, %scan3A_1257#2, %scan3A_1257#0 : vector<32x128xf32>
    %lt3A_1261 = arith.cmpi slt, %scan3A_1257#3, %scan3A_1257#1 : vector<32x128xi32>
    %and3A_1262 = arith.andi %eq3A_1260, %lt3A_1261 : vector<32x128xi1>
    %or3A_1263 = arith.ori %lt3A_1259, %and3A_1262 : vector<32x128xi1>
    %select_n3A_1264 = arith.select %or3A_1263, %scan3A_1257#2, %scan3A_1257#0 : vector<32x128xi1>, vector<32x128xf32>
    %select_n3A_1265 = arith.select %or3A_1263, %scan3A_1257#3, %scan3A_1257#1 : vector<32x128xi1>, vector<32x128xi32>
    %slice3A_1266 = vector.extract_strided_slice %select_n3A_1264 {offsets = [0, 0], sizes = [32, 64], strides = [1, 1]} : vector<32x128xf32> to vector<32x64xf32>
    %slice3A_1267 = vector.extract_strided_slice %select_n3A_1265 {offsets = [0, 0], sizes = [32, 64], strides = [1, 1]} : vector<32x128xi32> to vector<32x64xi32>
    %slice3A_1268 = vector.extract_strided_slice %select_n3A_1264 {offsets = [0, 64], sizes = [32, 64], strides = [1, 1]} : vector<32x128xf32> to vector<32x64xf32>
    %slice3A_1269 = vector.extract_strided_slice %select_n3A_1265 {offsets = [0, 64], sizes = [32, 64], strides = [1, 1]} : vector<32x128xi32> to vector<32x64xi32>
    %lt3A_1270 = arith.cmpf olt, %slice3A_1268, %slice3A_1266 : vector<32x64xf32>
    %eq3A_1271 = arith.cmpf oeq, %slice3A_1268, %slice3A_1266 : vector<32x64xf32>
    %lt3A_1272 = arith.cmpi slt, %slice3A_1269, %slice3A_1267 : vector<32x64xi32>
    %and3A_1273 = arith.andi %eq3A_1271, %lt3A_1272 : vector<32x64xi1>
    %or3A_1274 = arith.ori %lt3A_1270, %and3A_1273 : vector<32x64xi1>
    %select_n3A_1275 = arith.select %or3A_1274, %slice3A_1268, %slice3A_1266 : vector<32x64xi1>, vector<32x64xf32>
    %select_n3A_1276 = arith.select %or3A_1274, %slice3A_1269, %slice3A_1267 : vector<32x64xi1>, vector<32x64xi32>
    %slice3A_1277 = vector.extract_strided_slice %select_n3A_1275 {offsets = [0, 0], sizes = [32, 32], strides = [1, 1]} : vector<32x64xf32> to vector<32x32xf32>
    %slice3A_1278 = vector.extract_strided_slice %select_n3A_1276 {offsets = [0, 0], sizes = [32, 32], strides = [1, 1]} : vector<32x64xi32> to vector<32x32xi32>
    %slice3A_1279 = vector.extract_strided_slice %select_n3A_1275 {offsets = [0, 32], sizes = [32, 32], strides = [1, 1]} : vector<32x64xf32> to vector<32x32xf32>
    %slice3A_1280 = vector.extract_strided_slice %select_n3A_1276 {offsets = [0, 32], sizes = [32, 32], strides = [1, 1]} : vector<32x64xi32> to vector<32x32xi32>
    %lt3A_1281 = arith.cmpf olt, %slice3A_1279, %slice3A_1277 : vector<32x32xf32>
    %eq3A_1282 = arith.cmpf oeq, %slice3A_1279, %slice3A_1277 : vector<32x32xf32>
    %lt3A_1283 = arith.cmpi slt, %slice3A_1280, %slice3A_1278 : vector<32x32xi32>
    %and3A_1284 = arith.andi %eq3A_1282, %lt3A_1283 : vector<32x32xi1>
    %or3A_1285 = arith.ori %lt3A_1281, %and3A_1284 : vector<32x32xi1>
    %select_n3A_1286 = arith.select %or3A_1285, %slice3A_1279, %slice3A_1277 : vector<32x32xi1>, vector<32x32xf32>
    %select_n3A_1287 = arith.select %or3A_1285, %slice3A_1280, %slice3A_1278 : vector<32x32xi1>, vector<32x32xi32>
    %slice3A_1288 = vector.extract_strided_slice %select_n3A_1286 {offsets = [0, 0], sizes = [32, 16], strides = [1, 1]} : vector<32x32xf32> to vector<32x16xf32>
    %slice3A_1289 = vector.extract_strided_slice %select_n3A_1287 {offsets = [0, 0], sizes = [32, 16], strides = [1, 1]} : vector<32x32xi32> to vector<32x16xi32>
    %slice3A_1290 = vector.extract_strided_slice %select_n3A_1286 {offsets = [0, 16], sizes = [32, 16], strides = [1, 1]} : vector<32x32xf32> to vector<32x16xf32>
    %slice3A_1291 = vector.extract_strided_slice %select_n3A_1287 {offsets = [0, 16], sizes = [32, 16], strides = [1, 1]} : vector<32x32xi32> to vector<32x16xi32>
    %lt3A_1292 = arith.cmpf olt, %slice3A_1290, %slice3A_1288 : vector<32x16xf32>
    %eq3A_1293 = arith.cmpf oeq, %slice3A_1290, %slice3A_1288 : vector<32x16xf32>
    %lt3A_1294 = arith.cmpi slt, %slice3A_1291, %slice3A_1289 : vector<32x16xi32>
    %and3A_1295 = arith.andi %eq3A_1293, %lt3A_1294 : vector<32x16xi1>
    %or3A_1296 = arith.ori %lt3A_1292, %and3A_1295 : vector<32x16xi1>
    %select_n3A_1297 = arith.select %or3A_1296, %slice3A_1290, %slice3A_1288 : vector<32x16xi1>, vector<32x16xf32>
    %select_n3A_1298 = arith.select %or3A_1296, %slice3A_1291, %slice3A_1289 : vector<32x16xi1>, vector<32x16xi32>
    %slice3A_1299 = vector.extract_strided_slice %select_n3A_1297 {offsets = [0, 0], sizes = [32, 8], strides = [1, 1]} : vector<32x16xf32> to vector<32x8xf32>
    %slice3A_1300 = vector.extract_strided_slice %select_n3A_1298 {offsets = [0, 0], sizes = [32, 8], strides = [1, 1]} : vector<32x16xi32> to vector<32x8xi32>
    %slice3A_1301 = vector.extract_strided_slice %select_n3A_1297 {offsets = [0, 8], sizes = [32, 8], strides = [1, 1]} : vector<32x16xf32> to vector<32x8xf32>
    %slice3A_1302 = vector.extract_strided_slice %select_n3A_1298 {offsets = [0, 8], sizes = [32, 8], strides = [1, 1]} : vector<32x16xi32> to vector<32x8xi32>
    %lt3A_1303 = arith.cmpf olt, %slice3A_1301, %slice3A_1299 : vector<32x8xf32>
    %eq3A_1304 = arith.cmpf oeq, %slice3A_1301, %slice3A_1299 : vector<32x8xf32>
    %lt3A_1305 = arith.cmpi slt, %slice3A_1302, %slice3A_1300 : vector<32x8xi32>
    %and3A_1306 = arith.andi %eq3A_1304, %lt3A_1305 : vector<32x8xi1>
    %or3A_1307 = arith.ori %lt3A_1303, %and3A_1306 : vector<32x8xi1>
    %select_n3A_1308 = arith.select %or3A_1307, %slice3A_1301, %slice3A_1299 : vector<32x8xi1>, vector<32x8xf32>
    %select_n3A_1309 = arith.select %or3A_1307, %slice3A_1302, %slice3A_1300 : vector<32x8xi1>, vector<32x8xi32>
    %slice3A_1310 = vector.extract_strided_slice %select_n3A_1308 {offsets = [0, 0], sizes = [32, 4], strides = [1, 1]} : vector<32x8xf32> to vector<32x4xf32>
    %slice3A_1311 = vector.extract_strided_slice %select_n3A_1309 {offsets = [0, 0], sizes = [32, 4], strides = [1, 1]} : vector<32x8xi32> to vector<32x4xi32>
    %slice3A_1312 = vector.extract_strided_slice %select_n3A_1308 {offsets = [0, 4], sizes = [32, 4], strides = [1, 1]} : vector<32x8xf32> to vector<32x4xf32>
    %slice3A_1313 = vector.extract_strided_slice %select_n3A_1309 {offsets = [0, 4], sizes = [32, 4], strides = [1, 1]} : vector<32x8xi32> to vector<32x4xi32>
    %lt3A_1314 = arith.cmpf olt, %slice3A_1312, %slice3A_1310 : vector<32x4xf32>
    %eq3A_1315 = arith.cmpf oeq, %slice3A_1312, %slice3A_1310 : vector<32x4xf32>
    %lt3A_1316 = arith.cmpi slt, %slice3A_1313, %slice3A_1311 : vector<32x4xi32>
    %and3A_1317 = arith.andi %eq3A_1315, %lt3A_1316 : vector<32x4xi1>
    %or3A_1318 = arith.ori %lt3A_1314, %and3A_1317 : vector<32x4xi1>
    %select_n3A_1319 = arith.select %or3A_1318, %slice3A_1312, %slice3A_1310 : vector<32x4xi1>, vector<32x4xf32>
    %select_n3A_1320 = arith.select %or3A_1318, %slice3A_1313, %slice3A_1311 : vector<32x4xi1>, vector<32x4xi32>
    %slice3A_1321 = vector.extract_strided_slice %select_n3A_1319 {offsets = [0, 0], sizes = [32, 2], strides = [1, 1]} : vector<32x4xf32> to vector<32x2xf32>
    %slice3A_1322 = vector.extract_strided_slice %select_n3A_1320 {offsets = [0, 0], sizes = [32, 2], strides = [1, 1]} : vector<32x4xi32> to vector<32x2xi32>
    %slice3A_1323 = vector.extract_strided_slice %select_n3A_1319 {offsets = [0, 2], sizes = [32, 2], strides = [1, 1]} : vector<32x4xf32> to vector<32x2xf32>
    %slice3A_1324 = vector.extract_strided_slice %select_n3A_1320 {offsets = [0, 2], sizes = [32, 2], strides = [1, 1]} : vector<32x4xi32> to vector<32x2xi32>
    %lt3A_1325 = arith.cmpf olt, %slice3A_1323, %slice3A_1321 : vector<32x2xf32>
    %eq3A_1326 = arith.cmpf oeq, %slice3A_1323, %slice3A_1321 : vector<32x2xf32>
    %lt3A_1327 = arith.cmpi slt, %slice3A_1324, %slice3A_1322 : vector<32x2xi32>
    %and3A_1328 = arith.andi %eq3A_1326, %lt3A_1327 : vector<32x2xi1>
    %or3A_1329 = arith.ori %lt3A_1325, %and3A_1328 : vector<32x2xi1>
    %select_n3A_1330 = arith.select %or3A_1329, %slice3A_1323, %slice3A_1321 : vector<32x2xi1>, vector<32x2xf32>
    %select_n3A_1331 = arith.select %or3A_1329, %slice3A_1324, %slice3A_1322 : vector<32x2xi1>, vector<32x2xi32>
    %slice3A_1332 = vector.extract_strided_slice %select_n3A_1330 {offsets = [0, 0], sizes = [32, 1], strides = [1, 1]} : vector<32x2xf32> to vector<32x1xf32>
    %slice3A_1333 = vector.extract_strided_slice %select_n3A_1331 {offsets = [0, 0], sizes = [32, 1], strides = [1, 1]} : vector<32x2xi32> to vector<32x1xi32>
    %slice3A_1334 = vector.extract_strided_slice %select_n3A_1330 {offsets = [0, 1], sizes = [32, 1], strides = [1, 1]} : vector<32x2xf32> to vector<32x1xf32>
    %slice3A_1335 = vector.extract_strided_slice %select_n3A_1331 {offsets = [0, 1], sizes = [32, 1], strides = [1, 1]} : vector<32x2xi32> to vector<32x1xi32>
    %lt3A_1336 = arith.cmpf olt, %slice3A_1334, %slice3A_1332 : vector<32x1xf32>
    %eq3A_1337 = arith.cmpf oeq, %slice3A_1334, %slice3A_1332 : vector<32x1xf32>
    %lt3A_1338 = arith.cmpi slt, %slice3A_1335, %slice3A_1333 : vector<32x1xi32>
    %and3A_1339 = arith.andi %eq3A_1337, %lt3A_1338 : vector<32x1xi1>
    %or3A_1340 = arith.ori %lt3A_1336, %and3A_1339 : vector<32x1xi1>
    %select_n3A_1341 = arith.select %or3A_1340, %slice3A_1334, %slice3A_1332 : vector<32x1xi1>, vector<32x1xf32>
    %select_n3A_1342 = arith.select %or3A_1340, %slice3A_1335, %slice3A_1333 : vector<32x1xi1>, vector<32x1xi32>
    %swap3A_1343 = arith.constant 0 : index
    %swap3A_1344 = arith.constant 12 : index
    %swap3A_1345 = vector.load %arg5[%swap3A_1343, %swap3A_1344] : memref<32x16xi32, #tpu.memory_space<vmem>>, vector<32x1xi32>
    tpu.vector_store %arg5[%swap3A_1343, %swap3A_1344], %select_n3A_1342 {strides = array<i32>} : memref<32x16xi32, #tpu.memory_space<vmem>>, vector<32x1xi32>,
    %broadcast_in_dim3A_1346 = vector.shape_cast %select_n3A_1341 : vector<32x1xf32> to vector<32x1xf32>
    %broadcast_in_dim3A_1347 = vector.broadcast %broadcast_in_dim3A_1346 : vector<32x1xf32> to vector<32x128xf32>
    %broadcast_in_dim3A_1348 = vector.shape_cast %select_n3A_1342 : vector<32x1xi32> to vector<32x1xi32>
    %broadcast_in_dim3A_1349 = vector.broadcast %broadcast_in_dim3A_1348 : vector<32x1xi32> to vector<32x128xi32>
    %broadcast_in_dim3A_1350 = arith.constant 0x7F800000 : f32
    %broadcast_in_dim3A_1351 = vector.broadcast %broadcast_in_dim3A_1350 : f32 to vector<32x128xf32>
    %broadcast_in_dim3A_1352 = arith.constant 0 : i32
    %broadcast_in_dim3A_1353 = vector.broadcast %broadcast_in_dim3A_1352 : i32 to vector<32x128xi32>
    %scan3A_1354 = arith.constant 0x7F800000 : f32
    %scan3A_1355 = arith.constant 0 : i32
    %scan3A_1356 = arith.constant 16 : i32
    %scan3A_1357 = arith.addi %scan3A_1355, %scan3A_1356 : i32
    %scan3A_1358 = arith.constant 1 : i32
    %scan3A_1359:4 = scf.for %scan3A_1651 = %scan3A_1355 to %scan3A_1357 step %scan3A_1358 iter_args(%scan3A_1652 = %broadcast_in_dim3A_1351, %scan3A_1653 = %broadcast_in_dim3A_1353, %scan3A_1654 = %broadcast_in_dim3A_1351, %scan3A_1655 = %broadcast_in_dim3A_1353) -> (vector<32x128xf32>, vector<32x128xi32>, vector<32x128xf32>, vector<32x128xi32>)  : i32 {
      %mul3A = arith.constant 8 : i32
      %mul3A_1656 = arith.muli %scan3A_1651, %mul3A : i32
      %add3A = arith.constant 0 : i32
      %add3A_1657 = arith.addi %mul3A_1656, %add3A : i32
      %mul3A_1658 = arith.constant 128 : i32
      %mul3A_1659 = arith.muli %add3A_1657, %mul3A_1658 : i32
      %get3A_1660 = arith.constant 0 : index
      %get3A_1661 = arith.index_cast %mul3A_1659 : i32 to index
      %get3A_1662 = vector.load %arg6[%get3A_1660, %get3A_1661] : memref<32x16384xf32, #tpu.memory_space<vmem>>, vector<32x128xf32>
      %add3A_1663 = vector.broadcast %mul3A_1659 : i32 to vector<32x128xi32>
      %add3A_1664 = arith.addi %iota3A, %add3A_1663 : vector<32x128xi32>
      %gt3A = arith.cmpf ogt, %get3A_1662, %broadcast_in_dim3A_1347 : vector<32x128xf32>
      %eq3A_1665 = arith.cmpf oeq, %get3A_1662, %broadcast_in_dim3A_1347 : vector<32x128xf32>
      %gt3A_1666 = arith.cmpi sgt, %add3A_1664, %broadcast_in_dim3A_1349 : vector<32x128xi32>
      %and3A_1667 = arith.andi %eq3A_1665, %gt3A_1666 : vector<32x128xi1>
      %or3A_1668 = arith.ori %gt3A, %and3A_1667 : vector<32x128xi1>
      %broadcast_in_dim3A_1669 = vector.broadcast %scan3A_1354 : f32 to vector<32x128xf32>
      %select_n3A_1670 = arith.select %or3A_1668, %get3A_1662, %broadcast_in_dim3A_1669 : vector<32x128xi1>, vector<32x128xf32>
      %lt3A_1671 = arith.cmpf olt, %select_n3A_1670, %scan3A_1652 : vector<32x128xf32>
      %select_n3A_1672 = arith.select %lt3A_1671, %add3A_1664, %scan3A_1653 : vector<32x128xi1>, vector<32x128xi32>
      %min3A = arith.minimumf %scan3A_1652, %select_n3A_1670 : vector<32x128xf32>
      %mul3A_1673 = arith.constant 8 : i32
      %mul3A_1674 = arith.muli %scan3A_1651, %mul3A_1673 : i32
      %add3A_1675 = arith.constant 1 : i32
      %add3A_1676 = arith.addi %mul3A_1674, %add3A_1675 : i32
      %mul3A_1677 = arith.constant 128 : i32
      %mul3A_1678 = arith.muli %add3A_1676, %mul3A_1677 : i32
      %get3A_1679 = arith.constant 0 : index
      %get3A_1680 = arith.index_cast %mul3A_1678 : i32 to index
      %get3A_1681 = vector.load %arg6[%get3A_1679, %get3A_1680] : memref<32x16384xf32, #tpu.memory_space<vmem>>, vector<32x128xf32>
      %add3A_1682 = vector.broadcast %mul3A_1678 : i32 to vector<32x128xi32>
      %add3A_1683 = arith.addi %iota3A, %add3A_1682 : vector<32x128xi32>
      %gt3A_1684 = arith.cmpf ogt, %get3A_1681, %broadcast_in_dim3A_1347 : vector<32x128xf32>
      %eq3A_1685 = arith.cmpf oeq, %get3A_1681, %broadcast_in_dim3A_1347 : vector<32x128xf32>
      %gt3A_1686 = arith.cmpi sgt, %add3A_1683, %broadcast_in_dim3A_1349 : vector<32x128xi32>
      %and3A_1687 = arith.andi %eq3A_1685, %gt3A_1686 : vector<32x128xi1>
      %or3A_1688 = arith.ori %gt3A_1684, %and3A_1687 : vector<32x128xi1>
      %broadcast_in_dim3A_1689 = vector.broadcast %scan3A_1354 : f32 to vector<32x128xf32>
      %select_n3A_1690 = arith.select %or3A_1688, %get3A_1681, %broadcast_in_dim3A_1689 : vector<32x128xi1>, vector<32x128xf32>
      %lt3A_1691 = arith.cmpf olt, %select_n3A_1690, %scan3A_1654 : vector<32x128xf32>
      %select_n3A_1692 = arith.select %lt3A_1691, %add3A_1683, %scan3A_1655 : vector<32x128xi1>, vector<32x128xi32>
      %min3A_1693 = arith.minimumf %scan3A_1654, %select_n3A_1690 : vector<32x128xf32>
      %mul3A_1694 = arith.constant 8 : i32
      %mul3A_1695 = arith.muli %scan3A_1651, %mul3A_1694 : i32
      %add3A_1696 = arith.constant 2 : i32
      %add3A_1697 = arith.addi %mul3A_1695, %add3A_1696 : i32
      %mul3A_1698 = arith.constant 128 : i32
      %mul3A_1699 = arith.muli %add3A_1697, %mul3A_1698 : i32
      %get3A_1700 = arith.constant 0 : index
      %get3A_1701 = arith.index_cast %mul3A_1699 : i32 to index
      %get3A_1702 = vector.load %arg6[%get3A_1700, %get3A_1701] : memref<32x16384xf32, #tpu.memory_space<vmem>>, vector<32x128xf32>
      %add3A_1703 = vector.broadcast %mul3A_1699 : i32 to vector<32x128xi32>
      %add3A_1704 = arith.addi %iota3A, %add3A_1703 : vector<32x128xi32>
      %gt3A_1705 = arith.cmpf ogt, %get3A_1702, %broadcast_in_dim3A_1347 : vector<32x128xf32>
      %eq3A_1706 = arith.cmpf oeq, %get3A_1702, %broadcast_in_dim3A_1347 : vector<32x128xf32>
      %gt3A_1707 = arith.cmpi sgt, %add3A_1704, %broadcast_in_dim3A_1349 : vector<32x128xi32>
      %and3A_1708 = arith.andi %eq3A_1706, %gt3A_1707 : vector<32x128xi1>
      %or3A_1709 = arith.ori %gt3A_1705, %and3A_1708 : vector<32x128xi1>
      %broadcast_in_dim3A_1710 = vector.broadcast %scan3A_1354 : f32 to vector<32x128xf32>
      %select_n3A_1711 = arith.select %or3A_1709, %get3A_1702, %broadcast_in_dim3A_1710 : vector<32x128xi1>, vector<32x128xf32>
      %lt3A_1712 = arith.cmpf olt, %select_n3A_1711, %min3A : vector<32x128xf32>
      %select_n3A_1713 = arith.select %lt3A_1712, %add3A_1704, %select_n3A_1672 : vector<32x128xi1>, vector<32x128xi32>
      %min3A_1714 = arith.minimumf %min3A, %select_n3A_1711 : vector<32x128xf32>
      %mul3A_1715 = arith.constant 8 : i32
      %mul3A_1716 = arith.muli %scan3A_1651, %mul3A_1715 : i32
      %add3A_1717 = arith.constant 3 : i32
      %add3A_1718 = arith.addi %mul3A_1716, %add3A_1717 : i32
      %mul3A_1719 = arith.constant 128 : i32
      %mul3A_1720 = arith.muli %add3A_1718, %mul3A_1719 : i32
      %get3A_1721 = arith.constant 0 : index
      %get3A_1722 = arith.index_cast %mul3A_1720 : i32 to index
      %get3A_1723 = vector.load %arg6[%get3A_1721, %get3A_1722] : memref<32x16384xf32, #tpu.memory_space<vmem>>, vector<32x128xf32>
      %add3A_1724 = vector.broadcast %mul3A_1720 : i32 to vector<32x128xi32>
      %add3A_1725 = arith.addi %iota3A, %add3A_1724 : vector<32x128xi32>
      %gt3A_1726 = arith.cmpf ogt, %get3A_1723, %broadcast_in_dim3A_1347 : vector<32x128xf32>
      %eq3A_1727 = arith.cmpf oeq, %get3A_1723, %broadcast_in_dim3A_1347 : vector<32x128xf32>
      %gt3A_1728 = arith.cmpi sgt, %add3A_1725, %broadcast_in_dim3A_1349 : vector<32x128xi32>
      %and3A_1729 = arith.andi %eq3A_1727, %gt3A_1728 : vector<32x128xi1>
      %or3A_1730 = arith.ori %gt3A_1726, %and3A_1729 : vector<32x128xi1>
      %broadcast_in_dim3A_1731 = vector.broadcast %scan3A_1354 : f32 to vector<32x128xf32>
      %select_n3A_1732 = arith.select %or3A_1730, %get3A_1723, %broadcast_in_dim3A_1731 : vector<32x128xi1>, vector<32x128xf32>
      %lt3A_1733 = arith.cmpf olt, %select_n3A_1732, %min3A_1693 : vector<32x128xf32>
      %select_n3A_1734 = arith.select %lt3A_1733, %add3A_1725, %select_n3A_1692 : vector<32x128xi1>, vector<32x128xi32>
      %min3A_1735 = arith.minimumf %min3A_1693, %select_n3A_1732 : vector<32x128xf32>
      %mul3A_1736 = arith.constant 8 : i32
      %mul3A_1737 = arith.muli %scan3A_1651, %mul3A_1736 : i32
      %add3A_1738 = arith.constant 4 : i32
      %add3A_1739 = arith.addi %mul3A_1737, %add3A_1738 : i32
      %mul3A_1740 = arith.constant 128 : i32
      %mul3A_1741 = arith.muli %add3A_1739, %mul3A_1740 : i32
      %get3A_1742 = arith.constant 0 : index
      %get3A_1743 = arith.index_cast %mul3A_1741 : i32 to index
      %get3A_1744 = vector.load %arg6[%get3A_1742, %get3A_1743] : memref<32x16384xf32, #tpu.memory_space<vmem>>, vector<32x128xf32>
      %add3A_1745 = vector.broadcast %mul3A_1741 : i32 to vector<32x128xi32>
      %add3A_1746 = arith.addi %iota3A, %add3A_1745 : vector<32x128xi32>
      %gt3A_1747 = arith.cmpf ogt, %get3A_1744, %broadcast_in_dim3A_1347 : vector<32x128xf32>
      %eq3A_1748 = arith.cmpf oeq, %get3A_1744, %broadcast_in_dim3A_1347 : vector<32x128xf32>
      %gt3A_1749 = arith.cmpi sgt, %add3A_1746, %broadcast_in_dim3A_1349 : vector<32x128xi32>
      %and3A_1750 = arith.andi %eq3A_1748, %gt3A_1749 : vector<32x128xi1>
      %or3A_1751 = arith.ori %gt3A_1747, %and3A_1750 : vector<32x128xi1>
      %broadcast_in_dim3A_1752 = vector.broadcast %scan3A_1354 : f32 to vector<32x128xf32>
      %select_n3A_1753 = arith.select %or3A_1751, %get3A_1744, %broadcast_in_dim3A_1752 : vector<32x128xi1>, vector<32x128xf32>
      %lt3A_1754 = arith.cmpf olt, %select_n3A_1753, %min3A_1714 : vector<32x128xf32>
      %select_n3A_1755 = arith.select %lt3A_1754, %add3A_1746, %select_n3A_1713 : vector<32x128xi1>, vector<32x128xi32>
      %min3A_1756 = arith.minimumf %min3A_1714, %select_n3A_1753 : vector<32x128xf32>
      %mul3A_1757 = arith.constant 8 : i32
      %mul3A_1758 = arith.muli %scan3A_1651, %mul3A_1757 : i32
      %add3A_1759 = arith.constant 5 : i32
      %add3A_1760 = arith.addi %mul3A_1758, %add3A_1759 : i32
      %mul3A_1761 = arith.constant 128 : i32
      %mul3A_1762 = arith.muli %add3A_1760, %mul3A_1761 : i32
      %get3A_1763 = arith.constant 0 : index
      %get3A_1764 = arith.index_cast %mul3A_1762 : i32 to index
      %get3A_1765 = vector.load %arg6[%get3A_1763, %get3A_1764] : memref<32x16384xf32, #tpu.memory_space<vmem>>, vector<32x128xf32>
      %add3A_1766 = vector.broadcast %mul3A_1762 : i32 to vector<32x128xi32>
      %add3A_1767 = arith.addi %iota3A, %add3A_1766 : vector<32x128xi32>
      %gt3A_1768 = arith.cmpf ogt, %get3A_1765, %broadcast_in_dim3A_1347 : vector<32x128xf32>
      %eq3A_1769 = arith.cmpf oeq, %get3A_1765, %broadcast_in_dim3A_1347 : vector<32x128xf32>
      %gt3A_1770 = arith.cmpi sgt, %add3A_1767, %broadcast_in_dim3A_1349 : vector<32x128xi32>
      %and3A_1771 = arith.andi %eq3A_1769, %gt3A_1770 : vector<32x128xi1>
      %or3A_1772 = arith.ori %gt3A_1768, %and3A_1771 : vector<32x128xi1>
      %broadcast_in_dim3A_1773 = vector.broadcast %scan3A_1354 : f32 to vector<32x128xf32>
      %select_n3A_1774 = arith.select %or3A_1772, %get3A_1765, %broadcast_in_dim3A_1773 : vector<32x128xi1>, vector<32x128xf32>
      %lt3A_1775 = arith.cmpf olt, %select_n3A_1774, %min3A_1735 : vector<32x128xf32>
      %select_n3A_1776 = arith.select %lt3A_1775, %add3A_1767, %select_n3A_1734 : vector<32x128xi1>, vector<32x128xi32>
      %min3A_1777 = arith.minimumf %min3A_1735, %select_n3A_1774 : vector<32x128xf32>
      %mul3A_1778 = arith.constant 8 : i32
      %mul3A_1779 = arith.muli %scan3A_1651, %mul3A_1778 : i32
      %add3A_1780 = arith.constant 6 : i32
      %add3A_1781 = arith.addi %mul3A_1779, %add3A_1780 : i32
      %mul3A_1782 = arith.constant 128 : i32
      %mul3A_1783 = arith.muli %add3A_1781, %mul3A_1782 : i32
      %get3A_1784 = arith.constant 0 : index
      %get3A_1785 = arith.index_cast %mul3A_1783 : i32 to index
      %get3A_1786 = vector.load %arg6[%get3A_1784, %get3A_1785] : memref<32x16384xf32, #tpu.memory_space<vmem>>, vector<32x128xf32>
      %add3A_1787 = vector.broadcast %mul3A_1783 : i32 to vector<32x128xi32>
      %add3A_1788 = arith.addi %iota3A, %add3A_1787 : vector<32x128xi32>
      %gt3A_1789 = arith.cmpf ogt, %get3A_1786, %broadcast_in_dim3A_1347 : vector<32x128xf32>
      %eq3A_1790 = arith.cmpf oeq, %get3A_1786, %broadcast_in_dim3A_1347 : vector<32x128xf32>
      %gt3A_1791 = arith.cmpi sgt, %add3A_1788, %broadcast_in_dim3A_1349 : vector<32x128xi32>
      %and3A_1792 = arith.andi %eq3A_1790, %gt3A_1791 : vector<32x128xi1>
      %or3A_1793 = arith.ori %gt3A_1789, %and3A_1792 : vector<32x128xi1>
      %broadcast_in_dim3A_1794 = vector.broadcast %scan3A_1354 : f32 to vector<32x128xf32>
      %select_n3A_1795 = arith.select %or3A_1793, %get3A_1786, %broadcast_in_dim3A_1794 : vector<32x128xi1>, vector<32x128xf32>
      %lt3A_1796 = arith.cmpf olt, %select_n3A_1795, %min3A_1756 : vector<32x128xf32>
      %select_n3A_1797 = arith.select %lt3A_1796, %add3A_1788, %select_n3A_1755 : vector<32x128xi1>, vector<32x128xi32>
      %min3A_1798 = arith.minimumf %min3A_1756, %select_n3A_1795 : vector<32x128xf32>
      %mul3A_1799 = arith.constant 8 : i32
      %mul3A_1800 = arith.muli %scan3A_1651, %mul3A_1799 : i32
      %add3A_1801 = arith.constant 7 : i32
      %add3A_1802 = arith.addi %mul3A_1800, %add3A_1801 : i32
      %mul3A_1803 = arith.constant 128 : i32
      %mul3A_1804 = arith.muli %add3A_1802, %mul3A_1803 : i32
      %get3A_1805 = arith.constant 0 : index
      %get3A_1806 = arith.index_cast %mul3A_1804 : i32 to index
      %get3A_1807 = vector.load %arg6[%get3A_1805, %get3A_1806] : memref<32x16384xf32, #tpu.memory_space<vmem>>, vector<32x128xf32>
      %add3A_1808 = vector.broadcast %mul3A_1804 : i32 to vector<32x128xi32>
      %add3A_1809 = arith.addi %iota3A, %add3A_1808 : vector<32x128xi32>
      %gt3A_1810 = arith.cmpf ogt, %get3A_1807, %broadcast_in_dim3A_1347 : vector<32x128xf32>
      %eq3A_1811 = arith.cmpf oeq, %get3A_1807, %broadcast_in_dim3A_1347 : vector<32x128xf32>
      %gt3A_1812 = arith.cmpi sgt, %add3A_1809, %broadcast_in_dim3A_1349 : vector<32x128xi32>
      %and3A_1813 = arith.andi %eq3A_1811, %gt3A_1812 : vector<32x128xi1>
      %or3A_1814 = arith.ori %gt3A_1810, %and3A_1813 : vector<32x128xi1>
      %broadcast_in_dim3A_1815 = vector.broadcast %scan3A_1354 : f32 to vector<32x128xf32>
      %select_n3A_1816 = arith.select %or3A_1814, %get3A_1807, %broadcast_in_dim3A_1815 : vector<32x128xi1>, vector<32x128xf32>
      %lt3A_1817 = arith.cmpf olt, %select_n3A_1816, %min3A_1777 : vector<32x128xf32>
      %select_n3A_1818 = arith.select %lt3A_1817, %add3A_1809, %select_n3A_1776 : vector<32x128xi1>, vector<32x128xi32>
      %min3A_1819 = arith.minimumf %min3A_1777, %select_n3A_1816 : vector<32x128xf32>
      scf.yield %min3A_1798, %select_n3A_1797, %min3A_1819, %select_n3A_1818 : vector<32x128xf32>, vector<32x128xi32>, vector<32x128xf32>, vector<32x128xi32>
    }
    %scan3A_1360 = arith.constant 16 : i32
    %lt3A_1361 = arith.cmpf olt, %scan3A_1359#2, %scan3A_1359#0 : vector<32x128xf32>
    %eq3A_1362 = arith.cmpf oeq, %scan3A_1359#2, %scan3A_1359#0 : vector<32x128xf32>
    %lt3A_1363 = arith.cmpi slt, %scan3A_1359#3, %scan3A_1359#1 : vector<32x128xi32>
    %and3A_1364 = arith.andi %eq3A_1362, %lt3A_1363 : vector<32x128xi1>
    %or3A_1365 = arith.ori %lt3A_1361, %and3A_1364 : vector<32x128xi1>
    %select_n3A_1366 = arith.select %or3A_1365, %scan3A_1359#2, %scan3A_1359#0 : vector<32x128xi1>, vector<32x128xf32>
    %select_n3A_1367 = arith.select %or3A_1365, %scan3A_1359#3, %scan3A_1359#1 : vector<32x128xi1>, vector<32x128xi32>
    %slice3A_1368 = vector.extract_strided_slice %select_n3A_1366 {offsets = [0, 0], sizes = [32, 64], strides = [1, 1]} : vector<32x128xf32> to vector<32x64xf32>
    %slice3A_1369 = vector.extract_strided_slice %select_n3A_1367 {offsets = [0, 0], sizes = [32, 64], strides = [1, 1]} : vector<32x128xi32> to vector<32x64xi32>
    %slice3A_1370 = vector.extract_strided_slice %select_n3A_1366 {offsets = [0, 64], sizes = [32, 64], strides = [1, 1]} : vector<32x128xf32> to vector<32x64xf32>
    %slice3A_1371 = vector.extract_strided_slice %select_n3A_1367 {offsets = [0, 64], sizes = [32, 64], strides = [1, 1]} : vector<32x128xi32> to vector<32x64xi32>
    %lt3A_1372 = arith.cmpf olt, %slice3A_1370, %slice3A_1368 : vector<32x64xf32>
    %eq3A_1373 = arith.cmpf oeq, %slice3A_1370, %slice3A_1368 : vector<32x64xf32>
    %lt3A_1374 = arith.cmpi slt, %slice3A_1371, %slice3A_1369 : vector<32x64xi32>
    %and3A_1375 = arith.andi %eq3A_1373, %lt3A_1374 : vector<32x64xi1>
    %or3A_1376 = arith.ori %lt3A_1372, %and3A_1375 : vector<32x64xi1>
    %select_n3A_1377 = arith.select %or3A_1376, %slice3A_1370, %slice3A_1368 : vector<32x64xi1>, vector<32x64xf32>
    %select_n3A_1378 = arith.select %or3A_1376, %slice3A_1371, %slice3A_1369 : vector<32x64xi1>, vector<32x64xi32>
    %slice3A_1379 = vector.extract_strided_slice %select_n3A_1377 {offsets = [0, 0], sizes = [32, 32], strides = [1, 1]} : vector<32x64xf32> to vector<32x32xf32>
    %slice3A_1380 = vector.extract_strided_slice %select_n3A_1378 {offsets = [0, 0], sizes = [32, 32], strides = [1, 1]} : vector<32x64xi32> to vector<32x32xi32>
    %slice3A_1381 = vector.extract_strided_slice %select_n3A_1377 {offsets = [0, 32], sizes = [32, 32], strides = [1, 1]} : vector<32x64xf32> to vector<32x32xf32>
    %slice3A_1382 = vector.extract_strided_slice %select_n3A_1378 {offsets = [0, 32], sizes = [32, 32], strides = [1, 1]} : vector<32x64xi32> to vector<32x32xi32>
    %lt3A_1383 = arith.cmpf olt, %slice3A_1381, %slice3A_1379 : vector<32x32xf32>
    %eq3A_1384 = arith.cmpf oeq, %slice3A_1381, %slice3A_1379 : vector<32x32xf32>
    %lt3A_1385 = arith.cmpi slt, %slice3A_1382, %slice3A_1380 : vector<32x32xi32>
    %and3A_1386 = arith.andi %eq3A_1384, %lt3A_1385 : vector<32x32xi1>
    %or3A_1387 = arith.ori %lt3A_1383, %and3A_1386 : vector<32x32xi1>
    %select_n3A_1388 = arith.select %or3A_1387, %slice3A_1381, %slice3A_1379 : vector<32x32xi1>, vector<32x32xf32>
    %select_n3A_1389 = arith.select %or3A_1387, %slice3A_1382, %slice3A_1380 : vector<32x32xi1>, vector<32x32xi32>
    %slice3A_1390 = vector.extract_strided_slice %select_n3A_1388 {offsets = [0, 0], sizes = [32, 16], strides = [1, 1]} : vector<32x32xf32> to vector<32x16xf32>
    %slice3A_1391 = vector.extract_strided_slice %select_n3A_1389 {offsets = [0, 0], sizes = [32, 16], strides = [1, 1]} : vector<32x32xi32> to vector<32x16xi32>
    %slice3A_1392 = vector.extract_strided_slice %select_n3A_1388 {offsets = [0, 16], sizes = [32, 16], strides = [1, 1]} : vector<32x32xf32> to vector<32x16xf32>
    %slice3A_1393 = vector.extract_strided_slice %select_n3A_1389 {offsets = [0, 16], sizes = [32, 16], strides = [1, 1]} : vector<32x32xi32> to vector<32x16xi32>
    %lt3A_1394 = arith.cmpf olt, %slice3A_1392, %slice3A_1390 : vector<32x16xf32>
    %eq3A_1395 = arith.cmpf oeq, %slice3A_1392, %slice3A_1390 : vector<32x16xf32>
    %lt3A_1396 = arith.cmpi slt, %slice3A_1393, %slice3A_1391 : vector<32x16xi32>
    %and3A_1397 = arith.andi %eq3A_1395, %lt3A_1396 : vector<32x16xi1>
    %or3A_1398 = arith.ori %lt3A_1394, %and3A_1397 : vector<32x16xi1>
    %select_n3A_1399 = arith.select %or3A_1398, %slice3A_1392, %slice3A_1390 : vector<32x16xi1>, vector<32x16xf32>
    %select_n3A_1400 = arith.select %or3A_1398, %slice3A_1393, %slice3A_1391 : vector<32x16xi1>, vector<32x16xi32>
    %slice3A_1401 = vector.extract_strided_slice %select_n3A_1399 {offsets = [0, 0], sizes = [32, 8], strides = [1, 1]} : vector<32x16xf32> to vector<32x8xf32>
    %slice3A_1402 = vector.extract_strided_slice %select_n3A_1400 {offsets = [0, 0], sizes = [32, 8], strides = [1, 1]} : vector<32x16xi32> to vector<32x8xi32>
    %slice3A_1403 = vector.extract_strided_slice %select_n3A_1399 {offsets = [0, 8], sizes = [32, 8], strides = [1, 1]} : vector<32x16xf32> to vector<32x8xf32>
    %slice3A_1404 = vector.extract_strided_slice %select_n3A_1400 {offsets = [0, 8], sizes = [32, 8], strides = [1, 1]} : vector<32x16xi32> to vector<32x8xi32>
    %lt3A_1405 = arith.cmpf olt, %slice3A_1403, %slice3A_1401 : vector<32x8xf32>
    %eq3A_1406 = arith.cmpf oeq, %slice3A_1403, %slice3A_1401 : vector<32x8xf32>
    %lt3A_1407 = arith.cmpi slt, %slice3A_1404, %slice3A_1402 : vector<32x8xi32>
    %and3A_1408 = arith.andi %eq3A_1406, %lt3A_1407 : vector<32x8xi1>
    %or3A_1409 = arith.ori %lt3A_1405, %and3A_1408 : vector<32x8xi1>
    %select_n3A_1410 = arith.select %or3A_1409, %slice3A_1403, %slice3A_1401 : vector<32x8xi1>, vector<32x8xf32>
    %select_n3A_1411 = arith.select %or3A_1409, %slice3A_1404, %slice3A_1402 : vector<32x8xi1>, vector<32x8xi32>
    %slice3A_1412 = vector.extract_strided_slice %select_n3A_1410 {offsets = [0, 0], sizes = [32, 4], strides = [1, 1]} : vector<32x8xf32> to vector<32x4xf32>
    %slice3A_1413 = vector.extract_strided_slice %select_n3A_1411 {offsets = [0, 0], sizes = [32, 4], strides = [1, 1]} : vector<32x8xi32> to vector<32x4xi32>
    %slice3A_1414 = vector.extract_strided_slice %select_n3A_1410 {offsets = [0, 4], sizes = [32, 4], strides = [1, 1]} : vector<32x8xf32> to vector<32x4xf32>
    %slice3A_1415 = vector.extract_strided_slice %select_n3A_1411 {offsets = [0, 4], sizes = [32, 4], strides = [1, 1]} : vector<32x8xi32> to vector<32x4xi32>
    %lt3A_1416 = arith.cmpf olt, %slice3A_1414, %slice3A_1412 : vector<32x4xf32>
    %eq3A_1417 = arith.cmpf oeq, %slice3A_1414, %slice3A_1412 : vector<32x4xf32>
    %lt3A_1418 = arith.cmpi slt, %slice3A_1415, %slice3A_1413 : vector<32x4xi32>
    %and3A_1419 = arith.andi %eq3A_1417, %lt3A_1418 : vector<32x4xi1>
    %or3A_1420 = arith.ori %lt3A_1416, %and3A_1419 : vector<32x4xi1>
    %select_n3A_1421 = arith.select %or3A_1420, %slice3A_1414, %slice3A_1412 : vector<32x4xi1>, vector<32x4xf32>
    %select_n3A_1422 = arith.select %or3A_1420, %slice3A_1415, %slice3A_1413 : vector<32x4xi1>, vector<32x4xi32>
    %slice3A_1423 = vector.extract_strided_slice %select_n3A_1421 {offsets = [0, 0], sizes = [32, 2], strides = [1, 1]} : vector<32x4xf32> to vector<32x2xf32>
    %slice3A_1424 = vector.extract_strided_slice %select_n3A_1422 {offsets = [0, 0], sizes = [32, 2], strides = [1, 1]} : vector<32x4xi32> to vector<32x2xi32>
    %slice3A_1425 = vector.extract_strided_slice %select_n3A_1421 {offsets = [0, 2], sizes = [32, 2], strides = [1, 1]} : vector<32x4xf32> to vector<32x2xf32>
    %slice3A_1426 = vector.extract_strided_slice %select_n3A_1422 {offsets = [0, 2], sizes = [32, 2], strides = [1, 1]} : vector<32x4xi32> to vector<32x2xi32>
    %lt3A_1427 = arith.cmpf olt, %slice3A_1425, %slice3A_1423 : vector<32x2xf32>
    %eq3A_1428 = arith.cmpf oeq, %slice3A_1425, %slice3A_1423 : vector<32x2xf32>
    %lt3A_1429 = arith.cmpi slt, %slice3A_1426, %slice3A_1424 : vector<32x2xi32>
    %and3A_1430 = arith.andi %eq3A_1428, %lt3A_1429 : vector<32x2xi1>
    %or3A_1431 = arith.ori %lt3A_1427, %and3A_1430 : vector<32x2xi1>
    %select_n3A_1432 = arith.select %or3A_1431, %slice3A_1425, %slice3A_1423 : vector<32x2xi1>, vector<32x2xf32>
    %select_n3A_1433 = arith.select %or3A_1431, %slice3A_1426, %slice3A_1424 : vector<32x2xi1>, vector<32x2xi32>
    %slice3A_1434 = vector.extract_strided_slice %select_n3A_1432 {offsets = [0, 0], sizes = [32, 1], strides = [1, 1]} : vector<32x2xf32> to vector<32x1xf32>
    %slice3A_1435 = vector.extract_strided_slice %select_n3A_1433 {offsets = [0, 0], sizes = [32, 1], strides = [1, 1]} : vector<32x2xi32> to vector<32x1xi32>
    %slice3A_1436 = vector.extract_strided_slice %select_n3A_1432 {offsets = [0, 1], sizes = [32, 1], strides = [1, 1]} : vector<32x2xf32> to vector<32x1xf32>
    %slice3A_1437 = vector.extract_strided_slice %select_n3A_1433 {offsets = [0, 1], sizes = [32, 1], strides = [1, 1]} : vector<32x2xi32> to vector<32x1xi32>
    %lt3A_1438 = arith.cmpf olt, %slice3A_1436, %slice3A_1434 : vector<32x1xf32>
    %eq3A_1439 = arith.cmpf oeq, %slice3A_1436, %slice3A_1434 : vector<32x1xf32>
    %lt3A_1440 = arith.cmpi slt, %slice3A_1437, %slice3A_1435 : vector<32x1xi32>
    %and3A_1441 = arith.andi %eq3A_1439, %lt3A_1440 : vector<32x1xi1>
    %or3A_1442 = arith.ori %lt3A_1438, %and3A_1441 : vector<32x1xi1>
    %select_n3A_1443 = arith.select %or3A_1442, %slice3A_1436, %slice3A_1434 : vector<32x1xi1>, vector<32x1xf32>
    %select_n3A_1444 = arith.select %or3A_1442, %slice3A_1437, %slice3A_1435 : vector<32x1xi1>, vector<32x1xi32>
    %swap3A_1445 = arith.constant 0 : index
    %swap3A_1446 = arith.constant 13 : index
    %swap3A_1447 = vector.load %arg5[%swap3A_1445, %swap3A_1446] : memref<32x16xi32, #tpu.memory_space<vmem>>, vector<32x1xi32>
    tpu.vector_store %arg5[%swap3A_1445, %swap3A_1446], %select_n3A_1444 {strides = array<i32>} : memref<32x16xi32, #tpu.memory_space<vmem>>, vector<32x1xi32>,
    %broadcast_in_dim3A_1448 = vector.shape_cast %select_n3A_1443 : vector<32x1xf32> to vector<32x1xf32>
    %broadcast_in_dim3A_1449 = vector.broadcast %broadcast_in_dim3A_1448 : vector<32x1xf32> to vector<32x128xf32>
    %broadcast_in_dim3A_1450 = vector.shape_cast %select_n3A_1444 : vector<32x1xi32> to vector<32x1xi32>
    %broadcast_in_dim3A_1451 = vector.broadcast %broadcast_in_dim3A_1450 : vector<32x1xi32> to vector<32x128xi32>
    %broadcast_in_dim3A_1452 = arith.constant 0x7F800000 : f32
    %broadcast_in_dim3A_1453 = vector.broadcast %broadcast_in_dim3A_1452 : f32 to vector<32x128xf32>
    %broadcast_in_dim3A_1454 = arith.constant 0 : i32
    %broadcast_in_dim3A_1455 = vector.broadcast %broadcast_in_dim3A_1454 : i32 to vector<32x128xi32>
    %scan3A_1456 = arith.constant 0x7F800000 : f32
    %scan3A_1457 = arith.constant 0 : i32
    %scan3A_1458 = arith.constant 16 : i32
    %scan3A_1459 = arith.addi %scan3A_1457, %scan3A_1458 : i32
    %scan3A_1460 = arith.constant 1 : i32
    %scan3A_1461:4 = scf.for %scan3A_1651 = %scan3A_1457 to %scan3A_1459 step %scan3A_1460 iter_args(%scan3A_1652 = %broadcast_in_dim3A_1453, %scan3A_1653 = %broadcast_in_dim3A_1455, %scan3A_1654 = %broadcast_in_dim3A_1453, %scan3A_1655 = %broadcast_in_dim3A_1455) -> (vector<32x128xf32>, vector<32x128xi32>, vector<32x128xf32>, vector<32x128xi32>)  : i32 {
      %mul3A = arith.constant 8 : i32
      %mul3A_1656 = arith.muli %scan3A_1651, %mul3A : i32
      %add3A = arith.constant 0 : i32
      %add3A_1657 = arith.addi %mul3A_1656, %add3A : i32
      %mul3A_1658 = arith.constant 128 : i32
      %mul3A_1659 = arith.muli %add3A_1657, %mul3A_1658 : i32
      %get3A_1660 = arith.constant 0 : index
      %get3A_1661 = arith.index_cast %mul3A_1659 : i32 to index
      %get3A_1662 = vector.load %arg6[%get3A_1660, %get3A_1661] : memref<32x16384xf32, #tpu.memory_space<vmem>>, vector<32x128xf32>
      %add3A_1663 = vector.broadcast %mul3A_1659 : i32 to vector<32x128xi32>
      %add3A_1664 = arith.addi %iota3A, %add3A_1663 : vector<32x128xi32>
      %gt3A = arith.cmpf ogt, %get3A_1662, %broadcast_in_dim3A_1449 : vector<32x128xf32>
      %eq3A_1665 = arith.cmpf oeq, %get3A_1662, %broadcast_in_dim3A_1449 : vector<32x128xf32>
      %gt3A_1666 = arith.cmpi sgt, %add3A_1664, %broadcast_in_dim3A_1451 : vector<32x128xi32>
      %and3A_1667 = arith.andi %eq3A_1665, %gt3A_1666 : vector<32x128xi1>
      %or3A_1668 = arith.ori %gt3A, %and3A_1667 : vector<32x128xi1>
      %broadcast_in_dim3A_1669 = vector.broadcast %scan3A_1456 : f32 to vector<32x128xf32>
      %select_n3A_1670 = arith.select %or3A_1668, %get3A_1662, %broadcast_in_dim3A_1669 : vector<32x128xi1>, vector<32x128xf32>
      %lt3A_1671 = arith.cmpf olt, %select_n3A_1670, %scan3A_1652 : vector<32x128xf32>
      %select_n3A_1672 = arith.select %lt3A_1671, %add3A_1664, %scan3A_1653 : vector<32x128xi1>, vector<32x128xi32>
      %min3A = arith.minimumf %scan3A_1652, %select_n3A_1670 : vector<32x128xf32>
      %mul3A_1673 = arith.constant 8 : i32
      %mul3A_1674 = arith.muli %scan3A_1651, %mul3A_1673 : i32
      %add3A_1675 = arith.constant 1 : i32
      %add3A_1676 = arith.addi %mul3A_1674, %add3A_1675 : i32
      %mul3A_1677 = arith.constant 128 : i32
      %mul3A_1678 = arith.muli %add3A_1676, %mul3A_1677 : i32
      %get3A_1679 = arith.constant 0 : index
      %get3A_1680 = arith.index_cast %mul3A_1678 : i32 to index
      %get3A_1681 = vector.load %arg6[%get3A_1679, %get3A_1680] : memref<32x16384xf32, #tpu.memory_space<vmem>>, vector<32x128xf32>
      %add3A_1682 = vector.broadcast %mul3A_1678 : i32 to vector<32x128xi32>
      %add3A_1683 = arith.addi %iota3A, %add3A_1682 : vector<32x128xi32>
      %gt3A_1684 = arith.cmpf ogt, %get3A_1681, %broadcast_in_dim3A_1449 : vector<32x128xf32>
      %eq3A_1685 = arith.cmpf oeq, %get3A_1681, %broadcast_in_dim3A_1449 : vector<32x128xf32>
      %gt3A_1686 = arith.cmpi sgt, %add3A_1683, %broadcast_in_dim3A_1451 : vector<32x128xi32>
      %and3A_1687 = arith.andi %eq3A_1685, %gt3A_1686 : vector<32x128xi1>
      %or3A_1688 = arith.ori %gt3A_1684, %and3A_1687 : vector<32x128xi1>
      %broadcast_in_dim3A_1689 = vector.broadcast %scan3A_1456 : f32 to vector<32x128xf32>
      %select_n3A_1690 = arith.select %or3A_1688, %get3A_1681, %broadcast_in_dim3A_1689 : vector<32x128xi1>, vector<32x128xf32>
      %lt3A_1691 = arith.cmpf olt, %select_n3A_1690, %scan3A_1654 : vector<32x128xf32>
      %select_n3A_1692 = arith.select %lt3A_1691, %add3A_1683, %scan3A_1655 : vector<32x128xi1>, vector<32x128xi32>
      %min3A_1693 = arith.minimumf %scan3A_1654, %select_n3A_1690 : vector<32x128xf32>
      %mul3A_1694 = arith.constant 8 : i32
      %mul3A_1695 = arith.muli %scan3A_1651, %mul3A_1694 : i32
      %add3A_1696 = arith.constant 2 : i32
      %add3A_1697 = arith.addi %mul3A_1695, %add3A_1696 : i32
      %mul3A_1698 = arith.constant 128 : i32
      %mul3A_1699 = arith.muli %add3A_1697, %mul3A_1698 : i32
      %get3A_1700 = arith.constant 0 : index
      %get3A_1701 = arith.index_cast %mul3A_1699 : i32 to index
      %get3A_1702 = vector.load %arg6[%get3A_1700, %get3A_1701] : memref<32x16384xf32, #tpu.memory_space<vmem>>, vector<32x128xf32>
      %add3A_1703 = vector.broadcast %mul3A_1699 : i32 to vector<32x128xi32>
      %add3A_1704 = arith.addi %iota3A, %add3A_1703 : vector<32x128xi32>
      %gt3A_1705 = arith.cmpf ogt, %get3A_1702, %broadcast_in_dim3A_1449 : vector<32x128xf32>
      %eq3A_1706 = arith.cmpf oeq, %get3A_1702, %broadcast_in_dim3A_1449 : vector<32x128xf32>
      %gt3A_1707 = arith.cmpi sgt, %add3A_1704, %broadcast_in_dim3A_1451 : vector<32x128xi32>
      %and3A_1708 = arith.andi %eq3A_1706, %gt3A_1707 : vector<32x128xi1>
      %or3A_1709 = arith.ori %gt3A_1705, %and3A_1708 : vector<32x128xi1>
      %broadcast_in_dim3A_1710 = vector.broadcast %scan3A_1456 : f32 to vector<32x128xf32>
      %select_n3A_1711 = arith.select %or3A_1709, %get3A_1702, %broadcast_in_dim3A_1710 : vector<32x128xi1>, vector<32x128xf32>
      %lt3A_1712 = arith.cmpf olt, %select_n3A_1711, %min3A : vector<32x128xf32>
      %select_n3A_1713 = arith.select %lt3A_1712, %add3A_1704, %select_n3A_1672 : vector<32x128xi1>, vector<32x128xi32>
      %min3A_1714 = arith.minimumf %min3A, %select_n3A_1711 : vector<32x128xf32>
      %mul3A_1715 = arith.constant 8 : i32
      %mul3A_1716 = arith.muli %scan3A_1651, %mul3A_1715 : i32
      %add3A_1717 = arith.constant 3 : i32
      %add3A_1718 = arith.addi %mul3A_1716, %add3A_1717 : i32
      %mul3A_1719 = arith.constant 128 : i32
      %mul3A_1720 = arith.muli %add3A_1718, %mul3A_1719 : i32
      %get3A_1721 = arith.constant 0 : index
      %get3A_1722 = arith.index_cast %mul3A_1720 : i32 to index
      %get3A_1723 = vector.load %arg6[%get3A_1721, %get3A_1722] : memref<32x16384xf32, #tpu.memory_space<vmem>>, vector<32x128xf32>
      %add3A_1724 = vector.broadcast %mul3A_1720 : i32 to vector<32x128xi32>
      %add3A_1725 = arith.addi %iota3A, %add3A_1724 : vector<32x128xi32>
      %gt3A_1726 = arith.cmpf ogt, %get3A_1723, %broadcast_in_dim3A_1449 : vector<32x128xf32>
      %eq3A_1727 = arith.cmpf oeq, %get3A_1723, %broadcast_in_dim3A_1449 : vector<32x128xf32>
      %gt3A_1728 = arith.cmpi sgt, %add3A_1725, %broadcast_in_dim3A_1451 : vector<32x128xi32>
      %and3A_1729 = arith.andi %eq3A_1727, %gt3A_1728 : vector<32x128xi1>
      %or3A_1730 = arith.ori %gt3A_1726, %and3A_1729 : vector<32x128xi1>
      %broadcast_in_dim3A_1731 = vector.broadcast %scan3A_1456 : f32 to vector<32x128xf32>
      %select_n3A_1732 = arith.select %or3A_1730, %get3A_1723, %broadcast_in_dim3A_1731 : vector<32x128xi1>, vector<32x128xf32>
      %lt3A_1733 = arith.cmpf olt, %select_n3A_1732, %min3A_1693 : vector<32x128xf32>
      %select_n3A_1734 = arith.select %lt3A_1733, %add3A_1725, %select_n3A_1692 : vector<32x128xi1>, vector<32x128xi32>
      %min3A_1735 = arith.minimumf %min3A_1693, %select_n3A_1732 : vector<32x128xf32>
      %mul3A_1736 = arith.constant 8 : i32
      %mul3A_1737 = arith.muli %scan3A_1651, %mul3A_1736 : i32
      %add3A_1738 = arith.constant 4 : i32
      %add3A_1739 = arith.addi %mul3A_1737, %add3A_1738 : i32
      %mul3A_1740 = arith.constant 128 : i32
      %mul3A_1741 = arith.muli %add3A_1739, %mul3A_1740 : i32
      %get3A_1742 = arith.constant 0 : index
      %get3A_1743 = arith.index_cast %mul3A_1741 : i32 to index
      %get3A_1744 = vector.load %arg6[%get3A_1742, %get3A_1743] : memref<32x16384xf32, #tpu.memory_space<vmem>>, vector<32x128xf32>
      %add3A_1745 = vector.broadcast %mul3A_1741 : i32 to vector<32x128xi32>
      %add3A_1746 = arith.addi %iota3A, %add3A_1745 : vector<32x128xi32>
      %gt3A_1747 = arith.cmpf ogt, %get3A_1744, %broadcast_in_dim3A_1449 : vector<32x128xf32>
      %eq3A_1748 = arith.cmpf oeq, %get3A_1744, %broadcast_in_dim3A_1449 : vector<32x128xf32>
      %gt3A_1749 = arith.cmpi sgt, %add3A_1746, %broadcast_in_dim3A_1451 : vector<32x128xi32>
      %and3A_1750 = arith.andi %eq3A_1748, %gt3A_1749 : vector<32x128xi1>
      %or3A_1751 = arith.ori %gt3A_1747, %and3A_1750 : vector<32x128xi1>
      %broadcast_in_dim3A_1752 = vector.broadcast %scan3A_1456 : f32 to vector<32x128xf32>
      %select_n3A_1753 = arith.select %or3A_1751, %get3A_1744, %broadcast_in_dim3A_1752 : vector<32x128xi1>, vector<32x128xf32>
      %lt3A_1754 = arith.cmpf olt, %select_n3A_1753, %min3A_1714 : vector<32x128xf32>
      %select_n3A_1755 = arith.select %lt3A_1754, %add3A_1746, %select_n3A_1713 : vector<32x128xi1>, vector<32x128xi32>
      %min3A_1756 = arith.minimumf %min3A_1714, %select_n3A_1753 : vector<32x128xf32>
      %mul3A_1757 = arith.constant 8 : i32
      %mul3A_1758 = arith.muli %scan3A_1651, %mul3A_1757 : i32
      %add3A_1759 = arith.constant 5 : i32
      %add3A_1760 = arith.addi %mul3A_1758, %add3A_1759 : i32
      %mul3A_1761 = arith.constant 128 : i32
      %mul3A_1762 = arith.muli %add3A_1760, %mul3A_1761 : i32
      %get3A_1763 = arith.constant 0 : index
      %get3A_1764 = arith.index_cast %mul3A_1762 : i32 to index
      %get3A_1765 = vector.load %arg6[%get3A_1763, %get3A_1764] : memref<32x16384xf32, #tpu.memory_space<vmem>>, vector<32x128xf32>
      %add3A_1766 = vector.broadcast %mul3A_1762 : i32 to vector<32x128xi32>
      %add3A_1767 = arith.addi %iota3A, %add3A_1766 : vector<32x128xi32>
      %gt3A_1768 = arith.cmpf ogt, %get3A_1765, %broadcast_in_dim3A_1449 : vector<32x128xf32>
      %eq3A_1769 = arith.cmpf oeq, %get3A_1765, %broadcast_in_dim3A_1449 : vector<32x128xf32>
      %gt3A_1770 = arith.cmpi sgt, %add3A_1767, %broadcast_in_dim3A_1451 : vector<32x128xi32>
      %and3A_1771 = arith.andi %eq3A_1769, %gt3A_1770 : vector<32x128xi1>
      %or3A_1772 = arith.ori %gt3A_1768, %and3A_1771 : vector<32x128xi1>
      %broadcast_in_dim3A_1773 = vector.broadcast %scan3A_1456 : f32 to vector<32x128xf32>
      %select_n3A_1774 = arith.select %or3A_1772, %get3A_1765, %broadcast_in_dim3A_1773 : vector<32x128xi1>, vector<32x128xf32>
      %lt3A_1775 = arith.cmpf olt, %select_n3A_1774, %min3A_1735 : vector<32x128xf32>
      %select_n3A_1776 = arith.select %lt3A_1775, %add3A_1767, %select_n3A_1734 : vector<32x128xi1>, vector<32x128xi32>
      %min3A_1777 = arith.minimumf %min3A_1735, %select_n3A_1774 : vector<32x128xf32>
      %mul3A_1778 = arith.constant 8 : i32
      %mul3A_1779 = arith.muli %scan3A_1651, %mul3A_1778 : i32
      %add3A_1780 = arith.constant 6 : i32
      %add3A_1781 = arith.addi %mul3A_1779, %add3A_1780 : i32
      %mul3A_1782 = arith.constant 128 : i32
      %mul3A_1783 = arith.muli %add3A_1781, %mul3A_1782 : i32
      %get3A_1784 = arith.constant 0 : index
      %get3A_1785 = arith.index_cast %mul3A_1783 : i32 to index
      %get3A_1786 = vector.load %arg6[%get3A_1784, %get3A_1785] : memref<32x16384xf32, #tpu.memory_space<vmem>>, vector<32x128xf32>
      %add3A_1787 = vector.broadcast %mul3A_1783 : i32 to vector<32x128xi32>
      %add3A_1788 = arith.addi %iota3A, %add3A_1787 : vector<32x128xi32>
      %gt3A_1789 = arith.cmpf ogt, %get3A_1786, %broadcast_in_dim3A_1449 : vector<32x128xf32>
      %eq3A_1790 = arith.cmpf oeq, %get3A_1786, %broadcast_in_dim3A_1449 : vector<32x128xf32>
      %gt3A_1791 = arith.cmpi sgt, %add3A_1788, %broadcast_in_dim3A_1451 : vector<32x128xi32>
      %and3A_1792 = arith.andi %eq3A_1790, %gt3A_1791 : vector<32x128xi1>
      %or3A_1793 = arith.ori %gt3A_1789, %and3A_1792 : vector<32x128xi1>
      %broadcast_in_dim3A_1794 = vector.broadcast %scan3A_1456 : f32 to vector<32x128xf32>
      %select_n3A_1795 = arith.select %or3A_1793, %get3A_1786, %broadcast_in_dim3A_1794 : vector<32x128xi1>, vector<32x128xf32>
      %lt3A_1796 = arith.cmpf olt, %select_n3A_1795, %min3A_1756 : vector<32x128xf32>
      %select_n3A_1797 = arith.select %lt3A_1796, %add3A_1788, %select_n3A_1755 : vector<32x128xi1>, vector<32x128xi32>
      %min3A_1798 = arith.minimumf %min3A_1756, %select_n3A_1795 : vector<32x128xf32>
      %mul3A_1799 = arith.constant 8 : i32
      %mul3A_1800 = arith.muli %scan3A_1651, %mul3A_1799 : i32
      %add3A_1801 = arith.constant 7 : i32
      %add3A_1802 = arith.addi %mul3A_1800, %add3A_1801 : i32
      %mul3A_1803 = arith.constant 128 : i32
      %mul3A_1804 = arith.muli %add3A_1802, %mul3A_1803 : i32
      %get3A_1805 = arith.constant 0 : index
      %get3A_1806 = arith.index_cast %mul3A_1804 : i32 to index
      %get3A_1807 = vector.load %arg6[%get3A_1805, %get3A_1806] : memref<32x16384xf32, #tpu.memory_space<vmem>>, vector<32x128xf32>
      %add3A_1808 = vector.broadcast %mul3A_1804 : i32 to vector<32x128xi32>
      %add3A_1809 = arith.addi %iota3A, %add3A_1808 : vector<32x128xi32>
      %gt3A_1810 = arith.cmpf ogt, %get3A_1807, %broadcast_in_dim3A_1449 : vector<32x128xf32>
      %eq3A_1811 = arith.cmpf oeq, %get3A_1807, %broadcast_in_dim3A_1449 : vector<32x128xf32>
      %gt3A_1812 = arith.cmpi sgt, %add3A_1809, %broadcast_in_dim3A_1451 : vector<32x128xi32>
      %and3A_1813 = arith.andi %eq3A_1811, %gt3A_1812 : vector<32x128xi1>
      %or3A_1814 = arith.ori %gt3A_1810, %and3A_1813 : vector<32x128xi1>
      %broadcast_in_dim3A_1815 = vector.broadcast %scan3A_1456 : f32 to vector<32x128xf32>
      %select_n3A_1816 = arith.select %or3A_1814, %get3A_1807, %broadcast_in_dim3A_1815 : vector<32x128xi1>, vector<32x128xf32>
      %lt3A_1817 = arith.cmpf olt, %select_n3A_1816, %min3A_1777 : vector<32x128xf32>
      %select_n3A_1818 = arith.select %lt3A_1817, %add3A_1809, %select_n3A_1776 : vector<32x128xi1>, vector<32x128xi32>
      %min3A_1819 = arith.minimumf %min3A_1777, %select_n3A_1816 : vector<32x128xf32>
      scf.yield %min3A_1798, %select_n3A_1797, %min3A_1819, %select_n3A_1818 : vector<32x128xf32>, vector<32x128xi32>, vector<32x128xf32>, vector<32x128xi32>
    }
    %scan3A_1462 = arith.constant 16 : i32
    %lt3A_1463 = arith.cmpf olt, %scan3A_1461#2, %scan3A_1461#0 : vector<32x128xf32>
    %eq3A_1464 = arith.cmpf oeq, %scan3A_1461#2, %scan3A_1461#0 : vector<32x128xf32>
    %lt3A_1465 = arith.cmpi slt, %scan3A_1461#3, %scan3A_1461#1 : vector<32x128xi32>
    %and3A_1466 = arith.andi %eq3A_1464, %lt3A_1465 : vector<32x128xi1>
    %or3A_1467 = arith.ori %lt3A_1463, %and3A_1466 : vector<32x128xi1>
    %select_n3A_1468 = arith.select %or3A_1467, %scan3A_1461#2, %scan3A_1461#0 : vector<32x128xi1>, vector<32x128xf32>
    %select_n3A_1469 = arith.select %or3A_1467, %scan3A_1461#3, %scan3A_1461#1 : vector<32x128xi1>, vector<32x128xi32>
    %slice3A_1470 = vector.extract_strided_slice %select_n3A_1468 {offsets = [0, 0], sizes = [32, 64], strides = [1, 1]} : vector<32x128xf32> to vector<32x64xf32>
    %slice3A_1471 = vector.extract_strided_slice %select_n3A_1469 {offsets = [0, 0], sizes = [32, 64], strides = [1, 1]} : vector<32x128xi32> to vector<32x64xi32>
    %slice3A_1472 = vector.extract_strided_slice %select_n3A_1468 {offsets = [0, 64], sizes = [32, 64], strides = [1, 1]} : vector<32x128xf32> to vector<32x64xf32>
    %slice3A_1473 = vector.extract_strided_slice %select_n3A_1469 {offsets = [0, 64], sizes = [32, 64], strides = [1, 1]} : vector<32x128xi32> to vector<32x64xi32>
    %lt3A_1474 = arith.cmpf olt, %slice3A_1472, %slice3A_1470 : vector<32x64xf32>
    %eq3A_1475 = arith.cmpf oeq, %slice3A_1472, %slice3A_1470 : vector<32x64xf32>
    %lt3A_1476 = arith.cmpi slt, %slice3A_1473, %slice3A_1471 : vector<32x64xi32>
    %and3A_1477 = arith.andi %eq3A_1475, %lt3A_1476 : vector<32x64xi1>
    %or3A_1478 = arith.ori %lt3A_1474, %and3A_1477 : vector<32x64xi1>
    %select_n3A_1479 = arith.select %or3A_1478, %slice3A_1472, %slice3A_1470 : vector<32x64xi1>, vector<32x64xf32>
    %select_n3A_1480 = arith.select %or3A_1478, %slice3A_1473, %slice3A_1471 : vector<32x64xi1>, vector<32x64xi32>
    %slice3A_1481 = vector.extract_strided_slice %select_n3A_1479 {offsets = [0, 0], sizes = [32, 32], strides = [1, 1]} : vector<32x64xf32> to vector<32x32xf32>
    %slice3A_1482 = vector.extract_strided_slice %select_n3A_1480 {offsets = [0, 0], sizes = [32, 32], strides = [1, 1]} : vector<32x64xi32> to vector<32x32xi32>
    %slice3A_1483 = vector.extract_strided_slice %select_n3A_1479 {offsets = [0, 32], sizes = [32, 32], strides = [1, 1]} : vector<32x64xf32> to vector<32x32xf32>
    %slice3A_1484 = vector.extract_strided_slice %select_n3A_1480 {offsets = [0, 32], sizes = [32, 32], strides = [1, 1]} : vector<32x64xi32> to vector<32x32xi32>
    %lt3A_1485 = arith.cmpf olt, %slice3A_1483, %slice3A_1481 : vector<32x32xf32>
    %eq3A_1486 = arith.cmpf oeq, %slice3A_1483, %slice3A_1481 : vector<32x32xf32>
    %lt3A_1487 = arith.cmpi slt, %slice3A_1484, %slice3A_1482 : vector<32x32xi32>
    %and3A_1488 = arith.andi %eq3A_1486, %lt3A_1487 : vector<32x32xi1>
    %or3A_1489 = arith.ori %lt3A_1485, %and3A_1488 : vector<32x32xi1>
    %select_n3A_1490 = arith.select %or3A_1489, %slice3A_1483, %slice3A_1481 : vector<32x32xi1>, vector<32x32xf32>
    %select_n3A_1491 = arith.select %or3A_1489, %slice3A_1484, %slice3A_1482 : vector<32x32xi1>, vector<32x32xi32>
    %slice3A_1492 = vector.extract_strided_slice %select_n3A_1490 {offsets = [0, 0], sizes = [32, 16], strides = [1, 1]} : vector<32x32xf32> to vector<32x16xf32>
    %slice3A_1493 = vector.extract_strided_slice %select_n3A_1491 {offsets = [0, 0], sizes = [32, 16], strides = [1, 1]} : vector<32x32xi32> to vector<32x16xi32>
    %slice3A_1494 = vector.extract_strided_slice %select_n3A_1490 {offsets = [0, 16], sizes = [32, 16], strides = [1, 1]} : vector<32x32xf32> to vector<32x16xf32>
    %slice3A_1495 = vector.extract_strided_slice %select_n3A_1491 {offsets = [0, 16], sizes = [32, 16], strides = [1, 1]} : vector<32x32xi32> to vector<32x16xi32>
    %lt3A_1496 = arith.cmpf olt, %slice3A_1494, %slice3A_1492 : vector<32x16xf32>
    %eq3A_1497 = arith.cmpf oeq, %slice3A_1494, %slice3A_1492 : vector<32x16xf32>
    %lt3A_1498 = arith.cmpi slt, %slice3A_1495, %slice3A_1493 : vector<32x16xi32>
    %and3A_1499 = arith.andi %eq3A_1497, %lt3A_1498 : vector<32x16xi1>
    %or3A_1500 = arith.ori %lt3A_1496, %and3A_1499 : vector<32x16xi1>
    %select_n3A_1501 = arith.select %or3A_1500, %slice3A_1494, %slice3A_1492 : vector<32x16xi1>, vector<32x16xf32>
    %select_n3A_1502 = arith.select %or3A_1500, %slice3A_1495, %slice3A_1493 : vector<32x16xi1>, vector<32x16xi32>
    %slice3A_1503 = vector.extract_strided_slice %select_n3A_1501 {offsets = [0, 0], sizes = [32, 8], strides = [1, 1]} : vector<32x16xf32> to vector<32x8xf32>
    %slice3A_1504 = vector.extract_strided_slice %select_n3A_1502 {offsets = [0, 0], sizes = [32, 8], strides = [1, 1]} : vector<32x16xi32> to vector<32x8xi32>
    %slice3A_1505 = vector.extract_strided_slice %select_n3A_1501 {offsets = [0, 8], sizes = [32, 8], strides = [1, 1]} : vector<32x16xf32> to vector<32x8xf32>
    %slice3A_1506 = vector.extract_strided_slice %select_n3A_1502 {offsets = [0, 8], sizes = [32, 8], strides = [1, 1]} : vector<32x16xi32> to vector<32x8xi32>
    %lt3A_1507 = arith.cmpf olt, %slice3A_1505, %slice3A_1503 : vector<32x8xf32>
    %eq3A_1508 = arith.cmpf oeq, %slice3A_1505, %slice3A_1503 : vector<32x8xf32>
    %lt3A_1509 = arith.cmpi slt, %slice3A_1506, %slice3A_1504 : vector<32x8xi32>
    %and3A_1510 = arith.andi %eq3A_1508, %lt3A_1509 : vector<32x8xi1>
    %or3A_1511 = arith.ori %lt3A_1507, %and3A_1510 : vector<32x8xi1>
    %select_n3A_1512 = arith.select %or3A_1511, %slice3A_1505, %slice3A_1503 : vector<32x8xi1>, vector<32x8xf32>
    %select_n3A_1513 = arith.select %or3A_1511, %slice3A_1506, %slice3A_1504 : vector<32x8xi1>, vector<32x8xi32>
    %slice3A_1514 = vector.extract_strided_slice %select_n3A_1512 {offsets = [0, 0], sizes = [32, 4], strides = [1, 1]} : vector<32x8xf32> to vector<32x4xf32>
    %slice3A_1515 = vector.extract_strided_slice %select_n3A_1513 {offsets = [0, 0], sizes = [32, 4], strides = [1, 1]} : vector<32x8xi32> to vector<32x4xi32>
    %slice3A_1516 = vector.extract_strided_slice %select_n3A_1512 {offsets = [0, 4], sizes = [32, 4], strides = [1, 1]} : vector<32x8xf32> to vector<32x4xf32>
    %slice3A_1517 = vector.extract_strided_slice %select_n3A_1513 {offsets = [0, 4], sizes = [32, 4], strides = [1, 1]} : vector<32x8xi32> to vector<32x4xi32>
    %lt3A_1518 = arith.cmpf olt, %slice3A_1516, %slice3A_1514 : vector<32x4xf32>
    %eq3A_1519 = arith.cmpf oeq, %slice3A_1516, %slice3A_1514 : vector<32x4xf32>
    %lt3A_1520 = arith.cmpi slt, %slice3A_1517, %slice3A_1515 : vector<32x4xi32>
    %and3A_1521 = arith.andi %eq3A_1519, %lt3A_1520 : vector<32x4xi1>
    %or3A_1522 = arith.ori %lt3A_1518, %and3A_1521 : vector<32x4xi1>
    %select_n3A_1523 = arith.select %or3A_1522, %slice3A_1516, %slice3A_1514 : vector<32x4xi1>, vector<32x4xf32>
    %select_n3A_1524 = arith.select %or3A_1522, %slice3A_1517, %slice3A_1515 : vector<32x4xi1>, vector<32x4xi32>
    %slice3A_1525 = vector.extract_strided_slice %select_n3A_1523 {offsets = [0, 0], sizes = [32, 2], strides = [1, 1]} : vector<32x4xf32> to vector<32x2xf32>
    %slice3A_1526 = vector.extract_strided_slice %select_n3A_1524 {offsets = [0, 0], sizes = [32, 2], strides = [1, 1]} : vector<32x4xi32> to vector<32x2xi32>
    %slice3A_1527 = vector.extract_strided_slice %select_n3A_1523 {offsets = [0, 2], sizes = [32, 2], strides = [1, 1]} : vector<32x4xf32> to vector<32x2xf32>
    %slice3A_1528 = vector.extract_strided_slice %select_n3A_1524 {offsets = [0, 2], sizes = [32, 2], strides = [1, 1]} : vector<32x4xi32> to vector<32x2xi32>
    %lt3A_1529 = arith.cmpf olt, %slice3A_1527, %slice3A_1525 : vector<32x2xf32>
    %eq3A_1530 = arith.cmpf oeq, %slice3A_1527, %slice3A_1525 : vector<32x2xf32>
    %lt3A_1531 = arith.cmpi slt, %slice3A_1528, %slice3A_1526 : vector<32x2xi32>
    %and3A_1532 = arith.andi %eq3A_1530, %lt3A_1531 : vector<32x2xi1>
    %or3A_1533 = arith.ori %lt3A_1529, %and3A_1532 : vector<32x2xi1>
    %select_n3A_1534 = arith.select %or3A_1533, %slice3A_1527, %slice3A_1525 : vector<32x2xi1>, vector<32x2xf32>
    %select_n3A_1535 = arith.select %or3A_1533, %slice3A_1528, %slice3A_1526 : vector<32x2xi1>, vector<32x2xi32>
    %slice3A_1536 = vector.extract_strided_slice %select_n3A_1534 {offsets = [0, 0], sizes = [32, 1], strides = [1, 1]} : vector<32x2xf32> to vector<32x1xf32>
    %slice3A_1537 = vector.extract_strided_slice %select_n3A_1535 {offsets = [0, 0], sizes = [32, 1], strides = [1, 1]} : vector<32x2xi32> to vector<32x1xi32>
    %slice3A_1538 = vector.extract_strided_slice %select_n3A_1534 {offsets = [0, 1], sizes = [32, 1], strides = [1, 1]} : vector<32x2xf32> to vector<32x1xf32>
    %slice3A_1539 = vector.extract_strided_slice %select_n3A_1535 {offsets = [0, 1], sizes = [32, 1], strides = [1, 1]} : vector<32x2xi32> to vector<32x1xi32>
    %lt3A_1540 = arith.cmpf olt, %slice3A_1538, %slice3A_1536 : vector<32x1xf32>
    %eq3A_1541 = arith.cmpf oeq, %slice3A_1538, %slice3A_1536 : vector<32x1xf32>
    %lt3A_1542 = arith.cmpi slt, %slice3A_1539, %slice3A_1537 : vector<32x1xi32>
    %and3A_1543 = arith.andi %eq3A_1541, %lt3A_1542 : vector<32x1xi1>
    %or3A_1544 = arith.ori %lt3A_1540, %and3A_1543 : vector<32x1xi1>
    %select_n3A_1545 = arith.select %or3A_1544, %slice3A_1538, %slice3A_1536 : vector<32x1xi1>, vector<32x1xf32>
    %select_n3A_1546 = arith.select %or3A_1544, %slice3A_1539, %slice3A_1537 : vector<32x1xi1>, vector<32x1xi32>
    %swap3A_1547 = arith.constant 0 : index
    %swap3A_1548 = arith.constant 14 : index
    %swap3A_1549 = vector.load %arg5[%swap3A_1547, %swap3A_1548] : memref<32x16xi32, #tpu.memory_space<vmem>>, vector<32x1xi32>
    tpu.vector_store %arg5[%swap3A_1547, %swap3A_1548], %select_n3A_1546 {strides = array<i32>} : memref<32x16xi32, #tpu.memory_space<vmem>>, vector<32x1xi32>,
    %broadcast_in_dim3A_1550 = vector.shape_cast %select_n3A_1545 : vector<32x1xf32> to vector<32x1xf32>
    %broadcast_in_dim3A_1551 = vector.broadcast %broadcast_in_dim3A_1550 : vector<32x1xf32> to vector<32x128xf32>
    %broadcast_in_dim3A_1552 = vector.shape_cast %select_n3A_1546 : vector<32x1xi32> to vector<32x1xi32>
    %broadcast_in_dim3A_1553 = vector.broadcast %broadcast_in_dim3A_1552 : vector<32x1xi32> to vector<32x128xi32>
    %broadcast_in_dim3A_1554 = arith.constant 0x7F800000 : f32
    %broadcast_in_dim3A_1555 = vector.broadcast %broadcast_in_dim3A_1554 : f32 to vector<32x128xf32>
    %broadcast_in_dim3A_1556 = arith.constant 0 : i32
    %broadcast_in_dim3A_1557 = vector.broadcast %broadcast_in_dim3A_1556 : i32 to vector<32x128xi32>
    %scan3A_1558 = arith.constant 0x7F800000 : f32
    %scan3A_1559 = arith.constant 0 : i32
    %scan3A_1560 = arith.constant 16 : i32
    %scan3A_1561 = arith.addi %scan3A_1559, %scan3A_1560 : i32
    %scan3A_1562 = arith.constant 1 : i32
    %scan3A_1563:4 = scf.for %scan3A_1651 = %scan3A_1559 to %scan3A_1561 step %scan3A_1562 iter_args(%scan3A_1652 = %broadcast_in_dim3A_1555, %scan3A_1653 = %broadcast_in_dim3A_1557, %scan3A_1654 = %broadcast_in_dim3A_1555, %scan3A_1655 = %broadcast_in_dim3A_1557) -> (vector<32x128xf32>, vector<32x128xi32>, vector<32x128xf32>, vector<32x128xi32>)  : i32 {
      %mul3A = arith.constant 8 : i32
      %mul3A_1656 = arith.muli %scan3A_1651, %mul3A : i32
      %add3A = arith.constant 0 : i32
      %add3A_1657 = arith.addi %mul3A_1656, %add3A : i32
      %mul3A_1658 = arith.constant 128 : i32
      %mul3A_1659 = arith.muli %add3A_1657, %mul3A_1658 : i32
      %get3A_1660 = arith.constant 0 : index
      %get3A_1661 = arith.index_cast %mul3A_1659 : i32 to index
      %get3A_1662 = vector.load %arg6[%get3A_1660, %get3A_1661] : memref<32x16384xf32, #tpu.memory_space<vmem>>, vector<32x128xf32>
      %add3A_1663 = vector.broadcast %mul3A_1659 : i32 to vector<32x128xi32>
      %add3A_1664 = arith.addi %iota3A, %add3A_1663 : vector<32x128xi32>
      %gt3A = arith.cmpf ogt, %get3A_1662, %broadcast_in_dim3A_1551 : vector<32x128xf32>
      %eq3A_1665 = arith.cmpf oeq, %get3A_1662, %broadcast_in_dim3A_1551 : vector<32x128xf32>
      %gt3A_1666 = arith.cmpi sgt, %add3A_1664, %broadcast_in_dim3A_1553 : vector<32x128xi32>
      %and3A_1667 = arith.andi %eq3A_1665, %gt3A_1666 : vector<32x128xi1>
      %or3A_1668 = arith.ori %gt3A, %and3A_1667 : vector<32x128xi1>
      %broadcast_in_dim3A_1669 = vector.broadcast %scan3A_1558 : f32 to vector<32x128xf32>
      %select_n3A_1670 = arith.select %or3A_1668, %get3A_1662, %broadcast_in_dim3A_1669 : vector<32x128xi1>, vector<32x128xf32>
      %lt3A_1671 = arith.cmpf olt, %select_n3A_1670, %scan3A_1652 : vector<32x128xf32>
      %select_n3A_1672 = arith.select %lt3A_1671, %add3A_1664, %scan3A_1653 : vector<32x128xi1>, vector<32x128xi32>
      %min3A = arith.minimumf %scan3A_1652, %select_n3A_1670 : vector<32x128xf32>
      %mul3A_1673 = arith.constant 8 : i32
      %mul3A_1674 = arith.muli %scan3A_1651, %mul3A_1673 : i32
      %add3A_1675 = arith.constant 1 : i32
      %add3A_1676 = arith.addi %mul3A_1674, %add3A_1675 : i32
      %mul3A_1677 = arith.constant 128 : i32
      %mul3A_1678 = arith.muli %add3A_1676, %mul3A_1677 : i32
      %get3A_1679 = arith.constant 0 : index
      %get3A_1680 = arith.index_cast %mul3A_1678 : i32 to index
      %get3A_1681 = vector.load %arg6[%get3A_1679, %get3A_1680] : memref<32x16384xf32, #tpu.memory_space<vmem>>, vector<32x128xf32>
      %add3A_1682 = vector.broadcast %mul3A_1678 : i32 to vector<32x128xi32>
      %add3A_1683 = arith.addi %iota3A, %add3A_1682 : vector<32x128xi32>
      %gt3A_1684 = arith.cmpf ogt, %get3A_1681, %broadcast_in_dim3A_1551 : vector<32x128xf32>
      %eq3A_1685 = arith.cmpf oeq, %get3A_1681, %broadcast_in_dim3A_1551 : vector<32x128xf32>
      %gt3A_1686 = arith.cmpi sgt, %add3A_1683, %broadcast_in_dim3A_1553 : vector<32x128xi32>
      %and3A_1687 = arith.andi %eq3A_1685, %gt3A_1686 : vector<32x128xi1>
      %or3A_1688 = arith.ori %gt3A_1684, %and3A_1687 : vector<32x128xi1>
      %broadcast_in_dim3A_1689 = vector.broadcast %scan3A_1558 : f32 to vector<32x128xf32>
      %select_n3A_1690 = arith.select %or3A_1688, %get3A_1681, %broadcast_in_dim3A_1689 : vector<32x128xi1>, vector<32x128xf32>
      %lt3A_1691 = arith.cmpf olt, %select_n3A_1690, %scan3A_1654 : vector<32x128xf32>
      %select_n3A_1692 = arith.select %lt3A_1691, %add3A_1683, %scan3A_1655 : vector<32x128xi1>, vector<32x128xi32>
      %min3A_1693 = arith.minimumf %scan3A_1654, %select_n3A_1690 : vector<32x128xf32>
      %mul3A_1694 = arith.constant 8 : i32
      %mul3A_1695 = arith.muli %scan3A_1651, %mul3A_1694 : i32
      %add3A_1696 = arith.constant 2 : i32
      %add3A_1697 = arith.addi %mul3A_1695, %add3A_1696 : i32
      %mul3A_1698 = arith.constant 128 : i32
      %mul3A_1699 = arith.muli %add3A_1697, %mul3A_1698 : i32
      %get3A_1700 = arith.constant 0 : index
      %get3A_1701 = arith.index_cast %mul3A_1699 : i32 to index
      %get3A_1702 = vector.load %arg6[%get3A_1700, %get3A_1701] : memref<32x16384xf32, #tpu.memory_space<vmem>>, vector<32x128xf32>
      %add3A_1703 = vector.broadcast %mul3A_1699 : i32 to vector<32x128xi32>
      %add3A_1704 = arith.addi %iota3A, %add3A_1703 : vector<32x128xi32>
      %gt3A_1705 = arith.cmpf ogt, %get3A_1702, %broadcast_in_dim3A_1551 : vector<32x128xf32>
      %eq3A_1706 = arith.cmpf oeq, %get3A_1702, %broadcast_in_dim3A_1551 : vector<32x128xf32>
      %gt3A_1707 = arith.cmpi sgt, %add3A_1704, %broadcast_in_dim3A_1553 : vector<32x128xi32>
      %and3A_1708 = arith.andi %eq3A_1706, %gt3A_1707 : vector<32x128xi1>
      %or3A_1709 = arith.ori %gt3A_1705, %and3A_1708 : vector<32x128xi1>
      %broadcast_in_dim3A_1710 = vector.broadcast %scan3A_1558 : f32 to vector<32x128xf32>
      %select_n3A_1711 = arith.select %or3A_1709, %get3A_1702, %broadcast_in_dim3A_1710 : vector<32x128xi1>, vector<32x128xf32>
      %lt3A_1712 = arith.cmpf olt, %select_n3A_1711, %min3A : vector<32x128xf32>
      %select_n3A_1713 = arith.select %lt3A_1712, %add3A_1704, %select_n3A_1672 : vector<32x128xi1>, vector<32x128xi32>
      %min3A_1714 = arith.minimumf %min3A, %select_n3A_1711 : vector<32x128xf32>
      %mul3A_1715 = arith.constant 8 : i32
      %mul3A_1716 = arith.muli %scan3A_1651, %mul3A_1715 : i32
      %add3A_1717 = arith.constant 3 : i32
      %add3A_1718 = arith.addi %mul3A_1716, %add3A_1717 : i32
      %mul3A_1719 = arith.constant 128 : i32
      %mul3A_1720 = arith.muli %add3A_1718, %mul3A_1719 : i32
      %get3A_1721 = arith.constant 0 : index
      %get3A_1722 = arith.index_cast %mul3A_1720 : i32 to index
      %get3A_1723 = vector.load %arg6[%get3A_1721, %get3A_1722] : memref<32x16384xf32, #tpu.memory_space<vmem>>, vector<32x128xf32>
      %add3A_1724 = vector.broadcast %mul3A_1720 : i32 to vector<32x128xi32>
      %add3A_1725 = arith.addi %iota3A, %add3A_1724 : vector<32x128xi32>
      %gt3A_1726 = arith.cmpf ogt, %get3A_1723, %broadcast_in_dim3A_1551 : vector<32x128xf32>
      %eq3A_1727 = arith.cmpf oeq, %get3A_1723, %broadcast_in_dim3A_1551 : vector<32x128xf32>
      %gt3A_1728 = arith.cmpi sgt, %add3A_1725, %broadcast_in_dim3A_1553 : vector<32x128xi32>
      %and3A_1729 = arith.andi %eq3A_1727, %gt3A_1728 : vector<32x128xi1>
      %or3A_1730 = arith.ori %gt3A_1726, %and3A_1729 : vector<32x128xi1>
      %broadcast_in_dim3A_1731 = vector.broadcast %scan3A_1558 : f32 to vector<32x128xf32>
      %select_n3A_1732 = arith.select %or3A_1730, %get3A_1723, %broadcast_in_dim3A_1731 : vector<32x128xi1>, vector<32x128xf32>
      %lt3A_1733 = arith.cmpf olt, %select_n3A_1732, %min3A_1693 : vector<32x128xf32>
      %select_n3A_1734 = arith.select %lt3A_1733, %add3A_1725, %select_n3A_1692 : vector<32x128xi1>, vector<32x128xi32>
      %min3A_1735 = arith.minimumf %min3A_1693, %select_n3A_1732 : vector<32x128xf32>
      %mul3A_1736 = arith.constant 8 : i32
      %mul3A_1737 = arith.muli %scan3A_1651, %mul3A_1736 : i32
      %add3A_1738 = arith.constant 4 : i32
      %add3A_1739 = arith.addi %mul3A_1737, %add3A_1738 : i32
      %mul3A_1740 = arith.constant 128 : i32
      %mul3A_1741 = arith.muli %add3A_1739, %mul3A_1740 : i32
      %get3A_1742 = arith.constant 0 : index
      %get3A_1743 = arith.index_cast %mul3A_1741 : i32 to index
      %get3A_1744 = vector.load %arg6[%get3A_1742, %get3A_1743] : memref<32x16384xf32, #tpu.memory_space<vmem>>, vector<32x128xf32>
      %add3A_1745 = vector.broadcast %mul3A_1741 : i32 to vector<32x128xi32>
      %add3A_1746 = arith.addi %iota3A, %add3A_1745 : vector<32x128xi32>
      %gt3A_1747 = arith.cmpf ogt, %get3A_1744, %broadcast_in_dim3A_1551 : vector<32x128xf32>
      %eq3A_1748 = arith.cmpf oeq, %get3A_1744, %broadcast_in_dim3A_1551 : vector<32x128xf32>
      %gt3A_1749 = arith.cmpi sgt, %add3A_1746, %broadcast_in_dim3A_1553 : vector<32x128xi32>
      %and3A_1750 = arith.andi %eq3A_1748, %gt3A_1749 : vector<32x128xi1>
      %or3A_1751 = arith.ori %gt3A_1747, %and3A_1750 : vector<32x128xi1>
      %broadcast_in_dim3A_1752 = vector.broadcast %scan3A_1558 : f32 to vector<32x128xf32>
      %select_n3A_1753 = arith.select %or3A_1751, %get3A_1744, %broadcast_in_dim3A_1752 : vector<32x128xi1>, vector<32x128xf32>
      %lt3A_1754 = arith.cmpf olt, %select_n3A_1753, %min3A_1714 : vector<32x128xf32>
      %select_n3A_1755 = arith.select %lt3A_1754, %add3A_1746, %select_n3A_1713 : vector<32x128xi1>, vector<32x128xi32>
      %min3A_1756 = arith.minimumf %min3A_1714, %select_n3A_1753 : vector<32x128xf32>
      %mul3A_1757 = arith.constant 8 : i32
      %mul3A_1758 = arith.muli %scan3A_1651, %mul3A_1757 : i32
      %add3A_1759 = arith.constant 5 : i32
      %add3A_1760 = arith.addi %mul3A_1758, %add3A_1759 : i32
      %mul3A_1761 = arith.constant 128 : i32
      %mul3A_1762 = arith.muli %add3A_1760, %mul3A_1761 : i32
      %get3A_1763 = arith.constant 0 : index
      %get3A_1764 = arith.index_cast %mul3A_1762 : i32 to index
      %get3A_1765 = vector.load %arg6[%get3A_1763, %get3A_1764] : memref<32x16384xf32, #tpu.memory_space<vmem>>, vector<32x128xf32>
      %add3A_1766 = vector.broadcast %mul3A_1762 : i32 to vector<32x128xi32>
      %add3A_1767 = arith.addi %iota3A, %add3A_1766 : vector<32x128xi32>
      %gt3A_1768 = arith.cmpf ogt, %get3A_1765, %broadcast_in_dim3A_1551 : vector<32x128xf32>
      %eq3A_1769 = arith.cmpf oeq, %get3A_1765, %broadcast_in_dim3A_1551 : vector<32x128xf32>
      %gt3A_1770 = arith.cmpi sgt, %add3A_1767, %broadcast_in_dim3A_1553 : vector<32x128xi32>
      %and3A_1771 = arith.andi %eq3A_1769, %gt3A_1770 : vector<32x128xi1>
      %or3A_1772 = arith.ori %gt3A_1768, %and3A_1771 : vector<32x128xi1>
      %broadcast_in_dim3A_1773 = vector.broadcast %scan3A_1558 : f32 to vector<32x128xf32>
      %select_n3A_1774 = arith.select %or3A_1772, %get3A_1765, %broadcast_in_dim3A_1773 : vector<32x128xi1>, vector<32x128xf32>
      %lt3A_1775 = arith.cmpf olt, %select_n3A_1774, %min3A_1735 : vector<32x128xf32>
      %select_n3A_1776 = arith.select %lt3A_1775, %add3A_1767, %select_n3A_1734 : vector<32x128xi1>, vector<32x128xi32>
      %min3A_1777 = arith.minimumf %min3A_1735, %select_n3A_1774 : vector<32x128xf32>
      %mul3A_1778 = arith.constant 8 : i32
      %mul3A_1779 = arith.muli %scan3A_1651, %mul3A_1778 : i32
      %add3A_1780 = arith.constant 6 : i32
      %add3A_1781 = arith.addi %mul3A_1779, %add3A_1780 : i32
      %mul3A_1782 = arith.constant 128 : i32
      %mul3A_1783 = arith.muli %add3A_1781, %mul3A_1782 : i32
      %get3A_1784 = arith.constant 0 : index
      %get3A_1785 = arith.index_cast %mul3A_1783 : i32 to index
      %get3A_1786 = vector.load %arg6[%get3A_1784, %get3A_1785] : memref<32x16384xf32, #tpu.memory_space<vmem>>, vector<32x128xf32>
      %add3A_1787 = vector.broadcast %mul3A_1783 : i32 to vector<32x128xi32>
      %add3A_1788 = arith.addi %iota3A, %add3A_1787 : vector<32x128xi32>
      %gt3A_1789 = arith.cmpf ogt, %get3A_1786, %broadcast_in_dim3A_1551 : vector<32x128xf32>
      %eq3A_1790 = arith.cmpf oeq, %get3A_1786, %broadcast_in_dim3A_1551 : vector<32x128xf32>
      %gt3A_1791 = arith.cmpi sgt, %add3A_1788, %broadcast_in_dim3A_1553 : vector<32x128xi32>
      %and3A_1792 = arith.andi %eq3A_1790, %gt3A_1791 : vector<32x128xi1>
      %or3A_1793 = arith.ori %gt3A_1789, %and3A_1792 : vector<32x128xi1>
      %broadcast_in_dim3A_1794 = vector.broadcast %scan3A_1558 : f32 to vector<32x128xf32>
      %select_n3A_1795 = arith.select %or3A_1793, %get3A_1786, %broadcast_in_dim3A_1794 : vector<32x128xi1>, vector<32x128xf32>
      %lt3A_1796 = arith.cmpf olt, %select_n3A_1795, %min3A_1756 : vector<32x128xf32>
      %select_n3A_1797 = arith.select %lt3A_1796, %add3A_1788, %select_n3A_1755 : vector<32x128xi1>, vector<32x128xi32>
      %min3A_1798 = arith.minimumf %min3A_1756, %select_n3A_1795 : vector<32x128xf32>
      %mul3A_1799 = arith.constant 8 : i32
      %mul3A_1800 = arith.muli %scan3A_1651, %mul3A_1799 : i32
      %add3A_1801 = arith.constant 7 : i32
      %add3A_1802 = arith.addi %mul3A_1800, %add3A_1801 : i32
      %mul3A_1803 = arith.constant 128 : i32
      %mul3A_1804 = arith.muli %add3A_1802, %mul3A_1803 : i32
      %get3A_1805 = arith.constant 0 : index
      %get3A_1806 = arith.index_cast %mul3A_1804 : i32 to index
      %get3A_1807 = vector.load %arg6[%get3A_1805, %get3A_1806] : memref<32x16384xf32, #tpu.memory_space<vmem>>, vector<32x128xf32>
      %add3A_1808 = vector.broadcast %mul3A_1804 : i32 to vector<32x128xi32>
      %add3A_1809 = arith.addi %iota3A, %add3A_1808 : vector<32x128xi32>
      %gt3A_1810 = arith.cmpf ogt, %get3A_1807, %broadcast_in_dim3A_1551 : vector<32x128xf32>
      %eq3A_1811 = arith.cmpf oeq, %get3A_1807, %broadcast_in_dim3A_1551 : vector<32x128xf32>
      %gt3A_1812 = arith.cmpi sgt, %add3A_1809, %broadcast_in_dim3A_1553 : vector<32x128xi32>
      %and3A_1813 = arith.andi %eq3A_1811, %gt3A_1812 : vector<32x128xi1>
      %or3A_1814 = arith.ori %gt3A_1810, %and3A_1813 : vector<32x128xi1>
      %broadcast_in_dim3A_1815 = vector.broadcast %scan3A_1558 : f32 to vector<32x128xf32>
      %select_n3A_1816 = arith.select %or3A_1814, %get3A_1807, %broadcast_in_dim3A_1815 : vector<32x128xi1>, vector<32x128xf32>
      %lt3A_1817 = arith.cmpf olt, %select_n3A_1816, %min3A_1777 : vector<32x128xf32>
      %select_n3A_1818 = arith.select %lt3A_1817, %add3A_1809, %select_n3A_1776 : vector<32x128xi1>, vector<32x128xi32>
      %min3A_1819 = arith.minimumf %min3A_1777, %select_n3A_1816 : vector<32x128xf32>
      scf.yield %min3A_1798, %select_n3A_1797, %min3A_1819, %select_n3A_1818 : vector<32x128xf32>, vector<32x128xi32>, vector<32x128xf32>, vector<32x128xi32>
    }
    %scan3A_1564 = arith.constant 16 : i32
    %lt3A_1565 = arith.cmpf olt, %scan3A_1563#2, %scan3A_1563#0 : vector<32x128xf32>
    %eq3A_1566 = arith.cmpf oeq, %scan3A_1563#2, %scan3A_1563#0 : vector<32x128xf32>
    %lt3A_1567 = arith.cmpi slt, %scan3A_1563#3, %scan3A_1563#1 : vector<32x128xi32>
    %and3A_1568 = arith.andi %eq3A_1566, %lt3A_1567 : vector<32x128xi1>
    %or3A_1569 = arith.ori %lt3A_1565, %and3A_1568 : vector<32x128xi1>
    %select_n3A_1570 = arith.select %or3A_1569, %scan3A_1563#2, %scan3A_1563#0 : vector<32x128xi1>, vector<32x128xf32>
    %select_n3A_1571 = arith.select %or3A_1569, %scan3A_1563#3, %scan3A_1563#1 : vector<32x128xi1>, vector<32x128xi32>
    %slice3A_1572 = vector.extract_strided_slice %select_n3A_1570 {offsets = [0, 0], sizes = [32, 64], strides = [1, 1]} : vector<32x128xf32> to vector<32x64xf32>
    %slice3A_1573 = vector.extract_strided_slice %select_n3A_1571 {offsets = [0, 0], sizes = [32, 64], strides = [1, 1]} : vector<32x128xi32> to vector<32x64xi32>
    %slice3A_1574 = vector.extract_strided_slice %select_n3A_1570 {offsets = [0, 64], sizes = [32, 64], strides = [1, 1]} : vector<32x128xf32> to vector<32x64xf32>
    %slice3A_1575 = vector.extract_strided_slice %select_n3A_1571 {offsets = [0, 64], sizes = [32, 64], strides = [1, 1]} : vector<32x128xi32> to vector<32x64xi32>
    %lt3A_1576 = arith.cmpf olt, %slice3A_1574, %slice3A_1572 : vector<32x64xf32>
    %eq3A_1577 = arith.cmpf oeq, %slice3A_1574, %slice3A_1572 : vector<32x64xf32>
    %lt3A_1578 = arith.cmpi slt, %slice3A_1575, %slice3A_1573 : vector<32x64xi32>
    %and3A_1579 = arith.andi %eq3A_1577, %lt3A_1578 : vector<32x64xi1>
    %or3A_1580 = arith.ori %lt3A_1576, %and3A_1579 : vector<32x64xi1>
    %select_n3A_1581 = arith.select %or3A_1580, %slice3A_1574, %slice3A_1572 : vector<32x64xi1>, vector<32x64xf32>
    %select_n3A_1582 = arith.select %or3A_1580, %slice3A_1575, %slice3A_1573 : vector<32x64xi1>, vector<32x64xi32>
    %slice3A_1583 = vector.extract_strided_slice %select_n3A_1581 {offsets = [0, 0], sizes = [32, 32], strides = [1, 1]} : vector<32x64xf32> to vector<32x32xf32>
    %slice3A_1584 = vector.extract_strided_slice %select_n3A_1582 {offsets = [0, 0], sizes = [32, 32], strides = [1, 1]} : vector<32x64xi32> to vector<32x32xi32>
    %slice3A_1585 = vector.extract_strided_slice %select_n3A_1581 {offsets = [0, 32], sizes = [32, 32], strides = [1, 1]} : vector<32x64xf32> to vector<32x32xf32>
    %slice3A_1586 = vector.extract_strided_slice %select_n3A_1582 {offsets = [0, 32], sizes = [32, 32], strides = [1, 1]} : vector<32x64xi32> to vector<32x32xi32>
    %lt3A_1587 = arith.cmpf olt, %slice3A_1585, %slice3A_1583 : vector<32x32xf32>
    %eq3A_1588 = arith.cmpf oeq, %slice3A_1585, %slice3A_1583 : vector<32x32xf32>
    %lt3A_1589 = arith.cmpi slt, %slice3A_1586, %slice3A_1584 : vector<32x32xi32>
    %and3A_1590 = arith.andi %eq3A_1588, %lt3A_1589 : vector<32x32xi1>
    %or3A_1591 = arith.ori %lt3A_1587, %and3A_1590 : vector<32x32xi1>
    %select_n3A_1592 = arith.select %or3A_1591, %slice3A_1585, %slice3A_1583 : vector<32x32xi1>, vector<32x32xf32>
    %select_n3A_1593 = arith.select %or3A_1591, %slice3A_1586, %slice3A_1584 : vector<32x32xi1>, vector<32x32xi32>
    %slice3A_1594 = vector.extract_strided_slice %select_n3A_1592 {offsets = [0, 0], sizes = [32, 16], strides = [1, 1]} : vector<32x32xf32> to vector<32x16xf32>
    %slice3A_1595 = vector.extract_strided_slice %select_n3A_1593 {offsets = [0, 0], sizes = [32, 16], strides = [1, 1]} : vector<32x32xi32> to vector<32x16xi32>
    %slice3A_1596 = vector.extract_strided_slice %select_n3A_1592 {offsets = [0, 16], sizes = [32, 16], strides = [1, 1]} : vector<32x32xf32> to vector<32x16xf32>
    %slice3A_1597 = vector.extract_strided_slice %select_n3A_1593 {offsets = [0, 16], sizes = [32, 16], strides = [1, 1]} : vector<32x32xi32> to vector<32x16xi32>
    %lt3A_1598 = arith.cmpf olt, %slice3A_1596, %slice3A_1594 : vector<32x16xf32>
    %eq3A_1599 = arith.cmpf oeq, %slice3A_1596, %slice3A_1594 : vector<32x16xf32>
    %lt3A_1600 = arith.cmpi slt, %slice3A_1597, %slice3A_1595 : vector<32x16xi32>
    %and3A_1601 = arith.andi %eq3A_1599, %lt3A_1600 : vector<32x16xi1>
    %or3A_1602 = arith.ori %lt3A_1598, %and3A_1601 : vector<32x16xi1>
    %select_n3A_1603 = arith.select %or3A_1602, %slice3A_1596, %slice3A_1594 : vector<32x16xi1>, vector<32x16xf32>
    %select_n3A_1604 = arith.select %or3A_1602, %slice3A_1597, %slice3A_1595 : vector<32x16xi1>, vector<32x16xi32>
    %slice3A_1605 = vector.extract_strided_slice %select_n3A_1603 {offsets = [0, 0], sizes = [32, 8], strides = [1, 1]} : vector<32x16xf32> to vector<32x8xf32>
    %slice3A_1606 = vector.extract_strided_slice %select_n3A_1604 {offsets = [0, 0], sizes = [32, 8], strides = [1, 1]} : vector<32x16xi32> to vector<32x8xi32>
    %slice3A_1607 = vector.extract_strided_slice %select_n3A_1603 {offsets = [0, 8], sizes = [32, 8], strides = [1, 1]} : vector<32x16xf32> to vector<32x8xf32>
    %slice3A_1608 = vector.extract_strided_slice %select_n3A_1604 {offsets = [0, 8], sizes = [32, 8], strides = [1, 1]} : vector<32x16xi32> to vector<32x8xi32>
    %lt3A_1609 = arith.cmpf olt, %slice3A_1607, %slice3A_1605 : vector<32x8xf32>
    %eq3A_1610 = arith.cmpf oeq, %slice3A_1607, %slice3A_1605 : vector<32x8xf32>
    %lt3A_1611 = arith.cmpi slt, %slice3A_1608, %slice3A_1606 : vector<32x8xi32>
    %and3A_1612 = arith.andi %eq3A_1610, %lt3A_1611 : vector<32x8xi1>
    %or3A_1613 = arith.ori %lt3A_1609, %and3A_1612 : vector<32x8xi1>
    %select_n3A_1614 = arith.select %or3A_1613, %slice3A_1607, %slice3A_1605 : vector<32x8xi1>, vector<32x8xf32>
    %select_n3A_1615 = arith.select %or3A_1613, %slice3A_1608, %slice3A_1606 : vector<32x8xi1>, vector<32x8xi32>
    %slice3A_1616 = vector.extract_strided_slice %select_n3A_1614 {offsets = [0, 0], sizes = [32, 4], strides = [1, 1]} : vector<32x8xf32> to vector<32x4xf32>
    %slice3A_1617 = vector.extract_strided_slice %select_n3A_1615 {offsets = [0, 0], sizes = [32, 4], strides = [1, 1]} : vector<32x8xi32> to vector<32x4xi32>
    %slice3A_1618 = vector.extract_strided_slice %select_n3A_1614 {offsets = [0, 4], sizes = [32, 4], strides = [1, 1]} : vector<32x8xf32> to vector<32x4xf32>
    %slice3A_1619 = vector.extract_strided_slice %select_n3A_1615 {offsets = [0, 4], sizes = [32, 4], strides = [1, 1]} : vector<32x8xi32> to vector<32x4xi32>
    %lt3A_1620 = arith.cmpf olt, %slice3A_1618, %slice3A_1616 : vector<32x4xf32>
    %eq3A_1621 = arith.cmpf oeq, %slice3A_1618, %slice3A_1616 : vector<32x4xf32>
    %lt3A_1622 = arith.cmpi slt, %slice3A_1619, %slice3A_1617 : vector<32x4xi32>
    %and3A_1623 = arith.andi %eq3A_1621, %lt3A_1622 : vector<32x4xi1>
    %or3A_1624 = arith.ori %lt3A_1620, %and3A_1623 : vector<32x4xi1>
    %select_n3A_1625 = arith.select %or3A_1624, %slice3A_1618, %slice3A_1616 : vector<32x4xi1>, vector<32x4xf32>
    %select_n3A_1626 = arith.select %or3A_1624, %slice3A_1619, %slice3A_1617 : vector<32x4xi1>, vector<32x4xi32>
    %slice3A_1627 = vector.extract_strided_slice %select_n3A_1625 {offsets = [0, 0], sizes = [32, 2], strides = [1, 1]} : vector<32x4xf32> to vector<32x2xf32>
    %slice3A_1628 = vector.extract_strided_slice %select_n3A_1626 {offsets = [0, 0], sizes = [32, 2], strides = [1, 1]} : vector<32x4xi32> to vector<32x2xi32>
    %slice3A_1629 = vector.extract_strided_slice %select_n3A_1625 {offsets = [0, 2], sizes = [32, 2], strides = [1, 1]} : vector<32x4xf32> to vector<32x2xf32>
    %slice3A_1630 = vector.extract_strided_slice %select_n3A_1626 {offsets = [0, 2], sizes = [32, 2], strides = [1, 1]} : vector<32x4xi32> to vector<32x2xi32>
    %lt3A_1631 = arith.cmpf olt, %slice3A_1629, %slice3A_1627 : vector<32x2xf32>
    %eq3A_1632 = arith.cmpf oeq, %slice3A_1629, %slice3A_1627 : vector<32x2xf32>
    %lt3A_1633 = arith.cmpi slt, %slice3A_1630, %slice3A_1628 : vector<32x2xi32>
    %and3A_1634 = arith.andi %eq3A_1632, %lt3A_1633 : vector<32x2xi1>
    %or3A_1635 = arith.ori %lt3A_1631, %and3A_1634 : vector<32x2xi1>
    %select_n3A_1636 = arith.select %or3A_1635, %slice3A_1629, %slice3A_1627 : vector<32x2xi1>, vector<32x2xf32>
    %select_n3A_1637 = arith.select %or3A_1635, %slice3A_1630, %slice3A_1628 : vector<32x2xi1>, vector<32x2xi32>
    %slice3A_1638 = vector.extract_strided_slice %select_n3A_1636 {offsets = [0, 0], sizes = [32, 1], strides = [1, 1]} : vector<32x2xf32> to vector<32x1xf32>
    %slice3A_1639 = vector.extract_strided_slice %select_n3A_1637 {offsets = [0, 0], sizes = [32, 1], strides = [1, 1]} : vector<32x2xi32> to vector<32x1xi32>
    %slice3A_1640 = vector.extract_strided_slice %select_n3A_1636 {offsets = [0, 1], sizes = [32, 1], strides = [1, 1]} : vector<32x2xf32> to vector<32x1xf32>
    %slice3A_1641 = vector.extract_strided_slice %select_n3A_1637 {offsets = [0, 1], sizes = [32, 1], strides = [1, 1]} : vector<32x2xi32> to vector<32x1xi32>
    %lt3A_1642 = arith.cmpf olt, %slice3A_1640, %slice3A_1638 : vector<32x1xf32>
    %eq3A_1643 = arith.cmpf oeq, %slice3A_1640, %slice3A_1638 : vector<32x1xf32>
    %lt3A_1644 = arith.cmpi slt, %slice3A_1641, %slice3A_1639 : vector<32x1xi32>
    %and3A_1645 = arith.andi %eq3A_1643, %lt3A_1644 : vector<32x1xi1>
    %or3A_1646 = arith.ori %lt3A_1642, %and3A_1645 : vector<32x1xi1>
    %select_n3A_1647 = arith.select %or3A_1646, %slice3A_1641, %slice3A_1639 : vector<32x1xi1>, vector<32x1xi32>
    %swap3A_1648 = arith.constant 0 : index
    %swap3A_1649 = arith.constant 15 : index
    %swap3A_1650 = vector.load %arg5[%swap3A_1648, %swap3A_1649] : memref<32x16xi32, #tpu.memory_space<vmem>>, vector<32x1xi32>
    tpu.vector_store %arg5[%swap3A_1648, %swap3A_1649], %select_n3A_1647 {strides = array<i32>} : memref<32x16xi32, #tpu.memory_space<vmem>>, vector<32x1xi32>,
    return
  }
  func.func @transform_0(%arg0: i32) -> (i32, i32) {
    %c0_i32 = arith.constant 0 : i32
    %c0_i32_0 = arith.constant 0 : i32
    %c0_i32_1 = arith.constant 0 : i32
    return %c0_i32, %c0_i32_0 : i32, i32
  }
  func.func @transform_1(%arg0: i32) -> (i32, i32) {
    %c0_i32 = arith.constant 0 : i32
    %c0_i32_0 = arith.constant 0 : i32
    %c0_i32_1 = arith.constant 0 : i32
    return %c0_i32, %c0_i32_0 : i32, i32
  }
  func.func @transform_2(%arg0: i32) -> (i32, i32) {
    %c0_i32 = arith.constant 0 : i32
    %c0_i32_0 = arith.constant 0 : i32
    return %arg0, %c0_i32 : i32, i32
  }
  func.func @transform_3(%arg0: i32) -> (i32, i32) {
    %c0_i32 = arith.constant 0 : i32
    %c0_i32_0 = arith.constant 0 : i32
    return %arg0, %c0_i32 : i32, i32
  }
  func.func @transform_4(%arg0: i32) -> (i32, i32) {
    %c0_i32 = arith.constant 0 : i32
    %c0_i32_0 = arith.constant 0 : i32
    return %arg0, %c0_i32 : i32, i32
  }
}

module attributes {stable_mosaic.version = 14 : i64} {
  func.func @_stats_kernel(%arg0: i32, %arg1: memref<4096x128xf32, #tpu.memory_space<vmem>>, %arg2: memref<256x128xf32, #tpu.memory_space<vmem>>, %arg3: memref<256x128xf32, #tpu.memory_space<vmem>>, %arg4: memref<1x128xf32, #tpu.memory_space<vmem>>, %arg5: memref<1x128xf32, #tpu.memory_space<vmem>>) attributes {dimension_semantics = [#tpu.dimension_semantics<arbitrary>], iteration_bounds = array<i64: 16>, scalar_prefetch = 0 : i64, scratch_operands = 0 : i64, tpu.core_type = #tpu.core_type<tc>, window_params = [{transform_indices = @transform_0, window_bounds = array<i64: 4096, 128>}, {transform_indices = @transform_1, window_bounds = array<i64: 256, 128>}, {transform_indices = @transform_2, window_bounds = array<i64: 256, 128>}, {pipeline_mode = #tpu.pipeline_mode<synchronous>, transform_indices = @transform_3, window_bounds = array<i64: 1, 128>}, {pipeline_mode = #tpu.pipeline_mode<synchronous>, transform_indices = @transform_4, window_bounds = array<i64: 1, 128>}]} {
    %get3A = arith.constant 0 : index
    %get3A_0 = arith.constant 0 : index
    %get3A_1 = vector.load %arg1[%get3A, %get3A_0] : memref<4096x128xf32, #tpu.memory_space<vmem>>, vector<4096x128xf32>
    %reshape3A = vector.shape_cast %get3A_1 : vector<4096x128xf32> to vector<256x16x128xf32>
    %reduce_sum3A = arith.constant dense<0.000000e+00> : vector<256x128xf32>
    %reduce_sum3A_2 = vector.multi_reduction <add>, %reshape3A, %reduce_sum3A [1] : vector<256x16x128xf32> to vector<256x128xf32>
    %mul3A = arith.mulf %reshape3A, %reshape3A : vector<256x16x128xf32>
    %reduce_sum3A_3 = arith.constant dense<0.000000e+00> : vector<256x128xf32>
    %reduce_sum3A_4 = vector.multi_reduction <add>, %mul3A, %reduce_sum3A_3 [1] : vector<256x16x128xf32> to vector<256x128xf32>
    %reduce_max3A = arith.constant dense<0xFF800000> : vector<256x128xf32>
    %reduce_max3A_5 = vector.multi_reduction <maximumf>, %reshape3A, %reduce_max3A [1] : vector<256x16x128xf32> to vector<256x128xf32>
    %swap3A = arith.constant 0 : index
    %swap3A_6 = arith.constant 0 : index
    %swap3A_7 = vector.load %arg2[%swap3A, %swap3A_6] : memref<256x128xf32, #tpu.memory_space<vmem>>, vector<256x128xf32>
    tpu.vector_store %arg2[%swap3A, %swap3A_6], %reduce_max3A_5 {strides = array<i32>} : memref<256x128xf32, #tpu.memory_space<vmem>>, vector<256x128xf32>,
    %swap3A_8 = arith.constant 0 : index
    %swap3A_9 = arith.constant 0 : index
    %swap3A_10 = vector.load %arg3[%swap3A_8, %swap3A_9] : memref<256x128xf32, #tpu.memory_space<vmem>>, vector<256x128xf32>
    tpu.vector_store %arg3[%swap3A_8, %swap3A_9], %reduce_sum3A_2 {strides = array<i32>} : memref<256x128xf32, #tpu.memory_space<vmem>>, vector<256x128xf32>,
    %reduce_sum3A_11 = arith.constant dense<0.000000e+00> : vector<128xf32>
    %reduce_sum3A_12 = vector.multi_reduction <add>, %reduce_sum3A_2, %reduce_sum3A_11 [0] : vector<256x128xf32> to vector<128xf32>
    %broadcast_in_dim3A = vector.shape_cast %reduce_sum3A_12 : vector<128xf32> to vector<1x128xf32>
    %reduce_sum3A_13 = arith.constant dense<0.000000e+00> : vector<128xf32>
    %reduce_sum3A_14 = vector.multi_reduction <add>, %reduce_sum3A_4, %reduce_sum3A_13 [0] : vector<256x128xf32> to vector<128xf32>
    %broadcast_in_dim3A_15 = vector.shape_cast %reduce_sum3A_14 : vector<128xf32> to vector<1x128xf32>
    %eq3A = arith.constant 0 : i32
    %eq3A_16 = arith.cmpi eq, %arg0, %eq3A : i32
    %convert_element_type3A = arith.extui %eq3A_16 : i1 to i32
    %cond3A = arith.constant 0 : i32
    %cond3A_17 = arith.cmpi ne, %convert_element_type3A, %cond3A : i32
    scf.if %cond3A_17 {
      %broadcast_in_dim3A_31 = arith.constant 0.000000e+00 : f32
      %broadcast_in_dim3A_32 = vector.broadcast %broadcast_in_dim3A_31 : f32 to vector<1x128xf32>
      %swap3A_33 = arith.constant 0 : index
      %swap3A_34 = arith.constant 0 : index
      %swap3A_35 = vector.load %arg4[%swap3A_33, %swap3A_34] : memref<1x128xf32, #tpu.memory_space<vmem>>, vector<1x128xf32>
      tpu.vector_store %arg4[%swap3A_33, %swap3A_34], %broadcast_in_dim3A_32 {strides = array<i32>} : memref<1x128xf32, #tpu.memory_space<vmem>>, vector<1x128xf32>,
      %broadcast_in_dim3A_36 = arith.constant 0.000000e+00 : f32
      %broadcast_in_dim3A_37 = vector.broadcast %broadcast_in_dim3A_36 : f32 to vector<1x128xf32>
      %swap3A_38 = arith.constant 0 : index
      %swap3A_39 = arith.constant 0 : index
      %swap3A_40 = vector.load %arg5[%swap3A_38, %swap3A_39] : memref<1x128xf32, #tpu.memory_space<vmem>>, vector<1x128xf32>
      tpu.vector_store %arg5[%swap3A_38, %swap3A_39], %broadcast_in_dim3A_37 {strides = array<i32>} : memref<1x128xf32, #tpu.memory_space<vmem>>, vector<1x128xf32>,
    } else {
    }
    %get3A_18 = arith.constant 0 : index
    %get3A_19 = arith.constant 0 : index
    %get3A_20 = vector.load %arg4[%get3A_18, %get3A_19] : memref<1x128xf32, #tpu.memory_space<vmem>>, vector<1x128xf32>
    %add3A = arith.addf %get3A_20, %broadcast_in_dim3A : vector<1x128xf32>
    %swap3A_21 = arith.constant 0 : index
    %swap3A_22 = arith.constant 0 : index
    %swap3A_23 = vector.load %arg4[%swap3A_21, %swap3A_22] : memref<1x128xf32, #tpu.memory_space<vmem>>, vector<1x128xf32>
    tpu.vector_store %arg4[%swap3A_21, %swap3A_22], %add3A {strides = array<i32>} : memref<1x128xf32, #tpu.memory_space<vmem>>, vector<1x128xf32>,
    %get3A_24 = arith.constant 0 : index
    %get3A_25 = arith.constant 0 : index
    %get3A_26 = vector.load %arg5[%get3A_24, %get3A_25] : memref<1x128xf32, #tpu.memory_space<vmem>>, vector<1x128xf32>
    %add3A_27 = arith.addf %get3A_26, %broadcast_in_dim3A_15 : vector<1x128xf32>
    %swap3A_28 = arith.constant 0 : index
    %swap3A_29 = arith.constant 0 : index
    %swap3A_30 = vector.load %arg5[%swap3A_28, %swap3A_29] : memref<1x128xf32, #tpu.memory_space<vmem>>, vector<1x128xf32>
    tpu.vector_store %arg5[%swap3A_28, %swap3A_29], %add3A_27 {strides = array<i32>} : memref<1x128xf32, #tpu.memory_space<vmem>>, vector<1x128xf32>,
    return
  }
  func.func @transform_0(%arg0: i32) -> (i32, i32) {
    %c0_i32 = arith.constant 0 : i32
    %c0_i32_0 = arith.constant 0 : i32
    return %arg0, %c0_i32 : i32, i32
  }
  func.func @transform_1(%arg0: i32) -> (i32, i32) {
    %c0_i32 = arith.constant 0 : i32
    %c0_i32_0 = arith.constant 0 : i32
    return %arg0, %c0_i32 : i32, i32
  }
  func.func @transform_2(%arg0: i32) -> (i32, i32) {
    %c0_i32 = arith.constant 0 : i32
    %c0_i32_0 = arith.constant 0 : i32
    return %arg0, %c0_i32 : i32, i32
  }
  func.func @transform_3(%arg0: i32) -> (i32, i32) {
    %c0_i32 = arith.constant 0 : i32
    %c0_i32_0 = arith.constant 0 : i32
    %c0_i32_1 = arith.constant 0 : i32
    return %c0_i32, %c0_i32_0 : i32, i32
  }
  func.func @transform_4(%arg0: i32) -> (i32, i32) {
    %c0_i32 = arith.constant 0 : i32
    %c0_i32_0 = arith.constant 0 : i32
    %c0_i32_1 = arith.constant 0 : i32
    return %c0_i32, %c0_i32_0 : i32, i32
  }
}

module attributes {stable_mosaic.version = 14 : i64} {
  func.func @_finish_kernel(%arg0: memref<4096x3xf32, #tpu.memory_space<vmem>>, %arg1: memref<3x128xf32, #tpu.memory_space<vmem>>, %arg2: memref<4096x128xf32, #tpu.memory_space<vmem>>, %arg3: memref<4096x128xf32, #tpu.memory_space<vmem>>, %arg4: memref<1x128xf32, #tpu.memory_space<vmem>>, %arg5: memref<1x128xf32, #tpu.memory_space<vmem>>, %arg6: memref<1x128xf32, #tpu.memory_space<vmem>>, %arg7: memref<1x128xf32, #tpu.memory_space<vmem>>, %arg8: memref<4096x128xf32, #tpu.memory_space<vmem>>) attributes {dimension_semantics = [], scalar_prefetch = 0 : i64, scratch_operands = 0 : i64, tpu.core_type = #tpu.core_type<tc>} {
    %get3A = arith.constant 0 : index
    %get3A_0 = arith.constant 0 : index
    %get3A_1 = vector.load %arg0[%get3A, %get3A_0] : memref<4096x3xf32, #tpu.memory_space<vmem>>, vector<4096x3xf32>
    %get3A_2 = arith.constant 0 : index
    %get3A_3 = arith.constant 0 : index
    %get3A_4 = vector.load %arg1[%get3A_2, %get3A_3] : memref<3x128xf32, #tpu.memory_space<vmem>>, vector<3x128xf32>
    %dot_general3A = arith.constant dense<0.000000e+00> : vector<4096x128xf32>
    %dot_general3A_5 = tpu.matmul %get3A_1, %get3A_4, %dot_general3A {dimension_numbers = #tpu.dot_dimension_numbers<[1], [0], [0], [1], [0, 0, 1, 1], [], []>, precision = #tpu.contract_precision<fp32>, transpose_lhs_hint = false} : vector<4096x3xf32>, vector<3x128xf32>, vector<4096x128xf32> -> vector<4096x128xf32>
    %get3A_6 = arith.constant 0 : index
    %get3A_7 = arith.constant 0 : index
    %get3A_8 = vector.load %arg3[%get3A_6, %get3A_7] : memref<4096x128xf32, #tpu.memory_space<vmem>>, vector<4096x128xf32>
    %reduce_sum3A = arith.constant dense<0.000000e+00> : vector<128xf32>
    %reduce_sum3A_9 = vector.multi_reduction <add>, %dot_general3A_5, %reduce_sum3A [0] : vector<4096x128xf32> to vector<128xf32>
    %broadcast_in_dim3A = vector.shape_cast %reduce_sum3A_9 : vector<128xf32> to vector<1x128xf32>
    %get3A_10 = arith.constant 0 : index
    %get3A_11 = arith.constant 0 : index
    %get3A_12 = vector.load %arg4[%get3A_10, %get3A_11] : memref<1x128xf32, #tpu.memory_space<vmem>>, vector<1x128xf32>
    %mul3A = arith.constant 1.600000e+01 : f32
    %mul3A_13 = vector.broadcast %mul3A : f32 to vector<1x128xf32>
    %mul3A_14 = arith.mulf %mul3A_13, %broadcast_in_dim3A : vector<1x128xf32>
    %sub3A = arith.subf %get3A_12, %mul3A_14 : vector<1x128xf32>
    %div3A = arith.constant 6.553600e+04 : f32
    %div3A_15 = vector.broadcast %div3A : f32 to vector<1x128xf32>
    %div3A_16 = arith.divf %sub3A, %div3A_15 : vector<1x128xf32>
    %mul3A_17 = arith.mulf %dot_general3A_5, %get3A_8 : vector<4096x128xf32>
    %reduce_sum3A_18 = arith.constant dense<0.000000e+00> : vector<128xf32>
    %reduce_sum3A_19 = vector.multi_reduction <add>, %mul3A_17, %reduce_sum3A_18 [0] : vector<4096x128xf32> to vector<128xf32>
    %broadcast_in_dim3A_20 = vector.shape_cast %reduce_sum3A_19 : vector<128xf32> to vector<1x128xf32>
    %get3A_21 = arith.constant 0 : index
    %get3A_22 = arith.constant 0 : index
    %get3A_23 = vector.load %arg5[%get3A_21, %get3A_22] : memref<1x128xf32, #tpu.memory_space<vmem>>, vector<1x128xf32>
    %mul3A_24 = arith.constant 2.000000e+00 : f32
    %mul3A_25 = vector.broadcast %mul3A_24 : f32 to vector<1x128xf32>
    %mul3A_26 = arith.mulf %mul3A_25, %broadcast_in_dim3A_20 : vector<1x128xf32>
    %sub3A_27 = arith.subf %get3A_23, %mul3A_26 : vector<1x128xf32>
    %mul3A_28 = arith.mulf %dot_general3A_5, %dot_general3A_5 : vector<4096x128xf32>
    %reduce_sum3A_29 = arith.constant dense<0.000000e+00> : vector<128xf32>
    %reduce_sum3A_30 = vector.multi_reduction <add>, %mul3A_28, %reduce_sum3A_29 [0] : vector<4096x128xf32> to vector<128xf32>
    %broadcast_in_dim3A_31 = vector.shape_cast %reduce_sum3A_30 : vector<128xf32> to vector<1x128xf32>
    %mul3A_32 = arith.constant 1.600000e+01 : f32
    %mul3A_33 = vector.broadcast %mul3A_32 : f32 to vector<1x128xf32>
    %mul3A_34 = arith.mulf %mul3A_33, %broadcast_in_dim3A_31 : vector<1x128xf32>
    %add3A = arith.addf %sub3A_27, %mul3A_34 : vector<1x128xf32>
    %div3A_35 = arith.constant 6.553600e+04 : f32
    %div3A_36 = vector.broadcast %div3A_35 : f32 to vector<1x128xf32>
    %div3A_37 = arith.divf %add3A, %div3A_36 : vector<1x128xf32>
    %mul3A_38 = arith.mulf %div3A_16, %div3A_16 : vector<1x128xf32>
    %sub3A_39 = arith.subf %div3A_37, %mul3A_38 : vector<1x128xf32>
    %add3A_40 = arith.constant 9.99999974E-6 : f32
    %add3A_41 = vector.broadcast %add3A_40 : f32 to vector<1x128xf32>
    %add3A_42 = arith.addf %sub3A_39, %add3A_41 : vector<1x128xf32>
    %rsqrt3A = math.rsqrt %add3A_42 : vector<1x128xf32>
    %get3A_43 = arith.constant 0 : index
    %get3A_44 = arith.constant 0 : index
    %get3A_45 = vector.load %arg6[%get3A_43, %get3A_44] : memref<1x128xf32, #tpu.memory_space<vmem>>, vector<1x128xf32>
    %mul3A_46 = arith.mulf %rsqrt3A, %get3A_45 : vector<1x128xf32>
    %get3A_47 = arith.constant 0 : index
    %get3A_48 = arith.constant 0 : index
    %get3A_49 = vector.load %arg2[%get3A_47, %get3A_48] : memref<4096x128xf32, #tpu.memory_space<vmem>>, vector<4096x128xf32>
    %sub3A_50 = arith.subf %get3A_49, %dot_general3A_5 : vector<4096x128xf32>
    %sub3A_51 = vector.broadcast %div3A_16 : vector<1x128xf32> to vector<4096x128xf32>
    %sub3A_52 = arith.subf %sub3A_50, %sub3A_51 : vector<4096x128xf32>
    %mul3A_53 = vector.broadcast %mul3A_46 : vector<1x128xf32> to vector<4096x128xf32>
    %mul3A_54 = arith.mulf %sub3A_52, %mul3A_53 : vector<4096x128xf32>
    %get3A_55 = arith.constant 0 : index
    %get3A_56 = arith.constant 0 : index
    %get3A_57 = vector.load %arg7[%get3A_55, %get3A_56] : memref<1x128xf32, #tpu.memory_space<vmem>>, vector<1x128xf32>
    %add3A_58 = vector.broadcast %get3A_57 : vector<1x128xf32> to vector<4096x128xf32>
    %add3A_59 = arith.addf %mul3A_54, %add3A_58 : vector<4096x128xf32>
    %max3A = arith.constant 0.000000e+00 : f32
    %max3A_60 = vector.broadcast %max3A : f32 to vector<4096x128xf32>
    %max3A_61 = arith.maximumf %add3A_59, %max3A_60 : vector<4096x128xf32>
    %swap3A = arith.constant 0 : index
    %swap3A_62 = arith.constant 0 : index
    %swap3A_63 = vector.load %arg8[%swap3A, %swap3A_62] : memref<4096x128xf32, #tpu.memory_space<vmem>>, vector<4096x128xf32>
    tpu.vector_store %arg8[%swap3A, %swap3A_62], %max3A_61 {strides = array<i32>} : memref<4096x128xf32, #tpu.memory_space<vmem>>, vector<4096x128xf32>,
    return
  }
}

</mosaic_0001>

<sc_bundles>
// kernel: gather_offload_async_start.1
scs
__scs_entry_jumppad:
0x0: {  	(pc) =	sbr.rel $0x88, $3  }
0x1: {  	(tag) =	ssettag $0x0;
	lr =	simm.s32 $0x1  }
0x2: {  	[smem:$0x3F9B] =	sst lr;
	_ =	strace $0xD0000000  }
0x3: {  	_ = 	snop  }
0x4: {  	_ = 	snop  }
0x5: {  	_ = 	snop  }
0x6: {  	_ = 	snop  }
0x7: {  	_ = 	snop  }
__scs_overlays_trampoline_lowered:
0x8: {  	[smem:$0x3FAA] =	sst s0  }
0x9: {  	[smem:$0x3FAB] =	sst s1  }
0xa: {  	[smem:$0x3FAC] =	sst s2  }
0xb: {  	[smem:$0x3FAD] =	sst s3  }
0xc: {  	[smem:$0x3FAE] =	sst s4  }
0xd: {  	[smem:$0x3FAF] =	sst s5  }
0xe: {  	[smem:$0x3FB0] =	sst s6  }
0xf: {  	[smem:$0x3FB1] =	sst s7  }
0x10: {  	[smem:$0x3FB2] =	sst s8  }
0x11: {  	[smem:$0x3FB3] =	sst s9;
	s0 =	simm.s32 @!p0 $0x0  }
0x12: {  	s1 =	sld [smem:$0x3F99];
	s0 =	simm.s32 @p0 $0x1  }
0x13: {  	[smem:$0x3FB4] =	sst s0;
	s0 =	simm.s32 @!p1 $0x0  }
0x14: {  	s2 =	sld [smem:$0x3F98];
	s0 =	simm.s32 @p1 $0x1  }
0x15: {  	[smem:$0x3FB5] =	sst s0;
	s0 =	simm.s32 @!p2 $0x0  }
0x16: {  	s3 =	sld [smem:$0x3FDB];
	s0 =	simm.s32 @p2 $0x1  }
0x17: {  	s4 =	simm.s32 $0x1BF5;
	[smem:$0x3FB7] =	sst s0  }
0x18: {  	s0 =	sld [smem:$0x3F9A];
	_ =	swait.ge [sflag:s4], $0x0  }
0x19: {  	s7 =	sld [smem:$0x3F9B]  }
0x1a: {  	s8 =	sadd.s32 $0xFFFFE003, lr  }
0x1b: {  	s9 =	sadd.s32 $0xFFFFFEF7, lr;
	s5 =	simm.s32 $0xFFFFFFFF;
	p2 =	slt.u32 s8, $0xFFFFF086  }
0x1c: {  	p1 =	slt.u32 s9, $0xF7A;
	s5 =	simm.s32 @!p2 $0x0  }
0x1d: {  	s5 =	simm.s32 @p1 $0x1;
	p0 =	seq.s32 s7, s2  }
0x1e: {  	s7 =	smul.u32 @!p0 $0xF7A, s2;
	p2 =	seq.s32 @!p0 s5, $0x0  }
0x1f: {  	s9 =	smul.u32 $0xF7A, s1;
	s8 =	simm.s32 @!p0 $0x1BF5;
	p2 =	por !p2, p0  }
0x20: {  	[sflag:s8] =	ssyncset.s32 @!p0 $0xFFFFF086;
	s6 =	sadd.s32 @!p0 s3, s7;
	s7 =	simm.s32 @!p0 $0x108  }
0x21: {  	s3 =	sadd.s32 s3, s9;
	s6 =	sadd.s32 @!p0 $0x88, s6;
	s7 =	simm.s32 @p2 $0x1082  }
0x22: {  	[simem:s7], [sflag:s8] =	dma.local @!p0 [hbm:s6], $0xF7A  }
0x23: {  	s9 =	sor.u32 $0xD0000000, s2;
	s6 =	simm.s32 $0x108;
	_ =	swait.ge @!p0 [sflag:s8], $0x0  }
0x24: {  	s3 =	sadd.s32 $0x88, s3;
	s6 =	simm.s32 @!p1 $0x1082;
	[sflag:s4] =	ssyncset.s32 $0xFFFFF086  }
0x25: {  	[simem:s6], [sflag:s4] =	dma.local [hbm:s3], $0xF7A  }
0x26: {  	[smem:$0x3F9B] =	sst s1;
	(tag) =	ssettag s2;
	_ =	strace s9  }
0x27: {  	s1 =	sld [smem:$0x3FAB]  }
0x28: {  	s2 =	sld [smem:$0x3FAC]  }
0x29: {  	s4 =	sld [smem:$0x3FAE]  }
0x2a: {  	p0 =	seq.s32 s5, $0x0;
	s5 =	sld [smem:$0x3FAF]  }
0x2b: {  	s6 =	sld [smem:$0x3FB0]  }
0x2c: {  	s7 =	sld [smem:$0x3FB1]  }
0x2d: {  	s3 =	simm.s32 $0x108;
	s8 =	sld [smem:$0x3FB2]  }
0x2e: {  	s3 =	simm.s32 @!p0 $0x1082;
	s9 =	sld [smem:$0x3FB3]  }
0x2f: {  	lr =	sadd.s32 s0, s3;
	s0 =	sld [smem:$0x3FAA]  }
0x30: {  	s3 =	sld [smem:$0x3FAD]  }
0x31: {  	[smem:$0x3FB6] =	sst s10  }
0x32: {  	s10 =	sld [smem:$0x3FB4];
	_ =	sdelay $0x3  }
0x33: {  	p0 =	seq.s32 s10, $0x1;
	s10 =	sld [smem:$0x3FB6];
	_ =	sdelay $0x3  }
0x34: {  	[smem:$0x3FB6] =	sst s10  }
0x35: {  	s10 =	sld [smem:$0x3FB5];
	_ =	sdelay $0x3  }
0x36: {  	p1 =	seq.s32 s10, $0x1;
	s10 =	sld [smem:$0x3FB6];
	_ =	sdelay $0x3  }
0x37: {  	[smem:$0x3FB6] =	sst s10  }
0x38: {  	s10 =	sld [smem:$0x3FB7]  }
0x39: {  	_ = 	snop;
	(pc) =	sbr.ind lr, $3  }
0x3a: {  	_ = 	snop  }
0x3b: {  	_ = 	snop  }
0x3c: {  	p2 =	seq.s32 s10, $0x1;
	s10 =	sld [smem:$0x3FB6]  }
0x3d: {  	_ =	shalt  }
0x3e: {  	_ =	shalt  }
0x3f: {  	_ =	shalt  }
0x40: {  	_ =	shalt  }
0x41: {  	_ =	shalt  }
0x42: {  	_ =	shalt  }
0x43: {  	_ =	shalt  }
0x44: {  	_ =	shalt  }
0x45: {  	_ =	shalt  }
0x46: {  	_ =	shalt  }
0x47: {  	_ =	shalt  }
0x48: {  	_ =	shalt  }
0x49: {  	_ =	shalt  }
0x4a: {  	_ =	shalt  }
0x4b: {  	_ =	shalt  }
0x4c: {  	_ =	shalt  }
0x4d: {  	_ =	shalt  }
0x4e: {  	_ =	shalt  }
0x4f: {  	_ =	shalt  }
0x50: {  	_ =	shalt  }
0x51: {  	_ =	shalt  }
0x52: {  	_ =	shalt  }
0x53: {  	_ =	shalt  }
0x54: {  	_ =	shalt  }
0x55: {  	_ =	shalt  }
0x56: {  	_ =	shalt  }
0x57: {  	_ =	shalt  }
0x58: {  	_ =	shalt  }
0x59: {  	_ =	shalt  }
0x5a: {  	_ =	shalt  }
0x5b: {  	_ =	shalt  }
0x5c: {  	_ =	shalt  }
0x5d: {  	_ =	shalt  }
0x5e: {  	_ =	shalt  }
0x5f: {  	_ =	shalt  }
0x60: {  	_ =	shalt  }
0x61: {  	_ =	shalt  }
0x62: {  	_ =	shalt  }
0x63: {  	_ =	shalt  }
0x64: {  	_ =	shalt  }
0x65: {  	_ =	shalt  }
0x66: {  	_ =	shalt  }
0x67: {  	_ =	shalt  }
0x68: {  	_ =	shalt  }
0x69: {  	_ =	shalt  }
0x6a: {  	_ =	shalt  }
0x6b: {  	_ =	shalt  }
0x6c: {  	_ =	shalt  }
0x6d: {  	_ =	shalt  }
0x6e: {  	_ =	shalt  }
0x6f: {  	_ =	shalt  }
0x70: {  	_ =	shalt  }
0x71: {  	_ =	shalt  }
0x72: {  	_ =	shalt  }
0x73: {  	_ =	shalt  }
0x74: {  	_ =	shalt  }
0x75: {  	_ =	shalt  }
0x76: {  	_ =	shalt  }
0x77: {  	_ =	shalt  }
0x78: {  	_ =	shalt  }
0x79: {  	_ =	shalt  }
0x7a: {  	_ =	shalt  }
0x7b: {  	_ =	shalt  }
0x7c: {  	_ =	shalt  }
0x7d: {  	_ =	shalt  }
0x7e: {  	_ =	shalt  }
0x7f: {  	_ =	shalt  }
0x80: {  	_ =	shalt  }
0x81: {  	_ =	shalt  }
0x82: {  	_ =	shalt  }
0x83: {  	_ =	shalt  }
0x84: {  	_ =	shalt  }
0x85: {  	_ =	shalt  }
0x86: {  	_ =	shalt  }
0x87: {  	_ =	shalt  }
.Lfunc_end0:
.L_simem_size_0:
called_computation.1_lowered:
.L_overlay_start_0:
0x88: {  	s2 =	sld [smem:$0x3FD9]  }
0x89: {  	s3 =	sld [smem:$0x3FFE];
	_ =	sdelay $0x1  }
0x8a: {  	s1 =	srdreg.scid  }
0x8b: {  	s0 =	sand.u32 $0x1, s1  }
0x8c: {  	s14 =	sshll.u32 s0, $0xA;
	s2 =	sadd.s32 s3, s2  }
0x8d: {  	s2 =	sadd.s32 s2, s14  }
0x8e: {  	[smem:$0x3FC2] =	sst s2  }
0x8f: {  	_ = 	snop  }
0x90: {  	s2 =	sld [smem:$0x3FD0];
	_ =	sdelay $0x2  }
0x91: {  	s4 =	simm.s32 $0xA;
	s5 =	simm.s32 $0x10;
	s15 =	sld [smem:$0x3FC7]  }
0x92: {  	[smem:s5], [sflag:s4] =	dma.local [hbm:s2], $0x1  }
0x93: {  	_ =	swait.eq [sflag:s4], $0x1  }
0x94: {  	[sflag:s4] =	ssyncset.done $0x0  }
0x95: {  	[sflag:s4] =	ssyncadd.s32 $0xFFFFFFFF  }
0x96: {  	s16 =	sld [smem:$0x12];
	(tm) =	ssettm $0x1  }
0x97: {  	s17 =	sld [smem:$0x3FFB];
	_ =	sdelay $0x3  }
0x98: {  	_ =	strace s17  }
0x99: {  	s4 =	sld [smem:$0x3FFC];
	_ =	sdelay $0x3  }
0x9a: {  	_ =	strace s4  }
0x9b: {  	s4 =	sld [smem:$0x3FFD];
	_ =	sdelay $0x3  }
0x9c: {  	_ =	strace s4  }
0x9d: {  	_ =	strace $0x8FFFFFFF  }
0x9e: {  	s18 =	sld [smem:$0x3FDB];
	_ =	sdelay $0x1  }
0x9f: {  	s19 =	simm.s32 $_scs_section_size  }
0xa0: {  	s6 =	simm.s32 $_size__tile_overlayer_lowered;
	s7 =	simm.s32 $_tile_overlayer_lowered  }
0xa1: {  	s22 =	simm.s32 $0x1BFF;
	s21 =	sshll.u32 s7, $0x1;
	s4 =	sadd.s32 s19, s18  }
0xa2: {  	s8 =	simm.s32 $0x0;
	s20 =	sshll.u32 s6, $0x1;
	s6 =	sadd.s32 s21, s4  }
0xa3: {  	[timem:s8], [sflag:s22] =	dma.local [hbm:s6], s20  }
0xa4: {  	_ =	swait.ge [sflag:s22], s20  }
0xa5: {  	s5 =	ssub.s32 $0x0, s20;
	[sflag:s22] =	ssyncset.done $0x0  }
0xa6: {  	[sflag:s22] =	ssyncadd.s32 s5;
	_ =	sdelay $0x1  }
0xa7: {  	s23 =	simm.s32 $0x1B8B  }
0xa8: {  	_ =	swait.ge [sflag:s23], $0x1  }
0xa9: {  	[sflag:s23] =	ssyncset.done $0x0  }
0xaa: {  	s25 =	simm.s32 $0x1B8E;
	s24 =	sld [smem:$0x3FFE];
	[sflag:s23] =	ssyncadd.s32 $0xFFFFFFFF  }
0xab: {  	s26 =	simm.s32 $execute0_lowered;
	[smem:$0x3FD2] =	sst s25  }
0xac: {  	s6 =	sshll.u32 s26, $0x1;
	_ =	strace $0x80000053;
	[dreg:$0x1] =	wrdreg $0xFFFFFFFF  }
0xad: {  	s28 =	simm.s32 $_size_execute0_lowered;
	s4 =	sadd.s32 s4, s6;
	[dreg:$0x0] =	wrdreg $0x0  }
0xae: {  	s6 =	sshll.u32 s28, $0x1;
	[dreg:$0x2] =	wrdreg s4  }
0xaf: {  	[dreg:$0x3] =	wrdreg s6  }
0xb0: {  	[dreg:$0x4] =	wrdreg $0xC0  }
0xb1: {  	_ =	task [dreg:s8], $0x5FFFF  }
0xb2: {  	[dreg:$0x1] =	wrdreg $0xFFFFFFFF  }
0xb3: {  	[dreg:$0x0] =	wrdreg $0x60  }
0xb4: {  	[dreg:$0x2] =	wrdreg s15  }
0xb5: {  	[dreg:$0x3] =	wrdreg s24  }
0xb6: {  	[dreg:$0x4] =	wrdreg s16  }
0xb7: {  	[dreg:$0x5] =	wrdreg $0x9  }
0xb8: {  	_ =	task.clear_ibuf [dreg:s8], $0x6FFFF;
	_ =	strace $0x90000053  }
0xb9: {  	s29 =	simm.s32 $0x9;
	_ =	strace $0x80000055  }
0xba: {  	_ =	swait.ge [sflag:s29], $0x1  }
0xbb: {  	[sflag:s29] =	ssyncadd.s32 $0xFFFFFFFF  }
0xbc: {  	_ =	strace $0x90000055  }
0xbd: {  	_ =	sfence  }
0xbe: {  	s30 =	sld [smem:$0x0];
	_ =	sdelay $0x2  }
0xbf: {  	s31 =	sshll.u32 s1, $0xD;
	s1 =	sshrl.u32 s1, $0x2  }
0xc0: {  	s3 =	sand.u32 $0x4000, s31;
	s1 =	sadd.s32 s1, s30  }
0xc1: {  	s0 =	sor.u32 s3, s0;
	s1 =	sshll.u32 s1, $0x11  }
0xc2: {  	s0 =	sor.u32 s1, s0  }
0xc3: {  	s0 =	sadd.s32 $0x8F2B, s0  }
0xc4: {  	[sflag:s0] =	ssyncadd.remote.s32 $0x1  }
0xc5: {  	_ =	sfence.sel $0xFFFF  }
0xc6: {  	[dreg:$0x0] =	wrdreg $0xFFFFFFFF;
	(pc) =	sbr.abs _section_cstart, $3  }
0xc7: {  	[dreg:$0x1] =	wrdreg $0xFFFFFFFF  }
0xc8: {  	_ =	task.clear_ibuf [dreg:s8], $0x2FFFF;
	_ =	strace $0x9FFFFFFF  }
0xc9: {  	(tm) =	ssettm $0x7FFFFFFF  }
tec
execute0_lowered:
.L_overlay_start_1:
0x0: {  	(tag) =	ssettag $0x1  }
0x1: {  	s2 =	rddreg [dreg:$0x0]  }
0x2: {  	s1 =	srdreg.scid;
	s5 =	rddreg [dreg:$0x1]  }
0x3: {  	s0 =	stileid.u32;
	s3 =	rddreg [dreg:$0x2]  }
0x4: {  	s9 =	simm.s32 $0x1;
	s10 =	simm.s32 $0x3;
	s1 =	sshll.u32 s1, $0x6  }
0x5: {  	s13 =	simm.s32 $0x0;
	s4 =	sshll.u32 s0, $0x7;
	s6 =	sand.u32 $0x40, s1  }
0x6: {  	s12 =	simm.s32 $0x0;
	s5 =	sadd.s32 $0x41600, s5;
	s4 =	sor.u32 s4, s6  }
0x7: {  	s1 =	rddreg [dreg:$0x3];
	_ =	strace $0x80000054;
	s8 =	ssub.s32 $0x1000, s4  }
.Ltmp0:
0x8: {  	s6 =	simm.s32 $0x1;
	s7 =	sand.u32 $0x7C0, s8;
	(pc) =	sbr.rel .LBB2_1-.Ltmp0, $4  }
0x9: {  	[sflag:s6] =	ssyncpa.u1 $0x0;
	s11 =	smov.u32 s4;
	p0 =	sne.s32 s7, $0x0  }
0xa: {  	s8 =	sshrl.u32 s8, $0xB;
	s7 =	simm.s32 $0x2;
	s9 =	simm.s32 @!p0 $0x0  }
0xb: {  	[sflag:s7] =	ssyncpa.u1 $0x0;
	p0 =	por $0x0, $0x0;
	s8 =	sadd.s32 s9, s8  }
0xc: {  	vm0 =	vmmov $0xffff;
	[sflag:s10] =	ssyncpa.u1 $0x0;
	s10 =	simm.s32 $0x0;
	s9 =	sadd.s32 $0x1, s8  }
.LBB2_4:
0xd: {  	v2 =	vnsel vm1, $0x0, v2  }
0xe: {  	vm1 =	vgt.s32 v0, $0x0;
	v2 =	vmin.u32 v2, $0x3FFF  }
0xf: {  	v0 =	vnsel vm1, $0x0, v0  }
0x10: {  	v0 =	vmin.u32 v0, $0x3FFF  }
0x11: {  	[tilespmem:s15], [sflag:$0x1] =	stream.indirect_vreg.gather [hbm4b:s2+s10], $0x1, v1, vm0, $0x4038;
	[tilespmem:$0x100] =	vst v63  }
0x12: {  	(ifvalue) =	ssetifvalue $0x7FFFFFFF  }
0x13: {  	[tilespmem:s16], [sflag:$0x1] =	stream.indirect_vreg.gather [hbm4b:s2+s10], $0x1, v2, vm0, $0x4038;
	[tilespmem:$0x100] =	vst v63  }
0x14: {  	s29 =	sadd.s32 $0x10, s16;
	(ifvalue) =	ssetifvalue $0x7FFFFFFF  }
0x15: {  	[tilespmem:s29], [sflag:$0x1] =	stream.indirect_vreg.gather [hbm4b:s2+s10], $0x1, v0, vm0, $0x4038;
	[tilespmem:$0x100] =	vst v63  }
0x16: {  	_ =	swait.ge [sflag:s6], $0x40  }
0x17: {  	s30 =	sshrl.u32 s13, $0x3;
	[sflag:s6] =	ssyncset.done $0x0  }
0x18: {  	s31 =	sand.u32 $0x7, s13;
	s15 =	sadd.s32 s3, s30;
	[sflag:s6] =	ssyncadd.s32 $0xFFFFFFC0  }
0x19: {  	[hbm4b:s15+s31] =	stream.linear.scatter [tilespmem:s14], [sflag:$0x3], $0x40, $0x38;
	[tilespmem:$0x100] =	vst v63  }
.LBB2_5:
0x1a: {  	s15 =	sadd.s32 $0x800, s11  }
0x1b: {  	p2 =	sgt.s32 s15, $0xFFF  }
0x1c: {  	s15 =	smov.u32 @p2 s4;
	p2 =	sne.s32 s12, s9  }
.Ltmp1:
0x1d: {  	p1 =	slt.u32 s12, $0x2;
	(pc) =	sbr.rel @!p2 .LBB2_6-.Ltmp1, $4  }
0x1e: {  	s14 =	simm.s32 @!p1 $0x3  }
0x1f: {  	s16 =	sadd.s32 $0x1, s12;
	_ =	swait.ge @!p1 [sflag:s14], $0x40  }
0x20: {  	s13 =	smov.u32 s11;
	p0 =	por !p0, !p0;
	[sflag:s14] =	ssyncset.done @!p1 $0x0  }
0x21: {  	s12 =	smov.u32 s16;
	s11 =	smov.u32 s15;
	[sflag:s14] =	ssyncadd.s32 @!p1 $0xFFFFFFC0  }
.LBB2_1:
0x22: {  	p1 =	sge.u32 s12, s8  }
0x23: {  	s14 =	sxor.u32 @!p1 $0xFFFFFFFF, s12  }
0x24: {  	s31 =	sadd.s32 $0xFFFFFFFF, s12;
	s15 =	sshrl.u32 @!p1 s11, $0x3;
	s14 =	sshll.u32 @!p1 s14, $0x6  }
0x25: {  	s16 =	sand.u32 @!p1 $0x7, s11;
	s15 =	sadd.s32 @!p1 s5, s15;
	s14 =	sand.u32 @!p1 $0x40, s14  }
0x26: {  	[tilespmem:s14], [sflag:$0x2] =	stream.linear.gather @!p1 [hbm4b:s15+s16], $0x40, $0x38;
	[tilespmem:$0x100] =	vst v63  }
0x27: {  	p1 =	sge.u32 s31, s8  }
.Ltmp2:
0x28: {  	_ = 	snop;
	(pc) =	sbr.rel @p1 .LBB2_5-.Ltmp2, $1  }
0x29: {  	_ =	sdelay $0x3  }
0x2a: {  	s14 =	simm.s32 $0x1  }
0x2b: {  	_ =	swait.ge [sflag:s7], $0x40;
	s14 =	simm.s32 @!p0 $0x0  }
0x2c: {  	[sflag:s7] =	ssyncset.done $0x0;
	s14 =	sshll.u32 s14, $0x6  }
0x2d: {  	[sflag:s7] =	ssyncadd.s32 $0xFFFFFFC0;
	(ifvalue) =	ssetifvalue $0x7FFFFFFF;
	v0 =	vld.msk [tilespmem:s14+$0x0 ss:$0x1], $0xffff;
	_ =	sdelay $0x4  }
0x2e: {  	s15 =	sadd.s32 $0x10, s14;
	vm1 =	vgt.s32 v0, $0x0  }
0x2f: {  	v2 =	vld.msk [tilespmem:s15+$0x0 ss:$0x1], $0xffff;
	v1 =	vnsel vm1, $0x0, v0  }
0x30: {  	v1 =	vmin.u32 v1, $0x3FFF;
	_ =	sdelay $0x1  }
0x31: {  	s16 =	sshll.u32 s12, $0x6;
	s18 =	simm.s32 $0x20  }
0x32: {  	s16 =	sand.u32 $0x40, s16;
	s17 =	sadd.s32 $0x10, s15;
	s15 =	sor.u32 $0x80, s14  }
0x33: {  	s14 =	sor.u32 $0x80, s16;
	s16 =	sadd.s32 $0x10, s15;
	v0 =	vld.msk [tilespmem:s17+$0x0 ss:$0x1], $0xffff;
	vm1 =	vgt.s32 v2, $0x0;
	(ifvalue) =	ssetifvalue $0x7FFFFFFF  }
.LBB2_3:
0x34: {  	[tilespmem:s15], [sflag:$0x1] =	stream.indirect_vreg.gather [hbm4b:s2+s10], $0x1, v1, vm0, $0x4038;
	[tilespmem:$0x100] =	vst v63  }
0x35: {  	s18 =	sadd.s32 $0x10, s18  }
0x36: {  	v2 =	vnsel vm1, $0x0, v2;
	p1 =	slt.u32 s18, $0x30  }
.Ltmp3:
0x37: {  	s15 =	smov.u32 s16;
	v1 =	vmin.u32 v2, $0x3FFF;
	(pc) =	sbr.rel @p1 .LBB2_3-.Ltmp3, $3  }
0x38: {  	_ =	sdelay $0x1  }
0x39: {  	s17 =	sadd.s32 $0x10, s17  }
0x3a: {  	vm1 =	vgt.s32 v0, $0x0;
	s16 =	sadd.s32 $0x10, s16;
	v2 =	vmov v0;
	(ifvalue) =	ssetifvalue $0x7FFFFFFF;
	v0 =	vld.msk [tilespmem:s17+$0x0 ss:$0x1], $0xffff  }
.Ltmp4:
0x3b: {  	_ = 	snop;
	(pc) =	sbr.rel .LBB2_4-.Ltmp4, $1  }
0x3c: {  	_ =	sdelay $0x3  }
.LBB2_6:
0x3d: {  	_ =	sfence.sel $0x180000  }
0x3e: {  	s2 =	simm.s32 $0x2;
	[bflag:$0x0] =	sbarrier.arrive $0xFFFF  }
0x3f: {  	s30 =	simm.s32 $0x3;
	[sflag:s2] =	ssyncpa.u1 $0x1  }
0x40: {  	s31 =	simm.s32 $0x1;
	[sflag:s30] =	ssyncpa.u1 $0x1  }
0x41: {  	[sflag:s31] =	ssyncpa.u1 $0x1  }
0x42: {  	p0 =	sne.s32 s0, $0x0;
	_ =	strace $0x90000054  }
0x43: {  	s0 =	sadd.s32 @!p0 $0x100000, s1;
	[bflag:$0x2] =	sbarrier.arrive $0xFFFF  }
0x44: {  	[sflag:s0] =	ssyncadd.tile.s32 @!p0 $0x1;
	_ =	shalt  }
.Lfunc_end2:
_tile_overlayer_lowered:
.L_overlay_start_2:
0x45: {  	(tag) =	ssettag $0x2  }
0x46: {  	s0 =	rddreg [dreg:$0x0];
	s2 =	stileid.u32  }
0x47: {  	s1 =	rddreg [dreg:$0x1];
	p0 =	sne.s32 s2, $0x0  }
0x48: {  	s3 =	rddreg [dreg:$0x2];
	[bflag:$0x3] =	sbarrier.arrive $0xFFFF;
	s2 =	simm.s32 @!p0 $0x1C01  }
0x49: {  	[timem:s3], [sflag:s2] =	dma.local @!p0 [hbm:s0], s1  }
0x4a: {  	s0 =	simm.s32 @!p0 $0x1  }
0x4b: {  	_ =	swait.ge @!p0 [sflag:s0], s1  }
0x4c: {  	s1 =	ssub.s32 @!p0 $0x0, s1;
	[sflag:s0] =	ssyncset.done @!p0 $0x0  }
0x4d: {  	[sflag:s0] =	ssyncadd.s32 @!p0 s1  }
0x4e: {  	[bflag:$0x3] =	sbarrier.arrive $0xFFFF  }
0x4f: {  	_ =	shalt  }

// kernel: gather_offload_async_start
scs
__scs_entry_jumppad:
0x0: {  	(pc) =	sbr.rel $0x88, $3  }
0x1: {  	(tag) =	ssettag $0x0;
	lr =	simm.s32 $0x1  }
0x2: {  	[smem:$0x3F9B] =	sst lr;
	_ =	strace $0xD0000000  }
0x3: {  	_ = 	snop  }
0x4: {  	_ = 	snop  }
0x5: {  	_ = 	snop  }
0x6: {  	_ = 	snop  }
0x7: {  	_ = 	snop  }
__scs_overlays_trampoline_lowered:
0x8: {  	[smem:$0x3FAA] =	sst s0  }
0x9: {  	[smem:$0x3FAB] =	sst s1  }
0xa: {  	[smem:$0x3FAC] =	sst s2  }
0xb: {  	[smem:$0x3FAD] =	sst s3  }
0xc: {  	[smem:$0x3FAE] =	sst s4  }
0xd: {  	[smem:$0x3FAF] =	sst s5  }
0xe: {  	[smem:$0x3FB0] =	sst s6  }
0xf: {  	[smem:$0x3FB1] =	sst s7  }
0x10: {  	[smem:$0x3FB2] =	sst s8  }
0x11: {  	[smem:$0x3FB3] =	sst s9;
	s0 =	simm.s32 @!p0 $0x0  }
0x12: {  	s1 =	sld [smem:$0x3F99];
	s0 =	simm.s32 @p0 $0x1  }
0x13: {  	[smem:$0x3FB4] =	sst s0;
	s0 =	simm.s32 @!p1 $0x0  }
0x14: {  	s2 =	sld [smem:$0x3F98];
	s0 =	simm.s32 @p1 $0x1  }
0x15: {  	[smem:$0x3FB5] =	sst s0;
	s0 =	simm.s32 @!p2 $0x0  }
0x16: {  	s3 =	sld [smem:$0x3FDB];
	s0 =	simm.s32 @p2 $0x1  }
0x17: {  	s4 =	simm.s32 $0x1BF5;
	[smem:$0x3FB7] =	sst s0  }
0x18: {  	s0 =	sld [smem:$0x3F9A];
	_ =	swait.ge [sflag:s4], $0x0  }
0x19: {  	s7 =	sld [smem:$0x3F9B]  }
0x1a: {  	s8 =	sadd.s32 $0xFFFFE003, lr  }
0x1b: {  	s9 =	sadd.s32 $0xFFFFFEF7, lr;
	s5 =	simm.s32 $0xFFFFFFFF;
	p2 =	slt.u32 s8, $0xFFFFF086  }
0x1c: {  	p1 =	slt.u32 s9, $0xF7A;
	s5 =	simm.s32 @!p2 $0x0  }
0x1d: {  	s5 =	simm.s32 @p1 $0x1;
	p0 =	seq.s32 s7, s2  }
0x1e: {  	s7 =	smul.u32 @!p0 $0xF7A, s2;
	p2 =	seq.s32 @!p0 s5, $0x0  }
0x1f: {  	s9 =	smul.u32 $0xF7A, s1;
	s8 =	simm.s32 @!p0 $0x1BF5;
	p2 =	por !p2, p0  }
0x20: {  	[sflag:s8] =	ssyncset.s32 @!p0 $0xFFFFF086;
	s6 =	sadd.s32 @!p0 s3, s7;
	s7 =	simm.s32 @!p0 $0x108  }
0x21: {  	s3 =	sadd.s32 s3, s9;
	s6 =	sadd.s32 @!p0 $0x88, s6;
	s7 =	simm.s32 @p2 $0x1082  }
0x22: {  	[simem:s7], [sflag:s8] =	dma.local @!p0 [hbm:s6], $0xF7A  }
0x23: {  	s9 =	sor.u32 $0xD0000000, s2;
	s6 =	simm.s32 $0x108;
	_ =	swait.ge @!p0 [sflag:s8], $0x0  }
0x24: {  	s3 =	sadd.s32 $0x88, s3;
	s6 =	simm.s32 @!p1 $0x1082;
	[sflag:s4] =	ssyncset.s32 $0xFFFFF086  }
0x25: {  	[simem:s6], [sflag:s4] =	dma.local [hbm:s3], $0xF7A  }
0x26: {  	[smem:$0x3F9B] =	sst s1;
	(tag) =	ssettag s2;
	_ =	strace s9  }
0x27: {  	s1 =	sld [smem:$0x3FAB]  }
0x28: {  	s2 =	sld [smem:$0x3FAC]  }
0x29: {  	s4 =	sld [smem:$0x3FAE]  }
0x2a: {  	p0 =	seq.s32 s5, $0x0;
	s5 =	sld [smem:$0x3FAF]  }
0x2b: {  	s6 =	sld [smem:$0x3FB0]  }
0x2c: {  	s7 =	sld [smem:$0x3FB1]  }
0x2d: {  	s3 =	simm.s32 $0x108;
	s8 =	sld [smem:$0x3FB2]  }
0x2e: {  	s3 =	simm.s32 @!p0 $0x1082;
	s9 =	sld [smem:$0x3FB3]  }
0x2f: {  	lr =	sadd.s32 s0, s3;
	s0 =	sld [smem:$0x3FAA]  }
0x30: {  	s3 =	sld [smem:$0x3FAD]  }
0x31: {  	[smem:$0x3FB6] =	sst s10  }
0x32: {  	s10 =	sld [smem:$0x3FB4];
	_ =	sdelay $0x3  }
0x33: {  	p0 =	seq.s32 s10, $0x1;
	s10 =	sld [smem:$0x3FB6];
	_ =	sdelay $0x3  }
0x34: {  	[smem:$0x3FB6] =	sst s10  }
0x35: {  	s10 =	sld [smem:$0x3FB5];
	_ =	sdelay $0x3  }
0x36: {  	p1 =	seq.s32 s10, $0x1;
	s10 =	sld [smem:$0x3FB6];
	_ =	sdelay $0x3  }
0x37: {  	[smem:$0x3FB6] =	sst s10  }
0x38: {  	s10 =	sld [smem:$0x3FB7]  }
0x39: {  	_ = 	snop;
	(pc) =	sbr.ind lr, $3  }
0x3a: {  	_ = 	snop  }
0x3b: {  	_ = 	snop  }
0x3c: {  	p2 =	seq.s32 s10, $0x1;
	s10 =	sld [smem:$0x3FB6]  }
0x3d: {  	_ =	shalt  }
0x3e: {  	_ =	shalt  }
0x3f: {  	_ =	shalt  }
0x40: {  	_ =	shalt  }
0x41: {  	_ =	shalt  }
0x42: {  	_ =	shalt  }
0x43: {  	_ =	shalt  }
0x44: {  	_ =	shalt  }
0x45: {  	_ =	shalt  }
0x46: {  	_ =	shalt  }
0x47: {  	_ =	shalt  }
0x48: {  	_ =	shalt  }
0x49: {  	_ =	shalt  }
0x4a: {  	_ =	shalt  }
0x4b: {  	_ =	shalt  }
0x4c: {  	_ =	shalt  }
0x4d: {  	_ =	shalt  }
0x4e: {  	_ =	shalt  }
0x4f: {  	_ =	shalt  }
0x50: {  	_ =	shalt  }
0x51: {  	_ =	shalt  }
0x52: {  	_ =	shalt  }
0x53: {  	_ =	shalt  }
0x54: {  	_ =	shalt  }
0x55: {  	_ =	shalt  }
0x56: {  	_ =	shalt  }
0x57: {  	_ =	shalt  }
0x58: {  	_ =	shalt  }
0x59: {  	_ =	shalt  }
0x5a: {  	_ =	shalt  }
0x5b: {  	_ =	shalt  }
0x5c: {  	_ =	shalt  }
0x5d: {  	_ =	shalt  }
0x5e: {  	_ =	shalt  }
0x5f: {  	_ =	shalt  }
0x60: {  	_ =	shalt  }
0x61: {  	_ =	shalt  }
0x62: {  	_ =	shalt  }
0x63: {  	_ =	shalt  }
0x64: {  	_ =	shalt  }
0x65: {  	_ =	shalt  }
0x66: {  	_ =	shalt  }
0x67: {  	_ =	shalt  }
0x68: {  	_ =	shalt  }
0x69: {  	_ =	shalt  }
0x6a: {  	_ =	shalt  }
0x6b: {  	_ =	shalt  }
0x6c: {  	_ =	shalt  }
0x6d: {  	_ =	shalt  }
0x6e: {  	_ =	shalt  }
0x6f: {  	_ =	shalt  }
0x70: {  	_ =	shalt  }
0x71: {  	_ =	shalt  }
0x72: {  	_ =	shalt  }
0x73: {  	_ =	shalt  }
0x74: {  	_ =	shalt  }
0x75: {  	_ =	shalt  }
0x76: {  	_ =	shalt  }
0x77: {  	_ =	shalt  }
0x78: {  	_ =	shalt  }
0x79: {  	_ =	shalt  }
0x7a: {  	_ =	shalt  }
0x7b: {  	_ =	shalt  }
0x7c: {  	_ =	shalt  }
0x7d: {  	_ =	shalt  }
0x7e: {  	_ =	shalt  }
0x7f: {  	_ =	shalt  }
0x80: {  	_ =	shalt  }
0x81: {  	_ =	shalt  }
0x82: {  	_ =	shalt  }
0x83: {  	_ =	shalt  }
0x84: {  	_ =	shalt  }
0x85: {  	_ =	shalt  }
0x86: {  	_ =	shalt  }
0x87: {  	_ =	shalt  }
.Lfunc_end0:
.L_simem_size_0:
called_computation_lowered:
.L_overlay_start_0:
0x88: {  	s2 =	sld [smem:$0x3FD9]  }
0x89: {  	s3 =	sld [smem:$0x3FFE];
	_ =	sdelay $0x1  }
0x8a: {  	s1 =	srdreg.scid  }
0x8b: {  	s0 =	sand.u32 $0x1, s1  }
0x8c: {  	s14 =	sshll.u32 s0, $0xA;
	s2 =	sadd.s32 s3, s2  }
0x8d: {  	s2 =	sadd.s32 s2, s14  }
0x8e: {  	[smem:$0x3FC2] =	sst s2  }
0x8f: {  	_ = 	snop  }
0x90: {  	s2 =	sld [smem:$0x3FD0];
	_ =	sdelay $0x2  }
0x91: {  	s15 =	simm.s32 $0xA;
	s4 =	simm.s32 $0x10  }
0x92: {  	[smem:s4], [sflag:s15] =	dma.local [hbm:s2], $0x1  }
0x93: {  	_ =	swait.eq [sflag:s15], $0x1  }
0x94: {  	[sflag:s15] =	ssyncset.done $0x0  }
0x95: {  	[sflag:s15] =	ssyncadd.s32 $0xFFFFFFFF  }
0x96: {  	s16 =	sld [smem:$0x10];
	(tm) =	ssettm $0x1  }
0x97: {  	s17 =	sld [smem:$0x3FFB];
	_ =	sdelay $0x3  }
0x98: {  	_ =	strace s17  }
0x99: {  	s3 =	sld [smem:$0x3FFC];
	_ =	sdelay $0x3  }
0x9a: {  	_ =	strace s3  }
0x9b: {  	s3 =	sld [smem:$0x3FFD];
	_ =	sdelay $0x3  }
0x9c: {  	_ =	strace s3  }
0x9d: {  	_ =	strace $0x8FFFFFFF  }
0x9e: {  	s18 =	sld [smem:$0x3FDB];
	_ =	sdelay $0x1  }
0x9f: {  	s19 =	simm.s32 $_scs_section_size  }
0xa0: {  	s5 =	simm.s32 $_size__tile_overlayer_lowered;
	s6 =	simm.s32 $_tile_overlayer_lowered  }
0xa1: {  	s22 =	simm.s32 $0x1BFF;
	s21 =	sshll.u32 s6, $0x1;
	s3 =	sadd.s32 s19, s18  }
0xa2: {  	s7 =	simm.s32 $0x0;
	s20 =	sshll.u32 s5, $0x1;
	s5 =	sadd.s32 s21, s3  }
0xa3: {  	[timem:s7], [sflag:s22] =	dma.local [hbm:s5], s20  }
0xa4: {  	_ =	swait.ge [sflag:s22], s20  }
0xa5: {  	s4 =	ssub.s32 $0x0, s20;
	[sflag:s22] =	ssyncset.done $0x0  }
0xa6: {  	[sflag:s22] =	ssyncadd.s32 s4;
	_ =	sdelay $0x1  }
0xa7: {  	s23 =	simm.s32 $0x1B8B  }
0xa8: {  	_ =	swait.ge [sflag:s23], $0x1  }
0xa9: {  	[sflag:s23] =	ssyncset.done $0x0  }
0xaa: {  	s25 =	simm.s32 $0x1B8E;
	s24 =	sld [smem:$0x3FFE];
	[sflag:s23] =	ssyncadd.s32 $0xFFFFFFFF  }
0xab: {  	s26 =	simm.s32 $execute0_lowered;
	[smem:$0x3FD2] =	sst s25  }
0xac: {  	s5 =	sshll.u32 s26, $0x1;
	_ =	strace $0x80000046;
	[dreg:$0x1] =	wrdreg $0xFFFFFFFF  }
0xad: {  	s28 =	simm.s32 $_size_execute0_lowered;
	s3 =	sadd.s32 s3, s5;
	[dreg:$0x0] =	wrdreg $0x0  }
0xae: {  	s5 =	sshll.u32 s28, $0x1;
	[dreg:$0x2] =	wrdreg s3  }
0xaf: {  	[dreg:$0x3] =	wrdreg s5  }
0xb0: {  	[dreg:$0x4] =	wrdreg $0xC0  }
0xb1: {  	_ =	task [dreg:s7], $0x5FFFF  }
0xb2: {  	[dreg:$0x1] =	wrdreg $0xFFFFFFFF  }
0xb3: {  	[dreg:$0x0] =	wrdreg $0x60  }
0xb4: {  	[dreg:$0x2] =	wrdreg s24  }
0xb5: {  	[dreg:$0x3] =	wrdreg s16  }
0xb6: {  	[dreg:$0x4] =	wrdreg $0x9  }
0xb7: {  	_ =	task.clear_ibuf [dreg:s7], $0x5FFFF;
	_ =	strace $0x90000046  }
0xb8: {  	s29 =	simm.s32 $0x9;
	_ =	strace $0x80000048  }
0xb9: {  	_ =	swait.ge [sflag:s29], $0x1  }
0xba: {  	[sflag:s29] =	ssyncadd.s32 $0xFFFFFFFF  }
0xbb: {  	_ =	strace $0x90000048  }
0xbc: {  	_ =	sfence  }
0xbd: {  	s30 =	sld [smem:$0x0];
	_ =	sdelay $0x2  }
0xbe: {  	s31 =	sshll.u32 s1, $0xD;
	s1 =	sshrl.u32 s1, $0x2  }
0xbf: {  	s3 =	sand.u32 $0x4000, s31;
	s1 =	sadd.s32 s1, s30  }
0xc0: {  	s0 =	sor.u32 s3, s0;
	s1 =	sshll.u32 s1, $0x11  }
0xc1: {  	s0 =	sor.u32 s1, s0  }
0xc2: {  	s0 =	sadd.s32 $0x8F2B, s0  }
0xc3: {  	[sflag:s0] =	ssyncadd.remote.s32 $0x1  }
0xc4: {  	_ =	sfence.sel $0xFFFF  }
0xc5: {  	[dreg:$0x0] =	wrdreg $0xFFFFFFFF;
	(pc) =	sbr.abs _section_cstart, $3  }
0xc6: {  	[dreg:$0x1] =	wrdreg $0xFFFFFFFF  }
0xc7: {  	_ =	task.clear_ibuf [dreg:s7], $0x2FFFF;
	_ =	strace $0x9FFFFFFF  }
0xc8: {  	(tm) =	ssettm $0x7FFFFFFF  }
0xc9: {  	_ =	shalt  }
tec
execute0_lowered:
.L_overlay_start_1:
0x0: {  	(tag) =	ssettag $0x1  }
0x1: {  	s7 =	rddreg [dreg:$0x0]  }
0x2: {  	s2 =	rddreg [dreg:$0x1]  }
0x3: {  	s0 =	rddreg [dreg:$0x2]  }
0x4: {  	s1 =	srdreg.scid;
	_ =	strace $0x80000047;
	s4 =	simm.s32 $0x1  }
0x5: {  	s9 =	simm.s32 $0x3;
	s12 =	simm.s32 $0x0;
	s5 =	sshll.u32 s1, $0x4  }
.Ltmp0:
0x6: {  	s1 =	stileid.u32;
	s5 =	sand.u32 $0x10, s5;
	(pc) =	sbr.rel .LBB2_1-.Ltmp0, $4  }
0x7: {  	s10 =	simm.s32 $0x0;
	s3 =	sadd.s32 $0x1600, s7;
	s6 =	sor.u32 s1, s5  }
0x8: {  	[sflag:s4] =	ssyncpa.u1 $0x0;
	s5 =	simm.s32 $0x2;
	s6 =	sshll.u32 s6, $0x7  }
0x9: {  	s7 =	sadd.s32 $0x41600, s7;
	[sflag:s5] =	ssyncpa.u1 $0x0;
	s8 =	sadd.s32 $0x80, s6  }
0xa: {  	vm0 =	vmmov $0xff;
	vm1 =	vcmask $0x3F20;
	[sflag:s9] =	ssyncpa.u1 $0x0;
	s9 =	simm.s32 $0x80;
	s11 =	smov.u32 s6  }
.LBB2_9:
0xb: {  	p0 =	seq.s32 s10, $0x2  }
.Ltmp1:
0xc: {  	_ = 	snop;
	(pc) =	sbr.rel @p0 .LBB2_11-.Ltmp1, $1  }
0xd: {  	_ =	sdelay $0x3  }
.LBB2_10:
0xe: {  	s12 =	sadd.s32 $0x80, s11  }
0xf: {  	s13 =	smov.u32 s6;
	p0 =	slt.s32 s12, s8  }
0x10: {  	s13 =	smov.u32 @p0 s12  }
0x11: {  	s10 =	sadd.s32 $0x1, s10;
	s12 =	smov.u32 s11;
	s11 =	smov.u32 s13  }
.LBB2_1:
0x12: {  	p0 =	sne.s32 s10, $0x0  }
.Ltmp2:
0x13: {  	_ = 	snop;
	(pc) =	sbr.rel @!p0 .LBB2_2-.Ltmp2, $1  }
0x14: {  	_ =	sdelay $0x3  }
0x15: {  	s13 =	sand.u32 $0x1, s10  }
0x16: {  	p0 =	seq.s32 s13, $0x0  }
.Ltmp3:
0x17: {  	_ = 	snop;
	(pc) =	sbr.rel @p0 .LBB2_9-.Ltmp3, $1  }
0x18: {  	_ =	sdelay $0x3  }
0x19: {  	_ =	swait.ge [sflag:s5], $0x80  }
0x1a: {  	[sflag:s5] =	ssyncset.done $0x0  }
0x1b: {  	s13 =	simm.s32 $0x0;
	[sflag:s5] =	ssyncadd.s32 $0xFFFFFF80  }
0x1c: {  	v0 =	vld.msk [tilespmem:s13+$0x80 ss:$0x1], $0xffff;
	_ =	sdelay $0x4  }
0x1d: {  	vm2 =	vgt.s32 v0, $0x0  }
0x1e: {  	v0 =	vnsel vm2, $0x0, v0  }
0x1f: {  	v0 =	vmin.u32 v0, $0x3FFF  }
0x20: {  	v0 =	vshll.u32 v0, $0x4;
	_ =	sdelay $0x3  }
0x21: {  	s13 =	simm.s32 $0x4100  }
0x22: {  	[tilespmem:s13], [sflag:$0x1] =	stream.indirect_vreg.gather [hbm:s3], $0x80, v0, vm0, $0x38;
	[tilespmem:$0x8100] =	vst v63  }
0x23: {  	s14 =	simm.s32 $0x4500;
	s31 =	simm.s32 $0x10  }
0x24: {  	[tilespmem:s14], [sflag:$0x1] =	stream.indirect_vreg.gather [hbm:s3], $0x80, v0, vm1, $0x38;
	[tilespmem:$0x8100] =	vst v63  }
0x25: {  	s14 =	simm.s32 $0x80;
	v0 =	vld.msk [tilespmem:s31+$0x80 ss:$0x1], $0xffff  }
.LBB2_5:
0x26: {  	p0 =	sne.s32 s14, $0x1C0;
	_ =	sdelay $0x4  }
0x27: {  	vm2 =	vgt.s32 v0, $0x0  }
0x28: {  	v0 =	vnsel vm2, $0x0, v0  }
0x29: {  	v0 =	vmin.u32 v0, $0x3FFF  }
0x2a: {  	v0 =	vshll.u32 v0, $0x4;
	_ =	sdelay $0x3  }
.Ltmp4:
0x2b: {  	s13 =	sadd.s32 $0x800, s13;
	(pc) =	sbr.rel @p0 .LBB2_5-.Ltmp4, $4  }
0x2c: {  	[tilespmem:s13], [sflag:$0x1] =	stream.indirect_vreg.gather [hbm:s3], $0x80, v0, vm0, $0x38;
	[tilespmem:$0x8100] =	vst v63  }
0x2d: {  	s15 =	sshra.s32 s14, $0x2;
	s16 =	sadd.s32 $0x400, s13  }
0x2e: {  	[tilespmem:s16], [sflag:$0x1] =	stream.indirect_vreg.gather [hbm:s3], $0x80, v0, vm1, $0x38;
	[tilespmem:$0x8100] =	vst v63  }
0x2f: {  	s14 =	sadd.s32 $0x40, s14;
	v0 =	vld.msk [tilespmem:s15+$0x80 ss:$0x1], $0xffff  }
0x30: {  	_ =	sdelay $0x3  }
0x31: {  	vm2 =	vgt.s32 v0, $0x0  }
0x32: {  	v0 =	vnsel vm2, $0x0, v0  }
0x33: {  	v0 =	vmin.u32 v0, $0x3FFF  }
0x34: {  	v0 =	vshll.u32 v0, $0x4;
	_ =	sdelay $0x3  }
0x35: {  	s13 =	sadd.s32 $0x800, s13  }
0x36: {  	[tilespmem:s13], [sflag:$0x1] =	stream.indirect_vreg.gather [hbm:s3], $0x80, v0, vm0, $0x38;
	[tilespmem:$0x8100] =	vst v63  }
0x37: {  	s13 =	sadd.s32 $0x400, s13  }
0x38: {  	[tilespmem:s13], [sflag:$0x1] =	stream.indirect_vreg.gather [hbm:s3], $0x80, v0, vm1, $0x38;
	[tilespmem:$0x8100] =	vst v63  }
0x39: {  	s12 =	sshll.u32 s12, $0x4;
	s14 =	simm.s32 $0x80;
	_ =	swait.ge [sflag:s4], $0x4000  }
0x3a: {  	s15 =	simm.s32 $0x4500;
	s12 =	sadd.s32 s12, s2;
	[sflag:s4] =	ssyncset.done $0x0  }
0x3b: {  	s16 =	sadd.s32 $0x0, s12;
	s13 =	simm.s32 $0x4100;
	[sflag:s4] =	ssyncadd.s32 $0xFFFFC000  }
.LBB2_7:
0x3c: {  	[hbm:s16] =	stream.linear.scatter [tilespmem:s13], [sflag:$0x3], $0x400, $0x38;
	[tilespmem:$0x8100] =	vst v63  }
0x3d: {  	s16 =	smov.u32 s14;
	s13 =	smov.u32 s15;
	p0 =	sne.s32 s14, $0x780  }
.Ltmp5:
0x3e: {  	s14 =	sadd.s32 $0x80, s14;
	(pc) =	sbr.rel @p0 .LBB2_7-.Ltmp5, $2  }
0x3f: {  	_ =	sdelay $0x2  }
0x40: {  	s15 =	sadd.s32 $0x400, s15;
	s16 =	sadd.s32 s16, s12  }
.Ltmp6:
0x41: {  	(pc) =	sbr.rel .LBB2_9-.Ltmp6, $2  }
0x42: {  	_ =	sdelay $0x2  }
0x43: {  	[hbm:s16] =	stream.linear.scatter [tilespmem:s13], [sflag:$0x3], $0x400, $0x38;
	[tilespmem:$0x8100] =	vst v63  }
.LBB2_2:
.Ltmp7:
0x44: {  	(pc) =	sbr.rel .LBB2_10-.Ltmp7, $4  }
0x45: {  	_ = 	snop  }
0x46: {  	s12 =	sshrl.u32 s11, $0x3  }
0x47: {  	s13 =	sand.u32 $0x7, s11;
	s12 =	sadd.s32 s7, s12  }
0x48: {  	[tilespmem:s9], [sflag:$0x2] =	stream.linear.gather [hbm4b:s12+s13], $0x80, $0x38;
	[tilespmem:$0x8100] =	vst v63  }
.LBB2_11:
0x49: {  	s2 =	simm.s32 $0x3  }
0x4a: {  	_ =	swait.ge [sflag:s2], $0x4000  }
0x4b: {  	[sflag:s2] =	ssyncset.done $0x0  }
0x4c: {  	[sflag:s2] =	ssyncadd.s32 $0xFFFFC000  }
0x4d: {  	_ =	sfence.sel $0x180000  }
0x4e: {  	s3 =	simm.s32 $0x2;
	[bflag:$0x0] =	sbarrier.arrive $0xFFFF  }
0x4f: {  	[sflag:s3] =	ssyncpa.u1 $0x1  }
0x50: {  	s31 =	simm.s32 $0x1;
	[sflag:s2] =	ssyncpa.u1 $0x1  }
0x51: {  	[sflag:s31] =	ssyncpa.u1 $0x1  }
0x52: {  	p0 =	sne.s32 s1, $0x0;
	_ =	strace $0x90000047  }
0x53: {  	s0 =	sadd.s32 @!p0 $0x100000, s0;
	[bflag:$0x2] =	sbarrier.arrive $0xFFFF  }
0x54: {  	[sflag:s0] =	ssyncadd.tile.s32 @!p0 $0x1;
	_ =	shalt  }
.Lfunc_end2:
_tile_overlayer_lowered:
.L_overlay_start_2:
0x55: {  	(tag) =	ssettag $0x2  }
0x56: {  	s0 =	rddreg [dreg:$0x0];
	s2 =	stileid.u32  }
0x57: {  	s1 =	rddreg [dreg:$0x1];
	p0 =	sne.s32 s2, $0x0  }
0x58: {  	s3 =	rddreg [dreg:$0x2];
	[bflag:$0x3] =	sbarrier.arrive $0xFFFF;
	s2 =	simm.s32 @!p0 $0x1C01  }
0x59: {  	[timem:s3], [sflag:s2] =	dma.local @!p0 [hbm:s0], s1  }
0x5a: {  	s0 =	simm.s32 @!p0 $0x1  }
0x5b: {  	_ =	swait.ge @!p0 [sflag:s0], s1  }
0x5c: {  	s1 =	ssub.s32 @!p0 $0x0, s1;
	[sflag:s0] =	ssyncset.done @!p0 $0x0  }
0x5d: {  	[sflag:s0] =	ssyncadd.s32 @!p0 s1  }
0x5e: {  	[bflag:$0x3] =	sbarrier.arrive $0xFFFF  }
0x5f: {  	_ =	shalt  }

// kernel: kernel.8.cloned.1.call-start
scs
__scs_entry_jumppad:
0x0: {  	(pc) =	sbr.rel $0x88, $3  }
0x1: {  	(tag) =	ssettag $0x0;
	lr =	simm.s32 $0x1  }
0x2: {  	[smem:$0x3F9B] =	sst lr;
	_ =	strace $0xD0000000  }
0x3: {  	_ = 	snop  }
0x4: {  	_ = 	snop  }
0x5: {  	_ = 	snop  }
0x6: {  	_ = 	snop  }
0x7: {  	_ = 	snop  }
__scs_overlays_trampoline_lowered:
0x8: {  	[smem:$0x3FAA] =	sst s0  }
0x9: {  	[smem:$0x3FAB] =	sst s1  }
0xa: {  	[smem:$0x3FAC] =	sst s2  }
0xb: {  	[smem:$0x3FAD] =	sst s3  }
0xc: {  	[smem:$0x3FAE] =	sst s4  }
0xd: {  	[smem:$0x3FAF] =	sst s5  }
0xe: {  	[smem:$0x3FB0] =	sst s6  }
0xf: {  	[smem:$0x3FB1] =	sst s7  }
0x10: {  	[smem:$0x3FB2] =	sst s8  }
0x11: {  	[smem:$0x3FB3] =	sst s9;
	s0 =	simm.s32 @!p0 $0x0  }
0x12: {  	s1 =	sld [smem:$0x3F99];
	s0 =	simm.s32 @p0 $0x1  }
0x13: {  	[smem:$0x3FB4] =	sst s0;
	s0 =	simm.s32 @!p1 $0x0  }
0x14: {  	s2 =	sld [smem:$0x3F98];
	s0 =	simm.s32 @p1 $0x1  }
0x15: {  	[smem:$0x3FB5] =	sst s0;
	s0 =	simm.s32 @!p2 $0x0  }
0x16: {  	s3 =	sld [smem:$0x3FDB];
	s0 =	simm.s32 @p2 $0x1  }
0x17: {  	s4 =	simm.s32 $0x1BF5;
	[smem:$0x3FB7] =	sst s0  }
0x18: {  	s0 =	sld [smem:$0x3F9A];
	_ =	swait.ge [sflag:s4], $0x0  }
0x19: {  	s7 =	sld [smem:$0x3F9B]  }
0x1a: {  	s8 =	sadd.s32 $0xFFFFE003, lr  }
0x1b: {  	s9 =	sadd.s32 $0xFFFFFEF7, lr;
	s5 =	simm.s32 $0xFFFFFFFF;
	p2 =	slt.u32 s8, $0xFFFFF086  }
0x1c: {  	p1 =	slt.u32 s9, $0xF7A;
	s5 =	simm.s32 @!p2 $0x0  }
0x1d: {  	s5 =	simm.s32 @p1 $0x1;
	p0 =	seq.s32 s7, s2  }
0x1e: {  	s7 =	smul.u32 @!p0 $0xF7A, s2;
	p2 =	seq.s32 @!p0 s5, $0x0  }
0x1f: {  	s9 =	smul.u32 $0xF7A, s1;
	s8 =	simm.s32 @!p0 $0x1BF5;
	p2 =	por !p2, p0  }
0x20: {  	[sflag:s8] =	ssyncset.s32 @!p0 $0xFFFFF086;
	s6 =	sadd.s32 @!p0 s3, s7;
	s7 =	simm.s32 @!p0 $0x108  }
0x21: {  	s3 =	sadd.s32 s3, s9;
	s6 =	sadd.s32 @!p0 $0x88, s6;
	s7 =	simm.s32 @p2 $0x1082  }
0x22: {  	[simem:s7], [sflag:s8] =	dma.local @!p0 [hbm:s6], $0xF7A  }
0x23: {  	s9 =	sor.u32 $0xD0000000, s2;
	s6 =	simm.s32 $0x108;
	_ =	swait.ge @!p0 [sflag:s8], $0x0  }
0x24: {  	s3 =	sadd.s32 $0x88, s3;
	s6 =	simm.s32 @!p1 $0x1082;
	[sflag:s4] =	ssyncset.s32 $0xFFFFF086  }
0x25: {  	[simem:s6], [sflag:s4] =	dma.local [hbm:s3], $0xF7A  }
0x26: {  	[smem:$0x3F9B] =	sst s1;
	(tag) =	ssettag s2;
	_ =	strace s9  }
0x27: {  	s1 =	sld [smem:$0x3FAB]  }
0x28: {  	s2 =	sld [smem:$0x3FAC]  }
0x29: {  	s4 =	sld [smem:$0x3FAE]  }
0x2a: {  	p0 =	seq.s32 s5, $0x0;
	s5 =	sld [smem:$0x3FAF]  }
0x2b: {  	s6 =	sld [smem:$0x3FB0]  }
0x2c: {  	s7 =	sld [smem:$0x3FB1]  }
0x2d: {  	s3 =	simm.s32 $0x108;
	s8 =	sld [smem:$0x3FB2]  }
0x2e: {  	s3 =	simm.s32 @!p0 $0x1082;
	s9 =	sld [smem:$0x3FB3]  }
0x2f: {  	lr =	sadd.s32 s0, s3;
	s0 =	sld [smem:$0x3FAA]  }
0x30: {  	s3 =	sld [smem:$0x3FAD]  }
0x31: {  	[smem:$0x3FB6] =	sst s10  }
0x32: {  	s10 =	sld [smem:$0x3FB4];
	_ =	sdelay $0x3  }
0x33: {  	p0 =	seq.s32 s10, $0x1;
	s10 =	sld [smem:$0x3FB6];
	_ =	sdelay $0x3  }
0x34: {  	[smem:$0x3FB6] =	sst s10  }
0x35: {  	s10 =	sld [smem:$0x3FB5];
	_ =	sdelay $0x3  }
0x36: {  	p1 =	seq.s32 s10, $0x1;
	s10 =	sld [smem:$0x3FB6];
	_ =	sdelay $0x3  }
0x37: {  	[smem:$0x3FB6] =	sst s10  }
0x38: {  	s10 =	sld [smem:$0x3FB7]  }
0x39: {  	_ = 	snop;
	(pc) =	sbr.ind lr, $3  }
0x3a: {  	_ = 	snop  }
0x3b: {  	_ = 	snop  }
0x3c: {  	p2 =	seq.s32 s10, $0x1;
	s10 =	sld [smem:$0x3FB6]  }
0x3d: {  	_ =	shalt  }
0x3e: {  	_ =	shalt  }
0x3f: {  	_ =	shalt  }
0x40: {  	_ =	shalt  }
0x41: {  	_ =	shalt  }
0x42: {  	_ =	shalt  }
0x43: {  	_ =	shalt  }
0x44: {  	_ =	shalt  }
0x45: {  	_ =	shalt  }
0x46: {  	_ =	shalt  }
0x47: {  	_ =	shalt  }
0x48: {  	_ =	shalt  }
0x49: {  	_ =	shalt  }
0x4a: {  	_ =	shalt  }
0x4b: {  	_ =	shalt  }
0x4c: {  	_ =	shalt  }
0x4d: {  	_ =	shalt  }
0x4e: {  	_ =	shalt  }
0x4f: {  	_ =	shalt  }
0x50: {  	_ =	shalt  }
0x51: {  	_ =	shalt  }
0x52: {  	_ =	shalt  }
0x53: {  	_ =	shalt  }
0x54: {  	_ =	shalt  }
0x55: {  	_ =	shalt  }
0x56: {  	_ =	shalt  }
0x57: {  	_ =	shalt  }
0x58: {  	_ =	shalt  }
0x59: {  	_ =	shalt  }
0x5a: {  	_ =	shalt  }
0x5b: {  	_ =	shalt  }
0x5c: {  	_ =	shalt  }
0x5d: {  	_ =	shalt  }
0x5e: {  	_ =	shalt  }
0x5f: {  	_ =	shalt  }
0x60: {  	_ =	shalt  }
0x61: {  	_ =	shalt  }
0x62: {  	_ =	shalt  }
0x63: {  	_ =	shalt  }
0x64: {  	_ =	shalt  }
0x65: {  	_ =	shalt  }
0x66: {  	_ =	shalt  }
0x67: {  	_ =	shalt  }
0x68: {  	_ =	shalt  }
0x69: {  	_ =	shalt  }
0x6a: {  	_ =	shalt  }
0x6b: {  	_ =	shalt  }
0x6c: {  	_ =	shalt  }
0x6d: {  	_ =	shalt  }
0x6e: {  	_ =	shalt  }
0x6f: {  	_ =	shalt  }
0x70: {  	_ =	shalt  }
0x71: {  	_ =	shalt  }
0x72: {  	_ =	shalt  }
0x73: {  	_ =	shalt  }
0x74: {  	_ =	shalt  }
0x75: {  	_ =	shalt  }
0x76: {  	_ =	shalt  }
0x77: {  	_ =	shalt  }
0x78: {  	_ =	shalt  }
0x79: {  	_ =	shalt  }
0x7a: {  	_ =	shalt  }
0x7b: {  	_ =	shalt  }
0x7c: {  	_ =	shalt  }
0x7d: {  	_ =	shalt  }
0x7e: {  	_ =	shalt  }
0x7f: {  	_ =	shalt  }
0x80: {  	_ =	shalt  }
0x81: {  	_ =	shalt  }
0x82: {  	_ =	shalt  }
0x83: {  	_ =	shalt  }
0x84: {  	_ =	shalt  }
0x85: {  	_ =	shalt  }
0x86: {  	_ =	shalt  }
0x87: {  	_ =	shalt  }
.Lfunc_end0:
.L_simem_size_0:
called_computation.2_lowered:
.L_overlay_start_0:
0x88: {  	s2 =	sld [smem:$0x3FD9]  }
0x89: {  	s3 =	sld [smem:$0x3FFE];
	_ =	sdelay $0x1  }
0x8a: {  	s1 =	srdreg.scid  }
0x8b: {  	s0 =	sand.u32 $0x1, s1  }
0x8c: {  	s14 =	sshll.u32 s0, $0xA;
	s2 =	sadd.s32 s3, s2  }
0x8d: {  	s2 =	sadd.s32 s2, s14  }
0x8e: {  	[smem:$0x3FC2] =	sst s2  }
0x8f: {  	_ = 	snop  }
0x90: {  	s2 =	sld [smem:$0x3FD0];
	_ =	sdelay $0x2  }
0x91: {  	s15 =	simm.s32 $0xA;
	s4 =	simm.s32 $0x10  }
0x92: {  	[smem:s4], [sflag:s15] =	dma.local [hbm:s2], $0x1  }
0x93: {  	_ =	swait.eq [sflag:s15], $0x1  }
0x94: {  	[sflag:s15] =	ssyncset.done $0x0  }
0x95: {  	[sflag:s15] =	ssyncadd.s32 $0xFFFFFFFF  }
0x96: {  	s16 =	sld [smem:$0x10];
	(tm) =	ssettm $0x1  }
0x97: {  	s17 =	sld [smem:$0x3FFB];
	_ =	sdelay $0x3  }
0x98: {  	_ =	strace s17  }
0x99: {  	s3 =	sld [smem:$0x3FFC];
	_ =	sdelay $0x3  }
0x9a: {  	_ =	strace s3  }
0x9b: {  	s3 =	sld [smem:$0x3FFD];
	_ =	sdelay $0x3  }
0x9c: {  	_ =	strace s3  }
0x9d: {  	_ =	strace $0x8FFFFFFF  }
0x9e: {  	s18 =	sld [smem:$0x3FDB];
	_ =	sdelay $0x1  }
0x9f: {  	s19 =	simm.s32 $_scs_section_size  }
0xa0: {  	s5 =	simm.s32 $_size__tile_overlayer_lowered;
	s6 =	simm.s32 $_tile_overlayer_lowered  }
0xa1: {  	s22 =	simm.s32 $0x1BFF;
	s21 =	sshll.u32 s6, $0x1;
	s3 =	sadd.s32 s19, s18  }
0xa2: {  	s7 =	simm.s32 $0x0;
	s20 =	sshll.u32 s5, $0x1;
	s5 =	sadd.s32 s21, s3  }
0xa3: {  	[timem:s7], [sflag:s22] =	dma.local [hbm:s5], s20  }
0xa4: {  	_ =	swait.ge [sflag:s22], s20  }
0xa5: {  	s4 =	ssub.s32 $0x0, s20;
	[sflag:s22] =	ssyncset.done $0x0  }
0xa6: {  	[sflag:s22] =	ssyncadd.s32 s4;
	_ =	sdelay $0x1  }
0xa7: {  	s23 =	simm.s32 $0x1B8B  }
0xa8: {  	_ =	swait.ge [sflag:s23], $0x1  }
0xa9: {  	[sflag:s23] =	ssyncset.done $0x0  }
0xaa: {  	s25 =	simm.s32 $0x1B8E;
	s24 =	sld [smem:$0x3FFE];
	[sflag:s23] =	ssyncadd.s32 $0xFFFFFFFF  }
0xab: {  	s26 =	simm.s32 $execute0_lowered;
	[smem:$0x3FD2] =	sst s25  }
0xac: {  	s5 =	sshll.u32 s26, $0x1;
	_ =	strace $0x80000049;
	[dreg:$0x1] =	wrdreg $0xFFFFFFFF  }
0xad: {  	s28 =	simm.s32 $_size_execute0_lowered;
	s3 =	sadd.s32 s3, s5;
	[dreg:$0x0] =	wrdreg $0x0  }
0xae: {  	s5 =	sshll.u32 s28, $0x1;
	[dreg:$0x2] =	wrdreg s3  }
0xaf: {  	[dreg:$0x3] =	wrdreg s5  }
0xb0: {  	[dreg:$0x4] =	wrdreg $0xC0  }
0xb1: {  	_ =	task [dreg:s7], $0x5FFFF  }
0xb2: {  	[dreg:$0x1] =	wrdreg $0xFFFFFFFF  }
0xb3: {  	[dreg:$0x0] =	wrdreg $0x60  }
0xb4: {  	[dreg:$0x2] =	wrdreg s24  }
0xb5: {  	[dreg:$0x3] =	wrdreg s16  }
0xb6: {  	[dreg:$0x4] =	wrdreg $0x9  }
0xb7: {  	_ =	task.clear_ibuf [dreg:s7], $0x5FFFF;
	_ =	strace $0x90000049  }
0xb8: {  	s29 =	simm.s32 $0x9;
	_ =	strace $0x80000052  }
0xb9: {  	_ =	swait.ge [sflag:s29], $0x1  }
0xba: {  	[sflag:s29] =	ssyncadd.s32 $0xFFFFFFFF  }
0xbb: {  	_ =	strace $0x90000052  }
0xbc: {  	_ =	sfence  }
0xbd: {  	s30 =	sld [smem:$0x0];
	_ =	sdelay $0x2  }
0xbe: {  	s31 =	sshll.u32 s1, $0xD;
	s1 =	sshrl.u32 s1, $0x2  }
0xbf: {  	s3 =	sand.u32 $0x4000, s31;
	s1 =	sadd.s32 s1, s30  }
0xc0: {  	s0 =	sor.u32 s3, s0;
	s1 =	sshll.u32 s1, $0x11  }
0xc1: {  	s0 =	sor.u32 s1, s0  }
0xc2: {  	s0 =	sadd.s32 $0x8F2B, s0  }
0xc3: {  	[sflag:s0] =	ssyncadd.remote.s32 $0x1  }
0xc4: {  	_ =	sfence.sel $0xFFFF  }
0xc5: {  	[dreg:$0x0] =	wrdreg $0xFFFFFFFF;
	(pc) =	sbr.abs _section_cstart, $3  }
0xc6: {  	[dreg:$0x1] =	wrdreg $0xFFFFFFFF  }
0xc7: {  	_ =	task.clear_ibuf [dreg:s7], $0x2FFFF;
	_ =	strace $0x9FFFFFFF  }
0xc8: {  	(tm) =	ssettm $0x7FFFFFFF  }
0xc9: {  	_ =	shalt  }
tec
execute0_lowered:
.L_overlay_start_1:
0x0: {  	(tag) =	ssettag $0x1  }
0x1: {  	s3 =	rddreg [dreg:$0x0]  }
0x2: {  	s1 =	rddreg [dreg:$0x1]  }
0x3: {  	s0 =	rddreg [dreg:$0x2];
	s2 =	simm.s32 $0x0;
	s4 =	srdreg.scid  }
0x4: {  	s8 =	simm.s32 $0x80;
	s7 =	simm.s32 $0x1;
	s9 =	simm.s32 $0x4  }
0x5: {  	s10 =	simm.s32 $0x0;
	[smem:$0x7FF] =	sst s2;
	s5 =	sadd.s32 $0x41800, s3  }
0x6: {  	s4 =	sand.u32 $0x1, s4;
	s30 =	sadd.s32 $0x81800, s3;
	s3 =	stileid.u32  }
0x7: {  	_ =	strace $0x8000004A;
	[dreg:$0x3] =	wrdreg s5;
	s4 =	ssub.s32 $0x2, s4  }
0x8: {  	[dreg:$0x5] =	wrdreg s30;
	s31 =	sshll.u32 s3, $0x9;
	s6 =	sshrl.u32 s4, $0x1  }
0x9: {  	[dreg:$0x4] =	wrdreg s8;
	s8 =	simm.s32 $0x5;
	s6 =	ssub.s32 s4, s6  }
0xa: {  	s5 =	sadd.s32 s1, s31;
	s4 =	sshll.u32 s3, $0x5;
	s6 =	smax.u32 s6, $0x1  }
.LBB2_1:
0xb: {  	_ =	strace $0x8000004B;
	s11 =	simm.s32 $0x1;
	p0 =	por $0x0, $0x0  }
0xc: {  	[tilespmem:s2], [sflag:$0x1] =	stream.linear.gather [hbm4b:s5+s2], $0x80, $0x200038;
	[tilespmem:$0x8100] =	vst v63  }
0xd: {  	s11 =	simm.s32 @p0 $0x0  }
0xe: {  	p4 =	por $0x1, $0x1;
	s20 =	sand.u32 $0x1, s2;
	p1 =	sne.s32 s11, $0x0  }
0xf: {  	p2 =	por $0x1, $0x1;
	s18 =	simm.s32 $0x1E;
	p0 =	por !p4, !p1  }
0x10: {  	s16 =	simm.s32 $0x0;
	p5 =	por $0x0, $0x0;
	p0 =	por !p0, !p0  }
0x11: {  	s23 =	sadd.s32 $0x0, s4;
	s30 =	sadd.s32 $0x1, s20;
	s12 =	sadd.s32 @p0 s4, s11  }
0x12: {  	_ =	strace $0x9000004B;
	s13 =	sand.u32 @p0 $0x1, s7;
	s12 =	sshll.u32 @p0 s12, $0x4  }
0x13: {  	_ =	strace @p0 $0x8000004C;
	s15 =	simm.s32 @p0 $0x0;
	s12 =	sand.u32 @p0 $0x1FFFFFF0, s12  }
0x14: {  	s14 =	sshll.u32 @p0 s13, $0x7;
	s13 =	sadd.s32 @p0 $0x1, s13;
	s12 =	sadd.s32 @p0 s1, s12  }
0x15: {  	[tilespmem:s14], [sflag:s13] =	stream.linear.gather @p0 [hbm4b:s12+s15], $0x80, $0x200038;
	[tilespmem:$0x8100] =	vst v63  }
0x16: {  	p3 =	por p2, p2;
	s21 =	sshll.u32 s20, $0xE;
	_ =	strace @p0 $0x9000004C  }
0x17: {  	s16 =	sand.u32 $0x80, s16;
	p2 =	por p5, p5;
	_ =	strace $0x8000004D  }
0x18: {  	s17 =	sadd.s32 $0x1, s11;
	s22 =	sor.u32 $0x100, s21;
	_ =	swait.ge [sflag:s30], $0x80  }
0x19: {  	s21 =	simm.s32 $0x1;
	p6 =	por p1, p1;
	[sflag:s30] =	ssyncset.done $0x0  }
0x1a: {  	p1 =	por p3, p3;
	p4 =	por $0x1, $0x1;
	[sflag:s30] =	ssyncadd.s32 $0xFFFFFF80  }
0x1b: {  	s12 =	simm.s32 $0x1F;
	s15 =	sand.u32 @!p3 $0x1, s2;
	_ =	strace $0x9000004D  }
0x1c: {  	s13 =	simm.s32 $0x1;
	p3 =	seq.s32 s17, $0x20;
	_ =	strace $0x8000004E  }
0x1d: {  	s13 =	simm.s32 @!p0 $0x0;
	s17 =	simm.s32 @p3 $0x0;
	s19 =	rddreg [dreg:$0x4]  }
0x1e: {  	p0 =	por $0x0, $0x0;
	s14 =	sadd.s32 $0x1, s13;
	s31 =	rddreg [dreg:$0x3]  }
0x1f: {  	[tilespmem:s22], [sflag:$0x5] =	stream.indirect.gather [hbm4b:s31+s19], $0x80, s16, s19, $0x2000b8;
	[tilespmem:$0x8100] =	vst v63  }
0x20: {  	p3 =	sne.s32 s11, s17;
	s21 =	simm.s32 @!p0 $0x0;
	_ =	swait.ge [sflag:s8], $0x4000  }
0x21: {  	p5 =	por !p4, !p3;
	p4 =	por $0x0, $0x0;
	[sflag:s8] =	ssyncset.done $0x0  }
0x22: {  	s13 =	simm.s32 $0x0;
	p6 =	por p4, p6;
	[sflag:s8] =	ssyncadd.s32 $0xFFFFC000  }
0x23: {  	s16 =	simm.s32 $0x0;
	s19 =	simm.s32 $0x0;
	_ =	strace $0x9000004E  }
.LBB2_2:
0x24: {  	_ =	strace @p6 $0x8000004F;
	s13 =	sadd.s32 s21, s13;
	s21 =	smov.u32 s12  }
0x25: {  	s12 =	smov.u32 s18;
	s18 =	sadd.s32 $0xFFFFFFFF, s18;
	p0 =	por p3, p3  }
0x26: {  	s28 =	sshll.u32 @p6 s23, $0xB;
	s20 =	sadd.s32 @p6 $0x3, s20;
	s24 =	simm.s32 @!p0 $0x0  }
0x27: {  	s25 =	rddreg [dreg:$0x5];
	s28 =	sand.u32 @p6 $0x1FFFF800, s28;
	s24 =	simm.s32 @p0 $0x1  }
0x28: {  	s25 =	sadd.s32 @p6 s25, s28;
	s28 =	simm.s32 @p6 $0x0;
	p0 =	sne.s32 s18, $0x0  }
0x29: {  	[hbm4b:s25+s28] =	stream.linear.scatter @p6 [tilespmem:s22], [sflag:s20], $0x4000, $0x200038;
	[tilespmem:$0x8100] =	vst v63  }
0x2a: {  	s20 =	sadd.s32 @!p1 $0x3, s15;
	s15 =	simm.s32 @!p0 $0x0  }
0x2b: {  	s26 =	simm.s32 $0x1;
	[smem:$0x7FC] =	sst s24;
	s15 =	simm.s32 @p0 $0x1  }
0x2c: {  	s26 =	simm.s32 @!p6 $0x0;
	_ =	strace @p6 $0x9000004F;
	[smem:$0x7FD] =	sst s15  }
0x2d: {  	p5 =	por !p5, !p5;
	s19 =	sadd.s32 s26, s19;
	_ =	strace @!p1 $0x80000050  }
0x2e: {  	s24 =	sand.u32 @!p2 $0x1, s13;
	s22 =	sand.u32 @p5 $0x1, s14;
	_ =	swait.ge @!p1 [sflag:s20], $0x4000  }
0x2f: {  	s15 =	smov.u32 s24;
	s24 =	sadd.s32 @p5 s4, s17;
	[sflag:s20] =	ssyncset.done @!p1 $0x0  }
0x30: {  	s25 =	sshll.u32 @p5 s22, $0x7;
	s24 =	sshll.u32 @p5 s24, $0x4;
	[sflag:s20] =	ssyncadd.s32 @!p1 $0xFFFFC000  }
0x31: {  	s20 =	sadd.s32 @p5 $0x1, s22;
	s22 =	sand.u32 @p5 $0x1FFFFFF0, s24;
	_ =	strace @!p1 $0x90000050  }
0x32: {  	s24 =	simm.s32 @p5 $0x0;
	s22 =	sadd.s32 @p5 s1, s22;
	_ =	strace @p5 $0x8000004C  }
0x33: {  	[tilespmem:s25], [sflag:s20] =	stream.linear.gather @p5 [hbm4b:s22+s24], $0x80, $0x200038;
	[tilespmem:$0x8100] =	vst v63  }
0x34: {  	s16 =	sadd.s32 s26, s16;
	s26 =	sand.u32 $0x1, s19;
	_ =	strace @p5 $0x9000004C  }
0x35: {  	s24 =	sadd.s32 $0x1, s26;
	_ =	strace $0x8000004D  }
0x36: {  	_ =	swait.ge [sflag:s24], $0x80  }
0x37: {  	[sflag:s24] =	ssyncset.done $0x0  }
0x38: {  	s20 =	simm.s32 $0x1;
	[sflag:s24] =	ssyncadd.s32 $0xFFFFFF80  }
0x39: {  	s20 =	simm.s32 @!p5 $0x0;
	_ =	strace $0x9000004D  }
0x3a: {  	s14 =	sadd.s32 s20, s14;
	s20 =	sand.u32 $0x1, s16;
	_ =	strace $0x8000004E  }
0x3b: {  	s29 =	sshll.u32 s19, $0x7;
	s25 =	sshll.u32 s20, $0xE;
	s26 =	rddreg [dreg:$0x4]  }
0x3c: {  	s29 =	sand.u32 $0x80, s29;
	s22 =	sor.u32 $0x100, s25;
	s30 =	rddreg [dreg:$0x3]  }
0x3d: {  	[tilespmem:s22], [sflag:$0x5] =	stream.indirect.gather [hbm4b:s30+s26], $0x80, s29, s26, $0x2000b8;
	[tilespmem:$0x8100] =	vst v63  }
0x3e: {  	_ =	swait.ge [sflag:s8], $0x4000  }
0x3f: {  	s31 =	sadd.s32 $0x1, s17;
	[sflag:s8] =	ssyncset.done $0x0  }
0x40: {  	s23 =	sadd.s32 s4, s11;
	s11 =	smov.u32 s17;
	[sflag:s8] =	ssyncadd.s32 $0xFFFFC000  }
0x41: {  	p3 =	seq.s32 s31, $0x20;
	s17 =	smov.u32 s31;
	_ =	strace $0x9000004E  }
0x42: {  	s17 =	simm.s32 @p3 $0x0;
	s31 =	sld [smem:$0x7FD]  }
0x43: {  	p6 =	sne.s32 s12, $0x1;
	p0 =	sne.s32 s21, $0x20;
	p3 =	sne.s32 s11, s17  }
0x44: {  	p5 =	por !p6, !p3;
	p6 =	seq.s32 s21, $0x1;
	s21 =	simm.s32 $0x1  }
0x45: {  	s21 =	simm.s32 @!p0 $0x0;
	p0 =	seq.s32 s31, $0x1  }
.Ltmp0:
0x46: {  	s30 =	sld [smem:$0x7FC];
	(pc) =	sbr.rel @p0 .LBB2_2-.Ltmp0, $4  }
0x47: {  	_ = 	snop  }
0x48: {  	p4 =	seq.s32 s12, $0x20  }
0x49: {  	p1 =	por p2, p2;
	p2 =	por p4, p4;
	p4 =	seq.s32 s30, $0x1  }
0x4a: {  	p6 =	por p6, p4  }
0x4b: {  	_ =	strace @p6 $0x8000004F;
	s23 =	sshll.u32 @p6 s23, $0xB  }
0x4c: {  	s18 =	rddreg [dreg:$0x5];
	s23 =	sand.u32 @p6 $0x1FFFF800, s23  }
0x4d: {  	s20 =	sadd.s32 @p6 $0x3, s20;
	s18 =	sadd.s32 @p6 s18, s23;
	s23 =	simm.s32 @p6 $0x0  }
0x4e: {  	[hbm4b:s18+s23] =	stream.linear.scatter @p6 [tilespmem:s22], [sflag:s20], $0x4000, $0x200038;
	[tilespmem:$0x8100] =	vst v63  }
0x4f: {  	p0 =	por !p5, !p5;
	_ =	strace @p6 $0x9000004F  }
0x50: {  	s15 =	sadd.s32 @!p1 $0x3, s15;
	s17 =	sadd.s32 @p0 s4, s17;
	_ =	strace @!p1 $0x80000050  }
0x51: {  	s14 =	sand.u32 @p0 $0x1, s14;
	s17 =	sshll.u32 @p0 s17, $0x4;
	_ =	swait.ge @!p1 [sflag:s15], $0x4000  }
0x52: {  	s18 =	simm.s32 $0x1;
	s20 =	sshll.u32 @p0 s14, $0x7;
	[sflag:s15] =	ssyncset.done @!p1 $0x0  }
0x53: {  	s14 =	sadd.s32 @p0 $0x1, s14;
	s18 =	simm.s32 @!p6 $0x0;
	[sflag:s15] =	ssyncadd.s32 @!p1 $0xFFFFC000  }
0x54: {  	s19 =	sadd.s32 s18, s19;
	s15 =	sand.u32 @p0 $0x1FFFFFF0, s17;
	_ =	strace @!p1 $0x90000050  }
0x55: {  	s17 =	simm.s32 @p0 $0x0;
	s15 =	sadd.s32 @p0 s1, s15;
	_ =	strace @p0 $0x8000004C  }
0x56: {  	[tilespmem:s20], [sflag:s14] =	stream.linear.gather @p0 [hbm4b:s15+s17], $0x80, $0x200038;
	[tilespmem:$0x8100] =	vst v63  }
0x57: {  	s25 =	sand.u32 $0x1, s19;
	_ =	strace @p0 $0x9000004C  }
0x58: {  	s14 =	sadd.s32 $0x1, s25;
	_ =	strace $0x8000004D  }
0x59: {  	_ =	swait.ge [sflag:s14], $0x80  }
0x5a: {  	[sflag:s14] =	ssyncset.done $0x0  }
0x5b: {  	[sflag:s14] =	ssyncadd.s32 $0xFFFFFF80  }
0x5c: {  	s26 =	sadd.s32 s18, s16;
	_ =	strace $0x9000004D  }
0x5d: {  	s14 =	sand.u32 $0x1, s26;
	_ =	strace $0x8000004E  }
0x5e: {  	s30 =	sshll.u32 s19, $0x7;
	s31 =	sshll.u32 s14, $0xE;
	s28 =	rddreg [dreg:$0x4]  }
0x5f: {  	s17 =	sand.u32 $0x80, s30;
	s18 =	sor.u32 $0x100, s31;
	s29 =	rddreg [dreg:$0x3]  }
0x60: {  	[tilespmem:s18], [sflag:$0x5] =	stream.indirect.gather [hbm4b:s29+s28], $0x80, s17, s28, $0x2000b8;
	[tilespmem:$0x8100] =	vst v63  }
0x61: {  	_ =	swait.ge [sflag:s8], $0x4000  }
0x62: {  	[sflag:s8] =	ssyncset.done $0x0  }
0x63: {  	p5 =	por p3, p3;
	p6 =	seq.s32 s12, $0x1;
	[sflag:s8] =	ssyncadd.s32 $0xFFFFC000  }
0x64: {  	s11 =	sadd.s32 s4, s11;
	p0 =	por p6, p5;
	_ =	strace $0x9000004E  }
0x65: {  	s11 =	sshll.u32 @p0 s11, $0xB;
	_ =	strace @p0 $0x8000004F  }
0x66: {  	s13 =	sadd.s32 s21, s13;
	s11 =	sand.u32 @p0 $0x1FFFF800, s11;
	s12 =	rddreg [dreg:$0x5]  }
0x67: {  	s14 =	sadd.s32 @p0 $0x3, s14;
	s11 =	sadd.s32 @p0 s12, s11;
	s12 =	simm.s32 @p0 $0x0  }
0x68: {  	[hbm4b:s11+s12] =	stream.linear.scatter @p0 [tilespmem:s18], [sflag:s14], $0x4000, $0x200038;
	[tilespmem:$0x8100] =	vst v63  }
0x69: {  	p1 =	por p2, p2;
	s11 =	sand.u32 @!p2 $0x1, s13;
	_ =	strace @p0 $0x9000004F  }
0x6a: {  	s11 =	sadd.s32 @!p1 $0x3, s11;
	_ =	strace @!p1 $0x80000050  }
0x6b: {  	_ =	swait.ge @!p1 [sflag:s11], $0x4000  }
0x6c: {  	[sflag:s11] =	ssyncset.done @!p1 $0x0  }
0x6d: {  	s10 =	sadd.s32 $0x1, s10;
	[sflag:s11] =	ssyncadd.s32 @!p1 $0xFFFFC000  }
0x6e: {  	p0 =	sne.s32 s10, s6;
	_ =	strace @!p1 $0x90000050  }
.Ltmp1:
0x6f: {  	_ =	strace $0x80000051;
	(pc) =	sbr.rel @p0 .LBB2_1-.Ltmp1, $4  }
0x70: {  	_ =	swait.ge [sflag:s9], $0x4000  }
0x71: {  	[sflag:s9] =	ssyncset.done $0x0  }
0x72: {  	[sflag:s9] =	ssyncadd.s32 $0xFFFFC000  }
0x73: {  	_ =	strace $0x90000051  }
0x74: {  	_ =	sfence.sel $0x180000  }
0x75: {  	[bflag:$0x0] =	sbarrier.arrive $0xFFFF  }
0x76: {  	p0 =	sne.s32 s3, $0x0;
	_ =	strace $0x9000004A  }
0x77: {  	s0 =	sadd.s32 @!p0 $0x100000, s0;
	[bflag:$0x2] =	sbarrier.arrive $0xFFFF  }
0x78: {  	[sflag:s0] =	ssyncadd.tile.s32 @!p0 $0x1;
	_ =	shalt  }
.Lfunc_end2:
_tile_overlayer_lowered:
.L_overlay_start_2:
0x79: {  	(tag) =	ssettag $0x2  }
0x7a: {  	s0 =	rddreg [dreg:$0x0];
	s2 =	stileid.u32  }
0x7b: {  	s1 =	rddreg [dreg:$0x1];
	p0 =	sne.s32 s2, $0x0  }
0x7c: {  	s3 =	rddreg [dreg:$0x2];
	[bflag:$0x3] =	sbarrier.arrive $0xFFFF;
	s2 =	simm.s32 @!p0 $0x1C01  }
0x7d: {  	[timem:s3], [sflag:s2] =	dma.local @!p0 [hbm:s0], s1  }
0x7e: {  	s0 =	simm.s32 @!p0 $0x1  }
0x7f: {  	_ =	swait.ge @!p0 [sflag:s0], s1  }
0x80: {  	s1 =	ssub.s32 @!p0 $0x0, s1;
	[sflag:s0] =	ssyncset.done @!p0 $0x0  }
0x81: {  	[sflag:s0] =	ssyncadd.s32 @!p0 s1  }
0x82: {  	[bflag:$0x3] =	sbarrier.arrive $0xFFFF  }
0x83: {  	_ =	shalt  }

</sc_bundles>
